<compile_context>
chip_gen: v7x
topology: tpu7x:2x2x1
jax: 0.10.2.dev20260603
libtpu: 0.0.44.dev20260713+nightly
codegen_flags: <defaults>
</compile_context>

<pallas_src>
import functools

import jax
import jax.numpy as jnp
from jax import lax
from jax.experimental import pallas as pl
from jax.experimental.pallas import tpu as pltpu
from jax.experimental.pallas import tpu_sc as plsc

_KB = 32
_LP = 24
_DP = 128


@functools.partial(jax.jit, static_argnums=(2, 3))
def _embed(x, table, nc, ns):
    nw = nc * ns
    b, l = x.shape
    d = table.shape[1]
    bw = b // nw
    n_super = bw // _KB
    n_pairs = n_super // 2
    kb = _KB
    mesh = plsc.VectorSubcoreMesh(core_axis_name="c", subcore_axis_name="s")

    @functools.partial(
        pl.kernel,
        mesh=mesh,
        out_type=jax.ShapeDtypeStruct((b, _LP, _DP), table.dtype),
        compiler_params=pltpu.CompilerParams(use_tc_tiling_on_sc=False),
        scratch_types=[
            pltpu.VMEM((bw, l), jnp.int32),
            pltpu.VMEM((kb * l, d), jnp.float32),
            pltpu.VMEM((kb * l, d), jnp.float32),
            pltpu.SemaphoreType.DMA,
            pltpu.SemaphoreType.DMA,
            pltpu.SemaphoreType.DMA,
            pltpu.SemaphoreType.DMA,
        ],
    )
    def emb(x_hbm, table_hbm, out_hbm, idx_v, buf0, buf1,
            gsem0, gsem1, wsem0, wsem1):
        wid = lax.axis_index("s") * nc + lax.axis_index("c")
        base = wid * bw
        pltpu.sync_copy(x_hbm.at[pl.ds(base, bw)], idx_v)

        def fire_gathers(sg, buf, gsem):
            for j in range(kb):
                pltpu.async_copy(table_hbm.at[idx_v.at[sg * kb + j]],
                                 buf.at[pl.ds(j * l, l)], gsem)

        def drain_gathers(buf, gsem):
            pltpu.make_async_copy(table_hbm.at[pl.ds(0, kb * l)], buf,
                                  gsem).wait()

        def fire_write(sg, buf, wsem):
            for j in range(kb):
                pltpu.async_copy(
                    buf.at[pl.ds(j * l, l)],
                    out_hbm.at[base + sg * kb + j, pl.ds(0, l), pl.ds(0, d)],
                    wsem)

        def drain_write(buf, wsem):
            for j in range(kb):
                pltpu.make_async_copy(
                    buf.at[pl.ds(j * l, l)],
                    out_hbm.at[0, pl.ds(0, l), pl.ds(0, d)], wsem).wait()

        fire_gathers(0, buf0, gsem0)

        def body(t, carry):
            @pl.when(t > 0)
            def _():
                drain_write(buf1, wsem1)

            fire_gathers(2 * t + 1, buf1, gsem1)
            drain_gathers(buf0, gsem0)
            fire_write(2 * t, buf0, wsem0)
            drain_write(buf0, wsem0)

            @pl.when(t < n_pairs - 1)
            def _():
                fire_gathers(2 * t + 2, buf0, gsem0)

            drain_gathers(buf1, gsem1)
            fire_write(2 * t + 1, buf1, wsem1)
            return carry

        lax.fori_loop(0, n_pairs, body, 0)
        drain_write(buf1, wsem1)

    return emb(x, table)


def kernel(x, table):
    info = plsc.get_sparse_core_info()
    nc, ns = info.num_cores, info.num_subcores
    l, d = x.shape[1], table.shape[1]
    padded = _embed(x, table, nc, ns)
    return padded[:, :l, :d]

# --- scband reference (transcript-rebuilt; emitter-appended) ---
"""Pipeline reference for scband-word-embedding-25383256719474 (READ-ONLY COPY).

The authoritative reference and input builder live on the scoring server;
editing this copy changes nothing except your own understanding.
"""

import jax, jax.numpy as jnp
import numpy as np

NTOKEN = 100000
DIM = 64
B = 16384
L = 20

def setup_inputs(seed: int = 0) -> dict:
    key = jax.random.key(seed)
    k1, k2 = jax.random.split(key)
    x = jax.random.randint(k1, (B, L), 0, NTOKEN)
    # Embedding table has ntoken+1 rows; last row is the padding index and is zeroed
    table = jax.random.normal(k2, (NTOKEN + 1, DIM), dtype=jnp.float32) * 0.02
    table = table.at[NTOKEN].set(0.0)
    return {"x": x, "table": table}

def reference(x, table):
    # WordEmbedding.forward: dropout(emb(x)); dropout p=0.0 is identity (eval mode)
    return jnp.take(table, x, axis=0)

if __name__ == "__main__":
    import jax
    _d = setup_inputs()
    print(jax.jit(kernel)(*tuple(_d.values())))

</pallas_src>

<mosaic_0001>
#map = affine_map<(d0, d1) -> (0, 0)>
#map1 = affine_map<(d0, d1) -> (0, 0, 0)>
module attributes {stable_mosaic.version = 14 : i64} {
  func.func @emb(%arg0: i32, %arg1: i32, %arg2: memref<16384x20xi32, #tpu.memory_space<hbm>>, %arg3: memref<100001x64xf32, #tpu.memory_space<hbm>>, %arg4: memref<16384x24x128xf32, #tpu.memory_space<hbm>>, %arg5: memref<512x20xi32, #tpu.memory_space<vmem>>, %arg6: memref<640x64xf32, #tpu.memory_space<vmem>>, %arg7: memref<640x64xf32, #tpu.memory_space<vmem>>, %arg8: memref<!tpu.dma_semaphore, #tpu.memory_space<semaphore_mem>>, %arg9: memref<!tpu.dma_semaphore, #tpu.memory_space<semaphore_mem>>, %arg10: memref<!tpu.dma_semaphore, #tpu.memory_space<semaphore_mem>>, %arg11: memref<!tpu.dma_semaphore, #tpu.memory_space<semaphore_mem>>) attributes {dimension_semantics = [#tpu.dimension_semantics<core_parallel>, #tpu.dimension_semantics<subcore_parallel>], iteration_bounds = array<i64: 2, 16>, scalar_prefetch = 0 : i64, scratch_operands = 7 : i64, tpu.core_type = #tpu.core_type<sc_vector_subcore>, window_params = [{transform_indices = #map}, {transform_indices = #map}, {transform_indices = #map1}]} {
    %mul3A = arith.constant 2 : i32
    %mul3A_0 = arith.muli %arg1, %mul3A : i32
    %add3A = arith.addi %mul3A_0, %arg0 : i32
    %mul3A_1 = arith.constant 512 : i32
    %mul3A_2 = arith.muli %add3A, %mul3A_1 : i32
    "tpu.region"() ({
      %run_scoped3A = tpu.sem_alloc : memref<!tpu.dma_semaphore, #tpu.memory_space<semaphore_mem>>
      %dma_start3A_806 = arith.constant 0 : i32
      %dma_start3A_807 = tpu.memref_slice %arg2[%mul3A_2, %dma_start3A_806] : memref<16384x20xi32, #tpu.memory_space<hbm>> -> memref<512x20xi32, #tpu.memory_space<hbm>>
      %dma_start3A_808 = arith.constant 0 : i32
      %dma_start3A_809 = tpu.memref_slice %arg2[%mul3A_2, %dma_start3A_808] : memref<16384x20xi32, #tpu.memory_space<hbm>> -> memref<512x20xi32, #tpu.memory_space<hbm>>
      tpu.enqueue_dma source(%dma_start3A_809 : memref<512x20xi32, #tpu.memory_space<hbm>>) target(%arg5 : memref<512x20xi32, #tpu.memory_space<vmem>>) target_semaphore(%run_scoped3A : memref<!tpu.dma_semaphore, #tpu.memory_space<semaphore_mem>>)
      %dma_wait3A_810 = arith.constant 0 : i32
      %dma_wait3A_811 = tpu.memref_slice %arg2[%mul3A_2, %dma_wait3A_810] : memref<16384x20xi32, #tpu.memory_space<hbm>> -> memref<512x20xi32, #tpu.memory_space<hbm>>
      %dma_wait3A_812 = arith.constant 0 : i32
      %dma_wait3A_813 = tpu.memref_slice %arg2[%mul3A_2, %dma_wait3A_812] : memref<16384x20xi32, #tpu.memory_space<hbm>> -> memref<512x20xi32, #tpu.memory_space<hbm>>
      tpu.wait_dma2 semaphore(%run_scoped3A : memref<!tpu.dma_semaphore, #tpu.memory_space<semaphore_mem>>) src(%dma_wait3A_813 : memref<512x20xi32, #tpu.memory_space<hbm>>) dst(%arg5 : memref<512x20xi32, #tpu.memory_space<vmem>>)
      tpu.yield
    }) : () -> ()
    %dma_start3A = arith.constant 0 : i32
    %dma_start3A_3 = arith.constant 0 : i32
    %dma_start3A_4 = arith.constant 0 : i32
    %dma_start3A_5 = tpu.memref_slice %arg6[%dma_start3A_3, %dma_start3A_4] : memref<640x64xf32, #tpu.memory_space<vmem>> -> memref<20x64xf32, #tpu.memory_space<vmem>>
    %dma_start3A_6 = arith.constant 0 : i32
    %dma_start3A_7 = tpu.memref_slice %arg5[%dma_start3A, %dma_start3A_6] : memref<512x20xi32, #tpu.memory_space<vmem>> -> memref<1x20xi32, #tpu.memory_space<vmem>>
    %dma_start3A_8 = tpu.memref_squeeze %dma_start3A_7 : memref<1x20xi32, #tpu.memory_space<vmem>> -> memref<20xi32, #tpu.memory_space<vmem>>
    %dma_start3A_9 = arith.constant 0 : i32
    %dma_start3A_10 = arith.constant 0 : i32
    %dma_start3A_11 = tpu.memref_slice %arg3[%dma_start3A_9, %dma_start3A_10] : memref<100001x64xf32, #tpu.memory_space<hbm>> -> memref<100001x64xf32, #tpu.memory_space<hbm>>
    tpu.enqueue_indirect_dma source(%dma_start3A_11 : memref<100001x64xf32, #tpu.memory_space<hbm>>) target(%dma_start3A_5 : memref<20x64xf32, #tpu.memory_space<vmem>>) offsets(%dma_start3A_8 : memref<20xi32, #tpu.memory_space<vmem>>) semaphore(%arg8 : memref<!tpu.dma_semaphore, #tpu.memory_space<semaphore_mem>>)
    %dma_start3A_12 = arith.constant 1 : i32
    %dma_start3A_13 = arith.constant 20 : i32
    %dma_start3A_14 = arith.constant 0 : i32
    %dma_start3A_15 = tpu.memref_slice %arg6[%dma_start3A_13, %dma_start3A_14] : memref<640x64xf32, #tpu.memory_space<vmem>> -> memref<20x64xf32, #tpu.memory_space<vmem>>
    %dma_start3A_16 = arith.constant 0 : i32
    %dma_start3A_17 = tpu.memref_slice %arg5[%dma_start3A_12, %dma_start3A_16] : memref<512x20xi32, #tpu.memory_space<vmem>> -> memref<1x20xi32, #tpu.memory_space<vmem>>
    %dma_start3A_18 = tpu.memref_squeeze %dma_start3A_17 : memref<1x20xi32, #tpu.memory_space<vmem>> -> memref<20xi32, #tpu.memory_space<vmem>>
    %dma_start3A_19 = arith.constant 0 : i32
    %dma_start3A_20 = arith.constant 0 : i32
    %dma_start3A_21 = tpu.memref_slice %arg3[%dma_start3A_19, %dma_start3A_20] : memref<100001x64xf32, #tpu.memory_space<hbm>> -> memref<100001x64xf32, #tpu.memory_space<hbm>>
    tpu.enqueue_indirect_dma source(%dma_start3A_21 : memref<100001x64xf32, #tpu.memory_space<hbm>>) target(%dma_start3A_15 : memref<20x64xf32, #tpu.memory_space<vmem>>) offsets(%dma_start3A_18 : memref<20xi32, #tpu.memory_space<vmem>>) semaphore(%arg8 : memref<!tpu.dma_semaphore, #tpu.memory_space<semaphore_mem>>)
    %dma_start3A_22 = arith.constant 2 : i32
    %dma_start3A_23 = arith.constant 40 : i32
    %dma_start3A_24 = arith.constant 0 : i32
    %dma_start3A_25 = tpu.memref_slice %arg6[%dma_start3A_23, %dma_start3A_24] : memref<640x64xf32, #tpu.memory_space<vmem>> -> memref<20x64xf32, #tpu.memory_space<vmem>>
    %dma_start3A_26 = arith.constant 0 : i32
    %dma_start3A_27 = tpu.memref_slice %arg5[%dma_start3A_22, %dma_start3A_26] : memref<512x20xi32, #tpu.memory_space<vmem>> -> memref<1x20xi32, #tpu.memory_space<vmem>>
    %dma_start3A_28 = tpu.memref_squeeze %dma_start3A_27 : memref<1x20xi32, #tpu.memory_space<vmem>> -> memref<20xi32, #tpu.memory_space<vmem>>
    %dma_start3A_29 = arith.constant 0 : i32
    %dma_start3A_30 = arith.constant 0 : i32
    %dma_start3A_31 = tpu.memref_slice %arg3[%dma_start3A_29, %dma_start3A_30] : memref<100001x64xf32, #tpu.memory_space<hbm>> -> memref<100001x64xf32, #tpu.memory_space<hbm>>
    tpu.enqueue_indirect_dma source(%dma_start3A_31 : memref<100001x64xf32, #tpu.memory_space<hbm>>) target(%dma_start3A_25 : memref<20x64xf32, #tpu.memory_space<vmem>>) offsets(%dma_start3A_28 : memref<20xi32, #tpu.memory_space<vmem>>) semaphore(%arg8 : memref<!tpu.dma_semaphore, #tpu.memory_space<semaphore_mem>>)
    %dma_start3A_32 = arith.constant 3 : i32
    %dma_start3A_33 = arith.constant 60 : i32
    %dma_start3A_34 = arith.constant 0 : i32
    %dma_start3A_35 = tpu.memref_slice %arg6[%dma_start3A_33, %dma_start3A_34] : memref<640x64xf32, #tpu.memory_space<vmem>> -> memref<20x64xf32, #tpu.memory_space<vmem>>
    %dma_start3A_36 = arith.constant 0 : i32
    %dma_start3A_37 = tpu.memref_slice %arg5[%dma_start3A_32, %dma_start3A_36] : memref<512x20xi32, #tpu.memory_space<vmem>> -> memref<1x20xi32, #tpu.memory_space<vmem>>
    %dma_start3A_38 = tpu.memref_squeeze %dma_start3A_37 : memref<1x20xi32, #tpu.memory_space<vmem>> -> memref<20xi32, #tpu.memory_space<vmem>>
    %dma_start3A_39 = arith.constant 0 : i32
    %dma_start3A_40 = arith.constant 0 : i32
    %dma_start3A_41 = tpu.memref_slice %arg3[%dma_start3A_39, %dma_start3A_40] : memref<100001x64xf32, #tpu.memory_space<hbm>> -> memref<100001x64xf32, #tpu.memory_space<hbm>>
    tpu.enqueue_indirect_dma source(%dma_start3A_41 : memref<100001x64xf32, #tpu.memory_space<hbm>>) target(%dma_start3A_35 : memref<20x64xf32, #tpu.memory_space<vmem>>) offsets(%dma_start3A_38 : memref<20xi32, #tpu.memory_space<vmem>>) semaphore(%arg8 : memref<!tpu.dma_semaphore, #tpu.memory_space<semaphore_mem>>)
    %dma_start3A_42 = arith.constant 4 : i32
    %dma_start3A_43 = arith.constant 80 : i32
    %dma_start3A_44 = arith.constant 0 : i32
    %dma_start3A_45 = tpu.memref_slice %arg6[%dma_start3A_43, %dma_start3A_44] : memref<640x64xf32, #tpu.memory_space<vmem>> -> memref<20x64xf32, #tpu.memory_space<vmem>>
    %dma_start3A_46 = arith.constant 0 : i32
    %dma_start3A_47 = tpu.memref_slice %arg5[%dma_start3A_42, %dma_start3A_46] : memref<512x20xi32, #tpu.memory_space<vmem>> -> memref<1x20xi32, #tpu.memory_space<vmem>>
    %dma_start3A_48 = tpu.memref_squeeze %dma_start3A_47 : memref<1x20xi32, #tpu.memory_space<vmem>> -> memref<20xi32, #tpu.memory_space<vmem>>
    %dma_start3A_49 = arith.constant 0 : i32
    %dma_start3A_50 = arith.constant 0 : i32
    %dma_start3A_51 = tpu.memref_slice %arg3[%dma_start3A_49, %dma_start3A_50] : memref<100001x64xf32, #tpu.memory_space<hbm>> -> memref<100001x64xf32, #tpu.memory_space<hbm>>
    tpu.enqueue_indirect_dma source(%dma_start3A_51 : memref<100001x64xf32, #tpu.memory_space<hbm>>) target(%dma_start3A_45 : memref<20x64xf32, #tpu.memory_space<vmem>>) offsets(%dma_start3A_48 : memref<20xi32, #tpu.memory_space<vmem>>) semaphore(%arg8 : memref<!tpu.dma_semaphore, #tpu.memory_space<semaphore_mem>>)
    %dma_start3A_52 = arith.constant 5 : i32
    %dma_start3A_53 = arith.constant 100 : i32
    %dma_start3A_54 = arith.constant 0 : i32
    %dma_start3A_55 = tpu.memref_slice %arg6[%dma_start3A_53, %dma_start3A_54] : memref<640x64xf32, #tpu.memory_space<vmem>> -> memref<20x64xf32, #tpu.memory_space<vmem>>
    %dma_start3A_56 = arith.constant 0 : i32
    %dma_start3A_57 = tpu.memref_slice %arg5[%dma_start3A_52, %dma_start3A_56] : memref<512x20xi32, #tpu.memory_space<vmem>> -> memref<1x20xi32, #tpu.memory_space<vmem>>
    %dma_start3A_58 = tpu.memref_squeeze %dma_start3A_57 : memref<1x20xi32, #tpu.memory_space<vmem>> -> memref<20xi32, #tpu.memory_space<vmem>>
    %dma_start3A_59 = arith.constant 0 : i32
    %dma_start3A_60 = arith.constant 0 : i32
    %dma_start3A_61 = tpu.memref_slice %arg3[%dma_start3A_59, %dma_start3A_60] : memref<100001x64xf32, #tpu.memory_space<hbm>> -> memref<100001x64xf32, #tpu.memory_space<hbm>>
    tpu.enqueue_indirect_dma source(%dma_start3A_61 : memref<100001x64xf32, #tpu.memory_space<hbm>>) target(%dma_start3A_55 : memref<20x64xf32, #tpu.memory_space<vmem>>) offsets(%dma_start3A_58 : memref<20xi32, #tpu.memory_space<vmem>>) semaphore(%arg8 : memref<!tpu.dma_semaphore, #tpu.memory_space<semaphore_mem>>)
    %dma_start3A_62 = arith.constant 6 : i32
    %dma_start3A_63 = arith.constant 120 : i32
    %dma_start3A_64 = arith.constant 0 : i32
    %dma_start3A_65 = tpu.memref_slice %arg6[%dma_start3A_63, %dma_start3A_64] : memref<640x64xf32, #tpu.memory_space<vmem>> -> memref<20x64xf32, #tpu.memory_space<vmem>>
    %dma_start3A_66 = arith.constant 0 : i32
    %dma_start3A_67 = tpu.memref_slice %arg5[%dma_start3A_62, %dma_start3A_66] : memref<512x20xi32, #tpu.memory_space<vmem>> -> memref<1x20xi32, #tpu.memory_space<vmem>>
    %dma_start3A_68 = tpu.memref_squeeze %dma_start3A_67 : memref<1x20xi32, #tpu.memory_space<vmem>> -> memref<20xi32, #tpu.memory_space<vmem>>
    %dma_start3A_69 = arith.constant 0 : i32
    %dma_start3A_70 = arith.constant 0 : i32
    %dma_start3A_71 = tpu.memref_slice %arg3[%dma_start3A_69, %dma_start3A_70] : memref<100001x64xf32, #tpu.memory_space<hbm>> -> memref<100001x64xf32, #tpu.memory_space<hbm>>
    tpu.enqueue_indirect_dma source(%dma_start3A_71 : memref<100001x64xf32, #tpu.memory_space<hbm>>) target(%dma_start3A_65 : memref<20x64xf32, #tpu.memory_space<vmem>>) offsets(%dma_start3A_68 : memref<20xi32, #tpu.memory_space<vmem>>) semaphore(%arg8 : memref<!tpu.dma_semaphore, #tpu.memory_space<semaphore_mem>>)
    %dma_start3A_72 = arith.constant 7 : i32
    %dma_start3A_73 = arith.constant 140 : i32
    %dma_start3A_74 = arith.constant 0 : i32
    %dma_start3A_75 = tpu.memref_slice %arg6[%dma_start3A_73, %dma_start3A_74] : memref<640x64xf32, #tpu.memory_space<vmem>> -> memref<20x64xf32, #tpu.memory_space<vmem>>
    %dma_start3A_76 = arith.constant 0 : i32
    %dma_start3A_77 = tpu.memref_slice %arg5[%dma_start3A_72, %dma_start3A_76] : memref<512x20xi32, #tpu.memory_space<vmem>> -> memref<1x20xi32, #tpu.memory_space<vmem>>
    %dma_start3A_78 = tpu.memref_squeeze %dma_start3A_77 : memref<1x20xi32, #tpu.memory_space<vmem>> -> memref<20xi32, #tpu.memory_space<vmem>>
    %dma_start3A_79 = arith.constant 0 : i32
    %dma_start3A_80 = arith.constant 0 : i32
    %dma_start3A_81 = tpu.memref_slice %arg3[%dma_start3A_79, %dma_start3A_80] : memref<100001x64xf32, #tpu.memory_space<hbm>> -> memref<100001x64xf32, #tpu.memory_space<hbm>>
    tpu.enqueue_indirect_dma source(%dma_start3A_81 : memref<100001x64xf32, #tpu.memory_space<hbm>>) target(%dma_start3A_75 : memref<20x64xf32, #tpu.memory_space<vmem>>) offsets(%dma_start3A_78 : memref<20xi32, #tpu.memory_space<vmem>>) semaphore(%arg8 : memref<!tpu.dma_semaphore, #tpu.memory_space<semaphore_mem>>)
    %dma_start3A_82 = arith.constant 8 : i32
    %dma_start3A_83 = arith.constant 160 : i32
    %dma_start3A_84 = arith.constant 0 : i32
    %dma_start3A_85 = tpu.memref_slice %arg6[%dma_start3A_83, %dma_start3A_84] : memref<640x64xf32, #tpu.memory_space<vmem>> -> memref<20x64xf32, #tpu.memory_space<vmem>>
    %dma_start3A_86 = arith.constant 0 : i32
    %dma_start3A_87 = tpu.memref_slice %arg5[%dma_start3A_82, %dma_start3A_86] : memref<512x20xi32, #tpu.memory_space<vmem>> -> memref<1x20xi32, #tpu.memory_space<vmem>>
    %dma_start3A_88 = tpu.memref_squeeze %dma_start3A_87 : memref<1x20xi32, #tpu.memory_space<vmem>> -> memref<20xi32, #tpu.memory_space<vmem>>
    %dma_start3A_89 = arith.constant 0 : i32
    %dma_start3A_90 = arith.constant 0 : i32
    %dma_start3A_91 = tpu.memref_slice %arg3[%dma_start3A_89, %dma_start3A_90] : memref<100001x64xf32, #tpu.memory_space<hbm>> -> memref<100001x64xf32, #tpu.memory_space<hbm>>
    tpu.enqueue_indirect_dma source(%dma_start3A_91 : memref<100001x64xf32, #tpu.memory_space<hbm>>) target(%dma_start3A_85 : memref<20x64xf32, #tpu.memory_space<vmem>>) offsets(%dma_start3A_88 : memref<20xi32, #tpu.memory_space<vmem>>) semaphore(%arg8 : memref<!tpu.dma_semaphore, #tpu.memory_space<semaphore_mem>>)
    %dma_start3A_92 = arith.constant 9 : i32
    %dma_start3A_93 = arith.constant 180 : i32
    %dma_start3A_94 = arith.constant 0 : i32
    %dma_start3A_95 = tpu.memref_slice %arg6[%dma_start3A_93, %dma_start3A_94] : memref<640x64xf32, #tpu.memory_space<vmem>> -> memref<20x64xf32, #tpu.memory_space<vmem>>
    %dma_start3A_96 = arith.constant 0 : i32
    %dma_start3A_97 = tpu.memref_slice %arg5[%dma_start3A_92, %dma_start3A_96] : memref<512x20xi32, #tpu.memory_space<vmem>> -> memref<1x20xi32, #tpu.memory_space<vmem>>
    %dma_start3A_98 = tpu.memref_squeeze %dma_start3A_97 : memref<1x20xi32, #tpu.memory_space<vmem>> -> memref<20xi32, #tpu.memory_space<vmem>>
    %dma_start3A_99 = arith.constant 0 : i32
    %dma_start3A_100 = arith.constant 0 : i32
    %dma_start3A_101 = tpu.memref_slice %arg3[%dma_start3A_99, %dma_start3A_100] : memref<100001x64xf32, #tpu.memory_space<hbm>> -> memref<100001x64xf32, #tpu.memory_space<hbm>>
    tpu.enqueue_indirect_dma source(%dma_start3A_101 : memref<100001x64xf32, #tpu.memory_space<hbm>>) target(%dma_start3A_95 : memref<20x64xf32, #tpu.memory_space<vmem>>) offsets(%dma_start3A_98 : memref<20xi32, #tpu.memory_space<vmem>>) semaphore(%arg8 : memref<!tpu.dma_semaphore, #tpu.memory_space<semaphore_mem>>)
    %dma_start3A_102 = arith.constant 10 : i32
    %dma_start3A_103 = arith.constant 200 : i32
    %dma_start3A_104 = arith.constant 0 : i32
    %dma_start3A_105 = tpu.memref_slice %arg6[%dma_start3A_103, %dma_start3A_104] : memref<640x64xf32, #tpu.memory_space<vmem>> -> memref<20x64xf32, #tpu.memory_space<vmem>>
    %dma_start3A_106 = arith.constant 0 : i32
    %dma_start3A_107 = tpu.memref_slice %arg5[%dma_start3A_102, %dma_start3A_106] : memref<512x20xi32, #tpu.memory_space<vmem>> -> memref<1x20xi32, #tpu.memory_space<vmem>>
    %dma_start3A_108 = tpu.memref_squeeze %dma_start3A_107 : memref<1x20xi32, #tpu.memory_space<vmem>> -> memref<20xi32, #tpu.memory_space<vmem>>
    %dma_start3A_109 = arith.constant 0 : i32
    %dma_start3A_110 = arith.constant 0 : i32
    %dma_start3A_111 = tpu.memref_slice %arg3[%dma_start3A_109, %dma_start3A_110] : memref<100001x64xf32, #tpu.memory_space<hbm>> -> memref<100001x64xf32, #tpu.memory_space<hbm>>
    tpu.enqueue_indirect_dma source(%dma_start3A_111 : memref<100001x64xf32, #tpu.memory_space<hbm>>) target(%dma_start3A_105 : memref<20x64xf32, #tpu.memory_space<vmem>>) offsets(%dma_start3A_108 : memref<20xi32, #tpu.memory_space<vmem>>) semaphore(%arg8 : memref<!tpu.dma_semaphore, #tpu.memory_space<semaphore_mem>>)
    %dma_start3A_112 = arith.constant 11 : i32
    %dma_start3A_113 = arith.constant 220 : i32
    %dma_start3A_114 = arith.constant 0 : i32
    %dma_start3A_115 = tpu.memref_slice %arg6[%dma_start3A_113, %dma_start3A_114] : memref<640x64xf32, #tpu.memory_space<vmem>> -> memref<20x64xf32, #tpu.memory_space<vmem>>
    %dma_start3A_116 = arith.constant 0 : i32
    %dma_start3A_117 = tpu.memref_slice %arg5[%dma_start3A_112, %dma_start3A_116] : memref<512x20xi32, #tpu.memory_space<vmem>> -> memref<1x20xi32, #tpu.memory_space<vmem>>
    %dma_start3A_118 = tpu.memref_squeeze %dma_start3A_117 : memref<1x20xi32, #tpu.memory_space<vmem>> -> memref<20xi32, #tpu.memory_space<vmem>>
    %dma_start3A_119 = arith.constant 0 : i32
    %dma_start3A_120 = arith.constant 0 : i32
    %dma_start3A_121 = tpu.memref_slice %arg3[%dma_start3A_119, %dma_start3A_120] : memref<100001x64xf32, #tpu.memory_space<hbm>> -> memref<100001x64xf32, #tpu.memory_space<hbm>>
    tpu.enqueue_indirect_dma source(%dma_start3A_121 : memref<100001x64xf32, #tpu.memory_space<hbm>>) target(%dma_start3A_115 : memref<20x64xf32, #tpu.memory_space<vmem>>) offsets(%dma_start3A_118 : memref<20xi32, #tpu.memory_space<vmem>>) semaphore(%arg8 : memref<!tpu.dma_semaphore, #tpu.memory_space<semaphore_mem>>)
    %dma_start3A_122 = arith.constant 12 : i32
    %dma_start3A_123 = arith.constant 240 : i32
    %dma_start3A_124 = arith.constant 0 : i32
    %dma_start3A_125 = tpu.memref_slice %arg6[%dma_start3A_123, %dma_start3A_124] : memref<640x64xf32, #tpu.memory_space<vmem>> -> memref<20x64xf32, #tpu.memory_space<vmem>>
    %dma_start3A_126 = arith.constant 0 : i32
    %dma_start3A_127 = tpu.memref_slice %arg5[%dma_start3A_122, %dma_start3A_126] : memref<512x20xi32, #tpu.memory_space<vmem>> -> memref<1x20xi32, #tpu.memory_space<vmem>>
    %dma_start3A_128 = tpu.memref_squeeze %dma_start3A_127 : memref<1x20xi32, #tpu.memory_space<vmem>> -> memref<20xi32, #tpu.memory_space<vmem>>
    %dma_start3A_129 = arith.constant 0 : i32
    %dma_start3A_130 = arith.constant 0 : i32
    %dma_start3A_131 = tpu.memref_slice %arg3[%dma_start3A_129, %dma_start3A_130] : memref<100001x64xf32, #tpu.memory_space<hbm>> -> memref<100001x64xf32, #tpu.memory_space<hbm>>
    tpu.enqueue_indirect_dma source(%dma_start3A_131 : memref<100001x64xf32, #tpu.memory_space<hbm>>) target(%dma_start3A_125 : memref<20x64xf32, #tpu.memory_space<vmem>>) offsets(%dma_start3A_128 : memref<20xi32, #tpu.memory_space<vmem>>) semaphore(%arg8 : memref<!tpu.dma_semaphore, #tpu.memory_space<semaphore_mem>>)
    %dma_start3A_132 = arith.constant 13 : i32
    %dma_start3A_133 = arith.constant 260 : i32
    %dma_start3A_134 = arith.constant 0 : i32
    %dma_start3A_135 = tpu.memref_slice %arg6[%dma_start3A_133, %dma_start3A_134] : memref<640x64xf32, #tpu.memory_space<vmem>> -> memref<20x64xf32, #tpu.memory_space<vmem>>
    %dma_start3A_136 = arith.constant 0 : i32
    %dma_start3A_137 = tpu.memref_slice %arg5[%dma_start3A_132, %dma_start3A_136] : memref<512x20xi32, #tpu.memory_space<vmem>> -> memref<1x20xi32, #tpu.memory_space<vmem>>
    %dma_start3A_138 = tpu.memref_squeeze %dma_start3A_137 : memref<1x20xi32, #tpu.memory_space<vmem>> -> memref<20xi32, #tpu.memory_space<vmem>>
    %dma_start3A_139 = arith.constant 0 : i32
    %dma_start3A_140 = arith.constant 0 : i32
    %dma_start3A_141 = tpu.memref_slice %arg3[%dma_start3A_139, %dma_start3A_140] : memref<100001x64xf32, #tpu.memory_space<hbm>> -> memref<100001x64xf32, #tpu.memory_space<hbm>>
    tpu.enqueue_indirect_dma source(%dma_start3A_141 : memref<100001x64xf32, #tpu.memory_space<hbm>>) target(%dma_start3A_135 : memref<20x64xf32, #tpu.memory_space<vmem>>) offsets(%dma_start3A_138 : memref<20xi32, #tpu.memory_space<vmem>>) semaphore(%arg8 : memref<!tpu.dma_semaphore, #tpu.memory_space<semaphore_mem>>)
    %dma_start3A_142 = arith.constant 14 : i32
    %dma_start3A_143 = arith.constant 280 : i32
    %dma_start3A_144 = arith.constant 0 : i32
    %dma_start3A_145 = tpu.memref_slice %arg6[%dma_start3A_143, %dma_start3A_144] : memref<640x64xf32, #tpu.memory_space<vmem>> -> memref<20x64xf32, #tpu.memory_space<vmem>>
    %dma_start3A_146 = arith.constant 0 : i32
    %dma_start3A_147 = tpu.memref_slice %arg5[%dma_start3A_142, %dma_start3A_146] : memref<512x20xi32, #tpu.memory_space<vmem>> -> memref<1x20xi32, #tpu.memory_space<vmem>>
    %dma_start3A_148 = tpu.memref_squeeze %dma_start3A_147 : memref<1x20xi32, #tpu.memory_space<vmem>> -> memref<20xi32, #tpu.memory_space<vmem>>
    %dma_start3A_149 = arith.constant 0 : i32
    %dma_start3A_150 = arith.constant 0 : i32
    %dma_start3A_151 = tpu.memref_slice %arg3[%dma_start3A_149, %dma_start3A_150] : memref<100001x64xf32, #tpu.memory_space<hbm>> -> memref<100001x64xf32, #tpu.memory_space<hbm>>
    tpu.enqueue_indirect_dma source(%dma_start3A_151 : memref<100001x64xf32, #tpu.memory_space<hbm>>) target(%dma_start3A_145 : memref<20x64xf32, #tpu.memory_space<vmem>>) offsets(%dma_start3A_148 : memref<20xi32, #tpu.memory_space<vmem>>) semaphore(%arg8 : memref<!tpu.dma_semaphore, #tpu.memory_space<semaphore_mem>>)
    %dma_start3A_152 = arith.constant 15 : i32
    %dma_start3A_153 = arith.constant 300 : i32
    %dma_start3A_154 = arith.constant 0 : i32
    %dma_start3A_155 = tpu.memref_slice %arg6[%dma_start3A_153, %dma_start3A_154] : memref<640x64xf32, #tpu.memory_space<vmem>> -> memref<20x64xf32, #tpu.memory_space<vmem>>
    %dma_start3A_156 = arith.constant 0 : i32
    %dma_start3A_157 = tpu.memref_slice %arg5[%dma_start3A_152, %dma_start3A_156] : memref<512x20xi32, #tpu.memory_space<vmem>> -> memref<1x20xi32, #tpu.memory_space<vmem>>
    %dma_start3A_158 = tpu.memref_squeeze %dma_start3A_157 : memref<1x20xi32, #tpu.memory_space<vmem>> -> memref<20xi32, #tpu.memory_space<vmem>>
    %dma_start3A_159 = arith.constant 0 : i32
    %dma_start3A_160 = arith.constant 0 : i32
    %dma_start3A_161 = tpu.memref_slice %arg3[%dma_start3A_159, %dma_start3A_160] : memref<100001x64xf32, #tpu.memory_space<hbm>> -> memref<100001x64xf32, #tpu.memory_space<hbm>>
    tpu.enqueue_indirect_dma source(%dma_start3A_161 : memref<100001x64xf32, #tpu.memory_space<hbm>>) target(%dma_start3A_155 : memref<20x64xf32, #tpu.memory_space<vmem>>) offsets(%dma_start3A_158 : memref<20xi32, #tpu.memory_space<vmem>>) semaphore(%arg8 : memref<!tpu.dma_semaphore, #tpu.memory_space<semaphore_mem>>)
    %dma_start3A_162 = arith.constant 16 : i32
    %dma_start3A_163 = arith.constant 320 : i32
    %dma_start3A_164 = arith.constant 0 : i32
    %dma_start3A_165 = tpu.memref_slice %arg6[%dma_start3A_163, %dma_start3A_164] : memref<640x64xf32, #tpu.memory_space<vmem>> -> memref<20x64xf32, #tpu.memory_space<vmem>>
    %dma_start3A_166 = arith.constant 0 : i32
    %dma_start3A_167 = tpu.memref_slice %arg5[%dma_start3A_162, %dma_start3A_166] : memref<512x20xi32, #tpu.memory_space<vmem>> -> memref<1x20xi32, #tpu.memory_space<vmem>>
    %dma_start3A_168 = tpu.memref_squeeze %dma_start3A_167 : memref<1x20xi32, #tpu.memory_space<vmem>> -> memref<20xi32, #tpu.memory_space<vmem>>
    %dma_start3A_169 = arith.constant 0 : i32
    %dma_start3A_170 = arith.constant 0 : i32
    %dma_start3A_171 = tpu.memref_slice %arg3[%dma_start3A_169, %dma_start3A_170] : memref<100001x64xf32, #tpu.memory_space<hbm>> -> memref<100001x64xf32, #tpu.memory_space<hbm>>
    tpu.enqueue_indirect_dma source(%dma_start3A_171 : memref<100001x64xf32, #tpu.memory_space<hbm>>) target(%dma_start3A_165 : memref<20x64xf32, #tpu.memory_space<vmem>>) offsets(%dma_start3A_168 : memref<20xi32, #tpu.memory_space<vmem>>) semaphore(%arg8 : memref<!tpu.dma_semaphore, #tpu.memory_space<semaphore_mem>>)
    %dma_start3A_172 = arith.constant 17 : i32
    %dma_start3A_173 = arith.constant 340 : i32
    %dma_start3A_174 = arith.constant 0 : i32
    %dma_start3A_175 = tpu.memref_slice %arg6[%dma_start3A_173, %dma_start3A_174] : memref<640x64xf32, #tpu.memory_space<vmem>> -> memref<20x64xf32, #tpu.memory_space<vmem>>
    %dma_start3A_176 = arith.constant 0 : i32
    %dma_start3A_177 = tpu.memref_slice %arg5[%dma_start3A_172, %dma_start3A_176] : memref<512x20xi32, #tpu.memory_space<vmem>> -> memref<1x20xi32, #tpu.memory_space<vmem>>
    %dma_start3A_178 = tpu.memref_squeeze %dma_start3A_177 : memref<1x20xi32, #tpu.memory_space<vmem>> -> memref<20xi32, #tpu.memory_space<vmem>>
    %dma_start3A_179 = arith.constant 0 : i32
    %dma_start3A_180 = arith.constant 0 : i32
    %dma_start3A_181 = tpu.memref_slice %arg3[%dma_start3A_179, %dma_start3A_180] : memref<100001x64xf32, #tpu.memory_space<hbm>> -> memref<100001x64xf32, #tpu.memory_space<hbm>>
    tpu.enqueue_indirect_dma source(%dma_start3A_181 : memref<100001x64xf32, #tpu.memory_space<hbm>>) target(%dma_start3A_175 : memref<20x64xf32, #tpu.memory_space<vmem>>) offsets(%dma_start3A_178 : memref<20xi32, #tpu.memory_space<vmem>>) semaphore(%arg8 : memref<!tpu.dma_semaphore, #tpu.memory_space<semaphore_mem>>)
    %dma_start3A_182 = arith.constant 18 : i32
    %dma_start3A_183 = arith.constant 360 : i32
    %dma_start3A_184 = arith.constant 0 : i32
    %dma_start3A_185 = tpu.memref_slice %arg6[%dma_start3A_183, %dma_start3A_184] : memref<640x64xf32, #tpu.memory_space<vmem>> -> memref<20x64xf32, #tpu.memory_space<vmem>>
    %dma_start3A_186 = arith.constant 0 : i32
    %dma_start3A_187 = tpu.memref_slice %arg5[%dma_start3A_182, %dma_start3A_186] : memref<512x20xi32, #tpu.memory_space<vmem>> -> memref<1x20xi32, #tpu.memory_space<vmem>>
    %dma_start3A_188 = tpu.memref_squeeze %dma_start3A_187 : memref<1x20xi32, #tpu.memory_space<vmem>> -> memref<20xi32, #tpu.memory_space<vmem>>
    %dma_start3A_189 = arith.constant 0 : i32
    %dma_start3A_190 = arith.constant 0 : i32
    %dma_start3A_191 = tpu.memref_slice %arg3[%dma_start3A_189, %dma_start3A_190] : memref<100001x64xf32, #tpu.memory_space<hbm>> -> memref<100001x64xf32, #tpu.memory_space<hbm>>
    tpu.enqueue_indirect_dma source(%dma_start3A_191 : memref<100001x64xf32, #tpu.memory_space<hbm>>) target(%dma_start3A_185 : memref<20x64xf32, #tpu.memory_space<vmem>>) offsets(%dma_start3A_188 : memref<20xi32, #tpu.memory_space<vmem>>) semaphore(%arg8 : memref<!tpu.dma_semaphore, #tpu.memory_space<semaphore_mem>>)
    %dma_start3A_192 = arith.constant 19 : i32
    %dma_start3A_193 = arith.constant 380 : i32
    %dma_start3A_194 = arith.constant 0 : i32
    %dma_start3A_195 = tpu.memref_slice %arg6[%dma_start3A_193, %dma_start3A_194] : memref<640x64xf32, #tpu.memory_space<vmem>> -> memref<20x64xf32, #tpu.memory_space<vmem>>
    %dma_start3A_196 = arith.constant 0 : i32
    %dma_start3A_197 = tpu.memref_slice %arg5[%dma_start3A_192, %dma_start3A_196] : memref<512x20xi32, #tpu.memory_space<vmem>> -> memref<1x20xi32, #tpu.memory_space<vmem>>
    %dma_start3A_198 = tpu.memref_squeeze %dma_start3A_197 : memref<1x20xi32, #tpu.memory_space<vmem>> -> memref<20xi32, #tpu.memory_space<vmem>>
    %dma_start3A_199 = arith.constant 0 : i32
    %dma_start3A_200 = arith.constant 0 : i32
    %dma_start3A_201 = tpu.memref_slice %arg3[%dma_start3A_199, %dma_start3A_200] : memref<100001x64xf32, #tpu.memory_space<hbm>> -> memref<100001x64xf32, #tpu.memory_space<hbm>>
    tpu.enqueue_indirect_dma source(%dma_start3A_201 : memref<100001x64xf32, #tpu.memory_space<hbm>>) target(%dma_start3A_195 : memref<20x64xf32, #tpu.memory_space<vmem>>) offsets(%dma_start3A_198 : memref<20xi32, #tpu.memory_space<vmem>>) semaphore(%arg8 : memref<!tpu.dma_semaphore, #tpu.memory_space<semaphore_mem>>)
    %dma_start3A_202 = arith.constant 20 : i32
    %dma_start3A_203 = arith.constant 400 : i32
    %dma_start3A_204 = arith.constant 0 : i32
    %dma_start3A_205 = tpu.memref_slice %arg6[%dma_start3A_203, %dma_start3A_204] : memref<640x64xf32, #tpu.memory_space<vmem>> -> memref<20x64xf32, #tpu.memory_space<vmem>>
    %dma_start3A_206 = arith.constant 0 : i32
    %dma_start3A_207 = tpu.memref_slice %arg5[%dma_start3A_202, %dma_start3A_206] : memref<512x20xi32, #tpu.memory_space<vmem>> -> memref<1x20xi32, #tpu.memory_space<vmem>>
    %dma_start3A_208 = tpu.memref_squeeze %dma_start3A_207 : memref<1x20xi32, #tpu.memory_space<vmem>> -> memref<20xi32, #tpu.memory_space<vmem>>
    %dma_start3A_209 = arith.constant 0 : i32
    %dma_start3A_210 = arith.constant 0 : i32
    %dma_start3A_211 = tpu.memref_slice %arg3[%dma_start3A_209, %dma_start3A_210] : memref<100001x64xf32, #tpu.memory_space<hbm>> -> memref<100001x64xf32, #tpu.memory_space<hbm>>
    tpu.enqueue_indirect_dma source(%dma_start3A_211 : memref<100001x64xf32, #tpu.memory_space<hbm>>) target(%dma_start3A_205 : memref<20x64xf32, #tpu.memory_space<vmem>>) offsets(%dma_start3A_208 : memref<20xi32, #tpu.memory_space<vmem>>) semaphore(%arg8 : memref<!tpu.dma_semaphore, #tpu.memory_space<semaphore_mem>>)
    %dma_start3A_212 = arith.constant 21 : i32
    %dma_start3A_213 = arith.constant 420 : i32
    %dma_start3A_214 = arith.constant 0 : i32
    %dma_start3A_215 = tpu.memref_slice %arg6[%dma_start3A_213, %dma_start3A_214] : memref<640x64xf32, #tpu.memory_space<vmem>> -> memref<20x64xf32, #tpu.memory_space<vmem>>
    %dma_start3A_216 = arith.constant 0 : i32
    %dma_start3A_217 = tpu.memref_slice %arg5[%dma_start3A_212, %dma_start3A_216] : memref<512x20xi32, #tpu.memory_space<vmem>> -> memref<1x20xi32, #tpu.memory_space<vmem>>
    %dma_start3A_218 = tpu.memref_squeeze %dma_start3A_217 : memref<1x20xi32, #tpu.memory_space<vmem>> -> memref<20xi32, #tpu.memory_space<vmem>>
    %dma_start3A_219 = arith.constant 0 : i32
    %dma_start3A_220 = arith.constant 0 : i32
    %dma_start3A_221 = tpu.memref_slice %arg3[%dma_start3A_219, %dma_start3A_220] : memref<100001x64xf32, #tpu.memory_space<hbm>> -> memref<100001x64xf32, #tpu.memory_space<hbm>>
    tpu.enqueue_indirect_dma source(%dma_start3A_221 : memref<100001x64xf32, #tpu.memory_space<hbm>>) target(%dma_start3A_215 : memref<20x64xf32, #tpu.memory_space<vmem>>) offsets(%dma_start3A_218 : memref<20xi32, #tpu.memory_space<vmem>>) semaphore(%arg8 : memref<!tpu.dma_semaphore, #tpu.memory_space<semaphore_mem>>)
    %dma_start3A_222 = arith.constant 22 : i32
    %dma_start3A_223 = arith.constant 440 : i32
    %dma_start3A_224 = arith.constant 0 : i32
    %dma_start3A_225 = tpu.memref_slice %arg6[%dma_start3A_223, %dma_start3A_224] : memref<640x64xf32, #tpu.memory_space<vmem>> -> memref<20x64xf32, #tpu.memory_space<vmem>>
    %dma_start3A_226 = arith.constant 0 : i32
    %dma_start3A_227 = tpu.memref_slice %arg5[%dma_start3A_222, %dma_start3A_226] : memref<512x20xi32, #tpu.memory_space<vmem>> -> memref<1x20xi32, #tpu.memory_space<vmem>>
    %dma_start3A_228 = tpu.memref_squeeze %dma_start3A_227 : memref<1x20xi32, #tpu.memory_space<vmem>> -> memref<20xi32, #tpu.memory_space<vmem>>
    %dma_start3A_229 = arith.constant 0 : i32
    %dma_start3A_230 = arith.constant 0 : i32
    %dma_start3A_231 = tpu.memref_slice %arg3[%dma_start3A_229, %dma_start3A_230] : memref<100001x64xf32, #tpu.memory_space<hbm>> -> memref<100001x64xf32, #tpu.memory_space<hbm>>
    tpu.enqueue_indirect_dma source(%dma_start3A_231 : memref<100001x64xf32, #tpu.memory_space<hbm>>) target(%dma_start3A_225 : memref<20x64xf32, #tpu.memory_space<vmem>>) offsets(%dma_start3A_228 : memref<20xi32, #tpu.memory_space<vmem>>) semaphore(%arg8 : memref<!tpu.dma_semaphore, #tpu.memory_space<semaphore_mem>>)
    %dma_start3A_232 = arith.constant 23 : i32
    %dma_start3A_233 = arith.constant 460 : i32
    %dma_start3A_234 = arith.constant 0 : i32
    %dma_start3A_235 = tpu.memref_slice %arg6[%dma_start3A_233, %dma_start3A_234] : memref<640x64xf32, #tpu.memory_space<vmem>> -> memref<20x64xf32, #tpu.memory_space<vmem>>
    %dma_start3A_236 = arith.constant 0 : i32
    %dma_start3A_237 = tpu.memref_slice %arg5[%dma_start3A_232, %dma_start3A_236] : memref<512x20xi32, #tpu.memory_space<vmem>> -> memref<1x20xi32, #tpu.memory_space<vmem>>
    %dma_start3A_238 = tpu.memref_squeeze %dma_start3A_237 : memref<1x20xi32, #tpu.memory_space<vmem>> -> memref<20xi32, #tpu.memory_space<vmem>>
    %dma_start3A_239 = arith.constant 0 : i32
    %dma_start3A_240 = arith.constant 0 : i32
    %dma_start3A_241 = tpu.memref_slice %arg3[%dma_start3A_239, %dma_start3A_240] : memref<100001x64xf32, #tpu.memory_space<hbm>> -> memref<100001x64xf32, #tpu.memory_space<hbm>>
    tpu.enqueue_indirect_dma source(%dma_start3A_241 : memref<100001x64xf32, #tpu.memory_space<hbm>>) target(%dma_start3A_235 : memref<20x64xf32, #tpu.memory_space<vmem>>) offsets(%dma_start3A_238 : memref<20xi32, #tpu.memory_space<vmem>>) semaphore(%arg8 : memref<!tpu.dma_semaphore, #tpu.memory_space<semaphore_mem>>)
    %dma_start3A_242 = arith.constant 24 : i32
    %dma_start3A_243 = arith.constant 480 : i32
    %dma_start3A_244 = arith.constant 0 : i32
    %dma_start3A_245 = tpu.memref_slice %arg6[%dma_start3A_243, %dma_start3A_244] : memref<640x64xf32, #tpu.memory_space<vmem>> -> memref<20x64xf32, #tpu.memory_space<vmem>>
    %dma_start3A_246 = arith.constant 0 : i32
    %dma_start3A_247 = tpu.memref_slice %arg5[%dma_start3A_242, %dma_start3A_246] : memref<512x20xi32, #tpu.memory_space<vmem>> -> memref<1x20xi32, #tpu.memory_space<vmem>>
    %dma_start3A_248 = tpu.memref_squeeze %dma_start3A_247 : memref<1x20xi32, #tpu.memory_space<vmem>> -> memref<20xi32, #tpu.memory_space<vmem>>
    %dma_start3A_249 = arith.constant 0 : i32
    %dma_start3A_250 = arith.constant 0 : i32
    %dma_start3A_251 = tpu.memref_slice %arg3[%dma_start3A_249, %dma_start3A_250] : memref<100001x64xf32, #tpu.memory_space<hbm>> -> memref<100001x64xf32, #tpu.memory_space<hbm>>
    tpu.enqueue_indirect_dma source(%dma_start3A_251 : memref<100001x64xf32, #tpu.memory_space<hbm>>) target(%dma_start3A_245 : memref<20x64xf32, #tpu.memory_space<vmem>>) offsets(%dma_start3A_248 : memref<20xi32, #tpu.memory_space<vmem>>) semaphore(%arg8 : memref<!tpu.dma_semaphore, #tpu.memory_space<semaphore_mem>>)
    %dma_start3A_252 = arith.constant 25 : i32
    %dma_start3A_253 = arith.constant 500 : i32
    %dma_start3A_254 = arith.constant 0 : i32
    %dma_start3A_255 = tpu.memref_slice %arg6[%dma_start3A_253, %dma_start3A_254] : memref<640x64xf32, #tpu.memory_space<vmem>> -> memref<20x64xf32, #tpu.memory_space<vmem>>
    %dma_start3A_256 = arith.constant 0 : i32
    %dma_start3A_257 = tpu.memref_slice %arg5[%dma_start3A_252, %dma_start3A_256] : memref<512x20xi32, #tpu.memory_space<vmem>> -> memref<1x20xi32, #tpu.memory_space<vmem>>
    %dma_start3A_258 = tpu.memref_squeeze %dma_start3A_257 : memref<1x20xi32, #tpu.memory_space<vmem>> -> memref<20xi32, #tpu.memory_space<vmem>>
    %dma_start3A_259 = arith.constant 0 : i32
    %dma_start3A_260 = arith.constant 0 : i32
    %dma_start3A_261 = tpu.memref_slice %arg3[%dma_start3A_259, %dma_start3A_260] : memref<100001x64xf32, #tpu.memory_space<hbm>> -> memref<100001x64xf32, #tpu.memory_space<hbm>>
    tpu.enqueue_indirect_dma source(%dma_start3A_261 : memref<100001x64xf32, #tpu.memory_space<hbm>>) target(%dma_start3A_255 : memref<20x64xf32, #tpu.memory_space<vmem>>) offsets(%dma_start3A_258 : memref<20xi32, #tpu.memory_space<vmem>>) semaphore(%arg8 : memref<!tpu.dma_semaphore, #tpu.memory_space<semaphore_mem>>)
    %dma_start3A_262 = arith.constant 26 : i32
    %dma_start3A_263 = arith.constant 520 : i32
    %dma_start3A_264 = arith.constant 0 : i32
    %dma_start3A_265 = tpu.memref_slice %arg6[%dma_start3A_263, %dma_start3A_264] : memref<640x64xf32, #tpu.memory_space<vmem>> -> memref<20x64xf32, #tpu.memory_space<vmem>>
    %dma_start3A_266 = arith.constant 0 : i32
    %dma_start3A_267 = tpu.memref_slice %arg5[%dma_start3A_262, %dma_start3A_266] : memref<512x20xi32, #tpu.memory_space<vmem>> -> memref<1x20xi32, #tpu.memory_space<vmem>>
    %dma_start3A_268 = tpu.memref_squeeze %dma_start3A_267 : memref<1x20xi32, #tpu.memory_space<vmem>> -> memref<20xi32, #tpu.memory_space<vmem>>
    %dma_start3A_269 = arith.constant 0 : i32
    %dma_start3A_270 = arith.constant 0 : i32
    %dma_start3A_271 = tpu.memref_slice %arg3[%dma_start3A_269, %dma_start3A_270] : memref<100001x64xf32, #tpu.memory_space<hbm>> -> memref<100001x64xf32, #tpu.memory_space<hbm>>
    tpu.enqueue_indirect_dma source(%dma_start3A_271 : memref<100001x64xf32, #tpu.memory_space<hbm>>) target(%dma_start3A_265 : memref<20x64xf32, #tpu.memory_space<vmem>>) offsets(%dma_start3A_268 : memref<20xi32, #tpu.memory_space<vmem>>) semaphore(%arg8 : memref<!tpu.dma_semaphore, #tpu.memory_space<semaphore_mem>>)
    %dma_start3A_272 = arith.constant 27 : i32
    %dma_start3A_273 = arith.constant 540 : i32
    %dma_start3A_274 = arith.constant 0 : i32
    %dma_start3A_275 = tpu.memref_slice %arg6[%dma_start3A_273, %dma_start3A_274] : memref<640x64xf32, #tpu.memory_space<vmem>> -> memref<20x64xf32, #tpu.memory_space<vmem>>
    %dma_start3A_276 = arith.constant 0 : i32
    %dma_start3A_277 = tpu.memref_slice %arg5[%dma_start3A_272, %dma_start3A_276] : memref<512x20xi32, #tpu.memory_space<vmem>> -> memref<1x20xi32, #tpu.memory_space<vmem>>
    %dma_start3A_278 = tpu.memref_squeeze %dma_start3A_277 : memref<1x20xi32, #tpu.memory_space<vmem>> -> memref<20xi32, #tpu.memory_space<vmem>>
    %dma_start3A_279 = arith.constant 0 : i32
    %dma_start3A_280 = arith.constant 0 : i32
    %dma_start3A_281 = tpu.memref_slice %arg3[%dma_start3A_279, %dma_start3A_280] : memref<100001x64xf32, #tpu.memory_space<hbm>> -> memref<100001x64xf32, #tpu.memory_space<hbm>>
    tpu.enqueue_indirect_dma source(%dma_start3A_281 : memref<100001x64xf32, #tpu.memory_space<hbm>>) target(%dma_start3A_275 : memref<20x64xf32, #tpu.memory_space<vmem>>) offsets(%dma_start3A_278 : memref<20xi32, #tpu.memory_space<vmem>>) semaphore(%arg8 : memref<!tpu.dma_semaphore, #tpu.memory_space<semaphore_mem>>)
    %dma_start3A_282 = arith.constant 28 : i32
    %dma_start3A_283 = arith.constant 560 : i32
    %dma_start3A_284 = arith.constant 0 : i32
    %dma_start3A_285 = tpu.memref_slice %arg6[%dma_start3A_283, %dma_start3A_284] : memref<640x64xf32, #tpu.memory_space<vmem>> -> memref<20x64xf32, #tpu.memory_space<vmem>>
    %dma_start3A_286 = arith.constant 0 : i32
    %dma_start3A_287 = tpu.memref_slice %arg5[%dma_start3A_282, %dma_start3A_286] : memref<512x20xi32, #tpu.memory_space<vmem>> -> memref<1x20xi32, #tpu.memory_space<vmem>>
    %dma_start3A_288 = tpu.memref_squeeze %dma_start3A_287 : memref<1x20xi32, #tpu.memory_space<vmem>> -> memref<20xi32, #tpu.memory_space<vmem>>
    %dma_start3A_289 = arith.constant 0 : i32
    %dma_start3A_290 = arith.constant 0 : i32
    %dma_start3A_291 = tpu.memref_slice %arg3[%dma_start3A_289, %dma_start3A_290] : memref<100001x64xf32, #tpu.memory_space<hbm>> -> memref<100001x64xf32, #tpu.memory_space<hbm>>
    tpu.enqueue_indirect_dma source(%dma_start3A_291 : memref<100001x64xf32, #tpu.memory_space<hbm>>) target(%dma_start3A_285 : memref<20x64xf32, #tpu.memory_space<vmem>>) offsets(%dma_start3A_288 : memref<20xi32, #tpu.memory_space<vmem>>) semaphore(%arg8 : memref<!tpu.dma_semaphore, #tpu.memory_space<semaphore_mem>>)
    %dma_start3A_292 = arith.constant 29 : i32
    %dma_start3A_293 = arith.constant 580 : i32
    %dma_start3A_294 = arith.constant 0 : i32
    %dma_start3A_295 = tpu.memref_slice %arg6[%dma_start3A_293, %dma_start3A_294] : memref<640x64xf32, #tpu.memory_space<vmem>> -> memref<20x64xf32, #tpu.memory_space<vmem>>
    %dma_start3A_296 = arith.constant 0 : i32
    %dma_start3A_297 = tpu.memref_slice %arg5[%dma_start3A_292, %dma_start3A_296] : memref<512x20xi32, #tpu.memory_space<vmem>> -> memref<1x20xi32, #tpu.memory_space<vmem>>
    %dma_start3A_298 = tpu.memref_squeeze %dma_start3A_297 : memref<1x20xi32, #tpu.memory_space<vmem>> -> memref<20xi32, #tpu.memory_space<vmem>>
    %dma_start3A_299 = arith.constant 0 : i32
    %dma_start3A_300 = arith.constant 0 : i32
    %dma_start3A_301 = tpu.memref_slice %arg3[%dma_start3A_299, %dma_start3A_300] : memref<100001x64xf32, #tpu.memory_space<hbm>> -> memref<100001x64xf32, #tpu.memory_space<hbm>>
    tpu.enqueue_indirect_dma source(%dma_start3A_301 : memref<100001x64xf32, #tpu.memory_space<hbm>>) target(%dma_start3A_295 : memref<20x64xf32, #tpu.memory_space<vmem>>) offsets(%dma_start3A_298 : memref<20xi32, #tpu.memory_space<vmem>>) semaphore(%arg8 : memref<!tpu.dma_semaphore, #tpu.memory_space<semaphore_mem>>)
    %dma_start3A_302 = arith.constant 30 : i32
    %dma_start3A_303 = arith.constant 600 : i32
    %dma_start3A_304 = arith.constant 0 : i32
    %dma_start3A_305 = tpu.memref_slice %arg6[%dma_start3A_303, %dma_start3A_304] : memref<640x64xf32, #tpu.memory_space<vmem>> -> memref<20x64xf32, #tpu.memory_space<vmem>>
    %dma_start3A_306 = arith.constant 0 : i32
    %dma_start3A_307 = tpu.memref_slice %arg5[%dma_start3A_302, %dma_start3A_306] : memref<512x20xi32, #tpu.memory_space<vmem>> -> memref<1x20xi32, #tpu.memory_space<vmem>>
    %dma_start3A_308 = tpu.memref_squeeze %dma_start3A_307 : memref<1x20xi32, #tpu.memory_space<vmem>> -> memref<20xi32, #tpu.memory_space<vmem>>
    %dma_start3A_309 = arith.constant 0 : i32
    %dma_start3A_310 = arith.constant 0 : i32
    %dma_start3A_311 = tpu.memref_slice %arg3[%dma_start3A_309, %dma_start3A_310] : memref<100001x64xf32, #tpu.memory_space<hbm>> -> memref<100001x64xf32, #tpu.memory_space<hbm>>
    tpu.enqueue_indirect_dma source(%dma_start3A_311 : memref<100001x64xf32, #tpu.memory_space<hbm>>) target(%dma_start3A_305 : memref<20x64xf32, #tpu.memory_space<vmem>>) offsets(%dma_start3A_308 : memref<20xi32, #tpu.memory_space<vmem>>) semaphore(%arg8 : memref<!tpu.dma_semaphore, #tpu.memory_space<semaphore_mem>>)
    %dma_start3A_312 = arith.constant 31 : i32
    %dma_start3A_313 = arith.constant 620 : i32
    %dma_start3A_314 = arith.constant 0 : i32
    %dma_start3A_315 = tpu.memref_slice %arg6[%dma_start3A_313, %dma_start3A_314] : memref<640x64xf32, #tpu.memory_space<vmem>> -> memref<20x64xf32, #tpu.memory_space<vmem>>
    %dma_start3A_316 = arith.constant 0 : i32
    %dma_start3A_317 = tpu.memref_slice %arg5[%dma_start3A_312, %dma_start3A_316] : memref<512x20xi32, #tpu.memory_space<vmem>> -> memref<1x20xi32, #tpu.memory_space<vmem>>
    %dma_start3A_318 = tpu.memref_squeeze %dma_start3A_317 : memref<1x20xi32, #tpu.memory_space<vmem>> -> memref<20xi32, #tpu.memory_space<vmem>>
    %dma_start3A_319 = arith.constant 0 : i32
    %dma_start3A_320 = arith.constant 0 : i32
    %dma_start3A_321 = tpu.memref_slice %arg3[%dma_start3A_319, %dma_start3A_320] : memref<100001x64xf32, #tpu.memory_space<hbm>> -> memref<100001x64xf32, #tpu.memory_space<hbm>>
    tpu.enqueue_indirect_dma source(%dma_start3A_321 : memref<100001x64xf32, #tpu.memory_space<hbm>>) target(%dma_start3A_315 : memref<20x64xf32, #tpu.memory_space<vmem>>) offsets(%dma_start3A_318 : memref<20xi32, #tpu.memory_space<vmem>>) semaphore(%arg8 : memref<!tpu.dma_semaphore, #tpu.memory_space<semaphore_mem>>)
    %scan3A = arith.constant 0 : i32
    %scan3A_322 = arith.constant 0 : i32
    %scan3A_323 = arith.constant 8 : i32
    %scan3A_324 = arith.addi %scan3A_322, %scan3A_323 : i32
    %scan3A_325 = arith.constant 1 : i32
    scf.for %scan3A_806 = %scan3A_322 to %scan3A_324 step %scan3A_325  : i32 {
      %gt3A = arith.constant 0 : i32
      %gt3A_807 = arith.cmpi sgt, %scan3A_806, %gt3A : i32
      %convert_element_type3A = arith.extui %gt3A_807 : i1 to i32
      %cond3A = arith.constant 0 : i32
      %cond3A_808 = arith.cmpi ne, %convert_element_type3A, %cond3A : i32
      scf.if %cond3A_808 {
        %dma_wait3A_2947 = arith.constant 0 : i32
        %dma_wait3A_2948 = arith.constant 0 : i32
        %dma_wait3A_2949 = arith.constant 0 : i32
        %dma_wait3A_2950 = tpu.memref_slice %arg7[%dma_wait3A_2948, %dma_wait3A_2949] : memref<640x64xf32, #tpu.memory_space<vmem>> -> memref<20x64xf32, #tpu.memory_space<vmem>>
        %dma_wait3A_2951 = arith.constant 0 : i32
        %dma_wait3A_2952 = arith.constant 0 : i32
        %dma_wait3A_2953 = tpu.memref_slice %arg4[%dma_wait3A_2947, %dma_wait3A_2951, %dma_wait3A_2952] : memref<16384x24x128xf32, #tpu.memory_space<hbm>> -> memref<1x20x64xf32, #tpu.memory_space<hbm>>
        %dma_wait3A_2954 = tpu.memref_squeeze %dma_wait3A_2953 : memref<1x20x64xf32, #tpu.memory_space<hbm>> -> memref<20x64xf32, #tpu.memory_space<hbm>>
        %dma_wait3A_2955 = arith.constant 0 : i32
        %dma_wait3A_2956 = arith.constant 0 : i32
        %dma_wait3A_2957 = tpu.memref_slice %arg4[%dma_wait3A_2947, %dma_wait3A_2955, %dma_wait3A_2956] : memref<16384x24x128xf32, #tpu.memory_space<hbm>> -> memref<1x20x64xf32, #tpu.memory_space<hbm>>
        %dma_wait3A_2958 = tpu.memref_squeeze %dma_wait3A_2957 : memref<1x20x64xf32, #tpu.memory_space<hbm>> -> memref<20x64xf32, #tpu.memory_space<hbm>>
        %dma_wait3A_2959 = arith.constant 0 : i32
        %dma_wait3A_2960 = arith.constant 0 : i32
        %dma_wait3A_2961 = tpu.memref_slice %arg7[%dma_wait3A_2959, %dma_wait3A_2960] : memref<640x64xf32, #tpu.memory_space<vmem>> -> memref<20x64xf32, #tpu.memory_space<vmem>>
        tpu.wait_dma2 semaphore(%arg11 : memref<!tpu.dma_semaphore, #tpu.memory_space<semaphore_mem>>) src(%dma_wait3A_2961 : memref<20x64xf32, #tpu.memory_space<vmem>>) dst(%dma_wait3A_2958 : memref<20x64xf32, #tpu.memory_space<hbm>>)
        %dma_wait3A_2962 = arith.constant 0 : i32
        %dma_wait3A_2963 = arith.constant 20 : i32
        %dma_wait3A_2964 = arith.constant 0 : i32
        %dma_wait3A_2965 = tpu.memref_slice %arg7[%dma_wait3A_2963, %dma_wait3A_2964] : memref<640x64xf32, #tpu.memory_space<vmem>> -> memref<20x64xf32, #tpu.memory_space<vmem>>
        %dma_wait3A_2966 = arith.constant 0 : i32
        %dma_wait3A_2967 = arith.constant 0 : i32
        %dma_wait3A_2968 = tpu.memref_slice %arg4[%dma_wait3A_2962, %dma_wait3A_2966, %dma_wait3A_2967] : memref<16384x24x128xf32, #tpu.memory_space<hbm>> -> memref<1x20x64xf32, #tpu.memory_space<hbm>>
        %dma_wait3A_2969 = tpu.memref_squeeze %dma_wait3A_2968 : memref<1x20x64xf32, #tpu.memory_space<hbm>> -> memref<20x64xf32, #tpu.memory_space<hbm>>
        %dma_wait3A_2970 = arith.constant 0 : i32
        %dma_wait3A_2971 = arith.constant 0 : i32
        %dma_wait3A_2972 = tpu.memref_slice %arg4[%dma_wait3A_2962, %dma_wait3A_2970, %dma_wait3A_2971] : memref<16384x24x128xf32, #tpu.memory_space<hbm>> -> memref<1x20x64xf32, #tpu.memory_space<hbm>>
        %dma_wait3A_2973 = tpu.memref_squeeze %dma_wait3A_2972 : memref<1x20x64xf32, #tpu.memory_space<hbm>> -> memref<20x64xf32, #tpu.memory_space<hbm>>
        %dma_wait3A_2974 = arith.constant 20 : i32
        %dma_wait3A_2975 = arith.constant 0 : i32
        %dma_wait3A_2976 = tpu.memref_slice %arg7[%dma_wait3A_2974, %dma_wait3A_2975] : memref<640x64xf32, #tpu.memory_space<vmem>> -> memref<20x64xf32, #tpu.memory_space<vmem>>
        tpu.wait_dma2 semaphore(%arg11 : memref<!tpu.dma_semaphore, #tpu.memory_space<semaphore_mem>>) src(%dma_wait3A_2976 : memref<20x64xf32, #tpu.memory_space<vmem>>) dst(%dma_wait3A_2973 : memref<20x64xf32, #tpu.memory_space<hbm>>)
        %dma_wait3A_2977 = arith.constant 0 : i32
        %dma_wait3A_2978 = arith.constant 40 : i32
        %dma_wait3A_2979 = arith.constant 0 : i32
        %dma_wait3A_2980 = tpu.memref_slice %arg7[%dma_wait3A_2978, %dma_wait3A_2979] : memref<640x64xf32, #tpu.memory_space<vmem>> -> memref<20x64xf32, #tpu.memory_space<vmem>>
        %dma_wait3A_2981 = arith.constant 0 : i32
        %dma_wait3A_2982 = arith.constant 0 : i32
        %dma_wait3A_2983 = tpu.memref_slice %arg4[%dma_wait3A_2977, %dma_wait3A_2981, %dma_wait3A_2982] : memref<16384x24x128xf32, #tpu.memory_space<hbm>> -> memref<1x20x64xf32, #tpu.memory_space<hbm>>
        %dma_wait3A_2984 = tpu.memref_squeeze %dma_wait3A_2983 : memref<1x20x64xf32, #tpu.memory_space<hbm>> -> memref<20x64xf32, #tpu.memory_space<hbm>>
        %dma_wait3A_2985 = arith.constant 0 : i32
        %dma_wait3A_2986 = arith.constant 0 : i32
        %dma_wait3A_2987 = tpu.memref_slice %arg4[%dma_wait3A_2977, %dma_wait3A_2985, %dma_wait3A_2986] : memref<16384x24x128xf32, #tpu.memory_space<hbm>> -> memref<1x20x64xf32, #tpu.memory_space<hbm>>
        %dma_wait3A_2988 = tpu.memref_squeeze %dma_wait3A_2987 : memref<1x20x64xf32, #tpu.memory_space<hbm>> -> memref<20x64xf32, #tpu.memory_space<hbm>>
        %dma_wait3A_2989 = arith.constant 40 : i32
        %dma_wait3A_2990 = arith.constant 0 : i32
        %dma_wait3A_2991 = tpu.memref_slice %arg7[%dma_wait3A_2989, %dma_wait3A_2990] : memref<640x64xf32, #tpu.memory_space<vmem>> -> memref<20x64xf32, #tpu.memory_space<vmem>>
        tpu.wait_dma2 semaphore(%arg11 : memref<!tpu.dma_semaphore, #tpu.memory_space<semaphore_mem>>) src(%dma_wait3A_2991 : memref<20x64xf32, #tpu.memory_space<vmem>>) dst(%dma_wait3A_2988 : memref<20x64xf32, #tpu.memory_space<hbm>>)
        %dma_wait3A_2992 = arith.constant 0 : i32
        %dma_wait3A_2993 = arith.constant 60 : i32
        %dma_wait3A_2994 = arith.constant 0 : i32
        %dma_wait3A_2995 = tpu.memref_slice %arg7[%dma_wait3A_2993, %dma_wait3A_2994] : memref<640x64xf32, #tpu.memory_space<vmem>> -> memref<20x64xf32, #tpu.memory_space<vmem>>
        %dma_wait3A_2996 = arith.constant 0 : i32
        %dma_wait3A_2997 = arith.constant 0 : i32
        %dma_wait3A_2998 = tpu.memref_slice %arg4[%dma_wait3A_2992, %dma_wait3A_2996, %dma_wait3A_2997] : memref<16384x24x128xf32, #tpu.memory_space<hbm>> -> memref<1x20x64xf32, #tpu.memory_space<hbm>>
        %dma_wait3A_2999 = tpu.memref_squeeze %dma_wait3A_2998 : memref<1x20x64xf32, #tpu.memory_space<hbm>> -> memref<20x64xf32, #tpu.memory_space<hbm>>
        %dma_wait3A_3000 = arith.constant 0 : i32
        %dma_wait3A_3001 = arith.constant 0 : i32
        %dma_wait3A_3002 = tpu.memref_slice %arg4[%dma_wait3A_2992, %dma_wait3A_3000, %dma_wait3A_3001] : memref<16384x24x128xf32, #tpu.memory_space<hbm>> -> memref<1x20x64xf32, #tpu.memory_space<hbm>>
        %dma_wait3A_3003 = tpu.memref_squeeze %dma_wait3A_3002 : memref<1x20x64xf32, #tpu.memory_space<hbm>> -> memref<20x64xf32, #tpu.memory_space<hbm>>
        %dma_wait3A_3004 = arith.constant 60 : i32
        %dma_wait3A_3005 = arith.constant 0 : i32
        %dma_wait3A_3006 = tpu.memref_slice %arg7[%dma_wait3A_3004, %dma_wait3A_3005] : memref<640x64xf32, #tpu.memory_space<vmem>> -> memref<20x64xf32, #tpu.memory_space<vmem>>
        tpu.wait_dma2 semaphore(%arg11 : memref<!tpu.dma_semaphore, #tpu.memory_space<semaphore_mem>>) src(%dma_wait3A_3006 : memref<20x64xf32, #tpu.memory_space<vmem>>) dst(%dma_wait3A_3003 : memref<20x64xf32, #tpu.memory_space<hbm>>)
        %dma_wait3A_3007 = arith.constant 0 : i32
        %dma_wait3A_3008 = arith.constant 80 : i32
        %dma_wait3A_3009 = arith.constant 0 : i32
        %dma_wait3A_3010 = tpu.memref_slice %arg7[%dma_wait3A_3008, %dma_wait3A_3009] : memref<640x64xf32, #tpu.memory_space<vmem>> -> memref<20x64xf32, #tpu.memory_space<vmem>>
        %dma_wait3A_3011 = arith.constant 0 : i32
        %dma_wait3A_3012 = arith.constant 0 : i32
        %dma_wait3A_3013 = tpu.memref_slice %arg4[%dma_wait3A_3007, %dma_wait3A_3011, %dma_wait3A_3012] : memref<16384x24x128xf32, #tpu.memory_space<hbm>> -> memref<1x20x64xf32, #tpu.memory_space<hbm>>
        %dma_wait3A_3014 = tpu.memref_squeeze %dma_wait3A_3013 : memref<1x20x64xf32, #tpu.memory_space<hbm>> -> memref<20x64xf32, #tpu.memory_space<hbm>>
        %dma_wait3A_3015 = arith.constant 0 : i32
        %dma_wait3A_3016 = arith.constant 0 : i32
        %dma_wait3A_3017 = tpu.memref_slice %arg4[%dma_wait3A_3007, %dma_wait3A_3015, %dma_wait3A_3016] : memref<16384x24x128xf32, #tpu.memory_space<hbm>> -> memref<1x20x64xf32, #tpu.memory_space<hbm>>
        %dma_wait3A_3018 = tpu.memref_squeeze %dma_wait3A_3017 : memref<1x20x64xf32, #tpu.memory_space<hbm>> -> memref<20x64xf32, #tpu.memory_space<hbm>>
        %dma_wait3A_3019 = arith.constant 80 : i32
        %dma_wait3A_3020 = arith.constant 0 : i32
        %dma_wait3A_3021 = tpu.memref_slice %arg7[%dma_wait3A_3019, %dma_wait3A_3020] : memref<640x64xf32, #tpu.memory_space<vmem>> -> memref<20x64xf32, #tpu.memory_space<vmem>>
        tpu.wait_dma2 semaphore(%arg11 : memref<!tpu.dma_semaphore, #tpu.memory_space<semaphore_mem>>) src(%dma_wait3A_3021 : memref<20x64xf32, #tpu.memory_space<vmem>>) dst(%dma_wait3A_3018 : memref<20x64xf32, #tpu.memory_space<hbm>>)
        %dma_wait3A_3022 = arith.constant 0 : i32
        %dma_wait3A_3023 = arith.constant 100 : i32
        %dma_wait3A_3024 = arith.constant 0 : i32
        %dma_wait3A_3025 = tpu.memref_slice %arg7[%dma_wait3A_3023, %dma_wait3A_3024] : memref<640x64xf32, #tpu.memory_space<vmem>> -> memref<20x64xf32, #tpu.memory_space<vmem>>
        %dma_wait3A_3026 = arith.constant 0 : i32
        %dma_wait3A_3027 = arith.constant 0 : i32
        %dma_wait3A_3028 = tpu.memref_slice %arg4[%dma_wait3A_3022, %dma_wait3A_3026, %dma_wait3A_3027] : memref<16384x24x128xf32, #tpu.memory_space<hbm>> -> memref<1x20x64xf32, #tpu.memory_space<hbm>>
        %dma_wait3A_3029 = tpu.memref_squeeze %dma_wait3A_3028 : memref<1x20x64xf32, #tpu.memory_space<hbm>> -> memref<20x64xf32, #tpu.memory_space<hbm>>
        %dma_wait3A_3030 = arith.constant 0 : i32
        %dma_wait3A_3031 = arith.constant 0 : i32
        %dma_wait3A_3032 = tpu.memref_slice %arg4[%dma_wait3A_3022, %dma_wait3A_3030, %dma_wait3A_3031] : memref<16384x24x128xf32, #tpu.memory_space<hbm>> -> memref<1x20x64xf32, #tpu.memory_space<hbm>>
        %dma_wait3A_3033 = tpu.memref_squeeze %dma_wait3A_3032 : memref<1x20x64xf32, #tpu.memory_space<hbm>> -> memref<20x64xf32, #tpu.memory_space<hbm>>
        %dma_wait3A_3034 = arith.constant 100 : i32
        %dma_wait3A_3035 = arith.constant 0 : i32
        %dma_wait3A_3036 = tpu.memref_slice %arg7[%dma_wait3A_3034, %dma_wait3A_3035] : memref<640x64xf32, #tpu.memory_space<vmem>> -> memref<20x64xf32, #tpu.memory_space<vmem>>
        tpu.wait_dma2 semaphore(%arg11 : memref<!tpu.dma_semaphore, #tpu.memory_space<semaphore_mem>>) src(%dma_wait3A_3036 : memref<20x64xf32, #tpu.memory_space<vmem>>) dst(%dma_wait3A_3033 : memref<20x64xf32, #tpu.memory_space<hbm>>)
        %dma_wait3A_3037 = arith.constant 0 : i32
        %dma_wait3A_3038 = arith.constant 120 : i32
        %dma_wait3A_3039 = arith.constant 0 : i32
        %dma_wait3A_3040 = tpu.memref_slice %arg7[%dma_wait3A_3038, %dma_wait3A_3039] : memref<640x64xf32, #tpu.memory_space<vmem>> -> memref<20x64xf32, #tpu.memory_space<vmem>>
        %dma_wait3A_3041 = arith.constant 0 : i32
        %dma_wait3A_3042 = arith.constant 0 : i32
        %dma_wait3A_3043 = tpu.memref_slice %arg4[%dma_wait3A_3037, %dma_wait3A_3041, %dma_wait3A_3042] : memref<16384x24x128xf32, #tpu.memory_space<hbm>> -> memref<1x20x64xf32, #tpu.memory_space<hbm>>
        %dma_wait3A_3044 = tpu.memref_squeeze %dma_wait3A_3043 : memref<1x20x64xf32, #tpu.memory_space<hbm>> -> memref<20x64xf32, #tpu.memory_space<hbm>>
        %dma_wait3A_3045 = arith.constant 0 : i32
        %dma_wait3A_3046 = arith.constant 0 : i32
        %dma_wait3A_3047 = tpu.memref_slice %arg4[%dma_wait3A_3037, %dma_wait3A_3045, %dma_wait3A_3046] : memref<16384x24x128xf32, #tpu.memory_space<hbm>> -> memref<1x20x64xf32, #tpu.memory_space<hbm>>
        %dma_wait3A_3048 = tpu.memref_squeeze %dma_wait3A_3047 : memref<1x20x64xf32, #tpu.memory_space<hbm>> -> memref<20x64xf32, #tpu.memory_space<hbm>>
        %dma_wait3A_3049 = arith.constant 120 : i32
        %dma_wait3A_3050 = arith.constant 0 : i32
        %dma_wait3A_3051 = tpu.memref_slice %arg7[%dma_wait3A_3049, %dma_wait3A_3050] : memref<640x64xf32, #tpu.memory_space<vmem>> -> memref<20x64xf32, #tpu.memory_space<vmem>>
        tpu.wait_dma2 semaphore(%arg11 : memref<!tpu.dma_semaphore, #tpu.memory_space<semaphore_mem>>) src(%dma_wait3A_3051 : memref<20x64xf32, #tpu.memory_space<vmem>>) dst(%dma_wait3A_3048 : memref<20x64xf32, #tpu.memory_space<hbm>>)
        %dma_wait3A_3052 = arith.constant 0 : i32
        %dma_wait3A_3053 = arith.constant 140 : i32
        %dma_wait3A_3054 = arith.constant 0 : i32
        %dma_wait3A_3055 = tpu.memref_slice %arg7[%dma_wait3A_3053, %dma_wait3A_3054] : memref<640x64xf32, #tpu.memory_space<vmem>> -> memref<20x64xf32, #tpu.memory_space<vmem>>
        %dma_wait3A_3056 = arith.constant 0 : i32
        %dma_wait3A_3057 = arith.constant 0 : i32
        %dma_wait3A_3058 = tpu.memref_slice %arg4[%dma_wait3A_3052, %dma_wait3A_3056, %dma_wait3A_3057] : memref<16384x24x128xf32, #tpu.memory_space<hbm>> -> memref<1x20x64xf32, #tpu.memory_space<hbm>>
        %dma_wait3A_3059 = tpu.memref_squeeze %dma_wait3A_3058 : memref<1x20x64xf32, #tpu.memory_space<hbm>> -> memref<20x64xf32, #tpu.memory_space<hbm>>
        %dma_wait3A_3060 = arith.constant 0 : i32
        %dma_wait3A_3061 = arith.constant 0 : i32
        %dma_wait3A_3062 = tpu.memref_slice %arg4[%dma_wait3A_3052, %dma_wait3A_3060, %dma_wait3A_3061] : memref<16384x24x128xf32, #tpu.memory_space<hbm>> -> memref<1x20x64xf32, #tpu.memory_space<hbm>>
        %dma_wait3A_3063 = tpu.memref_squeeze %dma_wait3A_3062 : memref<1x20x64xf32, #tpu.memory_space<hbm>> -> memref<20x64xf32, #tpu.memory_space<hbm>>
        %dma_wait3A_3064 = arith.constant 140 : i32
        %dma_wait3A_3065 = arith.constant 0 : i32
        %dma_wait3A_3066 = tpu.memref_slice %arg7[%dma_wait3A_3064, %dma_wait3A_3065] : memref<640x64xf32, #tpu.memory_space<vmem>> -> memref<20x64xf32, #tpu.memory_space<vmem>>
        tpu.wait_dma2 semaphore(%arg11 : memref<!tpu.dma_semaphore, #tpu.memory_space<semaphore_mem>>) src(%dma_wait3A_3066 : memref<20x64xf32, #tpu.memory_space<vmem>>) dst(%dma_wait3A_3063 : memref<20x64xf32, #tpu.memory_space<hbm>>)
        %dma_wait3A_3067 = arith.constant 0 : i32
        %dma_wait3A_3068 = arith.constant 160 : i32
        %dma_wait3A_3069 = arith.constant 0 : i32
        %dma_wait3A_3070 = tpu.memref_slice %arg7[%dma_wait3A_3068, %dma_wait3A_3069] : memref<640x64xf32, #tpu.memory_space<vmem>> -> memref<20x64xf32, #tpu.memory_space<vmem>>
        %dma_wait3A_3071 = arith.constant 0 : i32
        %dma_wait3A_3072 = arith.constant 0 : i32
        %dma_wait3A_3073 = tpu.memref_slice %arg4[%dma_wait3A_3067, %dma_wait3A_3071, %dma_wait3A_3072] : memref<16384x24x128xf32, #tpu.memory_space<hbm>> -> memref<1x20x64xf32, #tpu.memory_space<hbm>>
        %dma_wait3A_3074 = tpu.memref_squeeze %dma_wait3A_3073 : memref<1x20x64xf32, #tpu.memory_space<hbm>> -> memref<20x64xf32, #tpu.memory_space<hbm>>
        %dma_wait3A_3075 = arith.constant 0 : i32
        %dma_wait3A_3076 = arith.constant 0 : i32
        %dma_wait3A_3077 = tpu.memref_slice %arg4[%dma_wait3A_3067, %dma_wait3A_3075, %dma_wait3A_3076] : memref<16384x24x128xf32, #tpu.memory_space<hbm>> -> memref<1x20x64xf32, #tpu.memory_space<hbm>>
        %dma_wait3A_3078 = tpu.memref_squeeze %dma_wait3A_3077 : memref<1x20x64xf32, #tpu.memory_space<hbm>> -> memref<20x64xf32, #tpu.memory_space<hbm>>
        %dma_wait3A_3079 = arith.constant 160 : i32
        %dma_wait3A_3080 = arith.constant 0 : i32
        %dma_wait3A_3081 = tpu.memref_slice %arg7[%dma_wait3A_3079, %dma_wait3A_3080] : memref<640x64xf32, #tpu.memory_space<vmem>> -> memref<20x64xf32, #tpu.memory_space<vmem>>
        tpu.wait_dma2 semaphore(%arg11 : memref<!tpu.dma_semaphore, #tpu.memory_space<semaphore_mem>>) src(%dma_wait3A_3081 : memref<20x64xf32, #tpu.memory_space<vmem>>) dst(%dma_wait3A_3078 : memref<20x64xf32, #tpu.memory_space<hbm>>)
        %dma_wait3A_3082 = arith.constant 0 : i32
        %dma_wait3A_3083 = arith.constant 180 : i32
        %dma_wait3A_3084 = arith.constant 0 : i32
        %dma_wait3A_3085 = tpu.memref_slice %arg7[%dma_wait3A_3083, %dma_wait3A_3084] : memref<640x64xf32, #tpu.memory_space<vmem>> -> memref<20x64xf32, #tpu.memory_space<vmem>>
        %dma_wait3A_3086 = arith.constant 0 : i32
        %dma_wait3A_3087 = arith.constant 0 : i32
        %dma_wait3A_3088 = tpu.memref_slice %arg4[%dma_wait3A_3082, %dma_wait3A_3086, %dma_wait3A_3087] : memref<16384x24x128xf32, #tpu.memory_space<hbm>> -> memref<1x20x64xf32, #tpu.memory_space<hbm>>
        %dma_wait3A_3089 = tpu.memref_squeeze %dma_wait3A_3088 : memref<1x20x64xf32, #tpu.memory_space<hbm>> -> memref<20x64xf32, #tpu.memory_space<hbm>>
        %dma_wait3A_3090 = arith.constant 0 : i32
        %dma_wait3A_3091 = arith.constant 0 : i32
        %dma_wait3A_3092 = tpu.memref_slice %arg4[%dma_wait3A_3082, %dma_wait3A_3090, %dma_wait3A_3091] : memref<16384x24x128xf32, #tpu.memory_space<hbm>> -> memref<1x20x64xf32, #tpu.memory_space<hbm>>
        %dma_wait3A_3093 = tpu.memref_squeeze %dma_wait3A_3092 : memref<1x20x64xf32, #tpu.memory_space<hbm>> -> memref<20x64xf32, #tpu.memory_space<hbm>>
        %dma_wait3A_3094 = arith.constant 180 : i32
        %dma_wait3A_3095 = arith.constant 0 : i32
        %dma_wait3A_3096 = tpu.memref_slice %arg7[%dma_wait3A_3094, %dma_wait3A_3095] : memref<640x64xf32, #tpu.memory_space<vmem>> -> memref<20x64xf32, #tpu.memory_space<vmem>>
        tpu.wait_dma2 semaphore(%arg11 : memref<!tpu.dma_semaphore, #tpu.memory_space<semaphore_mem>>) src(%dma_wait3A_3096 : memref<20x64xf32, #tpu.memory_space<vmem>>) dst(%dma_wait3A_3093 : memref<20x64xf32, #tpu.memory_space<hbm>>)
        %dma_wait3A_3097 = arith.constant 0 : i32
        %dma_wait3A_3098 = arith.constant 200 : i32
        %dma_wait3A_3099 = arith.constant 0 : i32
        %dma_wait3A_3100 = tpu.memref_slice %arg7[%dma_wait3A_3098, %dma_wait3A_3099] : memref<640x64xf32, #tpu.memory_space<vmem>> -> memref<20x64xf32, #tpu.memory_space<vmem>>
        %dma_wait3A_3101 = arith.constant 0 : i32
        %dma_wait3A_3102 = arith.constant 0 : i32
        %dma_wait3A_3103 = tpu.memref_slice %arg4[%dma_wait3A_3097, %dma_wait3A_3101, %dma_wait3A_3102] : memref<16384x24x128xf32, #tpu.memory_space<hbm>> -> memref<1x20x64xf32, #tpu.memory_space<hbm>>
        %dma_wait3A_3104 = tpu.memref_squeeze %dma_wait3A_3103 : memref<1x20x64xf32, #tpu.memory_space<hbm>> -> memref<20x64xf32, #tpu.memory_space<hbm>>
        %dma_wait3A_3105 = arith.constant 0 : i32
        %dma_wait3A_3106 = arith.constant 0 : i32
        %dma_wait3A_3107 = tpu.memref_slice %arg4[%dma_wait3A_3097, %dma_wait3A_3105, %dma_wait3A_3106] : memref<16384x24x128xf32, #tpu.memory_space<hbm>> -> memref<1x20x64xf32, #tpu.memory_space<hbm>>
        %dma_wait3A_3108 = tpu.memref_squeeze %dma_wait3A_3107 : memref<1x20x64xf32, #tpu.memory_space<hbm>> -> memref<20x64xf32, #tpu.memory_space<hbm>>
        %dma_wait3A_3109 = arith.constant 200 : i32
        %dma_wait3A_3110 = arith.constant 0 : i32
        %dma_wait3A_3111 = tpu.memref_slice %arg7[%dma_wait3A_3109, %dma_wait3A_3110] : memref<640x64xf32, #tpu.memory_space<vmem>> -> memref<20x64xf32, #tpu.memory_space<vmem>>
        tpu.wait_dma2 semaphore(%arg11 : memref<!tpu.dma_semaphore, #tpu.memory_space<semaphore_mem>>) src(%dma_wait3A_3111 : memref<20x64xf32, #tpu.memory_space<vmem>>) dst(%dma_wait3A_3108 : memref<20x64xf32, #tpu.memory_space<hbm>>)
        %dma_wait3A_3112 = arith.constant 0 : i32
        %dma_wait3A_3113 = arith.constant 220 : i32
        %dma_wait3A_3114 = arith.constant 0 : i32
        %dma_wait3A_3115 = tpu.memref_slice %arg7[%dma_wait3A_3113, %dma_wait3A_3114] : memref<640x64xf32, #tpu.memory_space<vmem>> -> memref<20x64xf32, #tpu.memory_space<vmem>>
        %dma_wait3A_3116 = arith.constant 0 : i32
        %dma_wait3A_3117 = arith.constant 0 : i32
        %dma_wait3A_3118 = tpu.memref_slice %arg4[%dma_wait3A_3112, %dma_wait3A_3116, %dma_wait3A_3117] : memref<16384x24x128xf32, #tpu.memory_space<hbm>> -> memref<1x20x64xf32, #tpu.memory_space<hbm>>
        %dma_wait3A_3119 = tpu.memref_squeeze %dma_wait3A_3118 : memref<1x20x64xf32, #tpu.memory_space<hbm>> -> memref<20x64xf32, #tpu.memory_space<hbm>>
        %dma_wait3A_3120 = arith.constant 0 : i32
        %dma_wait3A_3121 = arith.constant 0 : i32
        %dma_wait3A_3122 = tpu.memref_slice %arg4[%dma_wait3A_3112, %dma_wait3A_3120, %dma_wait3A_3121] : memref<16384x24x128xf32, #tpu.memory_space<hbm>> -> memref<1x20x64xf32, #tpu.memory_space<hbm>>
        %dma_wait3A_3123 = tpu.memref_squeeze %dma_wait3A_3122 : memref<1x20x64xf32, #tpu.memory_space<hbm>> -> memref<20x64xf32, #tpu.memory_space<hbm>>
        %dma_wait3A_3124 = arith.constant 220 : i32
        %dma_wait3A_3125 = arith.constant 0 : i32
        %dma_wait3A_3126 = tpu.memref_slice %arg7[%dma_wait3A_3124, %dma_wait3A_3125] : memref<640x64xf32, #tpu.memory_space<vmem>> -> memref<20x64xf32, #tpu.memory_space<vmem>>
        tpu.wait_dma2 semaphore(%arg11 : memref<!tpu.dma_semaphore, #tpu.memory_space<semaphore_mem>>) src(%dma_wait3A_3126 : memref<20x64xf32, #tpu.memory_space<vmem>>) dst(%dma_wait3A_3123 : memref<20x64xf32, #tpu.memory_space<hbm>>)
        %dma_wait3A_3127 = arith.constant 0 : i32
        %dma_wait3A_3128 = arith.constant 240 : i32
        %dma_wait3A_3129 = arith.constant 0 : i32
        %dma_wait3A_3130 = tpu.memref_slice %arg7[%dma_wait3A_3128, %dma_wait3A_3129] : memref<640x64xf32, #tpu.memory_space<vmem>> -> memref<20x64xf32, #tpu.memory_space<vmem>>
        %dma_wait3A_3131 = arith.constant 0 : i32
        %dma_wait3A_3132 = arith.constant 0 : i32
        %dma_wait3A_3133 = tpu.memref_slice %arg4[%dma_wait3A_3127, %dma_wait3A_3131, %dma_wait3A_3132] : memref<16384x24x128xf32, #tpu.memory_space<hbm>> -> memref<1x20x64xf32, #tpu.memory_space<hbm>>
        %dma_wait3A_3134 = tpu.memref_squeeze %dma_wait3A_3133 : memref<1x20x64xf32, #tpu.memory_space<hbm>> -> memref<20x64xf32, #tpu.memory_space<hbm>>
        %dma_wait3A_3135 = arith.constant 0 : i32
        %dma_wait3A_3136 = arith.constant 0 : i32
        %dma_wait3A_3137 = tpu.memref_slice %arg4[%dma_wait3A_3127, %dma_wait3A_3135, %dma_wait3A_3136] : memref<16384x24x128xf32, #tpu.memory_space<hbm>> -> memref<1x20x64xf32, #tpu.memory_space<hbm>>
        %dma_wait3A_3138 = tpu.memref_squeeze %dma_wait3A_3137 : memref<1x20x64xf32, #tpu.memory_space<hbm>> -> memref<20x64xf32, #tpu.memory_space<hbm>>
        %dma_wait3A_3139 = arith.constant 240 : i32
        %dma_wait3A_3140 = arith.constant 0 : i32
        %dma_wait3A_3141 = tpu.memref_slice %arg7[%dma_wait3A_3139, %dma_wait3A_3140] : memref<640x64xf32, #tpu.memory_space<vmem>> -> memref<20x64xf32, #tpu.memory_space<vmem>>
        tpu.wait_dma2 semaphore(%arg11 : memref<!tpu.dma_semaphore, #tpu.memory_space<semaphore_mem>>) src(%dma_wait3A_3141 : memref<20x64xf32, #tpu.memory_space<vmem>>) dst(%dma_wait3A_3138 : memref<20x64xf32, #tpu.memory_space<hbm>>)
        %dma_wait3A_3142 = arith.constant 0 : i32
        %dma_wait3A_3143 = arith.constant 260 : i32
        %dma_wait3A_3144 = arith.constant 0 : i32
        %dma_wait3A_3145 = tpu.memref_slice %arg7[%dma_wait3A_3143, %dma_wait3A_3144] : memref<640x64xf32, #tpu.memory_space<vmem>> -> memref<20x64xf32, #tpu.memory_space<vmem>>
        %dma_wait3A_3146 = arith.constant 0 : i32
        %dma_wait3A_3147 = arith.constant 0 : i32
        %dma_wait3A_3148 = tpu.memref_slice %arg4[%dma_wait3A_3142, %dma_wait3A_3146, %dma_wait3A_3147] : memref<16384x24x128xf32, #tpu.memory_space<hbm>> -> memref<1x20x64xf32, #tpu.memory_space<hbm>>
        %dma_wait3A_3149 = tpu.memref_squeeze %dma_wait3A_3148 : memref<1x20x64xf32, #tpu.memory_space<hbm>> -> memref<20x64xf32, #tpu.memory_space<hbm>>
        %dma_wait3A_3150 = arith.constant 0 : i32
        %dma_wait3A_3151 = arith.constant 0 : i32
        %dma_wait3A_3152 = tpu.memref_slice %arg4[%dma_wait3A_3142, %dma_wait3A_3150, %dma_wait3A_3151] : memref<16384x24x128xf32, #tpu.memory_space<hbm>> -> memref<1x20x64xf32, #tpu.memory_space<hbm>>
        %dma_wait3A_3153 = tpu.memref_squeeze %dma_wait3A_3152 : memref<1x20x64xf32, #tpu.memory_space<hbm>> -> memref<20x64xf32, #tpu.memory_space<hbm>>
        %dma_wait3A_3154 = arith.constant 260 : i32
        %dma_wait3A_3155 = arith.constant 0 : i32
        %dma_wait3A_3156 = tpu.memref_slice %arg7[%dma_wait3A_3154, %dma_wait3A_3155] : memref<640x64xf32, #tpu.memory_space<vmem>> -> memref<20x64xf32, #tpu.memory_space<vmem>>
        tpu.wait_dma2 semaphore(%arg11 : memref<!tpu.dma_semaphore, #tpu.memory_space<semaphore_mem>>) src(%dma_wait3A_3156 : memref<20x64xf32, #tpu.memory_space<vmem>>) dst(%dma_wait3A_3153 : memref<20x64xf32, #tpu.memory_space<hbm>>)
        %dma_wait3A_3157 = arith.constant 0 : i32
        %dma_wait3A_3158 = arith.constant 280 : i32
        %dma_wait3A_3159 = arith.constant 0 : i32
        %dma_wait3A_3160 = tpu.memref_slice %arg7[%dma_wait3A_3158, %dma_wait3A_3159] : memref<640x64xf32, #tpu.memory_space<vmem>> -> memref<20x64xf32, #tpu.memory_space<vmem>>
        %dma_wait3A_3161 = arith.constant 0 : i32
        %dma_wait3A_3162 = arith.constant 0 : i32
        %dma_wait3A_3163 = tpu.memref_slice %arg4[%dma_wait3A_3157, %dma_wait3A_3161, %dma_wait3A_3162] : memref<16384x24x128xf32, #tpu.memory_space<hbm>> -> memref<1x20x64xf32, #tpu.memory_space<hbm>>
        %dma_wait3A_3164 = tpu.memref_squeeze %dma_wait3A_3163 : memref<1x20x64xf32, #tpu.memory_space<hbm>> -> memref<20x64xf32, #tpu.memory_space<hbm>>
        %dma_wait3A_3165 = arith.constant 0 : i32
        %dma_wait3A_3166 = arith.constant 0 : i32
        %dma_wait3A_3167 = tpu.memref_slice %arg4[%dma_wait3A_3157, %dma_wait3A_3165, %dma_wait3A_3166] : memref<16384x24x128xf32, #tpu.memory_space<hbm>> -> memref<1x20x64xf32, #tpu.memory_space<hbm>>
        %dma_wait3A_3168 = tpu.memref_squeeze %dma_wait3A_3167 : memref<1x20x64xf32, #tpu.memory_space<hbm>> -> memref<20x64xf32, #tpu.memory_space<hbm>>
        %dma_wait3A_3169 = arith.constant 280 : i32
        %dma_wait3A_3170 = arith.constant 0 : i32
        %dma_wait3A_3171 = tpu.memref_slice %arg7[%dma_wait3A_3169, %dma_wait3A_3170] : memref<640x64xf32, #tpu.memory_space<vmem>> -> memref<20x64xf32, #tpu.memory_space<vmem>>
        tpu.wait_dma2 semaphore(%arg11 : memref<!tpu.dma_semaphore, #tpu.memory_space<semaphore_mem>>) src(%dma_wait3A_3171 : memref<20x64xf32, #tpu.memory_space<vmem>>) dst(%dma_wait3A_3168 : memref<20x64xf32, #tpu.memory_space<hbm>>)
        %dma_wait3A_3172 = arith.constant 0 : i32
        %dma_wait3A_3173 = arith.constant 300 : i32
        %dma_wait3A_3174 = arith.constant 0 : i32
        %dma_wait3A_3175 = tpu.memref_slice %arg7[%dma_wait3A_3173, %dma_wait3A_3174] : memref<640x64xf32, #tpu.memory_space<vmem>> -> memref<20x64xf32, #tpu.memory_space<vmem>>
        %dma_wait3A_3176 = arith.constant 0 : i32
        %dma_wait3A_3177 = arith.constant 0 : i32
        %dma_wait3A_3178 = tpu.memref_slice %arg4[%dma_wait3A_3172, %dma_wait3A_3176, %dma_wait3A_3177] : memref<16384x24x128xf32, #tpu.memory_space<hbm>> -> memref<1x20x64xf32, #tpu.memory_space<hbm>>
        %dma_wait3A_3179 = tpu.memref_squeeze %dma_wait3A_3178 : memref<1x20x64xf32, #tpu.memory_space<hbm>> -> memref<20x64xf32, #tpu.memory_space<hbm>>
        %dma_wait3A_3180 = arith.constant 0 : i32
        %dma_wait3A_3181 = arith.constant 0 : i32
        %dma_wait3A_3182 = tpu.memref_slice %arg4[%dma_wait3A_3172, %dma_wait3A_3180, %dma_wait3A_3181] : memref<16384x24x128xf32, #tpu.memory_space<hbm>> -> memref<1x20x64xf32, #tpu.memory_space<hbm>>
        %dma_wait3A_3183 = tpu.memref_squeeze %dma_wait3A_3182 : memref<1x20x64xf32, #tpu.memory_space<hbm>> -> memref<20x64xf32, #tpu.memory_space<hbm>>
        %dma_wait3A_3184 = arith.constant 300 : i32
        %dma_wait3A_3185 = arith.constant 0 : i32
        %dma_wait3A_3186 = tpu.memref_slice %arg7[%dma_wait3A_3184, %dma_wait3A_3185] : memref<640x64xf32, #tpu.memory_space<vmem>> -> memref<20x64xf32, #tpu.memory_space<vmem>>
        tpu.wait_dma2 semaphore(%arg11 : memref<!tpu.dma_semaphore, #tpu.memory_space<semaphore_mem>>) src(%dma_wait3A_3186 : memref<20x64xf32, #tpu.memory_space<vmem>>) dst(%dma_wait3A_3183 : memref<20x64xf32, #tpu.memory_space<hbm>>)
        %dma_wait3A_3187 = arith.constant 0 : i32
        %dma_wait3A_3188 = arith.constant 320 : i32
        %dma_wait3A_3189 = arith.constant 0 : i32
        %dma_wait3A_3190 = tpu.memref_slice %arg7[%dma_wait3A_3188, %dma_wait3A_3189] : memref<640x64xf32, #tpu.memory_space<vmem>> -> memref<20x64xf32, #tpu.memory_space<vmem>>
        %dma_wait3A_3191 = arith.constant 0 : i32
        %dma_wait3A_3192 = arith.constant 0 : i32
        %dma_wait3A_3193 = tpu.memref_slice %arg4[%dma_wait3A_3187, %dma_wait3A_3191, %dma_wait3A_3192] : memref<16384x24x128xf32, #tpu.memory_space<hbm>> -> memref<1x20x64xf32, #tpu.memory_space<hbm>>
        %dma_wait3A_3194 = tpu.memref_squeeze %dma_wait3A_3193 : memref<1x20x64xf32, #tpu.memory_space<hbm>> -> memref<20x64xf32, #tpu.memory_space<hbm>>
        %dma_wait3A_3195 = arith.constant 0 : i32
        %dma_wait3A_3196 = arith.constant 0 : i32
        %dma_wait3A_3197 = tpu.memref_slice %arg4[%dma_wait3A_3187, %dma_wait3A_3195, %dma_wait3A_3196] : memref<16384x24x128xf32, #tpu.memory_space<hbm>> -> memref<1x20x64xf32, #tpu.memory_space<hbm>>
        %dma_wait3A_3198 = tpu.memref_squeeze %dma_wait3A_3197 : memref<1x20x64xf32, #tpu.memory_space<hbm>> -> memref<20x64xf32, #tpu.memory_space<hbm>>
        %dma_wait3A_3199 = arith.constant 320 : i32
        %dma_wait3A_3200 = arith.constant 0 : i32
        %dma_wait3A_3201 = tpu.memref_slice %arg7[%dma_wait3A_3199, %dma_wait3A_3200] : memref<640x64xf32, #tpu.memory_space<vmem>> -> memref<20x64xf32, #tpu.memory_space<vmem>>
        tpu.wait_dma2 semaphore(%arg11 : memref<!tpu.dma_semaphore, #tpu.memory_space<semaphore_mem>>) src(%dma_wait3A_3201 : memref<20x64xf32, #tpu.memory_space<vmem>>) dst(%dma_wait3A_3198 : memref<20x64xf32, #tpu.memory_space<hbm>>)
        %dma_wait3A_3202 = arith.constant 0 : i32
        %dma_wait3A_3203 = arith.constant 340 : i32
        %dma_wait3A_3204 = arith.constant 0 : i32
        %dma_wait3A_3205 = tpu.memref_slice %arg7[%dma_wait3A_3203, %dma_wait3A_3204] : memref<640x64xf32, #tpu.memory_space<vmem>> -> memref<20x64xf32, #tpu.memory_space<vmem>>
        %dma_wait3A_3206 = arith.constant 0 : i32
        %dma_wait3A_3207 = arith.constant 0 : i32
        %dma_wait3A_3208 = tpu.memref_slice %arg4[%dma_wait3A_3202, %dma_wait3A_3206, %dma_wait3A_3207] : memref<16384x24x128xf32, #tpu.memory_space<hbm>> -> memref<1x20x64xf32, #tpu.memory_space<hbm>>
        %dma_wait3A_3209 = tpu.memref_squeeze %dma_wait3A_3208 : memref<1x20x64xf32, #tpu.memory_space<hbm>> -> memref<20x64xf32, #tpu.memory_space<hbm>>
        %dma_wait3A_3210 = arith.constant 0 : i32
        %dma_wait3A_3211 = arith.constant 0 : i32
        %dma_wait3A_3212 = tpu.memref_slice %arg4[%dma_wait3A_3202, %dma_wait3A_3210, %dma_wait3A_3211] : memref<16384x24x128xf32, #tpu.memory_space<hbm>> -> memref<1x20x64xf32, #tpu.memory_space<hbm>>
        %dma_wait3A_3213 = tpu.memref_squeeze %dma_wait3A_3212 : memref<1x20x64xf32, #tpu.memory_space<hbm>> -> memref<20x64xf32, #tpu.memory_space<hbm>>
        %dma_wait3A_3214 = arith.constant 340 : i32
        %dma_wait3A_3215 = arith.constant 0 : i32
        %dma_wait3A_3216 = tpu.memref_slice %arg7[%dma_wait3A_3214, %dma_wait3A_3215] : memref<640x64xf32, #tpu.memory_space<vmem>> -> memref<20x64xf32, #tpu.memory_space<vmem>>
        tpu.wait_dma2 semaphore(%arg11 : memref<!tpu.dma_semaphore, #tpu.memory_space<semaphore_mem>>) src(%dma_wait3A_3216 : memref<20x64xf32, #tpu.memory_space<vmem>>) dst(%dma_wait3A_3213 : memref<20x64xf32, #tpu.memory_space<hbm>>)
        %dma_wait3A_3217 = arith.constant 0 : i32
        %dma_wait3A_3218 = arith.constant 360 : i32
        %dma_wait3A_3219 = arith.constant 0 : i32
        %dma_wait3A_3220 = tpu.memref_slice %arg7[%dma_wait3A_3218, %dma_wait3A_3219] : memref<640x64xf32, #tpu.memory_space<vmem>> -> memref<20x64xf32, #tpu.memory_space<vmem>>
        %dma_wait3A_3221 = arith.constant 0 : i32
        %dma_wait3A_3222 = arith.constant 0 : i32
        %dma_wait3A_3223 = tpu.memref_slice %arg4[%dma_wait3A_3217, %dma_wait3A_3221, %dma_wait3A_3222] : memref<16384x24x128xf32, #tpu.memory_space<hbm>> -> memref<1x20x64xf32, #tpu.memory_space<hbm>>
        %dma_wait3A_3224 = tpu.memref_squeeze %dma_wait3A_3223 : memref<1x20x64xf32, #tpu.memory_space<hbm>> -> memref<20x64xf32, #tpu.memory_space<hbm>>
        %dma_wait3A_3225 = arith.constant 0 : i32
        %dma_wait3A_3226 = arith.constant 0 : i32
        %dma_wait3A_3227 = tpu.memref_slice %arg4[%dma_wait3A_3217, %dma_wait3A_3225, %dma_wait3A_3226] : memref<16384x24x128xf32, #tpu.memory_space<hbm>> -> memref<1x20x64xf32, #tpu.memory_space<hbm>>
        %dma_wait3A_3228 = tpu.memref_squeeze %dma_wait3A_3227 : memref<1x20x64xf32, #tpu.memory_space<hbm>> -> memref<20x64xf32, #tpu.memory_space<hbm>>
        %dma_wait3A_3229 = arith.constant 360 : i32
        %dma_wait3A_3230 = arith.constant 0 : i32
        %dma_wait3A_3231 = tpu.memref_slice %arg7[%dma_wait3A_3229, %dma_wait3A_3230] : memref<640x64xf32, #tpu.memory_space<vmem>> -> memref<20x64xf32, #tpu.memory_space<vmem>>
        tpu.wait_dma2 semaphore(%arg11 : memref<!tpu.dma_semaphore, #tpu.memory_space<semaphore_mem>>) src(%dma_wait3A_3231 : memref<20x64xf32, #tpu.memory_space<vmem>>) dst(%dma_wait3A_3228 : memref<20x64xf32, #tpu.memory_space<hbm>>)
        %dma_wait3A_3232 = arith.constant 0 : i32
        %dma_wait3A_3233 = arith.constant 380 : i32
        %dma_wait3A_3234 = arith.constant 0 : i32
        %dma_wait3A_3235 = tpu.memref_slice %arg7[%dma_wait3A_3233, %dma_wait3A_3234] : memref<640x64xf32, #tpu.memory_space<vmem>> -> memref<20x64xf32, #tpu.memory_space<vmem>>
        %dma_wait3A_3236 = arith.constant 0 : i32
        %dma_wait3A_3237 = arith.constant 0 : i32
        %dma_wait3A_3238 = tpu.memref_slice %arg4[%dma_wait3A_3232, %dma_wait3A_3236, %dma_wait3A_3237] : memref<16384x24x128xf32, #tpu.memory_space<hbm>> -> memref<1x20x64xf32, #tpu.memory_space<hbm>>
        %dma_wait3A_3239 = tpu.memref_squeeze %dma_wait3A_3238 : memref<1x20x64xf32, #tpu.memory_space<hbm>> -> memref<20x64xf32, #tpu.memory_space<hbm>>
        %dma_wait3A_3240 = arith.constant 0 : i32
        %dma_wait3A_3241 = arith.constant 0 : i32
        %dma_wait3A_3242 = tpu.memref_slice %arg4[%dma_wait3A_3232, %dma_wait3A_3240, %dma_wait3A_3241] : memref<16384x24x128xf32, #tpu.memory_space<hbm>> -> memref<1x20x64xf32, #tpu.memory_space<hbm>>
        %dma_wait3A_3243 = tpu.memref_squeeze %dma_wait3A_3242 : memref<1x20x64xf32, #tpu.memory_space<hbm>> -> memref<20x64xf32, #tpu.memory_space<hbm>>
        %dma_wait3A_3244 = arith.constant 380 : i32
        %dma_wait3A_3245 = arith.constant 0 : i32
        %dma_wait3A_3246 = tpu.memref_slice %arg7[%dma_wait3A_3244, %dma_wait3A_3245] : memref<640x64xf32, #tpu.memory_space<vmem>> -> memref<20x64xf32, #tpu.memory_space<vmem>>
        tpu.wait_dma2 semaphore(%arg11 : memref<!tpu.dma_semaphore, #tpu.memory_space<semaphore_mem>>) src(%dma_wait3A_3246 : memref<20x64xf32, #tpu.memory_space<vmem>>) dst(%dma_wait3A_3243 : memref<20x64xf32, #tpu.memory_space<hbm>>)
        %dma_wait3A_3247 = arith.constant 0 : i32
        %dma_wait3A_3248 = arith.constant 400 : i32
        %dma_wait3A_3249 = arith.constant 0 : i32
        %dma_wait3A_3250 = tpu.memref_slice %arg7[%dma_wait3A_3248, %dma_wait3A_3249] : memref<640x64xf32, #tpu.memory_space<vmem>> -> memref<20x64xf32, #tpu.memory_space<vmem>>
        %dma_wait3A_3251 = arith.constant 0 : i32
        %dma_wait3A_3252 = arith.constant 0 : i32
        %dma_wait3A_3253 = tpu.memref_slice %arg4[%dma_wait3A_3247, %dma_wait3A_3251, %dma_wait3A_3252] : memref<16384x24x128xf32, #tpu.memory_space<hbm>> -> memref<1x20x64xf32, #tpu.memory_space<hbm>>
        %dma_wait3A_3254 = tpu.memref_squeeze %dma_wait3A_3253 : memref<1x20x64xf32, #tpu.memory_space<hbm>> -> memref<20x64xf32, #tpu.memory_space<hbm>>
        %dma_wait3A_3255 = arith.constant 0 : i32
        %dma_wait3A_3256 = arith.constant 0 : i32
        %dma_wait3A_3257 = tpu.memref_slice %arg4[%dma_wait3A_3247, %dma_wait3A_3255, %dma_wait3A_3256] : memref<16384x24x128xf32, #tpu.memory_space<hbm>> -> memref<1x20x64xf32, #tpu.memory_space<hbm>>
        %dma_wait3A_3258 = tpu.memref_squeeze %dma_wait3A_3257 : memref<1x20x64xf32, #tpu.memory_space<hbm>> -> memref<20x64xf32, #tpu.memory_space<hbm>>
        %dma_wait3A_3259 = arith.constant 400 : i32
        %dma_wait3A_3260 = arith.constant 0 : i32
        %dma_wait3A_3261 = tpu.memref_slice %arg7[%dma_wait3A_3259, %dma_wait3A_3260] : memref<640x64xf32, #tpu.memory_space<vmem>> -> memref<20x64xf32, #tpu.memory_space<vmem>>
        tpu.wait_dma2 semaphore(%arg11 : memref<!tpu.dma_semaphore, #tpu.memory_space<semaphore_mem>>) src(%dma_wait3A_3261 : memref<20x64xf32, #tpu.memory_space<vmem>>) dst(%dma_wait3A_3258 : memref<20x64xf32, #tpu.memory_space<hbm>>)
        %dma_wait3A_3262 = arith.constant 0 : i32
        %dma_wait3A_3263 = arith.constant 420 : i32
        %dma_wait3A_3264 = arith.constant 0 : i32
        %dma_wait3A_3265 = tpu.memref_slice %arg7[%dma_wait3A_3263, %dma_wait3A_3264] : memref<640x64xf32, #tpu.memory_space<vmem>> -> memref<20x64xf32, #tpu.memory_space<vmem>>
        %dma_wait3A_3266 = arith.constant 0 : i32
        %dma_wait3A_3267 = arith.constant 0 : i32
        %dma_wait3A_3268 = tpu.memref_slice %arg4[%dma_wait3A_3262, %dma_wait3A_3266, %dma_wait3A_3267] : memref<16384x24x128xf32, #tpu.memory_space<hbm>> -> memref<1x20x64xf32, #tpu.memory_space<hbm>>
        %dma_wait3A_3269 = tpu.memref_squeeze %dma_wait3A_3268 : memref<1x20x64xf32, #tpu.memory_space<hbm>> -> memref<20x64xf32, #tpu.memory_space<hbm>>
        %dma_wait3A_3270 = arith.constant 0 : i32
        %dma_wait3A_3271 = arith.constant 0 : i32
        %dma_wait3A_3272 = tpu.memref_slice %arg4[%dma_wait3A_3262, %dma_wait3A_3270, %dma_wait3A_3271] : memref<16384x24x128xf32, #tpu.memory_space<hbm>> -> memref<1x20x64xf32, #tpu.memory_space<hbm>>
        %dma_wait3A_3273 = tpu.memref_squeeze %dma_wait3A_3272 : memref<1x20x64xf32, #tpu.memory_space<hbm>> -> memref<20x64xf32, #tpu.memory_space<hbm>>
        %dma_wait3A_3274 = arith.constant 420 : i32
        %dma_wait3A_3275 = arith.constant 0 : i32
        %dma_wait3A_3276 = tpu.memref_slice %arg7[%dma_wait3A_3274, %dma_wait3A_3275] : memref<640x64xf32, #tpu.memory_space<vmem>> -> memref<20x64xf32, #tpu.memory_space<vmem>>
        tpu.wait_dma2 semaphore(%arg11 : memref<!tpu.dma_semaphore, #tpu.memory_space<semaphore_mem>>) src(%dma_wait3A_3276 : memref<20x64xf32, #tpu.memory_space<vmem>>) dst(%dma_wait3A_3273 : memref<20x64xf32, #tpu.memory_space<hbm>>)
        %dma_wait3A_3277 = arith.constant 0 : i32
        %dma_wait3A_3278 = arith.constant 440 : i32
        %dma_wait3A_3279 = arith.constant 0 : i32
        %dma_wait3A_3280 = tpu.memref_slice %arg7[%dma_wait3A_3278, %dma_wait3A_3279] : memref<640x64xf32, #tpu.memory_space<vmem>> -> memref<20x64xf32, #tpu.memory_space<vmem>>
        %dma_wait3A_3281 = arith.constant 0 : i32
        %dma_wait3A_3282 = arith.constant 0 : i32
        %dma_wait3A_3283 = tpu.memref_slice %arg4[%dma_wait3A_3277, %dma_wait3A_3281, %dma_wait3A_3282] : memref<16384x24x128xf32, #tpu.memory_space<hbm>> -> memref<1x20x64xf32, #tpu.memory_space<hbm>>
        %dma_wait3A_3284 = tpu.memref_squeeze %dma_wait3A_3283 : memref<1x20x64xf32, #tpu.memory_space<hbm>> -> memref<20x64xf32, #tpu.memory_space<hbm>>
        %dma_wait3A_3285 = arith.constant 0 : i32
        %dma_wait3A_3286 = arith.constant 0 : i32
        %dma_wait3A_3287 = tpu.memref_slice %arg4[%dma_wait3A_3277, %dma_wait3A_3285, %dma_wait3A_3286] : memref<16384x24x128xf32, #tpu.memory_space<hbm>> -> memref<1x20x64xf32, #tpu.memory_space<hbm>>
        %dma_wait3A_3288 = tpu.memref_squeeze %dma_wait3A_3287 : memref<1x20x64xf32, #tpu.memory_space<hbm>> -> memref<20x64xf32, #tpu.memory_space<hbm>>
        %dma_wait3A_3289 = arith.constant 440 : i32
        %dma_wait3A_3290 = arith.constant 0 : i32
        %dma_wait3A_3291 = tpu.memref_slice %arg7[%dma_wait3A_3289, %dma_wait3A_3290] : memref<640x64xf32, #tpu.memory_space<vmem>> -> memref<20x64xf32, #tpu.memory_space<vmem>>
        tpu.wait_dma2 semaphore(%arg11 : memref<!tpu.dma_semaphore, #tpu.memory_space<semaphore_mem>>) src(%dma_wait3A_3291 : memref<20x64xf32, #tpu.memory_space<vmem>>) dst(%dma_wait3A_3288 : memref<20x64xf32, #tpu.memory_space<hbm>>)
        %dma_wait3A_3292 = arith.constant 0 : i32
        %dma_wait3A_3293 = arith.constant 460 : i32
        %dma_wait3A_3294 = arith.constant 0 : i32
        %dma_wait3A_3295 = tpu.memref_slice %arg7[%dma_wait3A_3293, %dma_wait3A_3294] : memref<640x64xf32, #tpu.memory_space<vmem>> -> memref<20x64xf32, #tpu.memory_space<vmem>>
        %dma_wait3A_3296 = arith.constant 0 : i32
        %dma_wait3A_3297 = arith.constant 0 : i32
        %dma_wait3A_3298 = tpu.memref_slice %arg4[%dma_wait3A_3292, %dma_wait3A_3296, %dma_wait3A_3297] : memref<16384x24x128xf32, #tpu.memory_space<hbm>> -> memref<1x20x64xf32, #tpu.memory_space<hbm>>
        %dma_wait3A_3299 = tpu.memref_squeeze %dma_wait3A_3298 : memref<1x20x64xf32, #tpu.memory_space<hbm>> -> memref<20x64xf32, #tpu.memory_space<hbm>>
        %dma_wait3A_3300 = arith.constant 0 : i32
        %dma_wait3A_3301 = arith.constant 0 : i32
        %dma_wait3A_3302 = tpu.memref_slice %arg4[%dma_wait3A_3292, %dma_wait3A_3300, %dma_wait3A_3301] : memref<16384x24x128xf32, #tpu.memory_space<hbm>> -> memref<1x20x64xf32, #tpu.memory_space<hbm>>
        %dma_wait3A_3303 = tpu.memref_squeeze %dma_wait3A_3302 : memref<1x20x64xf32, #tpu.memory_space<hbm>> -> memref<20x64xf32, #tpu.memory_space<hbm>>
        %dma_wait3A_3304 = arith.constant 460 : i32
        %dma_wait3A_3305 = arith.constant 0 : i32
        %dma_wait3A_3306 = tpu.memref_slice %arg7[%dma_wait3A_3304, %dma_wait3A_3305] : memref<640x64xf32, #tpu.memory_space<vmem>> -> memref<20x64xf32, #tpu.memory_space<vmem>>
        tpu.wait_dma2 semaphore(%arg11 : memref<!tpu.dma_semaphore, #tpu.memory_space<semaphore_mem>>) src(%dma_wait3A_3306 : memref<20x64xf32, #tpu.memory_space<vmem>>) dst(%dma_wait3A_3303 : memref<20x64xf32, #tpu.memory_space<hbm>>)
        %dma_wait3A_3307 = arith.constant 0 : i32
        %dma_wait3A_3308 = arith.constant 480 : i32
        %dma_wait3A_3309 = arith.constant 0 : i32
        %dma_wait3A_3310 = tpu.memref_slice %arg7[%dma_wait3A_3308, %dma_wait3A_3309] : memref<640x64xf32, #tpu.memory_space<vmem>> -> memref<20x64xf32, #tpu.memory_space<vmem>>
        %dma_wait3A_3311 = arith.constant 0 : i32
        %dma_wait3A_3312 = arith.constant 0 : i32
        %dma_wait3A_3313 = tpu.memref_slice %arg4[%dma_wait3A_3307, %dma_wait3A_3311, %dma_wait3A_3312] : memref<16384x24x128xf32, #tpu.memory_space<hbm>> -> memref<1x20x64xf32, #tpu.memory_space<hbm>>
        %dma_wait3A_3314 = tpu.memref_squeeze %dma_wait3A_3313 : memref<1x20x64xf32, #tpu.memory_space<hbm>> -> memref<20x64xf32, #tpu.memory_space<hbm>>
        %dma_wait3A_3315 = arith.constant 0 : i32
        %dma_wait3A_3316 = arith.constant 0 : i32
        %dma_wait3A_3317 = tpu.memref_slice %arg4[%dma_wait3A_3307, %dma_wait3A_3315, %dma_wait3A_3316] : memref<16384x24x128xf32, #tpu.memory_space<hbm>> -> memref<1x20x64xf32, #tpu.memory_space<hbm>>
        %dma_wait3A_3318 = tpu.memref_squeeze %dma_wait3A_3317 : memref<1x20x64xf32, #tpu.memory_space<hbm>> -> memref<20x64xf32, #tpu.memory_space<hbm>>
        %dma_wait3A_3319 = arith.constant 480 : i32
        %dma_wait3A_3320 = arith.constant 0 : i32
        %dma_wait3A_3321 = tpu.memref_slice %arg7[%dma_wait3A_3319, %dma_wait3A_3320] : memref<640x64xf32, #tpu.memory_space<vmem>> -> memref<20x64xf32, #tpu.memory_space<vmem>>
        tpu.wait_dma2 semaphore(%arg11 : memref<!tpu.dma_semaphore, #tpu.memory_space<semaphore_mem>>) src(%dma_wait3A_3321 : memref<20x64xf32, #tpu.memory_space<vmem>>) dst(%dma_wait3A_3318 : memref<20x64xf32, #tpu.memory_space<hbm>>)
        %dma_wait3A_3322 = arith.constant 0 : i32
        %dma_wait3A_3323 = arith.constant 500 : i32
        %dma_wait3A_3324 = arith.constant 0 : i32
        %dma_wait3A_3325 = tpu.memref_slice %arg7[%dma_wait3A_3323, %dma_wait3A_3324] : memref<640x64xf32, #tpu.memory_space<vmem>> -> memref<20x64xf32, #tpu.memory_space<vmem>>
        %dma_wait3A_3326 = arith.constant 0 : i32
        %dma_wait3A_3327 = arith.constant 0 : i32
        %dma_wait3A_3328 = tpu.memref_slice %arg4[%dma_wait3A_3322, %dma_wait3A_3326, %dma_wait3A_3327] : memref<16384x24x128xf32, #tpu.memory_space<hbm>> -> memref<1x20x64xf32, #tpu.memory_space<hbm>>
        %dma_wait3A_3329 = tpu.memref_squeeze %dma_wait3A_3328 : memref<1x20x64xf32, #tpu.memory_space<hbm>> -> memref<20x64xf32, #tpu.memory_space<hbm>>
        %dma_wait3A_3330 = arith.constant 0 : i32
        %dma_wait3A_3331 = arith.constant 0 : i32
        %dma_wait3A_3332 = tpu.memref_slice %arg4[%dma_wait3A_3322, %dma_wait3A_3330, %dma_wait3A_3331] : memref<16384x24x128xf32, #tpu.memory_space<hbm>> -> memref<1x20x64xf32, #tpu.memory_space<hbm>>
        %dma_wait3A_3333 = tpu.memref_squeeze %dma_wait3A_3332 : memref<1x20x64xf32, #tpu.memory_space<hbm>> -> memref<20x64xf32, #tpu.memory_space<hbm>>
        %dma_wait3A_3334 = arith.constant 500 : i32
        %dma_wait3A_3335 = arith.constant 0 : i32
        %dma_wait3A_3336 = tpu.memref_slice %arg7[%dma_wait3A_3334, %dma_wait3A_3335] : memref<640x64xf32, #tpu.memory_space<vmem>> -> memref<20x64xf32, #tpu.memory_space<vmem>>
        tpu.wait_dma2 semaphore(%arg11 : memref<!tpu.dma_semaphore, #tpu.memory_space<semaphore_mem>>) src(%dma_wait3A_3336 : memref<20x64xf32, #tpu.memory_space<vmem>>) dst(%dma_wait3A_3333 : memref<20x64xf32, #tpu.memory_space<hbm>>)
        %dma_wait3A_3337 = arith.constant 0 : i32
        %dma_wait3A_3338 = arith.constant 520 : i32
        %dma_wait3A_3339 = arith.constant 0 : i32
        %dma_wait3A_3340 = tpu.memref_slice %arg7[%dma_wait3A_3338, %dma_wait3A_3339] : memref<640x64xf32, #tpu.memory_space<vmem>> -> memref<20x64xf32, #tpu.memory_space<vmem>>
        %dma_wait3A_3341 = arith.constant 0 : i32
        %dma_wait3A_3342 = arith.constant 0 : i32
        %dma_wait3A_3343 = tpu.memref_slice %arg4[%dma_wait3A_3337, %dma_wait3A_3341, %dma_wait3A_3342] : memref<16384x24x128xf32, #tpu.memory_space<hbm>> -> memref<1x20x64xf32, #tpu.memory_space<hbm>>
        %dma_wait3A_3344 = tpu.memref_squeeze %dma_wait3A_3343 : memref<1x20x64xf32, #tpu.memory_space<hbm>> -> memref<20x64xf32, #tpu.memory_space<hbm>>
        %dma_wait3A_3345 = arith.constant 0 : i32
        %dma_wait3A_3346 = arith.constant 0 : i32
        %dma_wait3A_3347 = tpu.memref_slice %arg4[%dma_wait3A_3337, %dma_wait3A_3345, %dma_wait3A_3346] : memref<16384x24x128xf32, #tpu.memory_space<hbm>> -> memref<1x20x64xf32, #tpu.memory_space<hbm>>
        %dma_wait3A_3348 = tpu.memref_squeeze %dma_wait3A_3347 : memref<1x20x64xf32, #tpu.memory_space<hbm>> -> memref<20x64xf32, #tpu.memory_space<hbm>>
        %dma_wait3A_3349 = arith.constant 520 : i32
        %dma_wait3A_3350 = arith.constant 0 : i32
        %dma_wait3A_3351 = tpu.memref_slice %arg7[%dma_wait3A_3349, %dma_wait3A_3350] : memref<640x64xf32, #tpu.memory_space<vmem>> -> memref<20x64xf32, #tpu.memory_space<vmem>>
        tpu.wait_dma2 semaphore(%arg11 : memref<!tpu.dma_semaphore, #tpu.memory_space<semaphore_mem>>) src(%dma_wait3A_3351 : memref<20x64xf32, #tpu.memory_space<vmem>>) dst(%dma_wait3A_3348 : memref<20x64xf32, #tpu.memory_space<hbm>>)
        %dma_wait3A_3352 = arith.constant 0 : i32
        %dma_wait3A_3353 = arith.constant 540 : i32
        %dma_wait3A_3354 = arith.constant 0 : i32
        %dma_wait3A_3355 = tpu.memref_slice %arg7[%dma_wait3A_3353, %dma_wait3A_3354] : memref<640x64xf32, #tpu.memory_space<vmem>> -> memref<20x64xf32, #tpu.memory_space<vmem>>
        %dma_wait3A_3356 = arith.constant 0 : i32
        %dma_wait3A_3357 = arith.constant 0 : i32
        %dma_wait3A_3358 = tpu.memref_slice %arg4[%dma_wait3A_3352, %dma_wait3A_3356, %dma_wait3A_3357] : memref<16384x24x128xf32, #tpu.memory_space<hbm>> -> memref<1x20x64xf32, #tpu.memory_space<hbm>>
        %dma_wait3A_3359 = tpu.memref_squeeze %dma_wait3A_3358 : memref<1x20x64xf32, #tpu.memory_space<hbm>> -> memref<20x64xf32, #tpu.memory_space<hbm>>
        %dma_wait3A_3360 = arith.constant 0 : i32
        %dma_wait3A_3361 = arith.constant 0 : i32
        %dma_wait3A_3362 = tpu.memref_slice %arg4[%dma_wait3A_3352, %dma_wait3A_3360, %dma_wait3A_3361] : memref<16384x24x128xf32, #tpu.memory_space<hbm>> -> memref<1x20x64xf32, #tpu.memory_space<hbm>>
        %dma_wait3A_3363 = tpu.memref_squeeze %dma_wait3A_3362 : memref<1x20x64xf32, #tpu.memory_space<hbm>> -> memref<20x64xf32, #tpu.memory_space<hbm>>
        %dma_wait3A_3364 = arith.constant 540 : i32
        %dma_wait3A_3365 = arith.constant 0 : i32
        %dma_wait3A_3366 = tpu.memref_slice %arg7[%dma_wait3A_3364, %dma_wait3A_3365] : memref<640x64xf32, #tpu.memory_space<vmem>> -> memref<20x64xf32, #tpu.memory_space<vmem>>
        tpu.wait_dma2 semaphore(%arg11 : memref<!tpu.dma_semaphore, #tpu.memory_space<semaphore_mem>>) src(%dma_wait3A_3366 : memref<20x64xf32, #tpu.memory_space<vmem>>) dst(%dma_wait3A_3363 : memref<20x64xf32, #tpu.memory_space<hbm>>)
        %dma_wait3A_3367 = arith.constant 0 : i32
        %dma_wait3A_3368 = arith.constant 560 : i32
        %dma_wait3A_3369 = arith.constant 0 : i32
        %dma_wait3A_3370 = tpu.memref_slice %arg7[%dma_wait3A_3368, %dma_wait3A_3369] : memref<640x64xf32, #tpu.memory_space<vmem>> -> memref<20x64xf32, #tpu.memory_space<vmem>>
        %dma_wait3A_3371 = arith.constant 0 : i32
        %dma_wait3A_3372 = arith.constant 0 : i32
        %dma_wait3A_3373 = tpu.memref_slice %arg4[%dma_wait3A_3367, %dma_wait3A_3371, %dma_wait3A_3372] : memref<16384x24x128xf32, #tpu.memory_space<hbm>> -> memref<1x20x64xf32, #tpu.memory_space<hbm>>
        %dma_wait3A_3374 = tpu.memref_squeeze %dma_wait3A_3373 : memref<1x20x64xf32, #tpu.memory_space<hbm>> -> memref<20x64xf32, #tpu.memory_space<hbm>>
        %dma_wait3A_3375 = arith.constant 0 : i32
        %dma_wait3A_3376 = arith.constant 0 : i32
        %dma_wait3A_3377 = tpu.memref_slice %arg4[%dma_wait3A_3367, %dma_wait3A_3375, %dma_wait3A_3376] : memref<16384x24x128xf32, #tpu.memory_space<hbm>> -> memref<1x20x64xf32, #tpu.memory_space<hbm>>
        %dma_wait3A_3378 = tpu.memref_squeeze %dma_wait3A_3377 : memref<1x20x64xf32, #tpu.memory_space<hbm>> -> memref<20x64xf32, #tpu.memory_space<hbm>>
        %dma_wait3A_3379 = arith.constant 560 : i32
        %dma_wait3A_3380 = arith.constant 0 : i32
        %dma_wait3A_3381 = tpu.memref_slice %arg7[%dma_wait3A_3379, %dma_wait3A_3380] : memref<640x64xf32, #tpu.memory_space<vmem>> -> memref<20x64xf32, #tpu.memory_space<vmem>>
        tpu.wait_dma2 semaphore(%arg11 : memref<!tpu.dma_semaphore, #tpu.memory_space<semaphore_mem>>) src(%dma_wait3A_3381 : memref<20x64xf32, #tpu.memory_space<vmem>>) dst(%dma_wait3A_3378 : memref<20x64xf32, #tpu.memory_space<hbm>>)
        %dma_wait3A_3382 = arith.constant 0 : i32
        %dma_wait3A_3383 = arith.constant 580 : i32
        %dma_wait3A_3384 = arith.constant 0 : i32
        %dma_wait3A_3385 = tpu.memref_slice %arg7[%dma_wait3A_3383, %dma_wait3A_3384] : memref<640x64xf32, #tpu.memory_space<vmem>> -> memref<20x64xf32, #tpu.memory_space<vmem>>
        %dma_wait3A_3386 = arith.constant 0 : i32
        %dma_wait3A_3387 = arith.constant 0 : i32
        %dma_wait3A_3388 = tpu.memref_slice %arg4[%dma_wait3A_3382, %dma_wait3A_3386, %dma_wait3A_3387] : memref<16384x24x128xf32, #tpu.memory_space<hbm>> -> memref<1x20x64xf32, #tpu.memory_space<hbm>>
        %dma_wait3A_3389 = tpu.memref_squeeze %dma_wait3A_3388 : memref<1x20x64xf32, #tpu.memory_space<hbm>> -> memref<20x64xf32, #tpu.memory_space<hbm>>
        %dma_wait3A_3390 = arith.constant 0 : i32
        %dma_wait3A_3391 = arith.constant 0 : i32
        %dma_wait3A_3392 = tpu.memref_slice %arg4[%dma_wait3A_3382, %dma_wait3A_3390, %dma_wait3A_3391] : memref<16384x24x128xf32, #tpu.memory_space<hbm>> -> memref<1x20x64xf32, #tpu.memory_space<hbm>>
        %dma_wait3A_3393 = tpu.memref_squeeze %dma_wait3A_3392 : memref<1x20x64xf32, #tpu.memory_space<hbm>> -> memref<20x64xf32, #tpu.memory_space<hbm>>
        %dma_wait3A_3394 = arith.constant 580 : i32
        %dma_wait3A_3395 = arith.constant 0 : i32
        %dma_wait3A_3396 = tpu.memref_slice %arg7[%dma_wait3A_3394, %dma_wait3A_3395] : memref<640x64xf32, #tpu.memory_space<vmem>> -> memref<20x64xf32, #tpu.memory_space<vmem>>
        tpu.wait_dma2 semaphore(%arg11 : memref<!tpu.dma_semaphore, #tpu.memory_space<semaphore_mem>>) src(%dma_wait3A_3396 : memref<20x64xf32, #tpu.memory_space<vmem>>) dst(%dma_wait3A_3393 : memref<20x64xf32, #tpu.memory_space<hbm>>)
        %dma_wait3A_3397 = arith.constant 0 : i32
        %dma_wait3A_3398 = arith.constant 600 : i32
        %dma_wait3A_3399 = arith.constant 0 : i32
        %dma_wait3A_3400 = tpu.memref_slice %arg7[%dma_wait3A_3398, %dma_wait3A_3399] : memref<640x64xf32, #tpu.memory_space<vmem>> -> memref<20x64xf32, #tpu.memory_space<vmem>>
        %dma_wait3A_3401 = arith.constant 0 : i32
        %dma_wait3A_3402 = arith.constant 0 : i32
        %dma_wait3A_3403 = tpu.memref_slice %arg4[%dma_wait3A_3397, %dma_wait3A_3401, %dma_wait3A_3402] : memref<16384x24x128xf32, #tpu.memory_space<hbm>> -> memref<1x20x64xf32, #tpu.memory_space<hbm>>
        %dma_wait3A_3404 = tpu.memref_squeeze %dma_wait3A_3403 : memref<1x20x64xf32, #tpu.memory_space<hbm>> -> memref<20x64xf32, #tpu.memory_space<hbm>>
        %dma_wait3A_3405 = arith.constant 0 : i32
        %dma_wait3A_3406 = arith.constant 0 : i32
        %dma_wait3A_3407 = tpu.memref_slice %arg4[%dma_wait3A_3397, %dma_wait3A_3405, %dma_wait3A_3406] : memref<16384x24x128xf32, #tpu.memory_space<hbm>> -> memref<1x20x64xf32, #tpu.memory_space<hbm>>
        %dma_wait3A_3408 = tpu.memref_squeeze %dma_wait3A_3407 : memref<1x20x64xf32, #tpu.memory_space<hbm>> -> memref<20x64xf32, #tpu.memory_space<hbm>>
        %dma_wait3A_3409 = arith.constant 600 : i32
        %dma_wait3A_3410 = arith.constant 0 : i32
        %dma_wait3A_3411 = tpu.memref_slice %arg7[%dma_wait3A_3409, %dma_wait3A_3410] : memref<640x64xf32, #tpu.memory_space<vmem>> -> memref<20x64xf32, #tpu.memory_space<vmem>>
        tpu.wait_dma2 semaphore(%arg11 : memref<!tpu.dma_semaphore, #tpu.memory_space<semaphore_mem>>) src(%dma_wait3A_3411 : memref<20x64xf32, #tpu.memory_space<vmem>>) dst(%dma_wait3A_3408 : memref<20x64xf32, #tpu.memory_space<hbm>>)
        %dma_wait3A_3412 = arith.constant 0 : i32
        %dma_wait3A_3413 = arith.constant 620 : i32
        %dma_wait3A_3414 = arith.constant 0 : i32
        %dma_wait3A_3415 = tpu.memref_slice %arg7[%dma_wait3A_3413, %dma_wait3A_3414] : memref<640x64xf32, #tpu.memory_space<vmem>> -> memref<20x64xf32, #tpu.memory_space<vmem>>
        %dma_wait3A_3416 = arith.constant 0 : i32
        %dma_wait3A_3417 = arith.constant 0 : i32
        %dma_wait3A_3418 = tpu.memref_slice %arg4[%dma_wait3A_3412, %dma_wait3A_3416, %dma_wait3A_3417] : memref<16384x24x128xf32, #tpu.memory_space<hbm>> -> memref<1x20x64xf32, #tpu.memory_space<hbm>>
        %dma_wait3A_3419 = tpu.memref_squeeze %dma_wait3A_3418 : memref<1x20x64xf32, #tpu.memory_space<hbm>> -> memref<20x64xf32, #tpu.memory_space<hbm>>
        %dma_wait3A_3420 = arith.constant 0 : i32
        %dma_wait3A_3421 = arith.constant 0 : i32
        %dma_wait3A_3422 = tpu.memref_slice %arg4[%dma_wait3A_3412, %dma_wait3A_3420, %dma_wait3A_3421] : memref<16384x24x128xf32, #tpu.memory_space<hbm>> -> memref<1x20x64xf32, #tpu.memory_space<hbm>>
        %dma_wait3A_3423 = tpu.memref_squeeze %dma_wait3A_3422 : memref<1x20x64xf32, #tpu.memory_space<hbm>> -> memref<20x64xf32, #tpu.memory_space<hbm>>
        %dma_wait3A_3424 = arith.constant 620 : i32
        %dma_wait3A_3425 = arith.constant 0 : i32
        %dma_wait3A_3426 = tpu.memref_slice %arg7[%dma_wait3A_3424, %dma_wait3A_3425] : memref<640x64xf32, #tpu.memory_space<vmem>> -> memref<20x64xf32, #tpu.memory_space<vmem>>
        tpu.wait_dma2 semaphore(%arg11 : memref<!tpu.dma_semaphore, #tpu.memory_space<semaphore_mem>>) src(%dma_wait3A_3426 : memref<20x64xf32, #tpu.memory_space<vmem>>) dst(%dma_wait3A_3423 : memref<20x64xf32, #tpu.memory_space<hbm>>)
      } else {
      }
      %mul3A_809 = arith.constant 2 : i32
      %mul3A_810 = arith.muli %mul3A_809, %scan3A_806 : i32
      %add3A_811 = arith.constant 1 : i32
      %add3A_812 = arith.addi %mul3A_810, %add3A_811 : i32
      %mul3A_813 = arith.constant 32 : i32
      %mul3A_814 = arith.muli %add3A_812, %mul3A_813 : i32
      %add3A_815 = arith.constant 0 : i32
      %add3A_816 = arith.addi %mul3A_814, %add3A_815 : i32
      %dma_start3A_817 = arith.constant 0 : i32
      %dma_start3A_818 = arith.constant 0 : i32
      %dma_start3A_819 = tpu.memref_slice %arg7[%dma_start3A_817, %dma_start3A_818] : memref<640x64xf32, #tpu.memory_space<vmem>> -> memref<20x64xf32, #tpu.memory_space<vmem>>
      %dma_start3A_820 = arith.constant 0 : i32
      %dma_start3A_821 = tpu.memref_slice %arg5[%add3A_816, %dma_start3A_820] : memref<512x20xi32, #tpu.memory_space<vmem>> -> memref<1x20xi32, #tpu.memory_space<vmem>>
      %dma_start3A_822 = tpu.memref_squeeze %dma_start3A_821 : memref<1x20xi32, #tpu.memory_space<vmem>> -> memref<20xi32, #tpu.memory_space<vmem>>
      %dma_start3A_823 = arith.constant 0 : i32
      %dma_start3A_824 = arith.constant 0 : i32
      %dma_start3A_825 = tpu.memref_slice %arg3[%dma_start3A_823, %dma_start3A_824] : memref<100001x64xf32, #tpu.memory_space<hbm>> -> memref<100001x64xf32, #tpu.memory_space<hbm>>
      tpu.enqueue_indirect_dma source(%dma_start3A_825 : memref<100001x64xf32, #tpu.memory_space<hbm>>) target(%dma_start3A_819 : memref<20x64xf32, #tpu.memory_space<vmem>>) offsets(%dma_start3A_822 : memref<20xi32, #tpu.memory_space<vmem>>) semaphore(%arg9 : memref<!tpu.dma_semaphore, #tpu.memory_space<semaphore_mem>>)
      %mul3A_826 = arith.constant 32 : i32
      %mul3A_827 = arith.muli %add3A_812, %mul3A_826 : i32
      %add3A_828 = arith.constant 1 : i32
      %add3A_829 = arith.addi %mul3A_827, %add3A_828 : i32
      %dma_start3A_830 = arith.constant 20 : i32
      %dma_start3A_831 = arith.constant 0 : i32
      %dma_start3A_832 = tpu.memref_slice %arg7[%dma_start3A_830, %dma_start3A_831] : memref<640x64xf32, #tpu.memory_space<vmem>> -> memref<20x64xf32, #tpu.memory_space<vmem>>
      %dma_start3A_833 = arith.constant 0 : i32
      %dma_start3A_834 = tpu.memref_slice %arg5[%add3A_829, %dma_start3A_833] : memref<512x20xi32, #tpu.memory_space<vmem>> -> memref<1x20xi32, #tpu.memory_space<vmem>>
      %dma_start3A_835 = tpu.memref_squeeze %dma_start3A_834 : memref<1x20xi32, #tpu.memory_space<vmem>> -> memref<20xi32, #tpu.memory_space<vmem>>
      %dma_start3A_836 = arith.constant 0 : i32
      %dma_start3A_837 = arith.constant 0 : i32
      %dma_start3A_838 = tpu.memref_slice %arg3[%dma_start3A_836, %dma_start3A_837] : memref<100001x64xf32, #tpu.memory_space<hbm>> -> memref<100001x64xf32, #tpu.memory_space<hbm>>
      tpu.enqueue_indirect_dma source(%dma_start3A_838 : memref<100001x64xf32, #tpu.memory_space<hbm>>) target(%dma_start3A_832 : memref<20x64xf32, #tpu.memory_space<vmem>>) offsets(%dma_start3A_835 : memref<20xi32, #tpu.memory_space<vmem>>) semaphore(%arg9 : memref<!tpu.dma_semaphore, #tpu.memory_space<semaphore_mem>>)
      %mul3A_839 = arith.constant 32 : i32
      %mul3A_840 = arith.muli %add3A_812, %mul3A_839 : i32
      %add3A_841 = arith.constant 2 : i32
      %add3A_842 = arith.addi %mul3A_840, %add3A_841 : i32
      %dma_start3A_843 = arith.constant 40 : i32
      %dma_start3A_844 = arith.constant 0 : i32
      %dma_start3A_845 = tpu.memref_slice %arg7[%dma_start3A_843, %dma_start3A_844] : memref<640x64xf32, #tpu.memory_space<vmem>> -> memref<20x64xf32, #tpu.memory_space<vmem>>
      %dma_start3A_846 = arith.constant 0 : i32
      %dma_start3A_847 = tpu.memref_slice %arg5[%add3A_842, %dma_start3A_846] : memref<512x20xi32, #tpu.memory_space<vmem>> -> memref<1x20xi32, #tpu.memory_space<vmem>>
      %dma_start3A_848 = tpu.memref_squeeze %dma_start3A_847 : memref<1x20xi32, #tpu.memory_space<vmem>> -> memref<20xi32, #tpu.memory_space<vmem>>
      %dma_start3A_849 = arith.constant 0 : i32
      %dma_start3A_850 = arith.constant 0 : i32
      %dma_start3A_851 = tpu.memref_slice %arg3[%dma_start3A_849, %dma_start3A_850] : memref<100001x64xf32, #tpu.memory_space<hbm>> -> memref<100001x64xf32, #tpu.memory_space<hbm>>
      tpu.enqueue_indirect_dma source(%dma_start3A_851 : memref<100001x64xf32, #tpu.memory_space<hbm>>) target(%dma_start3A_845 : memref<20x64xf32, #tpu.memory_space<vmem>>) offsets(%dma_start3A_848 : memref<20xi32, #tpu.memory_space<vmem>>) semaphore(%arg9 : memref<!tpu.dma_semaphore, #tpu.memory_space<semaphore_mem>>)
      %mul3A_852 = arith.constant 32 : i32
      %mul3A_853 = arith.muli %add3A_812, %mul3A_852 : i32
      %add3A_854 = arith.constant 3 : i32
      %add3A_855 = arith.addi %mul3A_853, %add3A_854 : i32
      %dma_start3A_856 = arith.constant 60 : i32
      %dma_start3A_857 = arith.constant 0 : i32
      %dma_start3A_858 = tpu.memref_slice %arg7[%dma_start3A_856, %dma_start3A_857] : memref<640x64xf32, #tpu.memory_space<vmem>> -> memref<20x64xf32, #tpu.memory_space<vmem>>
      %dma_start3A_859 = arith.constant 0 : i32
      %dma_start3A_860 = tpu.memref_slice %arg5[%add3A_855, %dma_start3A_859] : memref<512x20xi32, #tpu.memory_space<vmem>> -> memref<1x20xi32, #tpu.memory_space<vmem>>
      %dma_start3A_861 = tpu.memref_squeeze %dma_start3A_860 : memref<1x20xi32, #tpu.memory_space<vmem>> -> memref<20xi32, #tpu.memory_space<vmem>>
      %dma_start3A_862 = arith.constant 0 : i32
      %dma_start3A_863 = arith.constant 0 : i32
      %dma_start3A_864 = tpu.memref_slice %arg3[%dma_start3A_862, %dma_start3A_863] : memref<100001x64xf32, #tpu.memory_space<hbm>> -> memref<100001x64xf32, #tpu.memory_space<hbm>>
      tpu.enqueue_indirect_dma source(%dma_start3A_864 : memref<100001x64xf32, #tpu.memory_space<hbm>>) target(%dma_start3A_858 : memref<20x64xf32, #tpu.memory_space<vmem>>) offsets(%dma_start3A_861 : memref<20xi32, #tpu.memory_space<vmem>>) semaphore(%arg9 : memref<!tpu.dma_semaphore, #tpu.memory_space<semaphore_mem>>)
      %mul3A_865 = arith.constant 32 : i32
      %mul3A_866 = arith.muli %add3A_812, %mul3A_865 : i32
      %add3A_867 = arith.constant 4 : i32
      %add3A_868 = arith.addi %mul3A_866, %add3A_867 : i32
      %dma_start3A_869 = arith.constant 80 : i32
      %dma_start3A_870 = arith.constant 0 : i32
      %dma_start3A_871 = tpu.memref_slice %arg7[%dma_start3A_869, %dma_start3A_870] : memref<640x64xf32, #tpu.memory_space<vmem>> -> memref<20x64xf32, #tpu.memory_space<vmem>>
      %dma_start3A_872 = arith.constant 0 : i32
      %dma_start3A_873 = tpu.memref_slice %arg5[%add3A_868, %dma_start3A_872] : memref<512x20xi32, #tpu.memory_space<vmem>> -> memref<1x20xi32, #tpu.memory_space<vmem>>
      %dma_start3A_874 = tpu.memref_squeeze %dma_start3A_873 : memref<1x20xi32, #tpu.memory_space<vmem>> -> memref<20xi32, #tpu.memory_space<vmem>>
      %dma_start3A_875 = arith.constant 0 : i32
      %dma_start3A_876 = arith.constant 0 : i32
      %dma_start3A_877 = tpu.memref_slice %arg3[%dma_start3A_875, %dma_start3A_876] : memref<100001x64xf32, #tpu.memory_space<hbm>> -> memref<100001x64xf32, #tpu.memory_space<hbm>>
      tpu.enqueue_indirect_dma source(%dma_start3A_877 : memref<100001x64xf32, #tpu.memory_space<hbm>>) target(%dma_start3A_871 : memref<20x64xf32, #tpu.memory_space<vmem>>) offsets(%dma_start3A_874 : memref<20xi32, #tpu.memory_space<vmem>>) semaphore(%arg9 : memref<!tpu.dma_semaphore, #tpu.memory_space<semaphore_mem>>)
      %mul3A_878 = arith.constant 32 : i32
      %mul3A_879 = arith.muli %add3A_812, %mul3A_878 : i32
      %add3A_880 = arith.constant 5 : i32
      %add3A_881 = arith.addi %mul3A_879, %add3A_880 : i32
      %dma_start3A_882 = arith.constant 100 : i32
      %dma_start3A_883 = arith.constant 0 : i32
      %dma_start3A_884 = tpu.memref_slice %arg7[%dma_start3A_882, %dma_start3A_883] : memref<640x64xf32, #tpu.memory_space<vmem>> -> memref<20x64xf32, #tpu.memory_space<vmem>>
      %dma_start3A_885 = arith.constant 0 : i32
      %dma_start3A_886 = tpu.memref_slice %arg5[%add3A_881, %dma_start3A_885] : memref<512x20xi32, #tpu.memory_space<vmem>> -> memref<1x20xi32, #tpu.memory_space<vmem>>
      %dma_start3A_887 = tpu.memref_squeeze %dma_start3A_886 : memref<1x20xi32, #tpu.memory_space<vmem>> -> memref<20xi32, #tpu.memory_space<vmem>>
      %dma_start3A_888 = arith.constant 0 : i32
      %dma_start3A_889 = arith.constant 0 : i32
      %dma_start3A_890 = tpu.memref_slice %arg3[%dma_start3A_888, %dma_start3A_889] : memref<100001x64xf32, #tpu.memory_space<hbm>> -> memref<100001x64xf32, #tpu.memory_space<hbm>>
      tpu.enqueue_indirect_dma source(%dma_start3A_890 : memref<100001x64xf32, #tpu.memory_space<hbm>>) target(%dma_start3A_884 : memref<20x64xf32, #tpu.memory_space<vmem>>) offsets(%dma_start3A_887 : memref<20xi32, #tpu.memory_space<vmem>>) semaphore(%arg9 : memref<!tpu.dma_semaphore, #tpu.memory_space<semaphore_mem>>)
      %mul3A_891 = arith.constant 32 : i32
      %mul3A_892 = arith.muli %add3A_812, %mul3A_891 : i32
      %add3A_893 = arith.constant 6 : i32
      %add3A_894 = arith.addi %mul3A_892, %add3A_893 : i32
      %dma_start3A_895 = arith.constant 120 : i32
      %dma_start3A_896 = arith.constant 0 : i32
      %dma_start3A_897 = tpu.memref_slice %arg7[%dma_start3A_895, %dma_start3A_896] : memref<640x64xf32, #tpu.memory_space<vmem>> -> memref<20x64xf32, #tpu.memory_space<vmem>>
      %dma_start3A_898 = arith.constant 0 : i32
      %dma_start3A_899 = tpu.memref_slice %arg5[%add3A_894, %dma_start3A_898] : memref<512x20xi32, #tpu.memory_space<vmem>> -> memref<1x20xi32, #tpu.memory_space<vmem>>
      %dma_start3A_900 = tpu.memref_squeeze %dma_start3A_899 : memref<1x20xi32, #tpu.memory_space<vmem>> -> memref<20xi32, #tpu.memory_space<vmem>>
      %dma_start3A_901 = arith.constant 0 : i32
      %dma_start3A_902 = arith.constant 0 : i32
      %dma_start3A_903 = tpu.memref_slice %arg3[%dma_start3A_901, %dma_start3A_902] : memref<100001x64xf32, #tpu.memory_space<hbm>> -> memref<100001x64xf32, #tpu.memory_space<hbm>>
      tpu.enqueue_indirect_dma source(%dma_start3A_903 : memref<100001x64xf32, #tpu.memory_space<hbm>>) target(%dma_start3A_897 : memref<20x64xf32, #tpu.memory_space<vmem>>) offsets(%dma_start3A_900 : memref<20xi32, #tpu.memory_space<vmem>>) semaphore(%arg9 : memref<!tpu.dma_semaphore, #tpu.memory_space<semaphore_mem>>)
      %mul3A_904 = arith.constant 32 : i32
      %mul3A_905 = arith.muli %add3A_812, %mul3A_904 : i32
      %add3A_906 = arith.constant 7 : i32
      %add3A_907 = arith.addi %mul3A_905, %add3A_906 : i32
      %dma_start3A_908 = arith.constant 140 : i32
      %dma_start3A_909 = arith.constant 0 : i32
      %dma_start3A_910 = tpu.memref_slice %arg7[%dma_start3A_908, %dma_start3A_909] : memref<640x64xf32, #tpu.memory_space<vmem>> -> memref<20x64xf32, #tpu.memory_space<vmem>>
      %dma_start3A_911 = arith.constant 0 : i32
      %dma_start3A_912 = tpu.memref_slice %arg5[%add3A_907, %dma_start3A_911] : memref<512x20xi32, #tpu.memory_space<vmem>> -> memref<1x20xi32, #tpu.memory_space<vmem>>
      %dma_start3A_913 = tpu.memref_squeeze %dma_start3A_912 : memref<1x20xi32, #tpu.memory_space<vmem>> -> memref<20xi32, #tpu.memory_space<vmem>>
      %dma_start3A_914 = arith.constant 0 : i32
      %dma_start3A_915 = arith.constant 0 : i32
      %dma_start3A_916 = tpu.memref_slice %arg3[%dma_start3A_914, %dma_start3A_915] : memref<100001x64xf32, #tpu.memory_space<hbm>> -> memref<100001x64xf32, #tpu.memory_space<hbm>>
      tpu.enqueue_indirect_dma source(%dma_start3A_916 : memref<100001x64xf32, #tpu.memory_space<hbm>>) target(%dma_start3A_910 : memref<20x64xf32, #tpu.memory_space<vmem>>) offsets(%dma_start3A_913 : memref<20xi32, #tpu.memory_space<vmem>>) semaphore(%arg9 : memref<!tpu.dma_semaphore, #tpu.memory_space<semaphore_mem>>)
      %mul3A_917 = arith.constant 32 : i32
      %mul3A_918 = arith.muli %add3A_812, %mul3A_917 : i32
      %add3A_919 = arith.constant 8 : i32
      %add3A_920 = arith.addi %mul3A_918, %add3A_919 : i32
      %dma_start3A_921 = arith.constant 160 : i32
      %dma_start3A_922 = arith.constant 0 : i32
      %dma_start3A_923 = tpu.memref_slice %arg7[%dma_start3A_921, %dma_start3A_922] : memref<640x64xf32, #tpu.memory_space<vmem>> -> memref<20x64xf32, #tpu.memory_space<vmem>>
      %dma_start3A_924 = arith.constant 0 : i32
      %dma_start3A_925 = tpu.memref_slice %arg5[%add3A_920, %dma_start3A_924] : memref<512x20xi32, #tpu.memory_space<vmem>> -> memref<1x20xi32, #tpu.memory_space<vmem>>
      %dma_start3A_926 = tpu.memref_squeeze %dma_start3A_925 : memref<1x20xi32, #tpu.memory_space<vmem>> -> memref<20xi32, #tpu.memory_space<vmem>>
      %dma_start3A_927 = arith.constant 0 : i32
      %dma_start3A_928 = arith.constant 0 : i32
      %dma_start3A_929 = tpu.memref_slice %arg3[%dma_start3A_927, %dma_start3A_928] : memref<100001x64xf32, #tpu.memory_space<hbm>> -> memref<100001x64xf32, #tpu.memory_space<hbm>>
      tpu.enqueue_indirect_dma source(%dma_start3A_929 : memref<100001x64xf32, #tpu.memory_space<hbm>>) target(%dma_start3A_923 : memref<20x64xf32, #tpu.memory_space<vmem>>) offsets(%dma_start3A_926 : memref<20xi32, #tpu.memory_space<vmem>>) semaphore(%arg9 : memref<!tpu.dma_semaphore, #tpu.memory_space<semaphore_mem>>)
      %mul3A_930 = arith.constant 32 : i32
      %mul3A_931 = arith.muli %add3A_812, %mul3A_930 : i32
      %add3A_932 = arith.constant 9 : i32
      %add3A_933 = arith.addi %mul3A_931, %add3A_932 : i32
      %dma_start3A_934 = arith.constant 180 : i32
      %dma_start3A_935 = arith.constant 0 : i32
      %dma_start3A_936 = tpu.memref_slice %arg7[%dma_start3A_934, %dma_start3A_935] : memref<640x64xf32, #tpu.memory_space<vmem>> -> memref<20x64xf32, #tpu.memory_space<vmem>>
      %dma_start3A_937 = arith.constant 0 : i32
      %dma_start3A_938 = tpu.memref_slice %arg5[%add3A_933, %dma_start3A_937] : memref<512x20xi32, #tpu.memory_space<vmem>> -> memref<1x20xi32, #tpu.memory_space<vmem>>
      %dma_start3A_939 = tpu.memref_squeeze %dma_start3A_938 : memref<1x20xi32, #tpu.memory_space<vmem>> -> memref<20xi32, #tpu.memory_space<vmem>>
      %dma_start3A_940 = arith.constant 0 : i32
      %dma_start3A_941 = arith.constant 0 : i32
      %dma_start3A_942 = tpu.memref_slice %arg3[%dma_start3A_940, %dma_start3A_941] : memref<100001x64xf32, #tpu.memory_space<hbm>> -> memref<100001x64xf32, #tpu.memory_space<hbm>>
      tpu.enqueue_indirect_dma source(%dma_start3A_942 : memref<100001x64xf32, #tpu.memory_space<hbm>>) target(%dma_start3A_936 : memref<20x64xf32, #tpu.memory_space<vmem>>) offsets(%dma_start3A_939 : memref<20xi32, #tpu.memory_space<vmem>>) semaphore(%arg9 : memref<!tpu.dma_semaphore, #tpu.memory_space<semaphore_mem>>)
      %mul3A_943 = arith.constant 32 : i32
      %mul3A_944 = arith.muli %add3A_812, %mul3A_943 : i32
      %add3A_945 = arith.constant 10 : i32
      %add3A_946 = arith.addi %mul3A_944, %add3A_945 : i32
      %dma_start3A_947 = arith.constant 200 : i32
      %dma_start3A_948 = arith.constant 0 : i32
      %dma_start3A_949 = tpu.memref_slice %arg7[%dma_start3A_947, %dma_start3A_948] : memref<640x64xf32, #tpu.memory_space<vmem>> -> memref<20x64xf32, #tpu.memory_space<vmem>>
      %dma_start3A_950 = arith.constant 0 : i32
      %dma_start3A_951 = tpu.memref_slice %arg5[%add3A_946, %dma_start3A_950] : memref<512x20xi32, #tpu.memory_space<vmem>> -> memref<1x20xi32, #tpu.memory_space<vmem>>
      %dma_start3A_952 = tpu.memref_squeeze %dma_start3A_951 : memref<1x20xi32, #tpu.memory_space<vmem>> -> memref<20xi32, #tpu.memory_space<vmem>>
      %dma_start3A_953 = arith.constant 0 : i32
      %dma_start3A_954 = arith.constant 0 : i32
      %dma_start3A_955 = tpu.memref_slice %arg3[%dma_start3A_953, %dma_start3A_954] : memref<100001x64xf32, #tpu.memory_space<hbm>> -> memref<100001x64xf32, #tpu.memory_space<hbm>>
      tpu.enqueue_indirect_dma source(%dma_start3A_955 : memref<100001x64xf32, #tpu.memory_space<hbm>>) target(%dma_start3A_949 : memref<20x64xf32, #tpu.memory_space<vmem>>) offsets(%dma_start3A_952 : memref<20xi32, #tpu.memory_space<vmem>>) semaphore(%arg9 : memref<!tpu.dma_semaphore, #tpu.memory_space<semaphore_mem>>)
      %mul3A_956 = arith.constant 32 : i32
      %mul3A_957 = arith.muli %add3A_812, %mul3A_956 : i32
      %add3A_958 = arith.constant 11 : i32
      %add3A_959 = arith.addi %mul3A_957, %add3A_958 : i32
      %dma_start3A_960 = arith.constant 220 : i32
      %dma_start3A_961 = arith.constant 0 : i32
      %dma_start3A_962 = tpu.memref_slice %arg7[%dma_start3A_960, %dma_start3A_961] : memref<640x64xf32, #tpu.memory_space<vmem>> -> memref<20x64xf32, #tpu.memory_space<vmem>>
      %dma_start3A_963 = arith.constant 0 : i32
      %dma_start3A_964 = tpu.memref_slice %arg5[%add3A_959, %dma_start3A_963] : memref<512x20xi32, #tpu.memory_space<vmem>> -> memref<1x20xi32, #tpu.memory_space<vmem>>
      %dma_start3A_965 = tpu.memref_squeeze %dma_start3A_964 : memref<1x20xi32, #tpu.memory_space<vmem>> -> memref<20xi32, #tpu.memory_space<vmem>>
      %dma_start3A_966 = arith.constant 0 : i32
      %dma_start3A_967 = arith.constant 0 : i32
      %dma_start3A_968 = tpu.memref_slice %arg3[%dma_start3A_966, %dma_start3A_967] : memref<100001x64xf32, #tpu.memory_space<hbm>> -> memref<100001x64xf32, #tpu.memory_space<hbm>>
      tpu.enqueue_indirect_dma source(%dma_start3A_968 : memref<100001x64xf32, #tpu.memory_space<hbm>>) target(%dma_start3A_962 : memref<20x64xf32, #tpu.memory_space<vmem>>) offsets(%dma_start3A_965 : memref<20xi32, #tpu.memory_space<vmem>>) semaphore(%arg9 : memref<!tpu.dma_semaphore, #tpu.memory_space<semaphore_mem>>)
      %mul3A_969 = arith.constant 32 : i32
      %mul3A_970 = arith.muli %add3A_812, %mul3A_969 : i32
      %add3A_971 = arith.constant 12 : i32
      %add3A_972 = arith.addi %mul3A_970, %add3A_971 : i32
      %dma_start3A_973 = arith.constant 240 : i32
      %dma_start3A_974 = arith.constant 0 : i32
      %dma_start3A_975 = tpu.memref_slice %arg7[%dma_start3A_973, %dma_start3A_974] : memref<640x64xf32, #tpu.memory_space<vmem>> -> memref<20x64xf32, #tpu.memory_space<vmem>>
      %dma_start3A_976 = arith.constant 0 : i32
      %dma_start3A_977 = tpu.memref_slice %arg5[%add3A_972, %dma_start3A_976] : memref<512x20xi32, #tpu.memory_space<vmem>> -> memref<1x20xi32, #tpu.memory_space<vmem>>
      %dma_start3A_978 = tpu.memref_squeeze %dma_start3A_977 : memref<1x20xi32, #tpu.memory_space<vmem>> -> memref<20xi32, #tpu.memory_space<vmem>>
      %dma_start3A_979 = arith.constant 0 : i32
      %dma_start3A_980 = arith.constant 0 : i32
      %dma_start3A_981 = tpu.memref_slice %arg3[%dma_start3A_979, %dma_start3A_980] : memref<100001x64xf32, #tpu.memory_space<hbm>> -> memref<100001x64xf32, #tpu.memory_space<hbm>>
      tpu.enqueue_indirect_dma source(%dma_start3A_981 : memref<100001x64xf32, #tpu.memory_space<hbm>>) target(%dma_start3A_975 : memref<20x64xf32, #tpu.memory_space<vmem>>) offsets(%dma_start3A_978 : memref<20xi32, #tpu.memory_space<vmem>>) semaphore(%arg9 : memref<!tpu.dma_semaphore, #tpu.memory_space<semaphore_mem>>)
      %mul3A_982 = arith.constant 32 : i32
      %mul3A_983 = arith.muli %add3A_812, %mul3A_982 : i32
      %add3A_984 = arith.constant 13 : i32
      %add3A_985 = arith.addi %mul3A_983, %add3A_984 : i32
      %dma_start3A_986 = arith.constant 260 : i32
      %dma_start3A_987 = arith.constant 0 : i32
      %dma_start3A_988 = tpu.memref_slice %arg7[%dma_start3A_986, %dma_start3A_987] : memref<640x64xf32, #tpu.memory_space<vmem>> -> memref<20x64xf32, #tpu.memory_space<vmem>>
      %dma_start3A_989 = arith.constant 0 : i32
      %dma_start3A_990 = tpu.memref_slice %arg5[%add3A_985, %dma_start3A_989] : memref<512x20xi32, #tpu.memory_space<vmem>> -> memref<1x20xi32, #tpu.memory_space<vmem>>
      %dma_start3A_991 = tpu.memref_squeeze %dma_start3A_990 : memref<1x20xi32, #tpu.memory_space<vmem>> -> memref<20xi32, #tpu.memory_space<vmem>>
      %dma_start3A_992 = arith.constant 0 : i32
      %dma_start3A_993 = arith.constant 0 : i32
      %dma_start3A_994 = tpu.memref_slice %arg3[%dma_start3A_992, %dma_start3A_993] : memref<100001x64xf32, #tpu.memory_space<hbm>> -> memref<100001x64xf32, #tpu.memory_space<hbm>>
      tpu.enqueue_indirect_dma source(%dma_start3A_994 : memref<100001x64xf32, #tpu.memory_space<hbm>>) target(%dma_start3A_988 : memref<20x64xf32, #tpu.memory_space<vmem>>) offsets(%dma_start3A_991 : memref<20xi32, #tpu.memory_space<vmem>>) semaphore(%arg9 : memref<!tpu.dma_semaphore, #tpu.memory_space<semaphore_mem>>)
      %mul3A_995 = arith.constant 32 : i32
      %mul3A_996 = arith.muli %add3A_812, %mul3A_995 : i32
      %add3A_997 = arith.constant 14 : i32
      %add3A_998 = arith.addi %mul3A_996, %add3A_997 : i32
      %dma_start3A_999 = arith.constant 280 : i32
      %dma_start3A_1000 = arith.constant 0 : i32
      %dma_start3A_1001 = tpu.memref_slice %arg7[%dma_start3A_999, %dma_start3A_1000] : memref<640x64xf32, #tpu.memory_space<vmem>> -> memref<20x64xf32, #tpu.memory_space<vmem>>
      %dma_start3A_1002 = arith.constant 0 : i32
      %dma_start3A_1003 = tpu.memref_slice %arg5[%add3A_998, %dma_start3A_1002] : memref<512x20xi32, #tpu.memory_space<vmem>> -> memref<1x20xi32, #tpu.memory_space<vmem>>
      %dma_start3A_1004 = tpu.memref_squeeze %dma_start3A_1003 : memref<1x20xi32, #tpu.memory_space<vmem>> -> memref<20xi32, #tpu.memory_space<vmem>>
      %dma_start3A_1005 = arith.constant 0 : i32
      %dma_start3A_1006 = arith.constant 0 : i32
      %dma_start3A_1007 = tpu.memref_slice %arg3[%dma_start3A_1005, %dma_start3A_1006] : memref<100001x64xf32, #tpu.memory_space<hbm>> -> memref<100001x64xf32, #tpu.memory_space<hbm>>
      tpu.enqueue_indirect_dma source(%dma_start3A_1007 : memref<100001x64xf32, #tpu.memory_space<hbm>>) target(%dma_start3A_1001 : memref<20x64xf32, #tpu.memory_space<vmem>>) offsets(%dma_start3A_1004 : memref<20xi32, #tpu.memory_space<vmem>>) semaphore(%arg9 : memref<!tpu.dma_semaphore, #tpu.memory_space<semaphore_mem>>)
      %mul3A_1008 = arith.constant 32 : i32
      %mul3A_1009 = arith.muli %add3A_812, %mul3A_1008 : i32
      %add3A_1010 = arith.constant 15 : i32
      %add3A_1011 = arith.addi %mul3A_1009, %add3A_1010 : i32
      %dma_start3A_1012 = arith.constant 300 : i32
      %dma_start3A_1013 = arith.constant 0 : i32
      %dma_start3A_1014 = tpu.memref_slice %arg7[%dma_start3A_1012, %dma_start3A_1013] : memref<640x64xf32, #tpu.memory_space<vmem>> -> memref<20x64xf32, #tpu.memory_space<vmem>>
      %dma_start3A_1015 = arith.constant 0 : i32
      %dma_start3A_1016 = tpu.memref_slice %arg5[%add3A_1011, %dma_start3A_1015] : memref<512x20xi32, #tpu.memory_space<vmem>> -> memref<1x20xi32, #tpu.memory_space<vmem>>
      %dma_start3A_1017 = tpu.memref_squeeze %dma_start3A_1016 : memref<1x20xi32, #tpu.memory_space<vmem>> -> memref<20xi32, #tpu.memory_space<vmem>>
      %dma_start3A_1018 = arith.constant 0 : i32
      %dma_start3A_1019 = arith.constant 0 : i32
      %dma_start3A_1020 = tpu.memref_slice %arg3[%dma_start3A_1018, %dma_start3A_1019] : memref<100001x64xf32, #tpu.memory_space<hbm>> -> memref<100001x64xf32, #tpu.memory_space<hbm>>
      tpu.enqueue_indirect_dma source(%dma_start3A_1020 : memref<100001x64xf32, #tpu.memory_space<hbm>>) target(%dma_start3A_1014 : memref<20x64xf32, #tpu.memory_space<vmem>>) offsets(%dma_start3A_1017 : memref<20xi32, #tpu.memory_space<vmem>>) semaphore(%arg9 : memref<!tpu.dma_semaphore, #tpu.memory_space<semaphore_mem>>)
      %mul3A_1021 = arith.constant 32 : i32
      %mul3A_1022 = arith.muli %add3A_812, %mul3A_1021 : i32
      %add3A_1023 = arith.constant 16 : i32
      %add3A_1024 = arith.addi %mul3A_1022, %add3A_1023 : i32
      %dma_start3A_1025 = arith.constant 320 : i32
      %dma_start3A_1026 = arith.constant 0 : i32
      %dma_start3A_1027 = tpu.memref_slice %arg7[%dma_start3A_1025, %dma_start3A_1026] : memref<640x64xf32, #tpu.memory_space<vmem>> -> memref<20x64xf32, #tpu.memory_space<vmem>>
      %dma_start3A_1028 = arith.constant 0 : i32
      %dma_start3A_1029 = tpu.memref_slice %arg5[%add3A_1024, %dma_start3A_1028] : memref<512x20xi32, #tpu.memory_space<vmem>> -> memref<1x20xi32, #tpu.memory_space<vmem>>
      %dma_start3A_1030 = tpu.memref_squeeze %dma_start3A_1029 : memref<1x20xi32, #tpu.memory_space<vmem>> -> memref<20xi32, #tpu.memory_space<vmem>>
      %dma_start3A_1031 = arith.constant 0 : i32
      %dma_start3A_1032 = arith.constant 0 : i32
      %dma_start3A_1033 = tpu.memref_slice %arg3[%dma_start3A_1031, %dma_start3A_1032] : memref<100001x64xf32, #tpu.memory_space<hbm>> -> memref<100001x64xf32, #tpu.memory_space<hbm>>
      tpu.enqueue_indirect_dma source(%dma_start3A_1033 : memref<100001x64xf32, #tpu.memory_space<hbm>>) target(%dma_start3A_1027 : memref<20x64xf32, #tpu.memory_space<vmem>>) offsets(%dma_start3A_1030 : memref<20xi32, #tpu.memory_space<vmem>>) semaphore(%arg9 : memref<!tpu.dma_semaphore, #tpu.memory_space<semaphore_mem>>)
      %mul3A_1034 = arith.constant 32 : i32
      %mul3A_1035 = arith.muli %add3A_812, %mul3A_1034 : i32
      %add3A_1036 = arith.constant 17 : i32
      %add3A_1037 = arith.addi %mul3A_1035, %add3A_1036 : i32
      %dma_start3A_1038 = arith.constant 340 : i32
      %dma_start3A_1039 = arith.constant 0 : i32
      %dma_start3A_1040 = tpu.memref_slice %arg7[%dma_start3A_1038, %dma_start3A_1039] : memref<640x64xf32, #tpu.memory_space<vmem>> -> memref<20x64xf32, #tpu.memory_space<vmem>>
      %dma_start3A_1041 = arith.constant 0 : i32
      %dma_start3A_1042 = tpu.memref_slice %arg5[%add3A_1037, %dma_start3A_1041] : memref<512x20xi32, #tpu.memory_space<vmem>> -> memref<1x20xi32, #tpu.memory_space<vmem>>
      %dma_start3A_1043 = tpu.memref_squeeze %dma_start3A_1042 : memref<1x20xi32, #tpu.memory_space<vmem>> -> memref<20xi32, #tpu.memory_space<vmem>>
      %dma_start3A_1044 = arith.constant 0 : i32
      %dma_start3A_1045 = arith.constant 0 : i32
      %dma_start3A_1046 = tpu.memref_slice %arg3[%dma_start3A_1044, %dma_start3A_1045] : memref<100001x64xf32, #tpu.memory_space<hbm>> -> memref<100001x64xf32, #tpu.memory_space<hbm>>
      tpu.enqueue_indirect_dma source(%dma_start3A_1046 : memref<100001x64xf32, #tpu.memory_space<hbm>>) target(%dma_start3A_1040 : memref<20x64xf32, #tpu.memory_space<vmem>>) offsets(%dma_start3A_1043 : memref<20xi32, #tpu.memory_space<vmem>>) semaphore(%arg9 : memref<!tpu.dma_semaphore, #tpu.memory_space<semaphore_mem>>)
      %mul3A_1047 = arith.constant 32 : i32
      %mul3A_1048 = arith.muli %add3A_812, %mul3A_1047 : i32
      %add3A_1049 = arith.constant 18 : i32
      %add3A_1050 = arith.addi %mul3A_1048, %add3A_1049 : i32
      %dma_start3A_1051 = arith.constant 360 : i32
      %dma_start3A_1052 = arith.constant 0 : i32
      %dma_start3A_1053 = tpu.memref_slice %arg7[%dma_start3A_1051, %dma_start3A_1052] : memref<640x64xf32, #tpu.memory_space<vmem>> -> memref<20x64xf32, #tpu.memory_space<vmem>>
      %dma_start3A_1054 = arith.constant 0 : i32
      %dma_start3A_1055 = tpu.memref_slice %arg5[%add3A_1050, %dma_start3A_1054] : memref<512x20xi32, #tpu.memory_space<vmem>> -> memref<1x20xi32, #tpu.memory_space<vmem>>
      %dma_start3A_1056 = tpu.memref_squeeze %dma_start3A_1055 : memref<1x20xi32, #tpu.memory_space<vmem>> -> memref<20xi32, #tpu.memory_space<vmem>>
      %dma_start3A_1057 = arith.constant 0 : i32
      %dma_start3A_1058 = arith.constant 0 : i32
      %dma_start3A_1059 = tpu.memref_slice %arg3[%dma_start3A_1057, %dma_start3A_1058] : memref<100001x64xf32, #tpu.memory_space<hbm>> -> memref<100001x64xf32, #tpu.memory_space<hbm>>
      tpu.enqueue_indirect_dma source(%dma_start3A_1059 : memref<100001x64xf32, #tpu.memory_space<hbm>>) target(%dma_start3A_1053 : memref<20x64xf32, #tpu.memory_space<vmem>>) offsets(%dma_start3A_1056 : memref<20xi32, #tpu.memory_space<vmem>>) semaphore(%arg9 : memref<!tpu.dma_semaphore, #tpu.memory_space<semaphore_mem>>)
      %mul3A_1060 = arith.constant 32 : i32
      %mul3A_1061 = arith.muli %add3A_812, %mul3A_1060 : i32
      %add3A_1062 = arith.constant 19 : i32
      %add3A_1063 = arith.addi %mul3A_1061, %add3A_1062 : i32
      %dma_start3A_1064 = arith.constant 380 : i32
      %dma_start3A_1065 = arith.constant 0 : i32
      %dma_start3A_1066 = tpu.memref_slice %arg7[%dma_start3A_1064, %dma_start3A_1065] : memref<640x64xf32, #tpu.memory_space<vmem>> -> memref<20x64xf32, #tpu.memory_space<vmem>>
      %dma_start3A_1067 = arith.constant 0 : i32
      %dma_start3A_1068 = tpu.memref_slice %arg5[%add3A_1063, %dma_start3A_1067] : memref<512x20xi32, #tpu.memory_space<vmem>> -> memref<1x20xi32, #tpu.memory_space<vmem>>
      %dma_start3A_1069 = tpu.memref_squeeze %dma_start3A_1068 : memref<1x20xi32, #tpu.memory_space<vmem>> -> memref<20xi32, #tpu.memory_space<vmem>>
      %dma_start3A_1070 = arith.constant 0 : i32
      %dma_start3A_1071 = arith.constant 0 : i32
      %dma_start3A_1072 = tpu.memref_slice %arg3[%dma_start3A_1070, %dma_start3A_1071] : memref<100001x64xf32, #tpu.memory_space<hbm>> -> memref<100001x64xf32, #tpu.memory_space<hbm>>
      tpu.enqueue_indirect_dma source(%dma_start3A_1072 : memref<100001x64xf32, #tpu.memory_space<hbm>>) target(%dma_start3A_1066 : memref<20x64xf32, #tpu.memory_space<vmem>>) offsets(%dma_start3A_1069 : memref<20xi32, #tpu.memory_space<vmem>>) semaphore(%arg9 : memref<!tpu.dma_semaphore, #tpu.memory_space<semaphore_mem>>)
      %mul3A_1073 = arith.constant 32 : i32
      %mul3A_1074 = arith.muli %add3A_812, %mul3A_1073 : i32
      %add3A_1075 = arith.constant 20 : i32
      %add3A_1076 = arith.addi %mul3A_1074, %add3A_1075 : i32
      %dma_start3A_1077 = arith.constant 400 : i32
      %dma_start3A_1078 = arith.constant 0 : i32
      %dma_start3A_1079 = tpu.memref_slice %arg7[%dma_start3A_1077, %dma_start3A_1078] : memref<640x64xf32, #tpu.memory_space<vmem>> -> memref<20x64xf32, #tpu.memory_space<vmem>>
      %dma_start3A_1080 = arith.constant 0 : i32
      %dma_start3A_1081 = tpu.memref_slice %arg5[%add3A_1076, %dma_start3A_1080] : memref<512x20xi32, #tpu.memory_space<vmem>> -> memref<1x20xi32, #tpu.memory_space<vmem>>
      %dma_start3A_1082 = tpu.memref_squeeze %dma_start3A_1081 : memref<1x20xi32, #tpu.memory_space<vmem>> -> memref<20xi32, #tpu.memory_space<vmem>>
      %dma_start3A_1083 = arith.constant 0 : i32
      %dma_start3A_1084 = arith.constant 0 : i32
      %dma_start3A_1085 = tpu.memref_slice %arg3[%dma_start3A_1083, %dma_start3A_1084] : memref<100001x64xf32, #tpu.memory_space<hbm>> -> memref<100001x64xf32, #tpu.memory_space<hbm>>
      tpu.enqueue_indirect_dma source(%dma_start3A_1085 : memref<100001x64xf32, #tpu.memory_space<hbm>>) target(%dma_start3A_1079 : memref<20x64xf32, #tpu.memory_space<vmem>>) offsets(%dma_start3A_1082 : memref<20xi32, #tpu.memory_space<vmem>>) semaphore(%arg9 : memref<!tpu.dma_semaphore, #tpu.memory_space<semaphore_mem>>)
      %mul3A_1086 = arith.constant 32 : i32
      %mul3A_1087 = arith.muli %add3A_812, %mul3A_1086 : i32
      %add3A_1088 = arith.constant 21 : i32
      %add3A_1089 = arith.addi %mul3A_1087, %add3A_1088 : i32
      %dma_start3A_1090 = arith.constant 420 : i32
      %dma_start3A_1091 = arith.constant 0 : i32
      %dma_start3A_1092 = tpu.memref_slice %arg7[%dma_start3A_1090, %dma_start3A_1091] : memref<640x64xf32, #tpu.memory_space<vmem>> -> memref<20x64xf32, #tpu.memory_space<vmem>>
      %dma_start3A_1093 = arith.constant 0 : i32
      %dma_start3A_1094 = tpu.memref_slice %arg5[%add3A_1089, %dma_start3A_1093] : memref<512x20xi32, #tpu.memory_space<vmem>> -> memref<1x20xi32, #tpu.memory_space<vmem>>
      %dma_start3A_1095 = tpu.memref_squeeze %dma_start3A_1094 : memref<1x20xi32, #tpu.memory_space<vmem>> -> memref<20xi32, #tpu.memory_space<vmem>>
      %dma_start3A_1096 = arith.constant 0 : i32
      %dma_start3A_1097 = arith.constant 0 : i32
      %dma_start3A_1098 = tpu.memref_slice %arg3[%dma_start3A_1096, %dma_start3A_1097] : memref<100001x64xf32, #tpu.memory_space<hbm>> -> memref<100001x64xf32, #tpu.memory_space<hbm>>
      tpu.enqueue_indirect_dma source(%dma_start3A_1098 : memref<100001x64xf32, #tpu.memory_space<hbm>>) target(%dma_start3A_1092 : memref<20x64xf32, #tpu.memory_space<vmem>>) offsets(%dma_start3A_1095 : memref<20xi32, #tpu.memory_space<vmem>>) semaphore(%arg9 : memref<!tpu.dma_semaphore, #tpu.memory_space<semaphore_mem>>)
      %mul3A_1099 = arith.constant 32 : i32
      %mul3A_1100 = arith.muli %add3A_812, %mul3A_1099 : i32
      %add3A_1101 = arith.constant 22 : i32
      %add3A_1102 = arith.addi %mul3A_1100, %add3A_1101 : i32
      %dma_start3A_1103 = arith.constant 440 : i32
      %dma_start3A_1104 = arith.constant 0 : i32
      %dma_start3A_1105 = tpu.memref_slice %arg7[%dma_start3A_1103, %dma_start3A_1104] : memref<640x64xf32, #tpu.memory_space<vmem>> -> memref<20x64xf32, #tpu.memory_space<vmem>>
      %dma_start3A_1106 = arith.constant 0 : i32
      %dma_start3A_1107 = tpu.memref_slice %arg5[%add3A_1102, %dma_start3A_1106] : memref<512x20xi32, #tpu.memory_space<vmem>> -> memref<1x20xi32, #tpu.memory_space<vmem>>
      %dma_start3A_1108 = tpu.memref_squeeze %dma_start3A_1107 : memref<1x20xi32, #tpu.memory_space<vmem>> -> memref<20xi32, #tpu.memory_space<vmem>>
      %dma_start3A_1109 = arith.constant 0 : i32
      %dma_start3A_1110 = arith.constant 0 : i32
      %dma_start3A_1111 = tpu.memref_slice %arg3[%dma_start3A_1109, %dma_start3A_1110] : memref<100001x64xf32, #tpu.memory_space<hbm>> -> memref<100001x64xf32, #tpu.memory_space<hbm>>
      tpu.enqueue_indirect_dma source(%dma_start3A_1111 : memref<100001x64xf32, #tpu.memory_space<hbm>>) target(%dma_start3A_1105 : memref<20x64xf32, #tpu.memory_space<vmem>>) offsets(%dma_start3A_1108 : memref<20xi32, #tpu.memory_space<vmem>>) semaphore(%arg9 : memref<!tpu.dma_semaphore, #tpu.memory_space<semaphore_mem>>)
      %mul3A_1112 = arith.constant 32 : i32
      %mul3A_1113 = arith.muli %add3A_812, %mul3A_1112 : i32
      %add3A_1114 = arith.constant 23 : i32
      %add3A_1115 = arith.addi %mul3A_1113, %add3A_1114 : i32
      %dma_start3A_1116 = arith.constant 460 : i32
      %dma_start3A_1117 = arith.constant 0 : i32
      %dma_start3A_1118 = tpu.memref_slice %arg7[%dma_start3A_1116, %dma_start3A_1117] : memref<640x64xf32, #tpu.memory_space<vmem>> -> memref<20x64xf32, #tpu.memory_space<vmem>>
      %dma_start3A_1119 = arith.constant 0 : i32
      %dma_start3A_1120 = tpu.memref_slice %arg5[%add3A_1115, %dma_start3A_1119] : memref<512x20xi32, #tpu.memory_space<vmem>> -> memref<1x20xi32, #tpu.memory_space<vmem>>
      %dma_start3A_1121 = tpu.memref_squeeze %dma_start3A_1120 : memref<1x20xi32, #tpu.memory_space<vmem>> -> memref<20xi32, #tpu.memory_space<vmem>>
      %dma_start3A_1122 = arith.constant 0 : i32
      %dma_start3A_1123 = arith.constant 0 : i32
      %dma_start3A_1124 = tpu.memref_slice %arg3[%dma_start3A_1122, %dma_start3A_1123] : memref<100001x64xf32, #tpu.memory_space<hbm>> -> memref<100001x64xf32, #tpu.memory_space<hbm>>
      tpu.enqueue_indirect_dma source(%dma_start3A_1124 : memref<100001x64xf32, #tpu.memory_space<hbm>>) target(%dma_start3A_1118 : memref<20x64xf32, #tpu.memory_space<vmem>>) offsets(%dma_start3A_1121 : memref<20xi32, #tpu.memory_space<vmem>>) semaphore(%arg9 : memref<!tpu.dma_semaphore, #tpu.memory_space<semaphore_mem>>)
      %mul3A_1125 = arith.constant 32 : i32
      %mul3A_1126 = arith.muli %add3A_812, %mul3A_1125 : i32
      %add3A_1127 = arith.constant 24 : i32
      %add3A_1128 = arith.addi %mul3A_1126, %add3A_1127 : i32
      %dma_start3A_1129 = arith.constant 480 : i32
      %dma_start3A_1130 = arith.constant 0 : i32
      %dma_start3A_1131 = tpu.memref_slice %arg7[%dma_start3A_1129, %dma_start3A_1130] : memref<640x64xf32, #tpu.memory_space<vmem>> -> memref<20x64xf32, #tpu.memory_space<vmem>>
      %dma_start3A_1132 = arith.constant 0 : i32
      %dma_start3A_1133 = tpu.memref_slice %arg5[%add3A_1128, %dma_start3A_1132] : memref<512x20xi32, #tpu.memory_space<vmem>> -> memref<1x20xi32, #tpu.memory_space<vmem>>
      %dma_start3A_1134 = tpu.memref_squeeze %dma_start3A_1133 : memref<1x20xi32, #tpu.memory_space<vmem>> -> memref<20xi32, #tpu.memory_space<vmem>>
      %dma_start3A_1135 = arith.constant 0 : i32
      %dma_start3A_1136 = arith.constant 0 : i32
      %dma_start3A_1137 = tpu.memref_slice %arg3[%dma_start3A_1135, %dma_start3A_1136] : memref<100001x64xf32, #tpu.memory_space<hbm>> -> memref<100001x64xf32, #tpu.memory_space<hbm>>
      tpu.enqueue_indirect_dma source(%dma_start3A_1137 : memref<100001x64xf32, #tpu.memory_space<hbm>>) target(%dma_start3A_1131 : memref<20x64xf32, #tpu.memory_space<vmem>>) offsets(%dma_start3A_1134 : memref<20xi32, #tpu.memory_space<vmem>>) semaphore(%arg9 : memref<!tpu.dma_semaphore, #tpu.memory_space<semaphore_mem>>)
      %mul3A_1138 = arith.constant 32 : i32
      %mul3A_1139 = arith.muli %add3A_812, %mul3A_1138 : i32
      %add3A_1140 = arith.constant 25 : i32
      %add3A_1141 = arith.addi %mul3A_1139, %add3A_1140 : i32
      %dma_start3A_1142 = arith.constant 500 : i32
      %dma_start3A_1143 = arith.constant 0 : i32
      %dma_start3A_1144 = tpu.memref_slice %arg7[%dma_start3A_1142, %dma_start3A_1143] : memref<640x64xf32, #tpu.memory_space<vmem>> -> memref<20x64xf32, #tpu.memory_space<vmem>>
      %dma_start3A_1145 = arith.constant 0 : i32
      %dma_start3A_1146 = tpu.memref_slice %arg5[%add3A_1141, %dma_start3A_1145] : memref<512x20xi32, #tpu.memory_space<vmem>> -> memref<1x20xi32, #tpu.memory_space<vmem>>
      %dma_start3A_1147 = tpu.memref_squeeze %dma_start3A_1146 : memref<1x20xi32, #tpu.memory_space<vmem>> -> memref<20xi32, #tpu.memory_space<vmem>>
      %dma_start3A_1148 = arith.constant 0 : i32
      %dma_start3A_1149 = arith.constant 0 : i32
      %dma_start3A_1150 = tpu.memref_slice %arg3[%dma_start3A_1148, %dma_start3A_1149] : memref<100001x64xf32, #tpu.memory_space<hbm>> -> memref<100001x64xf32, #tpu.memory_space<hbm>>
      tpu.enqueue_indirect_dma source(%dma_start3A_1150 : memref<100001x64xf32, #tpu.memory_space<hbm>>) target(%dma_start3A_1144 : memref<20x64xf32, #tpu.memory_space<vmem>>) offsets(%dma_start3A_1147 : memref<20xi32, #tpu.memory_space<vmem>>) semaphore(%arg9 : memref<!tpu.dma_semaphore, #tpu.memory_space<semaphore_mem>>)
      %mul3A_1151 = arith.constant 32 : i32
      %mul3A_1152 = arith.muli %add3A_812, %mul3A_1151 : i32
      %add3A_1153 = arith.constant 26 : i32
      %add3A_1154 = arith.addi %mul3A_1152, %add3A_1153 : i32
      %dma_start3A_1155 = arith.constant 520 : i32
      %dma_start3A_1156 = arith.constant 0 : i32
      %dma_start3A_1157 = tpu.memref_slice %arg7[%dma_start3A_1155, %dma_start3A_1156] : memref<640x64xf32, #tpu.memory_space<vmem>> -> memref<20x64xf32, #tpu.memory_space<vmem>>
      %dma_start3A_1158 = arith.constant 0 : i32
      %dma_start3A_1159 = tpu.memref_slice %arg5[%add3A_1154, %dma_start3A_1158] : memref<512x20xi32, #tpu.memory_space<vmem>> -> memref<1x20xi32, #tpu.memory_space<vmem>>
      %dma_start3A_1160 = tpu.memref_squeeze %dma_start3A_1159 : memref<1x20xi32, #tpu.memory_space<vmem>> -> memref<20xi32, #tpu.memory_space<vmem>>
      %dma_start3A_1161 = arith.constant 0 : i32
      %dma_start3A_1162 = arith.constant 0 : i32
      %dma_start3A_1163 = tpu.memref_slice %arg3[%dma_start3A_1161, %dma_start3A_1162] : memref<100001x64xf32, #tpu.memory_space<hbm>> -> memref<100001x64xf32, #tpu.memory_space<hbm>>
      tpu.enqueue_indirect_dma source(%dma_start3A_1163 : memref<100001x64xf32, #tpu.memory_space<hbm>>) target(%dma_start3A_1157 : memref<20x64xf32, #tpu.memory_space<vmem>>) offsets(%dma_start3A_1160 : memref<20xi32, #tpu.memory_space<vmem>>) semaphore(%arg9 : memref<!tpu.dma_semaphore, #tpu.memory_space<semaphore_mem>>)
      %mul3A_1164 = arith.constant 32 : i32
      %mul3A_1165 = arith.muli %add3A_812, %mul3A_1164 : i32
      %add3A_1166 = arith.constant 27 : i32
      %add3A_1167 = arith.addi %mul3A_1165, %add3A_1166 : i32
      %dma_start3A_1168 = arith.constant 540 : i32
      %dma_start3A_1169 = arith.constant 0 : i32
      %dma_start3A_1170 = tpu.memref_slice %arg7[%dma_start3A_1168, %dma_start3A_1169] : memref<640x64xf32, #tpu.memory_space<vmem>> -> memref<20x64xf32, #tpu.memory_space<vmem>>
      %dma_start3A_1171 = arith.constant 0 : i32
      %dma_start3A_1172 = tpu.memref_slice %arg5[%add3A_1167, %dma_start3A_1171] : memref<512x20xi32, #tpu.memory_space<vmem>> -> memref<1x20xi32, #tpu.memory_space<vmem>>
      %dma_start3A_1173 = tpu.memref_squeeze %dma_start3A_1172 : memref<1x20xi32, #tpu.memory_space<vmem>> -> memref<20xi32, #tpu.memory_space<vmem>>
      %dma_start3A_1174 = arith.constant 0 : i32
      %dma_start3A_1175 = arith.constant 0 : i32
      %dma_start3A_1176 = tpu.memref_slice %arg3[%dma_start3A_1174, %dma_start3A_1175] : memref<100001x64xf32, #tpu.memory_space<hbm>> -> memref<100001x64xf32, #tpu.memory_space<hbm>>
      tpu.enqueue_indirect_dma source(%dma_start3A_1176 : memref<100001x64xf32, #tpu.memory_space<hbm>>) target(%dma_start3A_1170 : memref<20x64xf32, #tpu.memory_space<vmem>>) offsets(%dma_start3A_1173 : memref<20xi32, #tpu.memory_space<vmem>>) semaphore(%arg9 : memref<!tpu.dma_semaphore, #tpu.memory_space<semaphore_mem>>)
      %mul3A_1177 = arith.constant 32 : i32
      %mul3A_1178 = arith.muli %add3A_812, %mul3A_1177 : i32
      %add3A_1179 = arith.constant 28 : i32
      %add3A_1180 = arith.addi %mul3A_1178, %add3A_1179 : i32
      %dma_start3A_1181 = arith.constant 560 : i32
      %dma_start3A_1182 = arith.constant 0 : i32
      %dma_start3A_1183 = tpu.memref_slice %arg7[%dma_start3A_1181, %dma_start3A_1182] : memref<640x64xf32, #tpu.memory_space<vmem>> -> memref<20x64xf32, #tpu.memory_space<vmem>>
      %dma_start3A_1184 = arith.constant 0 : i32
      %dma_start3A_1185 = tpu.memref_slice %arg5[%add3A_1180, %dma_start3A_1184] : memref<512x20xi32, #tpu.memory_space<vmem>> -> memref<1x20xi32, #tpu.memory_space<vmem>>
      %dma_start3A_1186 = tpu.memref_squeeze %dma_start3A_1185 : memref<1x20xi32, #tpu.memory_space<vmem>> -> memref<20xi32, #tpu.memory_space<vmem>>
      %dma_start3A_1187 = arith.constant 0 : i32
      %dma_start3A_1188 = arith.constant 0 : i32
      %dma_start3A_1189 = tpu.memref_slice %arg3[%dma_start3A_1187, %dma_start3A_1188] : memref<100001x64xf32, #tpu.memory_space<hbm>> -> memref<100001x64xf32, #tpu.memory_space<hbm>>
      tpu.enqueue_indirect_dma source(%dma_start3A_1189 : memref<100001x64xf32, #tpu.memory_space<hbm>>) target(%dma_start3A_1183 : memref<20x64xf32, #tpu.memory_space<vmem>>) offsets(%dma_start3A_1186 : memref<20xi32, #tpu.memory_space<vmem>>) semaphore(%arg9 : memref<!tpu.dma_semaphore, #tpu.memory_space<semaphore_mem>>)
      %mul3A_1190 = arith.constant 32 : i32
      %mul3A_1191 = arith.muli %add3A_812, %mul3A_1190 : i32
      %add3A_1192 = arith.constant 29 : i32
      %add3A_1193 = arith.addi %mul3A_1191, %add3A_1192 : i32
      %dma_start3A_1194 = arith.constant 580 : i32
      %dma_start3A_1195 = arith.constant 0 : i32
      %dma_start3A_1196 = tpu.memref_slice %arg7[%dma_start3A_1194, %dma_start3A_1195] : memref<640x64xf32, #tpu.memory_space<vmem>> -> memref<20x64xf32, #tpu.memory_space<vmem>>
      %dma_start3A_1197 = arith.constant 0 : i32
      %dma_start3A_1198 = tpu.memref_slice %arg5[%add3A_1193, %dma_start3A_1197] : memref<512x20xi32, #tpu.memory_space<vmem>> -> memref<1x20xi32, #tpu.memory_space<vmem>>
      %dma_start3A_1199 = tpu.memref_squeeze %dma_start3A_1198 : memref<1x20xi32, #tpu.memory_space<vmem>> -> memref<20xi32, #tpu.memory_space<vmem>>
      %dma_start3A_1200 = arith.constant 0 : i32
      %dma_start3A_1201 = arith.constant 0 : i32
      %dma_start3A_1202 = tpu.memref_slice %arg3[%dma_start3A_1200, %dma_start3A_1201] : memref<100001x64xf32, #tpu.memory_space<hbm>> -> memref<100001x64xf32, #tpu.memory_space<hbm>>
      tpu.enqueue_indirect_dma source(%dma_start3A_1202 : memref<100001x64xf32, #tpu.memory_space<hbm>>) target(%dma_start3A_1196 : memref<20x64xf32, #tpu.memory_space<vmem>>) offsets(%dma_start3A_1199 : memref<20xi32, #tpu.memory_space<vmem>>) semaphore(%arg9 : memref<!tpu.dma_semaphore, #tpu.memory_space<semaphore_mem>>)
      %mul3A_1203 = arith.constant 32 : i32
      %mul3A_1204 = arith.muli %add3A_812, %mul3A_1203 : i32
      %add3A_1205 = arith.constant 30 : i32
      %add3A_1206 = arith.addi %mul3A_1204, %add3A_1205 : i32
      %dma_start3A_1207 = arith.constant 600 : i32
      %dma_start3A_1208 = arith.constant 0 : i32
      %dma_start3A_1209 = tpu.memref_slice %arg7[%dma_start3A_1207, %dma_start3A_1208] : memref<640x64xf32, #tpu.memory_space<vmem>> -> memref<20x64xf32, #tpu.memory_space<vmem>>
      %dma_start3A_1210 = arith.constant 0 : i32
      %dma_start3A_1211 = tpu.memref_slice %arg5[%add3A_1206, %dma_start3A_1210] : memref<512x20xi32, #tpu.memory_space<vmem>> -> memref<1x20xi32, #tpu.memory_space<vmem>>
      %dma_start3A_1212 = tpu.memref_squeeze %dma_start3A_1211 : memref<1x20xi32, #tpu.memory_space<vmem>> -> memref<20xi32, #tpu.memory_space<vmem>>
      %dma_start3A_1213 = arith.constant 0 : i32
      %dma_start3A_1214 = arith.constant 0 : i32
      %dma_start3A_1215 = tpu.memref_slice %arg3[%dma_start3A_1213, %dma_start3A_1214] : memref<100001x64xf32, #tpu.memory_space<hbm>> -> memref<100001x64xf32, #tpu.memory_space<hbm>>
      tpu.enqueue_indirect_dma source(%dma_start3A_1215 : memref<100001x64xf32, #tpu.memory_space<hbm>>) target(%dma_start3A_1209 : memref<20x64xf32, #tpu.memory_space<vmem>>) offsets(%dma_start3A_1212 : memref<20xi32, #tpu.memory_space<vmem>>) semaphore(%arg9 : memref<!tpu.dma_semaphore, #tpu.memory_space<semaphore_mem>>)
      %mul3A_1216 = arith.constant 32 : i32
      %mul3A_1217 = arith.muli %add3A_812, %mul3A_1216 : i32
      %add3A_1218 = arith.constant 31 : i32
      %add3A_1219 = arith.addi %mul3A_1217, %add3A_1218 : i32
      %dma_start3A_1220 = arith.constant 620 : i32
      %dma_start3A_1221 = arith.constant 0 : i32
      %dma_start3A_1222 = tpu.memref_slice %arg7[%dma_start3A_1220, %dma_start3A_1221] : memref<640x64xf32, #tpu.memory_space<vmem>> -> memref<20x64xf32, #tpu.memory_space<vmem>>
      %dma_start3A_1223 = arith.constant 0 : i32
      %dma_start3A_1224 = tpu.memref_slice %arg5[%add3A_1219, %dma_start3A_1223] : memref<512x20xi32, #tpu.memory_space<vmem>> -> memref<1x20xi32, #tpu.memory_space<vmem>>
      %dma_start3A_1225 = tpu.memref_squeeze %dma_start3A_1224 : memref<1x20xi32, #tpu.memory_space<vmem>> -> memref<20xi32, #tpu.memory_space<vmem>>
      %dma_start3A_1226 = arith.constant 0 : i32
      %dma_start3A_1227 = arith.constant 0 : i32
      %dma_start3A_1228 = tpu.memref_slice %arg3[%dma_start3A_1226, %dma_start3A_1227] : memref<100001x64xf32, #tpu.memory_space<hbm>> -> memref<100001x64xf32, #tpu.memory_space<hbm>>
      tpu.enqueue_indirect_dma source(%dma_start3A_1228 : memref<100001x64xf32, #tpu.memory_space<hbm>>) target(%dma_start3A_1222 : memref<20x64xf32, #tpu.memory_space<vmem>>) offsets(%dma_start3A_1225 : memref<20xi32, #tpu.memory_space<vmem>>) semaphore(%arg9 : memref<!tpu.dma_semaphore, #tpu.memory_space<semaphore_mem>>)
      %dma_wait3A_1229 = arith.constant 0 : i32
      %dma_wait3A_1230 = arith.constant 0 : i32
      %dma_wait3A_1231 = tpu.memref_slice %arg3[%dma_wait3A_1229, %dma_wait3A_1230] : memref<100001x64xf32, #tpu.memory_space<hbm>> -> memref<640x64xf32, #tpu.memory_space<hbm>>
      %dma_wait3A_1232 = arith.constant 0 : i32
      %dma_wait3A_1233 = arith.constant 0 : i32
      %dma_wait3A_1234 = tpu.memref_slice %arg3[%dma_wait3A_1232, %dma_wait3A_1233] : memref<100001x64xf32, #tpu.memory_space<hbm>> -> memref<640x64xf32, #tpu.memory_space<hbm>>
      tpu.wait_dma2 semaphore(%arg8 : memref<!tpu.dma_semaphore, #tpu.memory_space<semaphore_mem>>) src(%dma_wait3A_1234 : memref<640x64xf32, #tpu.memory_space<hbm>>) dst(%arg6 : memref<640x64xf32, #tpu.memory_space<vmem>>)
      %mul3A_1235 = arith.constant 2 : i32
      %mul3A_1236 = arith.muli %mul3A_1235, %scan3A_806 : i32
      %mul3A_1237 = arith.constant 32 : i32
      %mul3A_1238 = arith.muli %mul3A_1236, %mul3A_1237 : i32
      %add3A_1239 = arith.addi %mul3A_2, %mul3A_1238 : i32
      %add3A_1240 = arith.constant 0 : i32
      %add3A_1241 = arith.addi %add3A_1239, %add3A_1240 : i32
      %dma_start3A_1242 = arith.constant 0 : i32
      %dma_start3A_1243 = arith.constant 0 : i32
      %dma_start3A_1244 = tpu.memref_slice %arg6[%dma_start3A_1242, %dma_start3A_1243] : memref<640x64xf32, #tpu.memory_space<vmem>> -> memref<20x64xf32, #tpu.memory_space<vmem>>
      %dma_start3A_1245 = arith.constant 0 : i32
      %dma_start3A_1246 = arith.constant 0 : i32
      %dma_start3A_1247 = tpu.memref_slice %arg4[%add3A_1241, %dma_start3A_1245, %dma_start3A_1246] : memref<16384x24x128xf32, #tpu.memory_space<hbm>> -> memref<1x20x64xf32, #tpu.memory_space<hbm>>
      %dma_start3A_1248 = tpu.memref_squeeze %dma_start3A_1247 : memref<1x20x64xf32, #tpu.memory_space<hbm>> -> memref<20x64xf32, #tpu.memory_space<hbm>>
      %dma_start3A_1249 = arith.constant 0 : i32
      %dma_start3A_1250 = arith.constant 0 : i32
      %dma_start3A_1251 = tpu.memref_slice %arg4[%add3A_1241, %dma_start3A_1249, %dma_start3A_1250] : memref<16384x24x128xf32, #tpu.memory_space<hbm>> -> memref<1x20x64xf32, #tpu.memory_space<hbm>>
      %dma_start3A_1252 = tpu.memref_squeeze %dma_start3A_1251 : memref<1x20x64xf32, #tpu.memory_space<hbm>> -> memref<20x64xf32, #tpu.memory_space<hbm>>
      %dma_start3A_1253 = arith.constant 0 : i32
      %dma_start3A_1254 = arith.constant 0 : i32
      %dma_start3A_1255 = tpu.memref_slice %arg6[%dma_start3A_1253, %dma_start3A_1254] : memref<640x64xf32, #tpu.memory_space<vmem>> -> memref<20x64xf32, #tpu.memory_space<vmem>>
      tpu.enqueue_dma source(%dma_start3A_1255 : memref<20x64xf32, #tpu.memory_space<vmem>>) target(%dma_start3A_1252 : memref<20x64xf32, #tpu.memory_space<hbm>>) target_semaphore(%arg10 : memref<!tpu.dma_semaphore, #tpu.memory_space<semaphore_mem>>)
      %mul3A_1256 = arith.constant 32 : i32
      %mul3A_1257 = arith.muli %mul3A_1236, %mul3A_1256 : i32
      %add3A_1258 = arith.addi %mul3A_2, %mul3A_1257 : i32
      %add3A_1259 = arith.constant 1 : i32
      %add3A_1260 = arith.addi %add3A_1258, %add3A_1259 : i32
      %dma_start3A_1261 = arith.constant 20 : i32
      %dma_start3A_1262 = arith.constant 0 : i32
      %dma_start3A_1263 = tpu.memref_slice %arg6[%dma_start3A_1261, %dma_start3A_1262] : memref<640x64xf32, #tpu.memory_space<vmem>> -> memref<20x64xf32, #tpu.memory_space<vmem>>
      %dma_start3A_1264 = arith.constant 0 : i32
      %dma_start3A_1265 = arith.constant 0 : i32
      %dma_start3A_1266 = tpu.memref_slice %arg4[%add3A_1260, %dma_start3A_1264, %dma_start3A_1265] : memref<16384x24x128xf32, #tpu.memory_space<hbm>> -> memref<1x20x64xf32, #tpu.memory_space<hbm>>
      %dma_start3A_1267 = tpu.memref_squeeze %dma_start3A_1266 : memref<1x20x64xf32, #tpu.memory_space<hbm>> -> memref<20x64xf32, #tpu.memory_space<hbm>>
      %dma_start3A_1268 = arith.constant 0 : i32
      %dma_start3A_1269 = arith.constant 0 : i32
      %dma_start3A_1270 = tpu.memref_slice %arg4[%add3A_1260, %dma_start3A_1268, %dma_start3A_1269] : memref<16384x24x128xf32, #tpu.memory_space<hbm>> -> memref<1x20x64xf32, #tpu.memory_space<hbm>>
      %dma_start3A_1271 = tpu.memref_squeeze %dma_start3A_1270 : memref<1x20x64xf32, #tpu.memory_space<hbm>> -> memref<20x64xf32, #tpu.memory_space<hbm>>
      %dma_start3A_1272 = arith.constant 20 : i32
      %dma_start3A_1273 = arith.constant 0 : i32
      %dma_start3A_1274 = tpu.memref_slice %arg6[%dma_start3A_1272, %dma_start3A_1273] : memref<640x64xf32, #tpu.memory_space<vmem>> -> memref<20x64xf32, #tpu.memory_space<vmem>>
      tpu.enqueue_dma source(%dma_start3A_1274 : memref<20x64xf32, #tpu.memory_space<vmem>>) target(%dma_start3A_1271 : memref<20x64xf32, #tpu.memory_space<hbm>>) target_semaphore(%arg10 : memref<!tpu.dma_semaphore, #tpu.memory_space<semaphore_mem>>)
      %mul3A_1275 = arith.constant 32 : i32
      %mul3A_1276 = arith.muli %mul3A_1236, %mul3A_1275 : i32
      %add3A_1277 = arith.addi %mul3A_2, %mul3A_1276 : i32
      %add3A_1278 = arith.constant 2 : i32
      %add3A_1279 = arith.addi %add3A_1277, %add3A_1278 : i32
      %dma_start3A_1280 = arith.constant 40 : i32
      %dma_start3A_1281 = arith.constant 0 : i32
      %dma_start3A_1282 = tpu.memref_slice %arg6[%dma_start3A_1280, %dma_start3A_1281] : memref<640x64xf32, #tpu.memory_space<vmem>> -> memref<20x64xf32, #tpu.memory_space<vmem>>
      %dma_start3A_1283 = arith.constant 0 : i32
      %dma_start3A_1284 = arith.constant 0 : i32
      %dma_start3A_1285 = tpu.memref_slice %arg4[%add3A_1279, %dma_start3A_1283, %dma_start3A_1284] : memref<16384x24x128xf32, #tpu.memory_space<hbm>> -> memref<1x20x64xf32, #tpu.memory_space<hbm>>
      %dma_start3A_1286 = tpu.memref_squeeze %dma_start3A_1285 : memref<1x20x64xf32, #tpu.memory_space<hbm>> -> memref<20x64xf32, #tpu.memory_space<hbm>>
      %dma_start3A_1287 = arith.constant 0 : i32
      %dma_start3A_1288 = arith.constant 0 : i32
      %dma_start3A_1289 = tpu.memref_slice %arg4[%add3A_1279, %dma_start3A_1287, %dma_start3A_1288] : memref<16384x24x128xf32, #tpu.memory_space<hbm>> -> memref<1x20x64xf32, #tpu.memory_space<hbm>>
      %dma_start3A_1290 = tpu.memref_squeeze %dma_start3A_1289 : memref<1x20x64xf32, #tpu.memory_space<hbm>> -> memref<20x64xf32, #tpu.memory_space<hbm>>
      %dma_start3A_1291 = arith.constant 40 : i32
      %dma_start3A_1292 = arith.constant 0 : i32
      %dma_start3A_1293 = tpu.memref_slice %arg6[%dma_start3A_1291, %dma_start3A_1292] : memref<640x64xf32, #tpu.memory_space<vmem>> -> memref<20x64xf32, #tpu.memory_space<vmem>>
      tpu.enqueue_dma source(%dma_start3A_1293 : memref<20x64xf32, #tpu.memory_space<vmem>>) target(%dma_start3A_1290 : memref<20x64xf32, #tpu.memory_space<hbm>>) target_semaphore(%arg10 : memref<!tpu.dma_semaphore, #tpu.memory_space<semaphore_mem>>)
      %mul3A_1294 = arith.constant 32 : i32
      %mul3A_1295 = arith.muli %mul3A_1236, %mul3A_1294 : i32
      %add3A_1296 = arith.addi %mul3A_2, %mul3A_1295 : i32
      %add3A_1297 = arith.constant 3 : i32
      %add3A_1298 = arith.addi %add3A_1296, %add3A_1297 : i32
      %dma_start3A_1299 = arith.constant 60 : i32
      %dma_start3A_1300 = arith.constant 0 : i32
      %dma_start3A_1301 = tpu.memref_slice %arg6[%dma_start3A_1299, %dma_start3A_1300] : memref<640x64xf32, #tpu.memory_space<vmem>> -> memref<20x64xf32, #tpu.memory_space<vmem>>
      %dma_start3A_1302 = arith.constant 0 : i32
      %dma_start3A_1303 = arith.constant 0 : i32
      %dma_start3A_1304 = tpu.memref_slice %arg4[%add3A_1298, %dma_start3A_1302, %dma_start3A_1303] : memref<16384x24x128xf32, #tpu.memory_space<hbm>> -> memref<1x20x64xf32, #tpu.memory_space<hbm>>
      %dma_start3A_1305 = tpu.memref_squeeze %dma_start3A_1304 : memref<1x20x64xf32, #tpu.memory_space<hbm>> -> memref<20x64xf32, #tpu.memory_space<hbm>>
      %dma_start3A_1306 = arith.constant 0 : i32
      %dma_start3A_1307 = arith.constant 0 : i32
      %dma_start3A_1308 = tpu.memref_slice %arg4[%add3A_1298, %dma_start3A_1306, %dma_start3A_1307] : memref<16384x24x128xf32, #tpu.memory_space<hbm>> -> memref<1x20x64xf32, #tpu.memory_space<hbm>>
      %dma_start3A_1309 = tpu.memref_squeeze %dma_start3A_1308 : memref<1x20x64xf32, #tpu.memory_space<hbm>> -> memref<20x64xf32, #tpu.memory_space<hbm>>
      %dma_start3A_1310 = arith.constant 60 : i32
      %dma_start3A_1311 = arith.constant 0 : i32
      %dma_start3A_1312 = tpu.memref_slice %arg6[%dma_start3A_1310, %dma_start3A_1311] : memref<640x64xf32, #tpu.memory_space<vmem>> -> memref<20x64xf32, #tpu.memory_space<vmem>>
      tpu.enqueue_dma source(%dma_start3A_1312 : memref<20x64xf32, #tpu.memory_space<vmem>>) target(%dma_start3A_1309 : memref<20x64xf32, #tpu.memory_space<hbm>>) target_semaphore(%arg10 : memref<!tpu.dma_semaphore, #tpu.memory_space<semaphore_mem>>)
      %mul3A_1313 = arith.constant 32 : i32
      %mul3A_1314 = arith.muli %mul3A_1236, %mul3A_1313 : i32
      %add3A_1315 = arith.addi %mul3A_2, %mul3A_1314 : i32
      %add3A_1316 = arith.constant 4 : i32
      %add3A_1317 = arith.addi %add3A_1315, %add3A_1316 : i32
      %dma_start3A_1318 = arith.constant 80 : i32
      %dma_start3A_1319 = arith.constant 0 : i32
      %dma_start3A_1320 = tpu.memref_slice %arg6[%dma_start3A_1318, %dma_start3A_1319] : memref<640x64xf32, #tpu.memory_space<vmem>> -> memref<20x64xf32, #tpu.memory_space<vmem>>
      %dma_start3A_1321 = arith.constant 0 : i32
      %dma_start3A_1322 = arith.constant 0 : i32
      %dma_start3A_1323 = tpu.memref_slice %arg4[%add3A_1317, %dma_start3A_1321, %dma_start3A_1322] : memref<16384x24x128xf32, #tpu.memory_space<hbm>> -> memref<1x20x64xf32, #tpu.memory_space<hbm>>
      %dma_start3A_1324 = tpu.memref_squeeze %dma_start3A_1323 : memref<1x20x64xf32, #tpu.memory_space<hbm>> -> memref<20x64xf32, #tpu.memory_space<hbm>>
      %dma_start3A_1325 = arith.constant 0 : i32
      %dma_start3A_1326 = arith.constant 0 : i32
      %dma_start3A_1327 = tpu.memref_slice %arg4[%add3A_1317, %dma_start3A_1325, %dma_start3A_1326] : memref<16384x24x128xf32, #tpu.memory_space<hbm>> -> memref<1x20x64xf32, #tpu.memory_space<hbm>>
      %dma_start3A_1328 = tpu.memref_squeeze %dma_start3A_1327 : memref<1x20x64xf32, #tpu.memory_space<hbm>> -> memref<20x64xf32, #tpu.memory_space<hbm>>
      %dma_start3A_1329 = arith.constant 80 : i32
      %dma_start3A_1330 = arith.constant 0 : i32
      %dma_start3A_1331 = tpu.memref_slice %arg6[%dma_start3A_1329, %dma_start3A_1330] : memref<640x64xf32, #tpu.memory_space<vmem>> -> memref<20x64xf32, #tpu.memory_space<vmem>>
      tpu.enqueue_dma source(%dma_start3A_1331 : memref<20x64xf32, #tpu.memory_space<vmem>>) target(%dma_start3A_1328 : memref<20x64xf32, #tpu.memory_space<hbm>>) target_semaphore(%arg10 : memref<!tpu.dma_semaphore, #tpu.memory_space<semaphore_mem>>)
      %mul3A_1332 = arith.constant 32 : i32
      %mul3A_1333 = arith.muli %mul3A_1236, %mul3A_1332 : i32
      %add3A_1334 = arith.addi %mul3A_2, %mul3A_1333 : i32
      %add3A_1335 = arith.constant 5 : i32
      %add3A_1336 = arith.addi %add3A_1334, %add3A_1335 : i32
      %dma_start3A_1337 = arith.constant 100 : i32
      %dma_start3A_1338 = arith.constant 0 : i32
      %dma_start3A_1339 = tpu.memref_slice %arg6[%dma_start3A_1337, %dma_start3A_1338] : memref<640x64xf32, #tpu.memory_space<vmem>> -> memref<20x64xf32, #tpu.memory_space<vmem>>
      %dma_start3A_1340 = arith.constant 0 : i32
      %dma_start3A_1341 = arith.constant 0 : i32
      %dma_start3A_1342 = tpu.memref_slice %arg4[%add3A_1336, %dma_start3A_1340, %dma_start3A_1341] : memref<16384x24x128xf32, #tpu.memory_space<hbm>> -> memref<1x20x64xf32, #tpu.memory_space<hbm>>
      %dma_start3A_1343 = tpu.memref_squeeze %dma_start3A_1342 : memref<1x20x64xf32, #tpu.memory_space<hbm>> -> memref<20x64xf32, #tpu.memory_space<hbm>>
      %dma_start3A_1344 = arith.constant 0 : i32
      %dma_start3A_1345 = arith.constant 0 : i32
      %dma_start3A_1346 = tpu.memref_slice %arg4[%add3A_1336, %dma_start3A_1344, %dma_start3A_1345] : memref<16384x24x128xf32, #tpu.memory_space<hbm>> -> memref<1x20x64xf32, #tpu.memory_space<hbm>>
      %dma_start3A_1347 = tpu.memref_squeeze %dma_start3A_1346 : memref<1x20x64xf32, #tpu.memory_space<hbm>> -> memref<20x64xf32, #tpu.memory_space<hbm>>
      %dma_start3A_1348 = arith.constant 100 : i32
      %dma_start3A_1349 = arith.constant 0 : i32
      %dma_start3A_1350 = tpu.memref_slice %arg6[%dma_start3A_1348, %dma_start3A_1349] : memref<640x64xf32, #tpu.memory_space<vmem>> -> memref<20x64xf32, #tpu.memory_space<vmem>>
      tpu.enqueue_dma source(%dma_start3A_1350 : memref<20x64xf32, #tpu.memory_space<vmem>>) target(%dma_start3A_1347 : memref<20x64xf32, #tpu.memory_space<hbm>>) target_semaphore(%arg10 : memref<!tpu.dma_semaphore, #tpu.memory_space<semaphore_mem>>)
      %mul3A_1351 = arith.constant 32 : i32
      %mul3A_1352 = arith.muli %mul3A_1236, %mul3A_1351 : i32
      %add3A_1353 = arith.addi %mul3A_2, %mul3A_1352 : i32
      %add3A_1354 = arith.constant 6 : i32
      %add3A_1355 = arith.addi %add3A_1353, %add3A_1354 : i32
      %dma_start3A_1356 = arith.constant 120 : i32
      %dma_start3A_1357 = arith.constant 0 : i32
      %dma_start3A_1358 = tpu.memref_slice %arg6[%dma_start3A_1356, %dma_start3A_1357] : memref<640x64xf32, #tpu.memory_space<vmem>> -> memref<20x64xf32, #tpu.memory_space<vmem>>
      %dma_start3A_1359 = arith.constant 0 : i32
      %dma_start3A_1360 = arith.constant 0 : i32
      %dma_start3A_1361 = tpu.memref_slice %arg4[%add3A_1355, %dma_start3A_1359, %dma_start3A_1360] : memref<16384x24x128xf32, #tpu.memory_space<hbm>> -> memref<1x20x64xf32, #tpu.memory_space<hbm>>
      %dma_start3A_1362 = tpu.memref_squeeze %dma_start3A_1361 : memref<1x20x64xf32, #tpu.memory_space<hbm>> -> memref<20x64xf32, #tpu.memory_space<hbm>>
      %dma_start3A_1363 = arith.constant 0 : i32
      %dma_start3A_1364 = arith.constant 0 : i32
      %dma_start3A_1365 = tpu.memref_slice %arg4[%add3A_1355, %dma_start3A_1363, %dma_start3A_1364] : memref<16384x24x128xf32, #tpu.memory_space<hbm>> -> memref<1x20x64xf32, #tpu.memory_space<hbm>>
      %dma_start3A_1366 = tpu.memref_squeeze %dma_start3A_1365 : memref<1x20x64xf32, #tpu.memory_space<hbm>> -> memref<20x64xf32, #tpu.memory_space<hbm>>
      %dma_start3A_1367 = arith.constant 120 : i32
      %dma_start3A_1368 = arith.constant 0 : i32
      %dma_start3A_1369 = tpu.memref_slice %arg6[%dma_start3A_1367, %dma_start3A_1368] : memref<640x64xf32, #tpu.memory_space<vmem>> -> memref<20x64xf32, #tpu.memory_space<vmem>>
      tpu.enqueue_dma source(%dma_start3A_1369 : memref<20x64xf32, #tpu.memory_space<vmem>>) target(%dma_start3A_1366 : memref<20x64xf32, #tpu.memory_space<hbm>>) target_semaphore(%arg10 : memref<!tpu.dma_semaphore, #tpu.memory_space<semaphore_mem>>)
      %mul3A_1370 = arith.constant 32 : i32
      %mul3A_1371 = arith.muli %mul3A_1236, %mul3A_1370 : i32
      %add3A_1372 = arith.addi %mul3A_2, %mul3A_1371 : i32
      %add3A_1373 = arith.constant 7 : i32
      %add3A_1374 = arith.addi %add3A_1372, %add3A_1373 : i32
      %dma_start3A_1375 = arith.constant 140 : i32
      %dma_start3A_1376 = arith.constant 0 : i32
      %dma_start3A_1377 = tpu.memref_slice %arg6[%dma_start3A_1375, %dma_start3A_1376] : memref<640x64xf32, #tpu.memory_space<vmem>> -> memref<20x64xf32, #tpu.memory_space<vmem>>
      %dma_start3A_1378 = arith.constant 0 : i32
      %dma_start3A_1379 = arith.constant 0 : i32
      %dma_start3A_1380 = tpu.memref_slice %arg4[%add3A_1374, %dma_start3A_1378, %dma_start3A_1379] : memref<16384x24x128xf32, #tpu.memory_space<hbm>> -> memref<1x20x64xf32, #tpu.memory_space<hbm>>
      %dma_start3A_1381 = tpu.memref_squeeze %dma_start3A_1380 : memref<1x20x64xf32, #tpu.memory_space<hbm>> -> memref<20x64xf32, #tpu.memory_space<hbm>>
      %dma_start3A_1382 = arith.constant 0 : i32
      %dma_start3A_1383 = arith.constant 0 : i32
      %dma_start3A_1384 = tpu.memref_slice %arg4[%add3A_1374, %dma_start3A_1382, %dma_start3A_1383] : memref<16384x24x128xf32, #tpu.memory_space<hbm>> -> memref<1x20x64xf32, #tpu.memory_space<hbm>>
      %dma_start3A_1385 = tpu.memref_squeeze %dma_start3A_1384 : memref<1x20x64xf32, #tpu.memory_space<hbm>> -> memref<20x64xf32, #tpu.memory_space<hbm>>
      %dma_start3A_1386 = arith.constant 140 : i32
      %dma_start3A_1387 = arith.constant 0 : i32
      %dma_start3A_1388 = tpu.memref_slice %arg6[%dma_start3A_1386, %dma_start3A_1387] : memref<640x64xf32, #tpu.memory_space<vmem>> -> memref<20x64xf32, #tpu.memory_space<vmem>>
      tpu.enqueue_dma source(%dma_start3A_1388 : memref<20x64xf32, #tpu.memory_space<vmem>>) target(%dma_start3A_1385 : memref<20x64xf32, #tpu.memory_space<hbm>>) target_semaphore(%arg10 : memref<!tpu.dma_semaphore, #tpu.memory_space<semaphore_mem>>)
      %mul3A_1389 = arith.constant 32 : i32
      %mul3A_1390 = arith.muli %mul3A_1236, %mul3A_1389 : i32
      %add3A_1391 = arith.addi %mul3A_2, %mul3A_1390 : i32
      %add3A_1392 = arith.constant 8 : i32
      %add3A_1393 = arith.addi %add3A_1391, %add3A_1392 : i32
      %dma_start3A_1394 = arith.constant 160 : i32
      %dma_start3A_1395 = arith.constant 0 : i32
      %dma_start3A_1396 = tpu.memref_slice %arg6[%dma_start3A_1394, %dma_start3A_1395] : memref<640x64xf32, #tpu.memory_space<vmem>> -> memref<20x64xf32, #tpu.memory_space<vmem>>
      %dma_start3A_1397 = arith.constant 0 : i32
      %dma_start3A_1398 = arith.constant 0 : i32
      %dma_start3A_1399 = tpu.memref_slice %arg4[%add3A_1393, %dma_start3A_1397, %dma_start3A_1398] : memref<16384x24x128xf32, #tpu.memory_space<hbm>> -> memref<1x20x64xf32, #tpu.memory_space<hbm>>
      %dma_start3A_1400 = tpu.memref_squeeze %dma_start3A_1399 : memref<1x20x64xf32, #tpu.memory_space<hbm>> -> memref<20x64xf32, #tpu.memory_space<hbm>>
      %dma_start3A_1401 = arith.constant 0 : i32
      %dma_start3A_1402 = arith.constant 0 : i32
      %dma_start3A_1403 = tpu.memref_slice %arg4[%add3A_1393, %dma_start3A_1401, %dma_start3A_1402] : memref<16384x24x128xf32, #tpu.memory_space<hbm>> -> memref<1x20x64xf32, #tpu.memory_space<hbm>>
      %dma_start3A_1404 = tpu.memref_squeeze %dma_start3A_1403 : memref<1x20x64xf32, #tpu.memory_space<hbm>> -> memref<20x64xf32, #tpu.memory_space<hbm>>
      %dma_start3A_1405 = arith.constant 160 : i32
      %dma_start3A_1406 = arith.constant 0 : i32
      %dma_start3A_1407 = tpu.memref_slice %arg6[%dma_start3A_1405, %dma_start3A_1406] : memref<640x64xf32, #tpu.memory_space<vmem>> -> memref<20x64xf32, #tpu.memory_space<vmem>>
      tpu.enqueue_dma source(%dma_start3A_1407 : memref<20x64xf32, #tpu.memory_space<vmem>>) target(%dma_start3A_1404 : memref<20x64xf32, #tpu.memory_space<hbm>>) target_semaphore(%arg10 : memref<!tpu.dma_semaphore, #tpu.memory_space<semaphore_mem>>)
      %mul3A_1408 = arith.constant 32 : i32
      %mul3A_1409 = arith.muli %mul3A_1236, %mul3A_1408 : i32
      %add3A_1410 = arith.addi %mul3A_2, %mul3A_1409 : i32
      %add3A_1411 = arith.constant 9 : i32
      %add3A_1412 = arith.addi %add3A_1410, %add3A_1411 : i32
      %dma_start3A_1413 = arith.constant 180 : i32
      %dma_start3A_1414 = arith.constant 0 : i32
      %dma_start3A_1415 = tpu.memref_slice %arg6[%dma_start3A_1413, %dma_start3A_1414] : memref<640x64xf32, #tpu.memory_space<vmem>> -> memref<20x64xf32, #tpu.memory_space<vmem>>
      %dma_start3A_1416 = arith.constant 0 : i32
      %dma_start3A_1417 = arith.constant 0 : i32
      %dma_start3A_1418 = tpu.memref_slice %arg4[%add3A_1412, %dma_start3A_1416, %dma_start3A_1417] : memref<16384x24x128xf32, #tpu.memory_space<hbm>> -> memref<1x20x64xf32, #tpu.memory_space<hbm>>
      %dma_start3A_1419 = tpu.memref_squeeze %dma_start3A_1418 : memref<1x20x64xf32, #tpu.memory_space<hbm>> -> memref<20x64xf32, #tpu.memory_space<hbm>>
      %dma_start3A_1420 = arith.constant 0 : i32
      %dma_start3A_1421 = arith.constant 0 : i32
      %dma_start3A_1422 = tpu.memref_slice %arg4[%add3A_1412, %dma_start3A_1420, %dma_start3A_1421] : memref<16384x24x128xf32, #tpu.memory_space<hbm>> -> memref<1x20x64xf32, #tpu.memory_space<hbm>>
      %dma_start3A_1423 = tpu.memref_squeeze %dma_start3A_1422 : memref<1x20x64xf32, #tpu.memory_space<hbm>> -> memref<20x64xf32, #tpu.memory_space<hbm>>
      %dma_start3A_1424 = arith.constant 180 : i32
      %dma_start3A_1425 = arith.constant 0 : i32
      %dma_start3A_1426 = tpu.memref_slice %arg6[%dma_start3A_1424, %dma_start3A_1425] : memref<640x64xf32, #tpu.memory_space<vmem>> -> memref<20x64xf32, #tpu.memory_space<vmem>>
      tpu.enqueue_dma source(%dma_start3A_1426 : memref<20x64xf32, #tpu.memory_space<vmem>>) target(%dma_start3A_1423 : memref<20x64xf32, #tpu.memory_space<hbm>>) target_semaphore(%arg10 : memref<!tpu.dma_semaphore, #tpu.memory_space<semaphore_mem>>)
      %mul3A_1427 = arith.constant 32 : i32
      %mul3A_1428 = arith.muli %mul3A_1236, %mul3A_1427 : i32
      %add3A_1429 = arith.addi %mul3A_2, %mul3A_1428 : i32
      %add3A_1430 = arith.constant 10 : i32
      %add3A_1431 = arith.addi %add3A_1429, %add3A_1430 : i32
      %dma_start3A_1432 = arith.constant 200 : i32
      %dma_start3A_1433 = arith.constant 0 : i32
      %dma_start3A_1434 = tpu.memref_slice %arg6[%dma_start3A_1432, %dma_start3A_1433] : memref<640x64xf32, #tpu.memory_space<vmem>> -> memref<20x64xf32, #tpu.memory_space<vmem>>
      %dma_start3A_1435 = arith.constant 0 : i32
      %dma_start3A_1436 = arith.constant 0 : i32
      %dma_start3A_1437 = tpu.memref_slice %arg4[%add3A_1431, %dma_start3A_1435, %dma_start3A_1436] : memref<16384x24x128xf32, #tpu.memory_space<hbm>> -> memref<1x20x64xf32, #tpu.memory_space<hbm>>
      %dma_start3A_1438 = tpu.memref_squeeze %dma_start3A_1437 : memref<1x20x64xf32, #tpu.memory_space<hbm>> -> memref<20x64xf32, #tpu.memory_space<hbm>>
      %dma_start3A_1439 = arith.constant 0 : i32
      %dma_start3A_1440 = arith.constant 0 : i32
      %dma_start3A_1441 = tpu.memref_slice %arg4[%add3A_1431, %dma_start3A_1439, %dma_start3A_1440] : memref<16384x24x128xf32, #tpu.memory_space<hbm>> -> memref<1x20x64xf32, #tpu.memory_space<hbm>>
      %dma_start3A_1442 = tpu.memref_squeeze %dma_start3A_1441 : memref<1x20x64xf32, #tpu.memory_space<hbm>> -> memref<20x64xf32, #tpu.memory_space<hbm>>
      %dma_start3A_1443 = arith.constant 200 : i32
      %dma_start3A_1444 = arith.constant 0 : i32
      %dma_start3A_1445 = tpu.memref_slice %arg6[%dma_start3A_1443, %dma_start3A_1444] : memref<640x64xf32, #tpu.memory_space<vmem>> -> memref<20x64xf32, #tpu.memory_space<vmem>>
      tpu.enqueue_dma source(%dma_start3A_1445 : memref<20x64xf32, #tpu.memory_space<vmem>>) target(%dma_start3A_1442 : memref<20x64xf32, #tpu.memory_space<hbm>>) target_semaphore(%arg10 : memref<!tpu.dma_semaphore, #tpu.memory_space<semaphore_mem>>)
      %mul3A_1446 = arith.constant 32 : i32
      %mul3A_1447 = arith.muli %mul3A_1236, %mul3A_1446 : i32
      %add3A_1448 = arith.addi %mul3A_2, %mul3A_1447 : i32
      %add3A_1449 = arith.constant 11 : i32
      %add3A_1450 = arith.addi %add3A_1448, %add3A_1449 : i32
      %dma_start3A_1451 = arith.constant 220 : i32
      %dma_start3A_1452 = arith.constant 0 : i32
      %dma_start3A_1453 = tpu.memref_slice %arg6[%dma_start3A_1451, %dma_start3A_1452] : memref<640x64xf32, #tpu.memory_space<vmem>> -> memref<20x64xf32, #tpu.memory_space<vmem>>
      %dma_start3A_1454 = arith.constant 0 : i32
      %dma_start3A_1455 = arith.constant 0 : i32
      %dma_start3A_1456 = tpu.memref_slice %arg4[%add3A_1450, %dma_start3A_1454, %dma_start3A_1455] : memref<16384x24x128xf32, #tpu.memory_space<hbm>> -> memref<1x20x64xf32, #tpu.memory_space<hbm>>
      %dma_start3A_1457 = tpu.memref_squeeze %dma_start3A_1456 : memref<1x20x64xf32, #tpu.memory_space<hbm>> -> memref<20x64xf32, #tpu.memory_space<hbm>>
      %dma_start3A_1458 = arith.constant 0 : i32
      %dma_start3A_1459 = arith.constant 0 : i32
      %dma_start3A_1460 = tpu.memref_slice %arg4[%add3A_1450, %dma_start3A_1458, %dma_start3A_1459] : memref<16384x24x128xf32, #tpu.memory_space<hbm>> -> memref<1x20x64xf32, #tpu.memory_space<hbm>>
      %dma_start3A_1461 = tpu.memref_squeeze %dma_start3A_1460 : memref<1x20x64xf32, #tpu.memory_space<hbm>> -> memref<20x64xf32, #tpu.memory_space<hbm>>
      %dma_start3A_1462 = arith.constant 220 : i32
      %dma_start3A_1463 = arith.constant 0 : i32
      %dma_start3A_1464 = tpu.memref_slice %arg6[%dma_start3A_1462, %dma_start3A_1463] : memref<640x64xf32, #tpu.memory_space<vmem>> -> memref<20x64xf32, #tpu.memory_space<vmem>>
      tpu.enqueue_dma source(%dma_start3A_1464 : memref<20x64xf32, #tpu.memory_space<vmem>>) target(%dma_start3A_1461 : memref<20x64xf32, #tpu.memory_space<hbm>>) target_semaphore(%arg10 : memref<!tpu.dma_semaphore, #tpu.memory_space<semaphore_mem>>)
      %mul3A_1465 = arith.constant 32 : i32
      %mul3A_1466 = arith.muli %mul3A_1236, %mul3A_1465 : i32
      %add3A_1467 = arith.addi %mul3A_2, %mul3A_1466 : i32
      %add3A_1468 = arith.constant 12 : i32
      %add3A_1469 = arith.addi %add3A_1467, %add3A_1468 : i32
      %dma_start3A_1470 = arith.constant 240 : i32
      %dma_start3A_1471 = arith.constant 0 : i32
      %dma_start3A_1472 = tpu.memref_slice %arg6[%dma_start3A_1470, %dma_start3A_1471] : memref<640x64xf32, #tpu.memory_space<vmem>> -> memref<20x64xf32, #tpu.memory_space<vmem>>
      %dma_start3A_1473 = arith.constant 0 : i32
      %dma_start3A_1474 = arith.constant 0 : i32
      %dma_start3A_1475 = tpu.memref_slice %arg4[%add3A_1469, %dma_start3A_1473, %dma_start3A_1474] : memref<16384x24x128xf32, #tpu.memory_space<hbm>> -> memref<1x20x64xf32, #tpu.memory_space<hbm>>
      %dma_start3A_1476 = tpu.memref_squeeze %dma_start3A_1475 : memref<1x20x64xf32, #tpu.memory_space<hbm>> -> memref<20x64xf32, #tpu.memory_space<hbm>>
      %dma_start3A_1477 = arith.constant 0 : i32
      %dma_start3A_1478 = arith.constant 0 : i32
      %dma_start3A_1479 = tpu.memref_slice %arg4[%add3A_1469, %dma_start3A_1477, %dma_start3A_1478] : memref<16384x24x128xf32, #tpu.memory_space<hbm>> -> memref<1x20x64xf32, #tpu.memory_space<hbm>>
      %dma_start3A_1480 = tpu.memref_squeeze %dma_start3A_1479 : memref<1x20x64xf32, #tpu.memory_space<hbm>> -> memref<20x64xf32, #tpu.memory_space<hbm>>
      %dma_start3A_1481 = arith.constant 240 : i32
      %dma_start3A_1482 = arith.constant 0 : i32
      %dma_start3A_1483 = tpu.memref_slice %arg6[%dma_start3A_1481, %dma_start3A_1482] : memref<640x64xf32, #tpu.memory_space<vmem>> -> memref<20x64xf32, #tpu.memory_space<vmem>>
      tpu.enqueue_dma source(%dma_start3A_1483 : memref<20x64xf32, #tpu.memory_space<vmem>>) target(%dma_start3A_1480 : memref<20x64xf32, #tpu.memory_space<hbm>>) target_semaphore(%arg10 : memref<!tpu.dma_semaphore, #tpu.memory_space<semaphore_mem>>)
      %mul3A_1484 = arith.constant 32 : i32
      %mul3A_1485 = arith.muli %mul3A_1236, %mul3A_1484 : i32
      %add3A_1486 = arith.addi %mul3A_2, %mul3A_1485 : i32
      %add3A_1487 = arith.constant 13 : i32
      %add3A_1488 = arith.addi %add3A_1486, %add3A_1487 : i32
      %dma_start3A_1489 = arith.constant 260 : i32
      %dma_start3A_1490 = arith.constant 0 : i32
      %dma_start3A_1491 = tpu.memref_slice %arg6[%dma_start3A_1489, %dma_start3A_1490] : memref<640x64xf32, #tpu.memory_space<vmem>> -> memref<20x64xf32, #tpu.memory_space<vmem>>
      %dma_start3A_1492 = arith.constant 0 : i32
      %dma_start3A_1493 = arith.constant 0 : i32
      %dma_start3A_1494 = tpu.memref_slice %arg4[%add3A_1488, %dma_start3A_1492, %dma_start3A_1493] : memref<16384x24x128xf32, #tpu.memory_space<hbm>> -> memref<1x20x64xf32, #tpu.memory_space<hbm>>
      %dma_start3A_1495 = tpu.memref_squeeze %dma_start3A_1494 : memref<1x20x64xf32, #tpu.memory_space<hbm>> -> memref<20x64xf32, #tpu.memory_space<hbm>>
      %dma_start3A_1496 = arith.constant 0 : i32
      %dma_start3A_1497 = arith.constant 0 : i32
      %dma_start3A_1498 = tpu.memref_slice %arg4[%add3A_1488, %dma_start3A_1496, %dma_start3A_1497] : memref<16384x24x128xf32, #tpu.memory_space<hbm>> -> memref<1x20x64xf32, #tpu.memory_space<hbm>>
      %dma_start3A_1499 = tpu.memref_squeeze %dma_start3A_1498 : memref<1x20x64xf32, #tpu.memory_space<hbm>> -> memref<20x64xf32, #tpu.memory_space<hbm>>
      %dma_start3A_1500 = arith.constant 260 : i32
      %dma_start3A_1501 = arith.constant 0 : i32
      %dma_start3A_1502 = tpu.memref_slice %arg6[%dma_start3A_1500, %dma_start3A_1501] : memref<640x64xf32, #tpu.memory_space<vmem>> -> memref<20x64xf32, #tpu.memory_space<vmem>>
      tpu.enqueue_dma source(%dma_start3A_1502 : memref<20x64xf32, #tpu.memory_space<vmem>>) target(%dma_start3A_1499 : memref<20x64xf32, #tpu.memory_space<hbm>>) target_semaphore(%arg10 : memref<!tpu.dma_semaphore, #tpu.memory_space<semaphore_mem>>)
      %mul3A_1503 = arith.constant 32 : i32
      %mul3A_1504 = arith.muli %mul3A_1236, %mul3A_1503 : i32
      %add3A_1505 = arith.addi %mul3A_2, %mul3A_1504 : i32
      %add3A_1506 = arith.constant 14 : i32
      %add3A_1507 = arith.addi %add3A_1505, %add3A_1506 : i32
      %dma_start3A_1508 = arith.constant 280 : i32
      %dma_start3A_1509 = arith.constant 0 : i32
      %dma_start3A_1510 = tpu.memref_slice %arg6[%dma_start3A_1508, %dma_start3A_1509] : memref<640x64xf32, #tpu.memory_space<vmem>> -> memref<20x64xf32, #tpu.memory_space<vmem>>
      %dma_start3A_1511 = arith.constant 0 : i32
      %dma_start3A_1512 = arith.constant 0 : i32
      %dma_start3A_1513 = tpu.memref_slice %arg4[%add3A_1507, %dma_start3A_1511, %dma_start3A_1512] : memref<16384x24x128xf32, #tpu.memory_space<hbm>> -> memref<1x20x64xf32, #tpu.memory_space<hbm>>
      %dma_start3A_1514 = tpu.memref_squeeze %dma_start3A_1513 : memref<1x20x64xf32, #tpu.memory_space<hbm>> -> memref<20x64xf32, #tpu.memory_space<hbm>>
      %dma_start3A_1515 = arith.constant 0 : i32
      %dma_start3A_1516 = arith.constant 0 : i32
      %dma_start3A_1517 = tpu.memref_slice %arg4[%add3A_1507, %dma_start3A_1515, %dma_start3A_1516] : memref<16384x24x128xf32, #tpu.memory_space<hbm>> -> memref<1x20x64xf32, #tpu.memory_space<hbm>>
      %dma_start3A_1518 = tpu.memref_squeeze %dma_start3A_1517 : memref<1x20x64xf32, #tpu.memory_space<hbm>> -> memref<20x64xf32, #tpu.memory_space<hbm>>
      %dma_start3A_1519 = arith.constant 280 : i32
      %dma_start3A_1520 = arith.constant 0 : i32
      %dma_start3A_1521 = tpu.memref_slice %arg6[%dma_start3A_1519, %dma_start3A_1520] : memref<640x64xf32, #tpu.memory_space<vmem>> -> memref<20x64xf32, #tpu.memory_space<vmem>>
      tpu.enqueue_dma source(%dma_start3A_1521 : memref<20x64xf32, #tpu.memory_space<vmem>>) target(%dma_start3A_1518 : memref<20x64xf32, #tpu.memory_space<hbm>>) target_semaphore(%arg10 : memref<!tpu.dma_semaphore, #tpu.memory_space<semaphore_mem>>)
      %mul3A_1522 = arith.constant 32 : i32
      %mul3A_1523 = arith.muli %mul3A_1236, %mul3A_1522 : i32
      %add3A_1524 = arith.addi %mul3A_2, %mul3A_1523 : i32
      %add3A_1525 = arith.constant 15 : i32
      %add3A_1526 = arith.addi %add3A_1524, %add3A_1525 : i32
      %dma_start3A_1527 = arith.constant 300 : i32
      %dma_start3A_1528 = arith.constant 0 : i32
      %dma_start3A_1529 = tpu.memref_slice %arg6[%dma_start3A_1527, %dma_start3A_1528] : memref<640x64xf32, #tpu.memory_space<vmem>> -> memref<20x64xf32, #tpu.memory_space<vmem>>
      %dma_start3A_1530 = arith.constant 0 : i32
      %dma_start3A_1531 = arith.constant 0 : i32
      %dma_start3A_1532 = tpu.memref_slice %arg4[%add3A_1526, %dma_start3A_1530, %dma_start3A_1531] : memref<16384x24x128xf32, #tpu.memory_space<hbm>> -> memref<1x20x64xf32, #tpu.memory_space<hbm>>
      %dma_start3A_1533 = tpu.memref_squeeze %dma_start3A_1532 : memref<1x20x64xf32, #tpu.memory_space<hbm>> -> memref<20x64xf32, #tpu.memory_space<hbm>>
      %dma_start3A_1534 = arith.constant 0 : i32
      %dma_start3A_1535 = arith.constant 0 : i32
      %dma_start3A_1536 = tpu.memref_slice %arg4[%add3A_1526, %dma_start3A_1534, %dma_start3A_1535] : memref<16384x24x128xf32, #tpu.memory_space<hbm>> -> memref<1x20x64xf32, #tpu.memory_space<hbm>>
      %dma_start3A_1537 = tpu.memref_squeeze %dma_start3A_1536 : memref<1x20x64xf32, #tpu.memory_space<hbm>> -> memref<20x64xf32, #tpu.memory_space<hbm>>
      %dma_start3A_1538 = arith.constant 300 : i32
      %dma_start3A_1539 = arith.constant 0 : i32
      %dma_start3A_1540 = tpu.memref_slice %arg6[%dma_start3A_1538, %dma_start3A_1539] : memref<640x64xf32, #tpu.memory_space<vmem>> -> memref<20x64xf32, #tpu.memory_space<vmem>>
      tpu.enqueue_dma source(%dma_start3A_1540 : memref<20x64xf32, #tpu.memory_space<vmem>>) target(%dma_start3A_1537 : memref<20x64xf32, #tpu.memory_space<hbm>>) target_semaphore(%arg10 : memref<!tpu.dma_semaphore, #tpu.memory_space<semaphore_mem>>)
      %mul3A_1541 = arith.constant 32 : i32
      %mul3A_1542 = arith.muli %mul3A_1236, %mul3A_1541 : i32
      %add3A_1543 = arith.addi %mul3A_2, %mul3A_1542 : i32
      %add3A_1544 = arith.constant 16 : i32
      %add3A_1545 = arith.addi %add3A_1543, %add3A_1544 : i32
      %dma_start3A_1546 = arith.constant 320 : i32
      %dma_start3A_1547 = arith.constant 0 : i32
      %dma_start3A_1548 = tpu.memref_slice %arg6[%dma_start3A_1546, %dma_start3A_1547] : memref<640x64xf32, #tpu.memory_space<vmem>> -> memref<20x64xf32, #tpu.memory_space<vmem>>
      %dma_start3A_1549 = arith.constant 0 : i32
      %dma_start3A_1550 = arith.constant 0 : i32
      %dma_start3A_1551 = tpu.memref_slice %arg4[%add3A_1545, %dma_start3A_1549, %dma_start3A_1550] : memref<16384x24x128xf32, #tpu.memory_space<hbm>> -> memref<1x20x64xf32, #tpu.memory_space<hbm>>
      %dma_start3A_1552 = tpu.memref_squeeze %dma_start3A_1551 : memref<1x20x64xf32, #tpu.memory_space<hbm>> -> memref<20x64xf32, #tpu.memory_space<hbm>>
      %dma_start3A_1553 = arith.constant 0 : i32
      %dma_start3A_1554 = arith.constant 0 : i32
      %dma_start3A_1555 = tpu.memref_slice %arg4[%add3A_1545, %dma_start3A_1553, %dma_start3A_1554] : memref<16384x24x128xf32, #tpu.memory_space<hbm>> -> memref<1x20x64xf32, #tpu.memory_space<hbm>>
      %dma_start3A_1556 = tpu.memref_squeeze %dma_start3A_1555 : memref<1x20x64xf32, #tpu.memory_space<hbm>> -> memref<20x64xf32, #tpu.memory_space<hbm>>
      %dma_start3A_1557 = arith.constant 320 : i32
      %dma_start3A_1558 = arith.constant 0 : i32
      %dma_start3A_1559 = tpu.memref_slice %arg6[%dma_start3A_1557, %dma_start3A_1558] : memref<640x64xf32, #tpu.memory_space<vmem>> -> memref<20x64xf32, #tpu.memory_space<vmem>>
      tpu.enqueue_dma source(%dma_start3A_1559 : memref<20x64xf32, #tpu.memory_space<vmem>>) target(%dma_start3A_1556 : memref<20x64xf32, #tpu.memory_space<hbm>>) target_semaphore(%arg10 : memref<!tpu.dma_semaphore, #tpu.memory_space<semaphore_mem>>)
      %mul3A_1560 = arith.constant 32 : i32
      %mul3A_1561 = arith.muli %mul3A_1236, %mul3A_1560 : i32
      %add3A_1562 = arith.addi %mul3A_2, %mul3A_1561 : i32
      %add3A_1563 = arith.constant 17 : i32
      %add3A_1564 = arith.addi %add3A_1562, %add3A_1563 : i32
      %dma_start3A_1565 = arith.constant 340 : i32
      %dma_start3A_1566 = arith.constant 0 : i32
      %dma_start3A_1567 = tpu.memref_slice %arg6[%dma_start3A_1565, %dma_start3A_1566] : memref<640x64xf32, #tpu.memory_space<vmem>> -> memref<20x64xf32, #tpu.memory_space<vmem>>
      %dma_start3A_1568 = arith.constant 0 : i32
      %dma_start3A_1569 = arith.constant 0 : i32
      %dma_start3A_1570 = tpu.memref_slice %arg4[%add3A_1564, %dma_start3A_1568, %dma_start3A_1569] : memref<16384x24x128xf32, #tpu.memory_space<hbm>> -> memref<1x20x64xf32, #tpu.memory_space<hbm>>
      %dma_start3A_1571 = tpu.memref_squeeze %dma_start3A_1570 : memref<1x20x64xf32, #tpu.memory_space<hbm>> -> memref<20x64xf32, #tpu.memory_space<hbm>>
      %dma_start3A_1572 = arith.constant 0 : i32
      %dma_start3A_1573 = arith.constant 0 : i32
      %dma_start3A_1574 = tpu.memref_slice %arg4[%add3A_1564, %dma_start3A_1572, %dma_start3A_1573] : memref<16384x24x128xf32, #tpu.memory_space<hbm>> -> memref<1x20x64xf32, #tpu.memory_space<hbm>>
      %dma_start3A_1575 = tpu.memref_squeeze %dma_start3A_1574 : memref<1x20x64xf32, #tpu.memory_space<hbm>> -> memref<20x64xf32, #tpu.memory_space<hbm>>
      %dma_start3A_1576 = arith.constant 340 : i32
      %dma_start3A_1577 = arith.constant 0 : i32
      %dma_start3A_1578 = tpu.memref_slice %arg6[%dma_start3A_1576, %dma_start3A_1577] : memref<640x64xf32, #tpu.memory_space<vmem>> -> memref<20x64xf32, #tpu.memory_space<vmem>>
      tpu.enqueue_dma source(%dma_start3A_1578 : memref<20x64xf32, #tpu.memory_space<vmem>>) target(%dma_start3A_1575 : memref<20x64xf32, #tpu.memory_space<hbm>>) target_semaphore(%arg10 : memref<!tpu.dma_semaphore, #tpu.memory_space<semaphore_mem>>)
      %mul3A_1579 = arith.constant 32 : i32
      %mul3A_1580 = arith.muli %mul3A_1236, %mul3A_1579 : i32
      %add3A_1581 = arith.addi %mul3A_2, %mul3A_1580 : i32
      %add3A_1582 = arith.constant 18 : i32
      %add3A_1583 = arith.addi %add3A_1581, %add3A_1582 : i32
      %dma_start3A_1584 = arith.constant 360 : i32
      %dma_start3A_1585 = arith.constant 0 : i32
      %dma_start3A_1586 = tpu.memref_slice %arg6[%dma_start3A_1584, %dma_start3A_1585] : memref<640x64xf32, #tpu.memory_space<vmem>> -> memref<20x64xf32, #tpu.memory_space<vmem>>
      %dma_start3A_1587 = arith.constant 0 : i32
      %dma_start3A_1588 = arith.constant 0 : i32
      %dma_start3A_1589 = tpu.memref_slice %arg4[%add3A_1583, %dma_start3A_1587, %dma_start3A_1588] : memref<16384x24x128xf32, #tpu.memory_space<hbm>> -> memref<1x20x64xf32, #tpu.memory_space<hbm>>
      %dma_start3A_1590 = tpu.memref_squeeze %dma_start3A_1589 : memref<1x20x64xf32, #tpu.memory_space<hbm>> -> memref<20x64xf32, #tpu.memory_space<hbm>>
      %dma_start3A_1591 = arith.constant 0 : i32
      %dma_start3A_1592 = arith.constant 0 : i32
      %dma_start3A_1593 = tpu.memref_slice %arg4[%add3A_1583, %dma_start3A_1591, %dma_start3A_1592] : memref<16384x24x128xf32, #tpu.memory_space<hbm>> -> memref<1x20x64xf32, #tpu.memory_space<hbm>>
      %dma_start3A_1594 = tpu.memref_squeeze %dma_start3A_1593 : memref<1x20x64xf32, #tpu.memory_space<hbm>> -> memref<20x64xf32, #tpu.memory_space<hbm>>
      %dma_start3A_1595 = arith.constant 360 : i32
      %dma_start3A_1596 = arith.constant 0 : i32
      %dma_start3A_1597 = tpu.memref_slice %arg6[%dma_start3A_1595, %dma_start3A_1596] : memref<640x64xf32, #tpu.memory_space<vmem>> -> memref<20x64xf32, #tpu.memory_space<vmem>>
      tpu.enqueue_dma source(%dma_start3A_1597 : memref<20x64xf32, #tpu.memory_space<vmem>>) target(%dma_start3A_1594 : memref<20x64xf32, #tpu.memory_space<hbm>>) target_semaphore(%arg10 : memref<!tpu.dma_semaphore, #tpu.memory_space<semaphore_mem>>)
      %mul3A_1598 = arith.constant 32 : i32
      %mul3A_1599 = arith.muli %mul3A_1236, %mul3A_1598 : i32
      %add3A_1600 = arith.addi %mul3A_2, %mul3A_1599 : i32
      %add3A_1601 = arith.constant 19 : i32
      %add3A_1602 = arith.addi %add3A_1600, %add3A_1601 : i32
      %dma_start3A_1603 = arith.constant 380 : i32
      %dma_start3A_1604 = arith.constant 0 : i32
      %dma_start3A_1605 = tpu.memref_slice %arg6[%dma_start3A_1603, %dma_start3A_1604] : memref<640x64xf32, #tpu.memory_space<vmem>> -> memref<20x64xf32, #tpu.memory_space<vmem>>
      %dma_start3A_1606 = arith.constant 0 : i32
      %dma_start3A_1607 = arith.constant 0 : i32
      %dma_start3A_1608 = tpu.memref_slice %arg4[%add3A_1602, %dma_start3A_1606, %dma_start3A_1607] : memref<16384x24x128xf32, #tpu.memory_space<hbm>> -> memref<1x20x64xf32, #tpu.memory_space<hbm>>
      %dma_start3A_1609 = tpu.memref_squeeze %dma_start3A_1608 : memref<1x20x64xf32, #tpu.memory_space<hbm>> -> memref<20x64xf32, #tpu.memory_space<hbm>>
      %dma_start3A_1610 = arith.constant 0 : i32
      %dma_start3A_1611 = arith.constant 0 : i32
      %dma_start3A_1612 = tpu.memref_slice %arg4[%add3A_1602, %dma_start3A_1610, %dma_start3A_1611] : memref<16384x24x128xf32, #tpu.memory_space<hbm>> -> memref<1x20x64xf32, #tpu.memory_space<hbm>>
      %dma_start3A_1613 = tpu.memref_squeeze %dma_start3A_1612 : memref<1x20x64xf32, #tpu.memory_space<hbm>> -> memref<20x64xf32, #tpu.memory_space<hbm>>
      %dma_start3A_1614 = arith.constant 380 : i32
      %dma_start3A_1615 = arith.constant 0 : i32
      %dma_start3A_1616 = tpu.memref_slice %arg6[%dma_start3A_1614, %dma_start3A_1615] : memref<640x64xf32, #tpu.memory_space<vmem>> -> memref<20x64xf32, #tpu.memory_space<vmem>>
      tpu.enqueue_dma source(%dma_start3A_1616 : memref<20x64xf32, #tpu.memory_space<vmem>>) target(%dma_start3A_1613 : memref<20x64xf32, #tpu.memory_space<hbm>>) target_semaphore(%arg10 : memref<!tpu.dma_semaphore, #tpu.memory_space<semaphore_mem>>)
      %mul3A_1617 = arith.constant 32 : i32
      %mul3A_1618 = arith.muli %mul3A_1236, %mul3A_1617 : i32
      %add3A_1619 = arith.addi %mul3A_2, %mul3A_1618 : i32
      %add3A_1620 = arith.constant 20 : i32
      %add3A_1621 = arith.addi %add3A_1619, %add3A_1620 : i32
      %dma_start3A_1622 = arith.constant 400 : i32
      %dma_start3A_1623 = arith.constant 0 : i32
      %dma_start3A_1624 = tpu.memref_slice %arg6[%dma_start3A_1622, %dma_start3A_1623] : memref<640x64xf32, #tpu.memory_space<vmem>> -> memref<20x64xf32, #tpu.memory_space<vmem>>
      %dma_start3A_1625 = arith.constant 0 : i32
      %dma_start3A_1626 = arith.constant 0 : i32
      %dma_start3A_1627 = tpu.memref_slice %arg4[%add3A_1621, %dma_start3A_1625, %dma_start3A_1626] : memref<16384x24x128xf32, #tpu.memory_space<hbm>> -> memref<1x20x64xf32, #tpu.memory_space<hbm>>
      %dma_start3A_1628 = tpu.memref_squeeze %dma_start3A_1627 : memref<1x20x64xf32, #tpu.memory_space<hbm>> -> memref<20x64xf32, #tpu.memory_space<hbm>>
      %dma_start3A_1629 = arith.constant 0 : i32
      %dma_start3A_1630 = arith.constant 0 : i32
      %dma_start3A_1631 = tpu.memref_slice %arg4[%add3A_1621, %dma_start3A_1629, %dma_start3A_1630] : memref<16384x24x128xf32, #tpu.memory_space<hbm>> -> memref<1x20x64xf32, #tpu.memory_space<hbm>>
      %dma_start3A_1632 = tpu.memref_squeeze %dma_start3A_1631 : memref<1x20x64xf32, #tpu.memory_space<hbm>> -> memref<20x64xf32, #tpu.memory_space<hbm>>
      %dma_start3A_1633 = arith.constant 400 : i32
      %dma_start3A_1634 = arith.constant 0 : i32
      %dma_start3A_1635 = tpu.memref_slice %arg6[%dma_start3A_1633, %dma_start3A_1634] : memref<640x64xf32, #tpu.memory_space<vmem>> -> memref<20x64xf32, #tpu.memory_space<vmem>>
      tpu.enqueue_dma source(%dma_start3A_1635 : memref<20x64xf32, #tpu.memory_space<vmem>>) target(%dma_start3A_1632 : memref<20x64xf32, #tpu.memory_space<hbm>>) target_semaphore(%arg10 : memref<!tpu.dma_semaphore, #tpu.memory_space<semaphore_mem>>)
      %mul3A_1636 = arith.constant 32 : i32
      %mul3A_1637 = arith.muli %mul3A_1236, %mul3A_1636 : i32
      %add3A_1638 = arith.addi %mul3A_2, %mul3A_1637 : i32
      %add3A_1639 = arith.constant 21 : i32
      %add3A_1640 = arith.addi %add3A_1638, %add3A_1639 : i32
      %dma_start3A_1641 = arith.constant 420 : i32
      %dma_start3A_1642 = arith.constant 0 : i32
      %dma_start3A_1643 = tpu.memref_slice %arg6[%dma_start3A_1641, %dma_start3A_1642] : memref<640x64xf32, #tpu.memory_space<vmem>> -> memref<20x64xf32, #tpu.memory_space<vmem>>
      %dma_start3A_1644 = arith.constant 0 : i32
      %dma_start3A_1645 = arith.constant 0 : i32
      %dma_start3A_1646 = tpu.memref_slice %arg4[%add3A_1640, %dma_start3A_1644, %dma_start3A_1645] : memref<16384x24x128xf32, #tpu.memory_space<hbm>> -> memref<1x20x64xf32, #tpu.memory_space<hbm>>
      %dma_start3A_1647 = tpu.memref_squeeze %dma_start3A_1646 : memref<1x20x64xf32, #tpu.memory_space<hbm>> -> memref<20x64xf32, #tpu.memory_space<hbm>>
      %dma_start3A_1648 = arith.constant 0 : i32
      %dma_start3A_1649 = arith.constant 0 : i32
      %dma_start3A_1650 = tpu.memref_slice %arg4[%add3A_1640, %dma_start3A_1648, %dma_start3A_1649] : memref<16384x24x128xf32, #tpu.memory_space<hbm>> -> memref<1x20x64xf32, #tpu.memory_space<hbm>>
      %dma_start3A_1651 = tpu.memref_squeeze %dma_start3A_1650 : memref<1x20x64xf32, #tpu.memory_space<hbm>> -> memref<20x64xf32, #tpu.memory_space<hbm>>
      %dma_start3A_1652 = arith.constant 420 : i32
      %dma_start3A_1653 = arith.constant 0 : i32
      %dma_start3A_1654 = tpu.memref_slice %arg6[%dma_start3A_1652, %dma_start3A_1653] : memref<640x64xf32, #tpu.memory_space<vmem>> -> memref<20x64xf32, #tpu.memory_space<vmem>>
      tpu.enqueue_dma source(%dma_start3A_1654 : memref<20x64xf32, #tpu.memory_space<vmem>>) target(%dma_start3A_1651 : memref<20x64xf32, #tpu.memory_space<hbm>>) target_semaphore(%arg10 : memref<!tpu.dma_semaphore, #tpu.memory_space<semaphore_mem>>)
      %mul3A_1655 = arith.constant 32 : i32
      %mul3A_1656 = arith.muli %mul3A_1236, %mul3A_1655 : i32
      %add3A_1657 = arith.addi %mul3A_2, %mul3A_1656 : i32
      %add3A_1658 = arith.constant 22 : i32
      %add3A_1659 = arith.addi %add3A_1657, %add3A_1658 : i32
      %dma_start3A_1660 = arith.constant 440 : i32
      %dma_start3A_1661 = arith.constant 0 : i32
      %dma_start3A_1662 = tpu.memref_slice %arg6[%dma_start3A_1660, %dma_start3A_1661] : memref<640x64xf32, #tpu.memory_space<vmem>> -> memref<20x64xf32, #tpu.memory_space<vmem>>
      %dma_start3A_1663 = arith.constant 0 : i32
      %dma_start3A_1664 = arith.constant 0 : i32
      %dma_start3A_1665 = tpu.memref_slice %arg4[%add3A_1659, %dma_start3A_1663, %dma_start3A_1664] : memref<16384x24x128xf32, #tpu.memory_space<hbm>> -> memref<1x20x64xf32, #tpu.memory_space<hbm>>
      %dma_start3A_1666 = tpu.memref_squeeze %dma_start3A_1665 : memref<1x20x64xf32, #tpu.memory_space<hbm>> -> memref<20x64xf32, #tpu.memory_space<hbm>>
      %dma_start3A_1667 = arith.constant 0 : i32
      %dma_start3A_1668 = arith.constant 0 : i32
      %dma_start3A_1669 = tpu.memref_slice %arg4[%add3A_1659, %dma_start3A_1667, %dma_start3A_1668] : memref<16384x24x128xf32, #tpu.memory_space<hbm>> -> memref<1x20x64xf32, #tpu.memory_space<hbm>>
      %dma_start3A_1670 = tpu.memref_squeeze %dma_start3A_1669 : memref<1x20x64xf32, #tpu.memory_space<hbm>> -> memref<20x64xf32, #tpu.memory_space<hbm>>
      %dma_start3A_1671 = arith.constant 440 : i32
      %dma_start3A_1672 = arith.constant 0 : i32
      %dma_start3A_1673 = tpu.memref_slice %arg6[%dma_start3A_1671, %dma_start3A_1672] : memref<640x64xf32, #tpu.memory_space<vmem>> -> memref<20x64xf32, #tpu.memory_space<vmem>>
      tpu.enqueue_dma source(%dma_start3A_1673 : memref<20x64xf32, #tpu.memory_space<vmem>>) target(%dma_start3A_1670 : memref<20x64xf32, #tpu.memory_space<hbm>>) target_semaphore(%arg10 : memref<!tpu.dma_semaphore, #tpu.memory_space<semaphore_mem>>)
      %mul3A_1674 = arith.constant 32 : i32
      %mul3A_1675 = arith.muli %mul3A_1236, %mul3A_1674 : i32
      %add3A_1676 = arith.addi %mul3A_2, %mul3A_1675 : i32
      %add3A_1677 = arith.constant 23 : i32
      %add3A_1678 = arith.addi %add3A_1676, %add3A_1677 : i32
      %dma_start3A_1679 = arith.constant 460 : i32
      %dma_start3A_1680 = arith.constant 0 : i32
      %dma_start3A_1681 = tpu.memref_slice %arg6[%dma_start3A_1679, %dma_start3A_1680] : memref<640x64xf32, #tpu.memory_space<vmem>> -> memref<20x64xf32, #tpu.memory_space<vmem>>
      %dma_start3A_1682 = arith.constant 0 : i32
      %dma_start3A_1683 = arith.constant 0 : i32
      %dma_start3A_1684 = tpu.memref_slice %arg4[%add3A_1678, %dma_start3A_1682, %dma_start3A_1683] : memref<16384x24x128xf32, #tpu.memory_space<hbm>> -> memref<1x20x64xf32, #tpu.memory_space<hbm>>
      %dma_start3A_1685 = tpu.memref_squeeze %dma_start3A_1684 : memref<1x20x64xf32, #tpu.memory_space<hbm>> -> memref<20x64xf32, #tpu.memory_space<hbm>>
      %dma_start3A_1686 = arith.constant 0 : i32
      %dma_start3A_1687 = arith.constant 0 : i32
      %dma_start3A_1688 = tpu.memref_slice %arg4[%add3A_1678, %dma_start3A_1686, %dma_start3A_1687] : memref<16384x24x128xf32, #tpu.memory_space<hbm>> -> memref<1x20x64xf32, #tpu.memory_space<hbm>>
      %dma_start3A_1689 = tpu.memref_squeeze %dma_start3A_1688 : memref<1x20x64xf32, #tpu.memory_space<hbm>> -> memref<20x64xf32, #tpu.memory_space<hbm>>
      %dma_start3A_1690 = arith.constant 460 : i32
      %dma_start3A_1691 = arith.constant 0 : i32
      %dma_start3A_1692 = tpu.memref_slice %arg6[%dma_start3A_1690, %dma_start3A_1691] : memref<640x64xf32, #tpu.memory_space<vmem>> -> memref<20x64xf32, #tpu.memory_space<vmem>>
      tpu.enqueue_dma source(%dma_start3A_1692 : memref<20x64xf32, #tpu.memory_space<vmem>>) target(%dma_start3A_1689 : memref<20x64xf32, #tpu.memory_space<hbm>>) target_semaphore(%arg10 : memref<!tpu.dma_semaphore, #tpu.memory_space<semaphore_mem>>)
      %mul3A_1693 = arith.constant 32 : i32
      %mul3A_1694 = arith.muli %mul3A_1236, %mul3A_1693 : i32
      %add3A_1695 = arith.addi %mul3A_2, %mul3A_1694 : i32
      %add3A_1696 = arith.constant 24 : i32
      %add3A_1697 = arith.addi %add3A_1695, %add3A_1696 : i32
      %dma_start3A_1698 = arith.constant 480 : i32
      %dma_start3A_1699 = arith.constant 0 : i32
      %dma_start3A_1700 = tpu.memref_slice %arg6[%dma_start3A_1698, %dma_start3A_1699] : memref<640x64xf32, #tpu.memory_space<vmem>> -> memref<20x64xf32, #tpu.memory_space<vmem>>
      %dma_start3A_1701 = arith.constant 0 : i32
      %dma_start3A_1702 = arith.constant 0 : i32
      %dma_start3A_1703 = tpu.memref_slice %arg4[%add3A_1697, %dma_start3A_1701, %dma_start3A_1702] : memref<16384x24x128xf32, #tpu.memory_space<hbm>> -> memref<1x20x64xf32, #tpu.memory_space<hbm>>
      %dma_start3A_1704 = tpu.memref_squeeze %dma_start3A_1703 : memref<1x20x64xf32, #tpu.memory_space<hbm>> -> memref<20x64xf32, #tpu.memory_space<hbm>>
      %dma_start3A_1705 = arith.constant 0 : i32
      %dma_start3A_1706 = arith.constant 0 : i32
      %dma_start3A_1707 = tpu.memref_slice %arg4[%add3A_1697, %dma_start3A_1705, %dma_start3A_1706] : memref<16384x24x128xf32, #tpu.memory_space<hbm>> -> memref<1x20x64xf32, #tpu.memory_space<hbm>>
      %dma_start3A_1708 = tpu.memref_squeeze %dma_start3A_1707 : memref<1x20x64xf32, #tpu.memory_space<hbm>> -> memref<20x64xf32, #tpu.memory_space<hbm>>
      %dma_start3A_1709 = arith.constant 480 : i32
      %dma_start3A_1710 = arith.constant 0 : i32
      %dma_start3A_1711 = tpu.memref_slice %arg6[%dma_start3A_1709, %dma_start3A_1710] : memref<640x64xf32, #tpu.memory_space<vmem>> -> memref<20x64xf32, #tpu.memory_space<vmem>>
      tpu.enqueue_dma source(%dma_start3A_1711 : memref<20x64xf32, #tpu.memory_space<vmem>>) target(%dma_start3A_1708 : memref<20x64xf32, #tpu.memory_space<hbm>>) target_semaphore(%arg10 : memref<!tpu.dma_semaphore, #tpu.memory_space<semaphore_mem>>)
      %mul3A_1712 = arith.constant 32 : i32
      %mul3A_1713 = arith.muli %mul3A_1236, %mul3A_1712 : i32
      %add3A_1714 = arith.addi %mul3A_2, %mul3A_1713 : i32
      %add3A_1715 = arith.constant 25 : i32
      %add3A_1716 = arith.addi %add3A_1714, %add3A_1715 : i32
      %dma_start3A_1717 = arith.constant 500 : i32
      %dma_start3A_1718 = arith.constant 0 : i32
      %dma_start3A_1719 = tpu.memref_slice %arg6[%dma_start3A_1717, %dma_start3A_1718] : memref<640x64xf32, #tpu.memory_space<vmem>> -> memref<20x64xf32, #tpu.memory_space<vmem>>
      %dma_start3A_1720 = arith.constant 0 : i32
      %dma_start3A_1721 = arith.constant 0 : i32
      %dma_start3A_1722 = tpu.memref_slice %arg4[%add3A_1716, %dma_start3A_1720, %dma_start3A_1721] : memref<16384x24x128xf32, #tpu.memory_space<hbm>> -> memref<1x20x64xf32, #tpu.memory_space<hbm>>
      %dma_start3A_1723 = tpu.memref_squeeze %dma_start3A_1722 : memref<1x20x64xf32, #tpu.memory_space<hbm>> -> memref<20x64xf32, #tpu.memory_space<hbm>>
      %dma_start3A_1724 = arith.constant 0 : i32
      %dma_start3A_1725 = arith.constant 0 : i32
      %dma_start3A_1726 = tpu.memref_slice %arg4[%add3A_1716, %dma_start3A_1724, %dma_start3A_1725] : memref<16384x24x128xf32, #tpu.memory_space<hbm>> -> memref<1x20x64xf32, #tpu.memory_space<hbm>>
      %dma_start3A_1727 = tpu.memref_squeeze %dma_start3A_1726 : memref<1x20x64xf32, #tpu.memory_space<hbm>> -> memref<20x64xf32, #tpu.memory_space<hbm>>
      %dma_start3A_1728 = arith.constant 500 : i32
      %dma_start3A_1729 = arith.constant 0 : i32
      %dma_start3A_1730 = tpu.memref_slice %arg6[%dma_start3A_1728, %dma_start3A_1729] : memref<640x64xf32, #tpu.memory_space<vmem>> -> memref<20x64xf32, #tpu.memory_space<vmem>>
      tpu.enqueue_dma source(%dma_start3A_1730 : memref<20x64xf32, #tpu.memory_space<vmem>>) target(%dma_start3A_1727 : memref<20x64xf32, #tpu.memory_space<hbm>>) target_semaphore(%arg10 : memref<!tpu.dma_semaphore, #tpu.memory_space<semaphore_mem>>)
      %mul3A_1731 = arith.constant 32 : i32
      %mul3A_1732 = arith.muli %mul3A_1236, %mul3A_1731 : i32
      %add3A_1733 = arith.addi %mul3A_2, %mul3A_1732 : i32
      %add3A_1734 = arith.constant 26 : i32
      %add3A_1735 = arith.addi %add3A_1733, %add3A_1734 : i32
      %dma_start3A_1736 = arith.constant 520 : i32
      %dma_start3A_1737 = arith.constant 0 : i32
      %dma_start3A_1738 = tpu.memref_slice %arg6[%dma_start3A_1736, %dma_start3A_1737] : memref<640x64xf32, #tpu.memory_space<vmem>> -> memref<20x64xf32, #tpu.memory_space<vmem>>
      %dma_start3A_1739 = arith.constant 0 : i32
      %dma_start3A_1740 = arith.constant 0 : i32
      %dma_start3A_1741 = tpu.memref_slice %arg4[%add3A_1735, %dma_start3A_1739, %dma_start3A_1740] : memref<16384x24x128xf32, #tpu.memory_space<hbm>> -> memref<1x20x64xf32, #tpu.memory_space<hbm>>
      %dma_start3A_1742 = tpu.memref_squeeze %dma_start3A_1741 : memref<1x20x64xf32, #tpu.memory_space<hbm>> -> memref<20x64xf32, #tpu.memory_space<hbm>>
      %dma_start3A_1743 = arith.constant 0 : i32
      %dma_start3A_1744 = arith.constant 0 : i32
      %dma_start3A_1745 = tpu.memref_slice %arg4[%add3A_1735, %dma_start3A_1743, %dma_start3A_1744] : memref<16384x24x128xf32, #tpu.memory_space<hbm>> -> memref<1x20x64xf32, #tpu.memory_space<hbm>>
      %dma_start3A_1746 = tpu.memref_squeeze %dma_start3A_1745 : memref<1x20x64xf32, #tpu.memory_space<hbm>> -> memref<20x64xf32, #tpu.memory_space<hbm>>
      %dma_start3A_1747 = arith.constant 520 : i32
      %dma_start3A_1748 = arith.constant 0 : i32
      %dma_start3A_1749 = tpu.memref_slice %arg6[%dma_start3A_1747, %dma_start3A_1748] : memref<640x64xf32, #tpu.memory_space<vmem>> -> memref<20x64xf32, #tpu.memory_space<vmem>>
      tpu.enqueue_dma source(%dma_start3A_1749 : memref<20x64xf32, #tpu.memory_space<vmem>>) target(%dma_start3A_1746 : memref<20x64xf32, #tpu.memory_space<hbm>>) target_semaphore(%arg10 : memref<!tpu.dma_semaphore, #tpu.memory_space<semaphore_mem>>)
      %mul3A_1750 = arith.constant 32 : i32
      %mul3A_1751 = arith.muli %mul3A_1236, %mul3A_1750 : i32
      %add3A_1752 = arith.addi %mul3A_2, %mul3A_1751 : i32
      %add3A_1753 = arith.constant 27 : i32
      %add3A_1754 = arith.addi %add3A_1752, %add3A_1753 : i32
      %dma_start3A_1755 = arith.constant 540 : i32
      %dma_start3A_1756 = arith.constant 0 : i32
      %dma_start3A_1757 = tpu.memref_slice %arg6[%dma_start3A_1755, %dma_start3A_1756] : memref<640x64xf32, #tpu.memory_space<vmem>> -> memref<20x64xf32, #tpu.memory_space<vmem>>
      %dma_start3A_1758 = arith.constant 0 : i32
      %dma_start3A_1759 = arith.constant 0 : i32
      %dma_start3A_1760 = tpu.memref_slice %arg4[%add3A_1754, %dma_start3A_1758, %dma_start3A_1759] : memref<16384x24x128xf32, #tpu.memory_space<hbm>> -> memref<1x20x64xf32, #tpu.memory_space<hbm>>
      %dma_start3A_1761 = tpu.memref_squeeze %dma_start3A_1760 : memref<1x20x64xf32, #tpu.memory_space<hbm>> -> memref<20x64xf32, #tpu.memory_space<hbm>>
      %dma_start3A_1762 = arith.constant 0 : i32
      %dma_start3A_1763 = arith.constant 0 : i32
      %dma_start3A_1764 = tpu.memref_slice %arg4[%add3A_1754, %dma_start3A_1762, %dma_start3A_1763] : memref<16384x24x128xf32, #tpu.memory_space<hbm>> -> memref<1x20x64xf32, #tpu.memory_space<hbm>>
      %dma_start3A_1765 = tpu.memref_squeeze %dma_start3A_1764 : memref<1x20x64xf32, #tpu.memory_space<hbm>> -> memref<20x64xf32, #tpu.memory_space<hbm>>
      %dma_start3A_1766 = arith.constant 540 : i32
      %dma_start3A_1767 = arith.constant 0 : i32
      %dma_start3A_1768 = tpu.memref_slice %arg6[%dma_start3A_1766, %dma_start3A_1767] : memref<640x64xf32, #tpu.memory_space<vmem>> -> memref<20x64xf32, #tpu.memory_space<vmem>>
      tpu.enqueue_dma source(%dma_start3A_1768 : memref<20x64xf32, #tpu.memory_space<vmem>>) target(%dma_start3A_1765 : memref<20x64xf32, #tpu.memory_space<hbm>>) target_semaphore(%arg10 : memref<!tpu.dma_semaphore, #tpu.memory_space<semaphore_mem>>)
      %mul3A_1769 = arith.constant 32 : i32
      %mul3A_1770 = arith.muli %mul3A_1236, %mul3A_1769 : i32
      %add3A_1771 = arith.addi %mul3A_2, %mul3A_1770 : i32
      %add3A_1772 = arith.constant 28 : i32
      %add3A_1773 = arith.addi %add3A_1771, %add3A_1772 : i32
      %dma_start3A_1774 = arith.constant 560 : i32
      %dma_start3A_1775 = arith.constant 0 : i32
      %dma_start3A_1776 = tpu.memref_slice %arg6[%dma_start3A_1774, %dma_start3A_1775] : memref<640x64xf32, #tpu.memory_space<vmem>> -> memref<20x64xf32, #tpu.memory_space<vmem>>
      %dma_start3A_1777 = arith.constant 0 : i32
      %dma_start3A_1778 = arith.constant 0 : i32
      %dma_start3A_1779 = tpu.memref_slice %arg4[%add3A_1773, %dma_start3A_1777, %dma_start3A_1778] : memref<16384x24x128xf32, #tpu.memory_space<hbm>> -> memref<1x20x64xf32, #tpu.memory_space<hbm>>
      %dma_start3A_1780 = tpu.memref_squeeze %dma_start3A_1779 : memref<1x20x64xf32, #tpu.memory_space<hbm>> -> memref<20x64xf32, #tpu.memory_space<hbm>>
      %dma_start3A_1781 = arith.constant 0 : i32
      %dma_start3A_1782 = arith.constant 0 : i32
      %dma_start3A_1783 = tpu.memref_slice %arg4[%add3A_1773, %dma_start3A_1781, %dma_start3A_1782] : memref<16384x24x128xf32, #tpu.memory_space<hbm>> -> memref<1x20x64xf32, #tpu.memory_space<hbm>>
      %dma_start3A_1784 = tpu.memref_squeeze %dma_start3A_1783 : memref<1x20x64xf32, #tpu.memory_space<hbm>> -> memref<20x64xf32, #tpu.memory_space<hbm>>
      %dma_start3A_1785 = arith.constant 560 : i32
      %dma_start3A_1786 = arith.constant 0 : i32
      %dma_start3A_1787 = tpu.memref_slice %arg6[%dma_start3A_1785, %dma_start3A_1786] : memref<640x64xf32, #tpu.memory_space<vmem>> -> memref<20x64xf32, #tpu.memory_space<vmem>>
      tpu.enqueue_dma source(%dma_start3A_1787 : memref<20x64xf32, #tpu.memory_space<vmem>>) target(%dma_start3A_1784 : memref<20x64xf32, #tpu.memory_space<hbm>>) target_semaphore(%arg10 : memref<!tpu.dma_semaphore, #tpu.memory_space<semaphore_mem>>)
      %mul3A_1788 = arith.constant 32 : i32
      %mul3A_1789 = arith.muli %mul3A_1236, %mul3A_1788 : i32
      %add3A_1790 = arith.addi %mul3A_2, %mul3A_1789 : i32
      %add3A_1791 = arith.constant 29 : i32
      %add3A_1792 = arith.addi %add3A_1790, %add3A_1791 : i32
      %dma_start3A_1793 = arith.constant 580 : i32
      %dma_start3A_1794 = arith.constant 0 : i32
      %dma_start3A_1795 = tpu.memref_slice %arg6[%dma_start3A_1793, %dma_start3A_1794] : memref<640x64xf32, #tpu.memory_space<vmem>> -> memref<20x64xf32, #tpu.memory_space<vmem>>
      %dma_start3A_1796 = arith.constant 0 : i32
      %dma_start3A_1797 = arith.constant 0 : i32
      %dma_start3A_1798 = tpu.memref_slice %arg4[%add3A_1792, %dma_start3A_1796, %dma_start3A_1797] : memref<16384x24x128xf32, #tpu.memory_space<hbm>> -> memref<1x20x64xf32, #tpu.memory_space<hbm>>
      %dma_start3A_1799 = tpu.memref_squeeze %dma_start3A_1798 : memref<1x20x64xf32, #tpu.memory_space<hbm>> -> memref<20x64xf32, #tpu.memory_space<hbm>>
      %dma_start3A_1800 = arith.constant 0 : i32
      %dma_start3A_1801 = arith.constant 0 : i32
      %dma_start3A_1802 = tpu.memref_slice %arg4[%add3A_1792, %dma_start3A_1800, %dma_start3A_1801] : memref<16384x24x128xf32, #tpu.memory_space<hbm>> -> memref<1x20x64xf32, #tpu.memory_space<hbm>>
      %dma_start3A_1803 = tpu.memref_squeeze %dma_start3A_1802 : memref<1x20x64xf32, #tpu.memory_space<hbm>> -> memref<20x64xf32, #tpu.memory_space<hbm>>
      %dma_start3A_1804 = arith.constant 580 : i32
      %dma_start3A_1805 = arith.constant 0 : i32
      %dma_start3A_1806 = tpu.memref_slice %arg6[%dma_start3A_1804, %dma_start3A_1805] : memref<640x64xf32, #tpu.memory_space<vmem>> -> memref<20x64xf32, #tpu.memory_space<vmem>>
      tpu.enqueue_dma source(%dma_start3A_1806 : memref<20x64xf32, #tpu.memory_space<vmem>>) target(%dma_start3A_1803 : memref<20x64xf32, #tpu.memory_space<hbm>>) target_semaphore(%arg10 : memref<!tpu.dma_semaphore, #tpu.memory_space<semaphore_mem>>)
      %mul3A_1807 = arith.constant 32 : i32
      %mul3A_1808 = arith.muli %mul3A_1236, %mul3A_1807 : i32
      %add3A_1809 = arith.addi %mul3A_2, %mul3A_1808 : i32
      %add3A_1810 = arith.constant 30 : i32
      %add3A_1811 = arith.addi %add3A_1809, %add3A_1810 : i32
      %dma_start3A_1812 = arith.constant 600 : i32
      %dma_start3A_1813 = arith.constant 0 : i32
      %dma_start3A_1814 = tpu.memref_slice %arg6[%dma_start3A_1812, %dma_start3A_1813] : memref<640x64xf32, #tpu.memory_space<vmem>> -> memref<20x64xf32, #tpu.memory_space<vmem>>
      %dma_start3A_1815 = arith.constant 0 : i32
      %dma_start3A_1816 = arith.constant 0 : i32
      %dma_start3A_1817 = tpu.memref_slice %arg4[%add3A_1811, %dma_start3A_1815, %dma_start3A_1816] : memref<16384x24x128xf32, #tpu.memory_space<hbm>> -> memref<1x20x64xf32, #tpu.memory_space<hbm>>
      %dma_start3A_1818 = tpu.memref_squeeze %dma_start3A_1817 : memref<1x20x64xf32, #tpu.memory_space<hbm>> -> memref<20x64xf32, #tpu.memory_space<hbm>>
      %dma_start3A_1819 = arith.constant 0 : i32
      %dma_start3A_1820 = arith.constant 0 : i32
      %dma_start3A_1821 = tpu.memref_slice %arg4[%add3A_1811, %dma_start3A_1819, %dma_start3A_1820] : memref<16384x24x128xf32, #tpu.memory_space<hbm>> -> memref<1x20x64xf32, #tpu.memory_space<hbm>>
      %dma_start3A_1822 = tpu.memref_squeeze %dma_start3A_1821 : memref<1x20x64xf32, #tpu.memory_space<hbm>> -> memref<20x64xf32, #tpu.memory_space<hbm>>
      %dma_start3A_1823 = arith.constant 600 : i32
      %dma_start3A_1824 = arith.constant 0 : i32
      %dma_start3A_1825 = tpu.memref_slice %arg6[%dma_start3A_1823, %dma_start3A_1824] : memref<640x64xf32, #tpu.memory_space<vmem>> -> memref<20x64xf32, #tpu.memory_space<vmem>>
      tpu.enqueue_dma source(%dma_start3A_1825 : memref<20x64xf32, #tpu.memory_space<vmem>>) target(%dma_start3A_1822 : memref<20x64xf32, #tpu.memory_space<hbm>>) target_semaphore(%arg10 : memref<!tpu.dma_semaphore, #tpu.memory_space<semaphore_mem>>)
      %mul3A_1826 = arith.constant 32 : i32
      %mul3A_1827 = arith.muli %mul3A_1236, %mul3A_1826 : i32
      %add3A_1828 = arith.addi %mul3A_2, %mul3A_1827 : i32
      %add3A_1829 = arith.constant 31 : i32
      %add3A_1830 = arith.addi %add3A_1828, %add3A_1829 : i32
      %dma_start3A_1831 = arith.constant 620 : i32
      %dma_start3A_1832 = arith.constant 0 : i32
      %dma_start3A_1833 = tpu.memref_slice %arg6[%dma_start3A_1831, %dma_start3A_1832] : memref<640x64xf32, #tpu.memory_space<vmem>> -> memref<20x64xf32, #tpu.memory_space<vmem>>
      %dma_start3A_1834 = arith.constant 0 : i32
      %dma_start3A_1835 = arith.constant 0 : i32
      %dma_start3A_1836 = tpu.memref_slice %arg4[%add3A_1830, %dma_start3A_1834, %dma_start3A_1835] : memref<16384x24x128xf32, #tpu.memory_space<hbm>> -> memref<1x20x64xf32, #tpu.memory_space<hbm>>
      %dma_start3A_1837 = tpu.memref_squeeze %dma_start3A_1836 : memref<1x20x64xf32, #tpu.memory_space<hbm>> -> memref<20x64xf32, #tpu.memory_space<hbm>>
      %dma_start3A_1838 = arith.constant 0 : i32
      %dma_start3A_1839 = arith.constant 0 : i32
      %dma_start3A_1840 = tpu.memref_slice %arg4[%add3A_1830, %dma_start3A_1838, %dma_start3A_1839] : memref<16384x24x128xf32, #tpu.memory_space<hbm>> -> memref<1x20x64xf32, #tpu.memory_space<hbm>>
      %dma_start3A_1841 = tpu.memref_squeeze %dma_start3A_1840 : memref<1x20x64xf32, #tpu.memory_space<hbm>> -> memref<20x64xf32, #tpu.memory_space<hbm>>
      %dma_start3A_1842 = arith.constant 620 : i32
      %dma_start3A_1843 = arith.constant 0 : i32
      %dma_start3A_1844 = tpu.memref_slice %arg6[%dma_start3A_1842, %dma_start3A_1843] : memref<640x64xf32, #tpu.memory_space<vmem>> -> memref<20x64xf32, #tpu.memory_space<vmem>>
      tpu.enqueue_dma source(%dma_start3A_1844 : memref<20x64xf32, #tpu.memory_space<vmem>>) target(%dma_start3A_1841 : memref<20x64xf32, #tpu.memory_space<hbm>>) target_semaphore(%arg10 : memref<!tpu.dma_semaphore, #tpu.memory_space<semaphore_mem>>)
      %dma_wait3A_1845 = arith.constant 0 : i32
      %dma_wait3A_1846 = arith.constant 0 : i32
      %dma_wait3A_1847 = arith.constant 0 : i32
      %dma_wait3A_1848 = tpu.memref_slice %arg6[%dma_wait3A_1846, %dma_wait3A_1847] : memref<640x64xf32, #tpu.memory_space<vmem>> -> memref<20x64xf32, #tpu.memory_space<vmem>>
      %dma_wait3A_1849 = arith.constant 0 : i32
      %dma_wait3A_1850 = arith.constant 0 : i32
      %dma_wait3A_1851 = tpu.memref_slice %arg4[%dma_wait3A_1845, %dma_wait3A_1849, %dma_wait3A_1850] : memref<16384x24x128xf32, #tpu.memory_space<hbm>> -> memref<1x20x64xf32, #tpu.memory_space<hbm>>
      %dma_wait3A_1852 = tpu.memref_squeeze %dma_wait3A_1851 : memref<1x20x64xf32, #tpu.memory_space<hbm>> -> memref<20x64xf32, #tpu.memory_space<hbm>>
      %dma_wait3A_1853 = arith.constant 0 : i32
      %dma_wait3A_1854 = arith.constant 0 : i32
      %dma_wait3A_1855 = tpu.memref_slice %arg4[%dma_wait3A_1845, %dma_wait3A_1853, %dma_wait3A_1854] : memref<16384x24x128xf32, #tpu.memory_space<hbm>> -> memref<1x20x64xf32, #tpu.memory_space<hbm>>
      %dma_wait3A_1856 = tpu.memref_squeeze %dma_wait3A_1855 : memref<1x20x64xf32, #tpu.memory_space<hbm>> -> memref<20x64xf32, #tpu.memory_space<hbm>>
      %dma_wait3A_1857 = arith.constant 0 : i32
      %dma_wait3A_1858 = arith.constant 0 : i32
      %dma_wait3A_1859 = tpu.memref_slice %arg6[%dma_wait3A_1857, %dma_wait3A_1858] : memref<640x64xf32, #tpu.memory_space<vmem>> -> memref<20x64xf32, #tpu.memory_space<vmem>>
      tpu.wait_dma2 semaphore(%arg10 : memref<!tpu.dma_semaphore, #tpu.memory_space<semaphore_mem>>) src(%dma_wait3A_1859 : memref<20x64xf32, #tpu.memory_space<vmem>>) dst(%dma_wait3A_1856 : memref<20x64xf32, #tpu.memory_space<hbm>>)
      %dma_wait3A_1860 = arith.constant 0 : i32
      %dma_wait3A_1861 = arith.constant 20 : i32
      %dma_wait3A_1862 = arith.constant 0 : i32
      %dma_wait3A_1863 = tpu.memref_slice %arg6[%dma_wait3A_1861, %dma_wait3A_1862] : memref<640x64xf32, #tpu.memory_space<vmem>> -> memref<20x64xf32, #tpu.memory_space<vmem>>
      %dma_wait3A_1864 = arith.constant 0 : i32
      %dma_wait3A_1865 = arith.constant 0 : i32
      %dma_wait3A_1866 = tpu.memref_slice %arg4[%dma_wait3A_1860, %dma_wait3A_1864, %dma_wait3A_1865] : memref<16384x24x128xf32, #tpu.memory_space<hbm>> -> memref<1x20x64xf32, #tpu.memory_space<hbm>>
      %dma_wait3A_1867 = tpu.memref_squeeze %dma_wait3A_1866 : memref<1x20x64xf32, #tpu.memory_space<hbm>> -> memref<20x64xf32, #tpu.memory_space<hbm>>
      %dma_wait3A_1868 = arith.constant 0 : i32
      %dma_wait3A_1869 = arith.constant 0 : i32
      %dma_wait3A_1870 = tpu.memref_slice %arg4[%dma_wait3A_1860, %dma_wait3A_1868, %dma_wait3A_1869] : memref<16384x24x128xf32, #tpu.memory_space<hbm>> -> memref<1x20x64xf32, #tpu.memory_space<hbm>>
      %dma_wait3A_1871 = tpu.memref_squeeze %dma_wait3A_1870 : memref<1x20x64xf32, #tpu.memory_space<hbm>> -> memref<20x64xf32, #tpu.memory_space<hbm>>
      %dma_wait3A_1872 = arith.constant 20 : i32
      %dma_wait3A_1873 = arith.constant 0 : i32
      %dma_wait3A_1874 = tpu.memref_slice %arg6[%dma_wait3A_1872, %dma_wait3A_1873] : memref<640x64xf32, #tpu.memory_space<vmem>> -> memref<20x64xf32, #tpu.memory_space<vmem>>
      tpu.wait_dma2 semaphore(%arg10 : memref<!tpu.dma_semaphore, #tpu.memory_space<semaphore_mem>>) src(%dma_wait3A_1874 : memref<20x64xf32, #tpu.memory_space<vmem>>) dst(%dma_wait3A_1871 : memref<20x64xf32, #tpu.memory_space<hbm>>)
      %dma_wait3A_1875 = arith.constant 0 : i32
      %dma_wait3A_1876 = arith.constant 40 : i32
      %dma_wait3A_1877 = arith.constant 0 : i32
      %dma_wait3A_1878 = tpu.memref_slice %arg6[%dma_wait3A_1876, %dma_wait3A_1877] : memref<640x64xf32, #tpu.memory_space<vmem>> -> memref<20x64xf32, #tpu.memory_space<vmem>>
      %dma_wait3A_1879 = arith.constant 0 : i32
      %dma_wait3A_1880 = arith.constant 0 : i32
      %dma_wait3A_1881 = tpu.memref_slice %arg4[%dma_wait3A_1875, %dma_wait3A_1879, %dma_wait3A_1880] : memref<16384x24x128xf32, #tpu.memory_space<hbm>> -> memref<1x20x64xf32, #tpu.memory_space<hbm>>
      %dma_wait3A_1882 = tpu.memref_squeeze %dma_wait3A_1881 : memref<1x20x64xf32, #tpu.memory_space<hbm>> -> memref<20x64xf32, #tpu.memory_space<hbm>>
      %dma_wait3A_1883 = arith.constant 0 : i32
      %dma_wait3A_1884 = arith.constant 0 : i32
      %dma_wait3A_1885 = tpu.memref_slice %arg4[%dma_wait3A_1875, %dma_wait3A_1883, %dma_wait3A_1884] : memref<16384x24x128xf32, #tpu.memory_space<hbm>> -> memref<1x20x64xf32, #tpu.memory_space<hbm>>
      %dma_wait3A_1886 = tpu.memref_squeeze %dma_wait3A_1885 : memref<1x20x64xf32, #tpu.memory_space<hbm>> -> memref<20x64xf32, #tpu.memory_space<hbm>>
      %dma_wait3A_1887 = arith.constant 40 : i32
      %dma_wait3A_1888 = arith.constant 0 : i32
      %dma_wait3A_1889 = tpu.memref_slice %arg6[%dma_wait3A_1887, %dma_wait3A_1888] : memref<640x64xf32, #tpu.memory_space<vmem>> -> memref<20x64xf32, #tpu.memory_space<vmem>>
      tpu.wait_dma2 semaphore(%arg10 : memref<!tpu.dma_semaphore, #tpu.memory_space<semaphore_mem>>) src(%dma_wait3A_1889 : memref<20x64xf32, #tpu.memory_space<vmem>>) dst(%dma_wait3A_1886 : memref<20x64xf32, #tpu.memory_space<hbm>>)
      %dma_wait3A_1890 = arith.constant 0 : i32
      %dma_wait3A_1891 = arith.constant 60 : i32
      %dma_wait3A_1892 = arith.constant 0 : i32
      %dma_wait3A_1893 = tpu.memref_slice %arg6[%dma_wait3A_1891, %dma_wait3A_1892] : memref<640x64xf32, #tpu.memory_space<vmem>> -> memref<20x64xf32, #tpu.memory_space<vmem>>
      %dma_wait3A_1894 = arith.constant 0 : i32
      %dma_wait3A_1895 = arith.constant 0 : i32
      %dma_wait3A_1896 = tpu.memref_slice %arg4[%dma_wait3A_1890, %dma_wait3A_1894, %dma_wait3A_1895] : memref<16384x24x128xf32, #tpu.memory_space<hbm>> -> memref<1x20x64xf32, #tpu.memory_space<hbm>>
      %dma_wait3A_1897 = tpu.memref_squeeze %dma_wait3A_1896 : memref<1x20x64xf32, #tpu.memory_space<hbm>> -> memref<20x64xf32, #tpu.memory_space<hbm>>
      %dma_wait3A_1898 = arith.constant 0 : i32
      %dma_wait3A_1899 = arith.constant 0 : i32
      %dma_wait3A_1900 = tpu.memref_slice %arg4[%dma_wait3A_1890, %dma_wait3A_1898, %dma_wait3A_1899] : memref<16384x24x128xf32, #tpu.memory_space<hbm>> -> memref<1x20x64xf32, #tpu.memory_space<hbm>>
      %dma_wait3A_1901 = tpu.memref_squeeze %dma_wait3A_1900 : memref<1x20x64xf32, #tpu.memory_space<hbm>> -> memref<20x64xf32, #tpu.memory_space<hbm>>
      %dma_wait3A_1902 = arith.constant 60 : i32
      %dma_wait3A_1903 = arith.constant 0 : i32
      %dma_wait3A_1904 = tpu.memref_slice %arg6[%dma_wait3A_1902, %dma_wait3A_1903] : memref<640x64xf32, #tpu.memory_space<vmem>> -> memref<20x64xf32, #tpu.memory_space<vmem>>
      tpu.wait_dma2 semaphore(%arg10 : memref<!tpu.dma_semaphore, #tpu.memory_space<semaphore_mem>>) src(%dma_wait3A_1904 : memref<20x64xf32, #tpu.memory_space<vmem>>) dst(%dma_wait3A_1901 : memref<20x64xf32, #tpu.memory_space<hbm>>)
      %dma_wait3A_1905 = arith.constant 0 : i32
      %dma_wait3A_1906 = arith.constant 80 : i32
      %dma_wait3A_1907 = arith.constant 0 : i32
      %dma_wait3A_1908 = tpu.memref_slice %arg6[%dma_wait3A_1906, %dma_wait3A_1907] : memref<640x64xf32, #tpu.memory_space<vmem>> -> memref<20x64xf32, #tpu.memory_space<vmem>>
      %dma_wait3A_1909 = arith.constant 0 : i32
      %dma_wait3A_1910 = arith.constant 0 : i32
      %dma_wait3A_1911 = tpu.memref_slice %arg4[%dma_wait3A_1905, %dma_wait3A_1909, %dma_wait3A_1910] : memref<16384x24x128xf32, #tpu.memory_space<hbm>> -> memref<1x20x64xf32, #tpu.memory_space<hbm>>
      %dma_wait3A_1912 = tpu.memref_squeeze %dma_wait3A_1911 : memref<1x20x64xf32, #tpu.memory_space<hbm>> -> memref<20x64xf32, #tpu.memory_space<hbm>>
      %dma_wait3A_1913 = arith.constant 0 : i32
      %dma_wait3A_1914 = arith.constant 0 : i32
      %dma_wait3A_1915 = tpu.memref_slice %arg4[%dma_wait3A_1905, %dma_wait3A_1913, %dma_wait3A_1914] : memref<16384x24x128xf32, #tpu.memory_space<hbm>> -> memref<1x20x64xf32, #tpu.memory_space<hbm>>
      %dma_wait3A_1916 = tpu.memref_squeeze %dma_wait3A_1915 : memref<1x20x64xf32, #tpu.memory_space<hbm>> -> memref<20x64xf32, #tpu.memory_space<hbm>>
      %dma_wait3A_1917 = arith.constant 80 : i32
      %dma_wait3A_1918 = arith.constant 0 : i32
      %dma_wait3A_1919 = tpu.memref_slice %arg6[%dma_wait3A_1917, %dma_wait3A_1918] : memref<640x64xf32, #tpu.memory_space<vmem>> -> memref<20x64xf32, #tpu.memory_space<vmem>>
      tpu.wait_dma2 semaphore(%arg10 : memref<!tpu.dma_semaphore, #tpu.memory_space<semaphore_mem>>) src(%dma_wait3A_1919 : memref<20x64xf32, #tpu.memory_space<vmem>>) dst(%dma_wait3A_1916 : memref<20x64xf32, #tpu.memory_space<hbm>>)
      %dma_wait3A_1920 = arith.constant 0 : i32
      %dma_wait3A_1921 = arith.constant 100 : i32
      %dma_wait3A_1922 = arith.constant 0 : i32
      %dma_wait3A_1923 = tpu.memref_slice %arg6[%dma_wait3A_1921, %dma_wait3A_1922] : memref<640x64xf32, #tpu.memory_space<vmem>> -> memref<20x64xf32, #tpu.memory_space<vmem>>
      %dma_wait3A_1924 = arith.constant 0 : i32
      %dma_wait3A_1925 = arith.constant 0 : i32
      %dma_wait3A_1926 = tpu.memref_slice %arg4[%dma_wait3A_1920, %dma_wait3A_1924, %dma_wait3A_1925] : memref<16384x24x128xf32, #tpu.memory_space<hbm>> -> memref<1x20x64xf32, #tpu.memory_space<hbm>>
      %dma_wait3A_1927 = tpu.memref_squeeze %dma_wait3A_1926 : memref<1x20x64xf32, #tpu.memory_space<hbm>> -> memref<20x64xf32, #tpu.memory_space<hbm>>
      %dma_wait3A_1928 = arith.constant 0 : i32
      %dma_wait3A_1929 = arith.constant 0 : i32
      %dma_wait3A_1930 = tpu.memref_slice %arg4[%dma_wait3A_1920, %dma_wait3A_1928, %dma_wait3A_1929] : memref<16384x24x128xf32, #tpu.memory_space<hbm>> -> memref<1x20x64xf32, #tpu.memory_space<hbm>>
      %dma_wait3A_1931 = tpu.memref_squeeze %dma_wait3A_1930 : memref<1x20x64xf32, #tpu.memory_space<hbm>> -> memref<20x64xf32, #tpu.memory_space<hbm>>
      %dma_wait3A_1932 = arith.constant 100 : i32
      %dma_wait3A_1933 = arith.constant 0 : i32
      %dma_wait3A_1934 = tpu.memref_slice %arg6[%dma_wait3A_1932, %dma_wait3A_1933] : memref<640x64xf32, #tpu.memory_space<vmem>> -> memref<20x64xf32, #tpu.memory_space<vmem>>
      tpu.wait_dma2 semaphore(%arg10 : memref<!tpu.dma_semaphore, #tpu.memory_space<semaphore_mem>>) src(%dma_wait3A_1934 : memref<20x64xf32, #tpu.memory_space<vmem>>) dst(%dma_wait3A_1931 : memref<20x64xf32, #tpu.memory_space<hbm>>)
      %dma_wait3A_1935 = arith.constant 0 : i32
      %dma_wait3A_1936 = arith.constant 120 : i32
      %dma_wait3A_1937 = arith.constant 0 : i32
      %dma_wait3A_1938 = tpu.memref_slice %arg6[%dma_wait3A_1936, %dma_wait3A_1937] : memref<640x64xf32, #tpu.memory_space<vmem>> -> memref<20x64xf32, #tpu.memory_space<vmem>>
      %dma_wait3A_1939 = arith.constant 0 : i32
      %dma_wait3A_1940 = arith.constant 0 : i32
      %dma_wait3A_1941 = tpu.memref_slice %arg4[%dma_wait3A_1935, %dma_wait3A_1939, %dma_wait3A_1940] : memref<16384x24x128xf32, #tpu.memory_space<hbm>> -> memref<1x20x64xf32, #tpu.memory_space<hbm>>
      %dma_wait3A_1942 = tpu.memref_squeeze %dma_wait3A_1941 : memref<1x20x64xf32, #tpu.memory_space<hbm>> -> memref<20x64xf32, #tpu.memory_space<hbm>>
      %dma_wait3A_1943 = arith.constant 0 : i32
      %dma_wait3A_1944 = arith.constant 0 : i32
      %dma_wait3A_1945 = tpu.memref_slice %arg4[%dma_wait3A_1935, %dma_wait3A_1943, %dma_wait3A_1944] : memref<16384x24x128xf32, #tpu.memory_space<hbm>> -> memref<1x20x64xf32, #tpu.memory_space<hbm>>
      %dma_wait3A_1946 = tpu.memref_squeeze %dma_wait3A_1945 : memref<1x20x64xf32, #tpu.memory_space<hbm>> -> memref<20x64xf32, #tpu.memory_space<hbm>>
      %dma_wait3A_1947 = arith.constant 120 : i32
      %dma_wait3A_1948 = arith.constant 0 : i32
      %dma_wait3A_1949 = tpu.memref_slice %arg6[%dma_wait3A_1947, %dma_wait3A_1948] : memref<640x64xf32, #tpu.memory_space<vmem>> -> memref<20x64xf32, #tpu.memory_space<vmem>>
      tpu.wait_dma2 semaphore(%arg10 : memref<!tpu.dma_semaphore, #tpu.memory_space<semaphore_mem>>) src(%dma_wait3A_1949 : memref<20x64xf32, #tpu.memory_space<vmem>>) dst(%dma_wait3A_1946 : memref<20x64xf32, #tpu.memory_space<hbm>>)
      %dma_wait3A_1950 = arith.constant 0 : i32
      %dma_wait3A_1951 = arith.constant 140 : i32
      %dma_wait3A_1952 = arith.constant 0 : i32
      %dma_wait3A_1953 = tpu.memref_slice %arg6[%dma_wait3A_1951, %dma_wait3A_1952] : memref<640x64xf32, #tpu.memory_space<vmem>> -> memref<20x64xf32, #tpu.memory_space<vmem>>
      %dma_wait3A_1954 = arith.constant 0 : i32
      %dma_wait3A_1955 = arith.constant 0 : i32
      %dma_wait3A_1956 = tpu.memref_slice %arg4[%dma_wait3A_1950, %dma_wait3A_1954, %dma_wait3A_1955] : memref<16384x24x128xf32, #tpu.memory_space<hbm>> -> memref<1x20x64xf32, #tpu.memory_space<hbm>>
      %dma_wait3A_1957 = tpu.memref_squeeze %dma_wait3A_1956 : memref<1x20x64xf32, #tpu.memory_space<hbm>> -> memref<20x64xf32, #tpu.memory_space<hbm>>
      %dma_wait3A_1958 = arith.constant 0 : i32
      %dma_wait3A_1959 = arith.constant 0 : i32
      %dma_wait3A_1960 = tpu.memref_slice %arg4[%dma_wait3A_1950, %dma_wait3A_1958, %dma_wait3A_1959] : memref<16384x24x128xf32, #tpu.memory_space<hbm>> -> memref<1x20x64xf32, #tpu.memory_space<hbm>>
      %dma_wait3A_1961 = tpu.memref_squeeze %dma_wait3A_1960 : memref<1x20x64xf32, #tpu.memory_space<hbm>> -> memref<20x64xf32, #tpu.memory_space<hbm>>
      %dma_wait3A_1962 = arith.constant 140 : i32
      %dma_wait3A_1963 = arith.constant 0 : i32
      %dma_wait3A_1964 = tpu.memref_slice %arg6[%dma_wait3A_1962, %dma_wait3A_1963] : memref<640x64xf32, #tpu.memory_space<vmem>> -> memref<20x64xf32, #tpu.memory_space<vmem>>
      tpu.wait_dma2 semaphore(%arg10 : memref<!tpu.dma_semaphore, #tpu.memory_space<semaphore_mem>>) src(%dma_wait3A_1964 : memref<20x64xf32, #tpu.memory_space<vmem>>) dst(%dma_wait3A_1961 : memref<20x64xf32, #tpu.memory_space<hbm>>)
      %dma_wait3A_1965 = arith.constant 0 : i32
      %dma_wait3A_1966 = arith.constant 160 : i32
      %dma_wait3A_1967 = arith.constant 0 : i32
      %dma_wait3A_1968 = tpu.memref_slice %arg6[%dma_wait3A_1966, %dma_wait3A_1967] : memref<640x64xf32, #tpu.memory_space<vmem>> -> memref<20x64xf32, #tpu.memory_space<vmem>>
      %dma_wait3A_1969 = arith.constant 0 : i32
      %dma_wait3A_1970 = arith.constant 0 : i32
      %dma_wait3A_1971 = tpu.memref_slice %arg4[%dma_wait3A_1965, %dma_wait3A_1969, %dma_wait3A_1970] : memref<16384x24x128xf32, #tpu.memory_space<hbm>> -> memref<1x20x64xf32, #tpu.memory_space<hbm>>
      %dma_wait3A_1972 = tpu.memref_squeeze %dma_wait3A_1971 : memref<1x20x64xf32, #tpu.memory_space<hbm>> -> memref<20x64xf32, #tpu.memory_space<hbm>>
      %dma_wait3A_1973 = arith.constant 0 : i32
      %dma_wait3A_1974 = arith.constant 0 : i32
      %dma_wait3A_1975 = tpu.memref_slice %arg4[%dma_wait3A_1965, %dma_wait3A_1973, %dma_wait3A_1974] : memref<16384x24x128xf32, #tpu.memory_space<hbm>> -> memref<1x20x64xf32, #tpu.memory_space<hbm>>
      %dma_wait3A_1976 = tpu.memref_squeeze %dma_wait3A_1975 : memref<1x20x64xf32, #tpu.memory_space<hbm>> -> memref<20x64xf32, #tpu.memory_space<hbm>>
      %dma_wait3A_1977 = arith.constant 160 : i32
      %dma_wait3A_1978 = arith.constant 0 : i32
      %dma_wait3A_1979 = tpu.memref_slice %arg6[%dma_wait3A_1977, %dma_wait3A_1978] : memref<640x64xf32, #tpu.memory_space<vmem>> -> memref<20x64xf32, #tpu.memory_space<vmem>>
      tpu.wait_dma2 semaphore(%arg10 : memref<!tpu.dma_semaphore, #tpu.memory_space<semaphore_mem>>) src(%dma_wait3A_1979 : memref<20x64xf32, #tpu.memory_space<vmem>>) dst(%dma_wait3A_1976 : memref<20x64xf32, #tpu.memory_space<hbm>>)
      %dma_wait3A_1980 = arith.constant 0 : i32
      %dma_wait3A_1981 = arith.constant 180 : i32
      %dma_wait3A_1982 = arith.constant 0 : i32
      %dma_wait3A_1983 = tpu.memref_slice %arg6[%dma_wait3A_1981, %dma_wait3A_1982] : memref<640x64xf32, #tpu.memory_space<vmem>> -> memref<20x64xf32, #tpu.memory_space<vmem>>
      %dma_wait3A_1984 = arith.constant 0 : i32
      %dma_wait3A_1985 = arith.constant 0 : i32
      %dma_wait3A_1986 = tpu.memref_slice %arg4[%dma_wait3A_1980, %dma_wait3A_1984, %dma_wait3A_1985] : memref<16384x24x128xf32, #tpu.memory_space<hbm>> -> memref<1x20x64xf32, #tpu.memory_space<hbm>>
      %dma_wait3A_1987 = tpu.memref_squeeze %dma_wait3A_1986 : memref<1x20x64xf32, #tpu.memory_space<hbm>> -> memref<20x64xf32, #tpu.memory_space<hbm>>
      %dma_wait3A_1988 = arith.constant 0 : i32
      %dma_wait3A_1989 = arith.constant 0 : i32
      %dma_wait3A_1990 = tpu.memref_slice %arg4[%dma_wait3A_1980, %dma_wait3A_1988, %dma_wait3A_1989] : memref<16384x24x128xf32, #tpu.memory_space<hbm>> -> memref<1x20x64xf32, #tpu.memory_space<hbm>>
      %dma_wait3A_1991 = tpu.memref_squeeze %dma_wait3A_1990 : memref<1x20x64xf32, #tpu.memory_space<hbm>> -> memref<20x64xf32, #tpu.memory_space<hbm>>
      %dma_wait3A_1992 = arith.constant 180 : i32
      %dma_wait3A_1993 = arith.constant 0 : i32
      %dma_wait3A_1994 = tpu.memref_slice %arg6[%dma_wait3A_1992, %dma_wait3A_1993] : memref<640x64xf32, #tpu.memory_space<vmem>> -> memref<20x64xf32, #tpu.memory_space<vmem>>
      tpu.wait_dma2 semaphore(%arg10 : memref<!tpu.dma_semaphore, #tpu.memory_space<semaphore_mem>>) src(%dma_wait3A_1994 : memref<20x64xf32, #tpu.memory_space<vmem>>) dst(%dma_wait3A_1991 : memref<20x64xf32, #tpu.memory_space<hbm>>)
      %dma_wait3A_1995 = arith.constant 0 : i32
      %dma_wait3A_1996 = arith.constant 200 : i32
      %dma_wait3A_1997 = arith.constant 0 : i32
      %dma_wait3A_1998 = tpu.memref_slice %arg6[%dma_wait3A_1996, %dma_wait3A_1997] : memref<640x64xf32, #tpu.memory_space<vmem>> -> memref<20x64xf32, #tpu.memory_space<vmem>>
      %dma_wait3A_1999 = arith.constant 0 : i32
      %dma_wait3A_2000 = arith.constant 0 : i32
      %dma_wait3A_2001 = tpu.memref_slice %arg4[%dma_wait3A_1995, %dma_wait3A_1999, %dma_wait3A_2000] : memref<16384x24x128xf32, #tpu.memory_space<hbm>> -> memref<1x20x64xf32, #tpu.memory_space<hbm>>
      %dma_wait3A_2002 = tpu.memref_squeeze %dma_wait3A_2001 : memref<1x20x64xf32, #tpu.memory_space<hbm>> -> memref<20x64xf32, #tpu.memory_space<hbm>>
      %dma_wait3A_2003 = arith.constant 0 : i32
      %dma_wait3A_2004 = arith.constant 0 : i32
      %dma_wait3A_2005 = tpu.memref_slice %arg4[%dma_wait3A_1995, %dma_wait3A_2003, %dma_wait3A_2004] : memref<16384x24x128xf32, #tpu.memory_space<hbm>> -> memref<1x20x64xf32, #tpu.memory_space<hbm>>
      %dma_wait3A_2006 = tpu.memref_squeeze %dma_wait3A_2005 : memref<1x20x64xf32, #tpu.memory_space<hbm>> -> memref<20x64xf32, #tpu.memory_space<hbm>>
      %dma_wait3A_2007 = arith.constant 200 : i32
      %dma_wait3A_2008 = arith.constant 0 : i32
      %dma_wait3A_2009 = tpu.memref_slice %arg6[%dma_wait3A_2007, %dma_wait3A_2008] : memref<640x64xf32, #tpu.memory_space<vmem>> -> memref<20x64xf32, #tpu.memory_space<vmem>>
      tpu.wait_dma2 semaphore(%arg10 : memref<!tpu.dma_semaphore, #tpu.memory_space<semaphore_mem>>) src(%dma_wait3A_2009 : memref<20x64xf32, #tpu.memory_space<vmem>>) dst(%dma_wait3A_2006 : memref<20x64xf32, #tpu.memory_space<hbm>>)
      %dma_wait3A_2010 = arith.constant 0 : i32
      %dma_wait3A_2011 = arith.constant 220 : i32
      %dma_wait3A_2012 = arith.constant 0 : i32
      %dma_wait3A_2013 = tpu.memref_slice %arg6[%dma_wait3A_2011, %dma_wait3A_2012] : memref<640x64xf32, #tpu.memory_space<vmem>> -> memref<20x64xf32, #tpu.memory_space<vmem>>
      %dma_wait3A_2014 = arith.constant 0 : i32
      %dma_wait3A_2015 = arith.constant 0 : i32
      %dma_wait3A_2016 = tpu.memref_slice %arg4[%dma_wait3A_2010, %dma_wait3A_2014, %dma_wait3A_2015] : memref<16384x24x128xf32, #tpu.memory_space<hbm>> -> memref<1x20x64xf32, #tpu.memory_space<hbm>>
      %dma_wait3A_2017 = tpu.memref_squeeze %dma_wait3A_2016 : memref<1x20x64xf32, #tpu.memory_space<hbm>> -> memref<20x64xf32, #tpu.memory_space<hbm>>
      %dma_wait3A_2018 = arith.constant 0 : i32
      %dma_wait3A_2019 = arith.constant 0 : i32
      %dma_wait3A_2020 = tpu.memref_slice %arg4[%dma_wait3A_2010, %dma_wait3A_2018, %dma_wait3A_2019] : memref<16384x24x128xf32, #tpu.memory_space<hbm>> -> memref<1x20x64xf32, #tpu.memory_space<hbm>>
      %dma_wait3A_2021 = tpu.memref_squeeze %dma_wait3A_2020 : memref<1x20x64xf32, #tpu.memory_space<hbm>> -> memref<20x64xf32, #tpu.memory_space<hbm>>
      %dma_wait3A_2022 = arith.constant 220 : i32
      %dma_wait3A_2023 = arith.constant 0 : i32
      %dma_wait3A_2024 = tpu.memref_slice %arg6[%dma_wait3A_2022, %dma_wait3A_2023] : memref<640x64xf32, #tpu.memory_space<vmem>> -> memref<20x64xf32, #tpu.memory_space<vmem>>
      tpu.wait_dma2 semaphore(%arg10 : memref<!tpu.dma_semaphore, #tpu.memory_space<semaphore_mem>>) src(%dma_wait3A_2024 : memref<20x64xf32, #tpu.memory_space<vmem>>) dst(%dma_wait3A_2021 : memref<20x64xf32, #tpu.memory_space<hbm>>)
      %dma_wait3A_2025 = arith.constant 0 : i32
      %dma_wait3A_2026 = arith.constant 240 : i32
      %dma_wait3A_2027 = arith.constant 0 : i32
      %dma_wait3A_2028 = tpu.memref_slice %arg6[%dma_wait3A_2026, %dma_wait3A_2027] : memref<640x64xf32, #tpu.memory_space<vmem>> -> memref<20x64xf32, #tpu.memory_space<vmem>>
      %dma_wait3A_2029 = arith.constant 0 : i32
      %dma_wait3A_2030 = arith.constant 0 : i32
      %dma_wait3A_2031 = tpu.memref_slice %arg4[%dma_wait3A_2025, %dma_wait3A_2029, %dma_wait3A_2030] : memref<16384x24x128xf32, #tpu.memory_space<hbm>> -> memref<1x20x64xf32, #tpu.memory_space<hbm>>
      %dma_wait3A_2032 = tpu.memref_squeeze %dma_wait3A_2031 : memref<1x20x64xf32, #tpu.memory_space<hbm>> -> memref<20x64xf32, #tpu.memory_space<hbm>>
      %dma_wait3A_2033 = arith.constant 0 : i32
      %dma_wait3A_2034 = arith.constant 0 : i32
      %dma_wait3A_2035 = tpu.memref_slice %arg4[%dma_wait3A_2025, %dma_wait3A_2033, %dma_wait3A_2034] : memref<16384x24x128xf32, #tpu.memory_space<hbm>> -> memref<1x20x64xf32, #tpu.memory_space<hbm>>
      %dma_wait3A_2036 = tpu.memref_squeeze %dma_wait3A_2035 : memref<1x20x64xf32, #tpu.memory_space<hbm>> -> memref<20x64xf32, #tpu.memory_space<hbm>>
      %dma_wait3A_2037 = arith.constant 240 : i32
      %dma_wait3A_2038 = arith.constant 0 : i32
      %dma_wait3A_2039 = tpu.memref_slice %arg6[%dma_wait3A_2037, %dma_wait3A_2038] : memref<640x64xf32, #tpu.memory_space<vmem>> -> memref<20x64xf32, #tpu.memory_space<vmem>>
      tpu.wait_dma2 semaphore(%arg10 : memref<!tpu.dma_semaphore, #tpu.memory_space<semaphore_mem>>) src(%dma_wait3A_2039 : memref<20x64xf32, #tpu.memory_space<vmem>>) dst(%dma_wait3A_2036 : memref<20x64xf32, #tpu.memory_space<hbm>>)
      %dma_wait3A_2040 = arith.constant 0 : i32
      %dma_wait3A_2041 = arith.constant 260 : i32
      %dma_wait3A_2042 = arith.constant 0 : i32
      %dma_wait3A_2043 = tpu.memref_slice %arg6[%dma_wait3A_2041, %dma_wait3A_2042] : memref<640x64xf32, #tpu.memory_space<vmem>> -> memref<20x64xf32, #tpu.memory_space<vmem>>
      %dma_wait3A_2044 = arith.constant 0 : i32
      %dma_wait3A_2045 = arith.constant 0 : i32
      %dma_wait3A_2046 = tpu.memref_slice %arg4[%dma_wait3A_2040, %dma_wait3A_2044, %dma_wait3A_2045] : memref<16384x24x128xf32, #tpu.memory_space<hbm>> -> memref<1x20x64xf32, #tpu.memory_space<hbm>>
      %dma_wait3A_2047 = tpu.memref_squeeze %dma_wait3A_2046 : memref<1x20x64xf32, #tpu.memory_space<hbm>> -> memref<20x64xf32, #tpu.memory_space<hbm>>
      %dma_wait3A_2048 = arith.constant 0 : i32
      %dma_wait3A_2049 = arith.constant 0 : i32
      %dma_wait3A_2050 = tpu.memref_slice %arg4[%dma_wait3A_2040, %dma_wait3A_2048, %dma_wait3A_2049] : memref<16384x24x128xf32, #tpu.memory_space<hbm>> -> memref<1x20x64xf32, #tpu.memory_space<hbm>>
      %dma_wait3A_2051 = tpu.memref_squeeze %dma_wait3A_2050 : memref<1x20x64xf32, #tpu.memory_space<hbm>> -> memref<20x64xf32, #tpu.memory_space<hbm>>
      %dma_wait3A_2052 = arith.constant 260 : i32
      %dma_wait3A_2053 = arith.constant 0 : i32
      %dma_wait3A_2054 = tpu.memref_slice %arg6[%dma_wait3A_2052, %dma_wait3A_2053] : memref<640x64xf32, #tpu.memory_space<vmem>> -> memref<20x64xf32, #tpu.memory_space<vmem>>
      tpu.wait_dma2 semaphore(%arg10 : memref<!tpu.dma_semaphore, #tpu.memory_space<semaphore_mem>>) src(%dma_wait3A_2054 : memref<20x64xf32, #tpu.memory_space<vmem>>) dst(%dma_wait3A_2051 : memref<20x64xf32, #tpu.memory_space<hbm>>)
      %dma_wait3A_2055 = arith.constant 0 : i32
      %dma_wait3A_2056 = arith.constant 280 : i32
      %dma_wait3A_2057 = arith.constant 0 : i32
      %dma_wait3A_2058 = tpu.memref_slice %arg6[%dma_wait3A_2056, %dma_wait3A_2057] : memref<640x64xf32, #tpu.memory_space<vmem>> -> memref<20x64xf32, #tpu.memory_space<vmem>>
      %dma_wait3A_2059 = arith.constant 0 : i32
      %dma_wait3A_2060 = arith.constant 0 : i32
      %dma_wait3A_2061 = tpu.memref_slice %arg4[%dma_wait3A_2055, %dma_wait3A_2059, %dma_wait3A_2060] : memref<16384x24x128xf32, #tpu.memory_space<hbm>> -> memref<1x20x64xf32, #tpu.memory_space<hbm>>
      %dma_wait3A_2062 = tpu.memref_squeeze %dma_wait3A_2061 : memref<1x20x64xf32, #tpu.memory_space<hbm>> -> memref<20x64xf32, #tpu.memory_space<hbm>>
      %dma_wait3A_2063 = arith.constant 0 : i32
      %dma_wait3A_2064 = arith.constant 0 : i32
      %dma_wait3A_2065 = tpu.memref_slice %arg4[%dma_wait3A_2055, %dma_wait3A_2063, %dma_wait3A_2064] : memref<16384x24x128xf32, #tpu.memory_space<hbm>> -> memref<1x20x64xf32, #tpu.memory_space<hbm>>
      %dma_wait3A_2066 = tpu.memref_squeeze %dma_wait3A_2065 : memref<1x20x64xf32, #tpu.memory_space<hbm>> -> memref<20x64xf32, #tpu.memory_space<hbm>>
      %dma_wait3A_2067 = arith.constant 280 : i32
      %dma_wait3A_2068 = arith.constant 0 : i32
      %dma_wait3A_2069 = tpu.memref_slice %arg6[%dma_wait3A_2067, %dma_wait3A_2068] : memref<640x64xf32, #tpu.memory_space<vmem>> -> memref<20x64xf32, #tpu.memory_space<vmem>>
      tpu.wait_dma2 semaphore(%arg10 : memref<!tpu.dma_semaphore, #tpu.memory_space<semaphore_mem>>) src(%dma_wait3A_2069 : memref<20x64xf32, #tpu.memory_space<vmem>>) dst(%dma_wait3A_2066 : memref<20x64xf32, #tpu.memory_space<hbm>>)
      %dma_wait3A_2070 = arith.constant 0 : i32
      %dma_wait3A_2071 = arith.constant 300 : i32
      %dma_wait3A_2072 = arith.constant 0 : i32
      %dma_wait3A_2073 = tpu.memref_slice %arg6[%dma_wait3A_2071, %dma_wait3A_2072] : memref<640x64xf32, #tpu.memory_space<vmem>> -> memref<20x64xf32, #tpu.memory_space<vmem>>
      %dma_wait3A_2074 = arith.constant 0 : i32
      %dma_wait3A_2075 = arith.constant 0 : i32
      %dma_wait3A_2076 = tpu.memref_slice %arg4[%dma_wait3A_2070, %dma_wait3A_2074, %dma_wait3A_2075] : memref<16384x24x128xf32, #tpu.memory_space<hbm>> -> memref<1x20x64xf32, #tpu.memory_space<hbm>>
      %dma_wait3A_2077 = tpu.memref_squeeze %dma_wait3A_2076 : memref<1x20x64xf32, #tpu.memory_space<hbm>> -> memref<20x64xf32, #tpu.memory_space<hbm>>
      %dma_wait3A_2078 = arith.constant 0 : i32
      %dma_wait3A_2079 = arith.constant 0 : i32
      %dma_wait3A_2080 = tpu.memref_slice %arg4[%dma_wait3A_2070, %dma_wait3A_2078, %dma_wait3A_2079] : memref<16384x24x128xf32, #tpu.memory_space<hbm>> -> memref<1x20x64xf32, #tpu.memory_space<hbm>>
      %dma_wait3A_2081 = tpu.memref_squeeze %dma_wait3A_2080 : memref<1x20x64xf32, #tpu.memory_space<hbm>> -> memref<20x64xf32, #tpu.memory_space<hbm>>
      %dma_wait3A_2082 = arith.constant 300 : i32
      %dma_wait3A_2083 = arith.constant 0 : i32
      %dma_wait3A_2084 = tpu.memref_slice %arg6[%dma_wait3A_2082, %dma_wait3A_2083] : memref<640x64xf32, #tpu.memory_space<vmem>> -> memref<20x64xf32, #tpu.memory_space<vmem>>
      tpu.wait_dma2 semaphore(%arg10 : memref<!tpu.dma_semaphore, #tpu.memory_space<semaphore_mem>>) src(%dma_wait3A_2084 : memref<20x64xf32, #tpu.memory_space<vmem>>) dst(%dma_wait3A_2081 : memref<20x64xf32, #tpu.memory_space<hbm>>)
      %dma_wait3A_2085 = arith.constant 0 : i32
      %dma_wait3A_2086 = arith.constant 320 : i32
      %dma_wait3A_2087 = arith.constant 0 : i32
      %dma_wait3A_2088 = tpu.memref_slice %arg6[%dma_wait3A_2086, %dma_wait3A_2087] : memref<640x64xf32, #tpu.memory_space<vmem>> -> memref<20x64xf32, #tpu.memory_space<vmem>>
      %dma_wait3A_2089 = arith.constant 0 : i32
      %dma_wait3A_2090 = arith.constant 0 : i32
      %dma_wait3A_2091 = tpu.memref_slice %arg4[%dma_wait3A_2085, %dma_wait3A_2089, %dma_wait3A_2090] : memref<16384x24x128xf32, #tpu.memory_space<hbm>> -> memref<1x20x64xf32, #tpu.memory_space<hbm>>
      %dma_wait3A_2092 = tpu.memref_squeeze %dma_wait3A_2091 : memref<1x20x64xf32, #tpu.memory_space<hbm>> -> memref<20x64xf32, #tpu.memory_space<hbm>>
      %dma_wait3A_2093 = arith.constant 0 : i32
      %dma_wait3A_2094 = arith.constant 0 : i32
      %dma_wait3A_2095 = tpu.memref_slice %arg4[%dma_wait3A_2085, %dma_wait3A_2093, %dma_wait3A_2094] : memref<16384x24x128xf32, #tpu.memory_space<hbm>> -> memref<1x20x64xf32, #tpu.memory_space<hbm>>
      %dma_wait3A_2096 = tpu.memref_squeeze %dma_wait3A_2095 : memref<1x20x64xf32, #tpu.memory_space<hbm>> -> memref<20x64xf32, #tpu.memory_space<hbm>>
      %dma_wait3A_2097 = arith.constant 320 : i32
      %dma_wait3A_2098 = arith.constant 0 : i32
      %dma_wait3A_2099 = tpu.memref_slice %arg6[%dma_wait3A_2097, %dma_wait3A_2098] : memref<640x64xf32, #tpu.memory_space<vmem>> -> memref<20x64xf32, #tpu.memory_space<vmem>>
      tpu.wait_dma2 semaphore(%arg10 : memref<!tpu.dma_semaphore, #tpu.memory_space<semaphore_mem>>) src(%dma_wait3A_2099 : memref<20x64xf32, #tpu.memory_space<vmem>>) dst(%dma_wait3A_2096 : memref<20x64xf32, #tpu.memory_space<hbm>>)
      %dma_wait3A_2100 = arith.constant 0 : i32
      %dma_wait3A_2101 = arith.constant 340 : i32
      %dma_wait3A_2102 = arith.constant 0 : i32
      %dma_wait3A_2103 = tpu.memref_slice %arg6[%dma_wait3A_2101, %dma_wait3A_2102] : memref<640x64xf32, #tpu.memory_space<vmem>> -> memref<20x64xf32, #tpu.memory_space<vmem>>
      %dma_wait3A_2104 = arith.constant 0 : i32
      %dma_wait3A_2105 = arith.constant 0 : i32
      %dma_wait3A_2106 = tpu.memref_slice %arg4[%dma_wait3A_2100, %dma_wait3A_2104, %dma_wait3A_2105] : memref<16384x24x128xf32, #tpu.memory_space<hbm>> -> memref<1x20x64xf32, #tpu.memory_space<hbm>>
      %dma_wait3A_2107 = tpu.memref_squeeze %dma_wait3A_2106 : memref<1x20x64xf32, #tpu.memory_space<hbm>> -> memref<20x64xf32, #tpu.memory_space<hbm>>
      %dma_wait3A_2108 = arith.constant 0 : i32
      %dma_wait3A_2109 = arith.constant 0 : i32
      %dma_wait3A_2110 = tpu.memref_slice %arg4[%dma_wait3A_2100, %dma_wait3A_2108, %dma_wait3A_2109] : memref<16384x24x128xf32, #tpu.memory_space<hbm>> -> memref<1x20x64xf32, #tpu.memory_space<hbm>>
      %dma_wait3A_2111 = tpu.memref_squeeze %dma_wait3A_2110 : memref<1x20x64xf32, #tpu.memory_space<hbm>> -> memref<20x64xf32, #tpu.memory_space<hbm>>
      %dma_wait3A_2112 = arith.constant 340 : i32
      %dma_wait3A_2113 = arith.constant 0 : i32
      %dma_wait3A_2114 = tpu.memref_slice %arg6[%dma_wait3A_2112, %dma_wait3A_2113] : memref<640x64xf32, #tpu.memory_space<vmem>> -> memref<20x64xf32, #tpu.memory_space<vmem>>
      tpu.wait_dma2 semaphore(%arg10 : memref<!tpu.dma_semaphore, #tpu.memory_space<semaphore_mem>>) src(%dma_wait3A_2114 : memref<20x64xf32, #tpu.memory_space<vmem>>) dst(%dma_wait3A_2111 : memref<20x64xf32, #tpu.memory_space<hbm>>)
      %dma_wait3A_2115 = arith.constant 0 : i32
      %dma_wait3A_2116 = arith.constant 360 : i32
      %dma_wait3A_2117 = arith.constant 0 : i32
      %dma_wait3A_2118 = tpu.memref_slice %arg6[%dma_wait3A_2116, %dma_wait3A_2117] : memref<640x64xf32, #tpu.memory_space<vmem>> -> memref<20x64xf32, #tpu.memory_space<vmem>>
      %dma_wait3A_2119 = arith.constant 0 : i32
      %dma_wait3A_2120 = arith.constant 0 : i32
      %dma_wait3A_2121 = tpu.memref_slice %arg4[%dma_wait3A_2115, %dma_wait3A_2119, %dma_wait3A_2120] : memref<16384x24x128xf32, #tpu.memory_space<hbm>> -> memref<1x20x64xf32, #tpu.memory_space<hbm>>
      %dma_wait3A_2122 = tpu.memref_squeeze %dma_wait3A_2121 : memref<1x20x64xf32, #tpu.memory_space<hbm>> -> memref<20x64xf32, #tpu.memory_space<hbm>>
      %dma_wait3A_2123 = arith.constant 0 : i32
      %dma_wait3A_2124 = arith.constant 0 : i32
      %dma_wait3A_2125 = tpu.memref_slice %arg4[%dma_wait3A_2115, %dma_wait3A_2123, %dma_wait3A_2124] : memref<16384x24x128xf32, #tpu.memory_space<hbm>> -> memref<1x20x64xf32, #tpu.memory_space<hbm>>
      %dma_wait3A_2126 = tpu.memref_squeeze %dma_wait3A_2125 : memref<1x20x64xf32, #tpu.memory_space<hbm>> -> memref<20x64xf32, #tpu.memory_space<hbm>>
      %dma_wait3A_2127 = arith.constant 360 : i32
      %dma_wait3A_2128 = arith.constant 0 : i32
      %dma_wait3A_2129 = tpu.memref_slice %arg6[%dma_wait3A_2127, %dma_wait3A_2128] : memref<640x64xf32, #tpu.memory_space<vmem>> -> memref<20x64xf32, #tpu.memory_space<vmem>>
      tpu.wait_dma2 semaphore(%arg10 : memref<!tpu.dma_semaphore, #tpu.memory_space<semaphore_mem>>) src(%dma_wait3A_2129 : memref<20x64xf32, #tpu.memory_space<vmem>>) dst(%dma_wait3A_2126 : memref<20x64xf32, #tpu.memory_space<hbm>>)
      %dma_wait3A_2130 = arith.constant 0 : i32
      %dma_wait3A_2131 = arith.constant 380 : i32
      %dma_wait3A_2132 = arith.constant 0 : i32
      %dma_wait3A_2133 = tpu.memref_slice %arg6[%dma_wait3A_2131, %dma_wait3A_2132] : memref<640x64xf32, #tpu.memory_space<vmem>> -> memref<20x64xf32, #tpu.memory_space<vmem>>
      %dma_wait3A_2134 = arith.constant 0 : i32
      %dma_wait3A_2135 = arith.constant 0 : i32
      %dma_wait3A_2136 = tpu.memref_slice %arg4[%dma_wait3A_2130, %dma_wait3A_2134, %dma_wait3A_2135] : memref<16384x24x128xf32, #tpu.memory_space<hbm>> -> memref<1x20x64xf32, #tpu.memory_space<hbm>>
      %dma_wait3A_2137 = tpu.memref_squeeze %dma_wait3A_2136 : memref<1x20x64xf32, #tpu.memory_space<hbm>> -> memref<20x64xf32, #tpu.memory_space<hbm>>
      %dma_wait3A_2138 = arith.constant 0 : i32
      %dma_wait3A_2139 = arith.constant 0 : i32
      %dma_wait3A_2140 = tpu.memref_slice %arg4[%dma_wait3A_2130, %dma_wait3A_2138, %dma_wait3A_2139] : memref<16384x24x128xf32, #tpu.memory_space<hbm>> -> memref<1x20x64xf32, #tpu.memory_space<hbm>>
      %dma_wait3A_2141 = tpu.memref_squeeze %dma_wait3A_2140 : memref<1x20x64xf32, #tpu.memory_space<hbm>> -> memref<20x64xf32, #tpu.memory_space<hbm>>
      %dma_wait3A_2142 = arith.constant 380 : i32
      %dma_wait3A_2143 = arith.constant 0 : i32
      %dma_wait3A_2144 = tpu.memref_slice %arg6[%dma_wait3A_2142, %dma_wait3A_2143] : memref<640x64xf32, #tpu.memory_space<vmem>> -> memref<20x64xf32, #tpu.memory_space<vmem>>
      tpu.wait_dma2 semaphore(%arg10 : memref<!tpu.dma_semaphore, #tpu.memory_space<semaphore_mem>>) src(%dma_wait3A_2144 : memref<20x64xf32, #tpu.memory_space<vmem>>) dst(%dma_wait3A_2141 : memref<20x64xf32, #tpu.memory_space<hbm>>)
      %dma_wait3A_2145 = arith.constant 0 : i32
      %dma_wait3A_2146 = arith.constant 400 : i32
      %dma_wait3A_2147 = arith.constant 0 : i32
      %dma_wait3A_2148 = tpu.memref_slice %arg6[%dma_wait3A_2146, %dma_wait3A_2147] : memref<640x64xf32, #tpu.memory_space<vmem>> -> memref<20x64xf32, #tpu.memory_space<vmem>>
      %dma_wait3A_2149 = arith.constant 0 : i32
      %dma_wait3A_2150 = arith.constant 0 : i32
      %dma_wait3A_2151 = tpu.memref_slice %arg4[%dma_wait3A_2145, %dma_wait3A_2149, %dma_wait3A_2150] : memref<16384x24x128xf32, #tpu.memory_space<hbm>> -> memref<1x20x64xf32, #tpu.memory_space<hbm>>
      %dma_wait3A_2152 = tpu.memref_squeeze %dma_wait3A_2151 : memref<1x20x64xf32, #tpu.memory_space<hbm>> -> memref<20x64xf32, #tpu.memory_space<hbm>>
      %dma_wait3A_2153 = arith.constant 0 : i32
      %dma_wait3A_2154 = arith.constant 0 : i32
      %dma_wait3A_2155 = tpu.memref_slice %arg4[%dma_wait3A_2145, %dma_wait3A_2153, %dma_wait3A_2154] : memref<16384x24x128xf32, #tpu.memory_space<hbm>> -> memref<1x20x64xf32, #tpu.memory_space<hbm>>
      %dma_wait3A_2156 = tpu.memref_squeeze %dma_wait3A_2155 : memref<1x20x64xf32, #tpu.memory_space<hbm>> -> memref<20x64xf32, #tpu.memory_space<hbm>>
      %dma_wait3A_2157 = arith.constant 400 : i32
      %dma_wait3A_2158 = arith.constant 0 : i32
      %dma_wait3A_2159 = tpu.memref_slice %arg6[%dma_wait3A_2157, %dma_wait3A_2158] : memref<640x64xf32, #tpu.memory_space<vmem>> -> memref<20x64xf32, #tpu.memory_space<vmem>>
      tpu.wait_dma2 semaphore(%arg10 : memref<!tpu.dma_semaphore, #tpu.memory_space<semaphore_mem>>) src(%dma_wait3A_2159 : memref<20x64xf32, #tpu.memory_space<vmem>>) dst(%dma_wait3A_2156 : memref<20x64xf32, #tpu.memory_space<hbm>>)
      %dma_wait3A_2160 = arith.constant 0 : i32
      %dma_wait3A_2161 = arith.constant 420 : i32
      %dma_wait3A_2162 = arith.constant 0 : i32
      %dma_wait3A_2163 = tpu.memref_slice %arg6[%dma_wait3A_2161, %dma_wait3A_2162] : memref<640x64xf32, #tpu.memory_space<vmem>> -> memref<20x64xf32, #tpu.memory_space<vmem>>
      %dma_wait3A_2164 = arith.constant 0 : i32
      %dma_wait3A_2165 = arith.constant 0 : i32
      %dma_wait3A_2166 = tpu.memref_slice %arg4[%dma_wait3A_2160, %dma_wait3A_2164, %dma_wait3A_2165] : memref<16384x24x128xf32, #tpu.memory_space<hbm>> -> memref<1x20x64xf32, #tpu.memory_space<hbm>>
      %dma_wait3A_2167 = tpu.memref_squeeze %dma_wait3A_2166 : memref<1x20x64xf32, #tpu.memory_space<hbm>> -> memref<20x64xf32, #tpu.memory_space<hbm>>
      %dma_wait3A_2168 = arith.constant 0 : i32
      %dma_wait3A_2169 = arith.constant 0 : i32
      %dma_wait3A_2170 = tpu.memref_slice %arg4[%dma_wait3A_2160, %dma_wait3A_2168, %dma_wait3A_2169] : memref<16384x24x128xf32, #tpu.memory_space<hbm>> -> memref<1x20x64xf32, #tpu.memory_space<hbm>>
      %dma_wait3A_2171 = tpu.memref_squeeze %dma_wait3A_2170 : memref<1x20x64xf32, #tpu.memory_space<hbm>> -> memref<20x64xf32, #tpu.memory_space<hbm>>
      %dma_wait3A_2172 = arith.constant 420 : i32
      %dma_wait3A_2173 = arith.constant 0 : i32
      %dma_wait3A_2174 = tpu.memref_slice %arg6[%dma_wait3A_2172, %dma_wait3A_2173] : memref<640x64xf32, #tpu.memory_space<vmem>> -> memref<20x64xf32, #tpu.memory_space<vmem>>
      tpu.wait_dma2 semaphore(%arg10 : memref<!tpu.dma_semaphore, #tpu.memory_space<semaphore_mem>>) src(%dma_wait3A_2174 : memref<20x64xf32, #tpu.memory_space<vmem>>) dst(%dma_wait3A_2171 : memref<20x64xf32, #tpu.memory_space<hbm>>)
      %dma_wait3A_2175 = arith.constant 0 : i32
      %dma_wait3A_2176 = arith.constant 440 : i32
      %dma_wait3A_2177 = arith.constant 0 : i32
      %dma_wait3A_2178 = tpu.memref_slice %arg6[%dma_wait3A_2176, %dma_wait3A_2177] : memref<640x64xf32, #tpu.memory_space<vmem>> -> memref<20x64xf32, #tpu.memory_space<vmem>>
      %dma_wait3A_2179 = arith.constant 0 : i32
      %dma_wait3A_2180 = arith.constant 0 : i32
      %dma_wait3A_2181 = tpu.memref_slice %arg4[%dma_wait3A_2175, %dma_wait3A_2179, %dma_wait3A_2180] : memref<16384x24x128xf32, #tpu.memory_space<hbm>> -> memref<1x20x64xf32, #tpu.memory_space<hbm>>
      %dma_wait3A_2182 = tpu.memref_squeeze %dma_wait3A_2181 : memref<1x20x64xf32, #tpu.memory_space<hbm>> -> memref<20x64xf32, #tpu.memory_space<hbm>>
      %dma_wait3A_2183 = arith.constant 0 : i32
      %dma_wait3A_2184 = arith.constant 0 : i32
      %dma_wait3A_2185 = tpu.memref_slice %arg4[%dma_wait3A_2175, %dma_wait3A_2183, %dma_wait3A_2184] : memref<16384x24x128xf32, #tpu.memory_space<hbm>> -> memref<1x20x64xf32, #tpu.memory_space<hbm>>
      %dma_wait3A_2186 = tpu.memref_squeeze %dma_wait3A_2185 : memref<1x20x64xf32, #tpu.memory_space<hbm>> -> memref<20x64xf32, #tpu.memory_space<hbm>>
      %dma_wait3A_2187 = arith.constant 440 : i32
      %dma_wait3A_2188 = arith.constant 0 : i32
      %dma_wait3A_2189 = tpu.memref_slice %arg6[%dma_wait3A_2187, %dma_wait3A_2188] : memref<640x64xf32, #tpu.memory_space<vmem>> -> memref<20x64xf32, #tpu.memory_space<vmem>>
      tpu.wait_dma2 semaphore(%arg10 : memref<!tpu.dma_semaphore, #tpu.memory_space<semaphore_mem>>) src(%dma_wait3A_2189 : memref<20x64xf32, #tpu.memory_space<vmem>>) dst(%dma_wait3A_2186 : memref<20x64xf32, #tpu.memory_space<hbm>>)
      %dma_wait3A_2190 = arith.constant 0 : i32
      %dma_wait3A_2191 = arith.constant 460 : i32
      %dma_wait3A_2192 = arith.constant 0 : i32
      %dma_wait3A_2193 = tpu.memref_slice %arg6[%dma_wait3A_2191, %dma_wait3A_2192] : memref<640x64xf32, #tpu.memory_space<vmem>> -> memref<20x64xf32, #tpu.memory_space<vmem>>
      %dma_wait3A_2194 = arith.constant 0 : i32
      %dma_wait3A_2195 = arith.constant 0 : i32
      %dma_wait3A_2196 = tpu.memref_slice %arg4[%dma_wait3A_2190, %dma_wait3A_2194, %dma_wait3A_2195] : memref<16384x24x128xf32, #tpu.memory_space<hbm>> -> memref<1x20x64xf32, #tpu.memory_space<hbm>>
      %dma_wait3A_2197 = tpu.memref_squeeze %dma_wait3A_2196 : memref<1x20x64xf32, #tpu.memory_space<hbm>> -> memref<20x64xf32, #tpu.memory_space<hbm>>
      %dma_wait3A_2198 = arith.constant 0 : i32
      %dma_wait3A_2199 = arith.constant 0 : i32
      %dma_wait3A_2200 = tpu.memref_slice %arg4[%dma_wait3A_2190, %dma_wait3A_2198, %dma_wait3A_2199] : memref<16384x24x128xf32, #tpu.memory_space<hbm>> -> memref<1x20x64xf32, #tpu.memory_space<hbm>>
      %dma_wait3A_2201 = tpu.memref_squeeze %dma_wait3A_2200 : memref<1x20x64xf32, #tpu.memory_space<hbm>> -> memref<20x64xf32, #tpu.memory_space<hbm>>
      %dma_wait3A_2202 = arith.constant 460 : i32
      %dma_wait3A_2203 = arith.constant 0 : i32
      %dma_wait3A_2204 = tpu.memref_slice %arg6[%dma_wait3A_2202, %dma_wait3A_2203] : memref<640x64xf32, #tpu.memory_space<vmem>> -> memref<20x64xf32, #tpu.memory_space<vmem>>
      tpu.wait_dma2 semaphore(%arg10 : memref<!tpu.dma_semaphore, #tpu.memory_space<semaphore_mem>>) src(%dma_wait3A_2204 : memref<20x64xf32, #tpu.memory_space<vmem>>) dst(%dma_wait3A_2201 : memref<20x64xf32, #tpu.memory_space<hbm>>)
      %dma_wait3A_2205 = arith.constant 0 : i32
      %dma_wait3A_2206 = arith.constant 480 : i32
      %dma_wait3A_2207 = arith.constant 0 : i32
      %dma_wait3A_2208 = tpu.memref_slice %arg6[%dma_wait3A_2206, %dma_wait3A_2207] : memref<640x64xf32, #tpu.memory_space<vmem>> -> memref<20x64xf32, #tpu.memory_space<vmem>>
      %dma_wait3A_2209 = arith.constant 0 : i32
      %dma_wait3A_2210 = arith.constant 0 : i32
      %dma_wait3A_2211 = tpu.memref_slice %arg4[%dma_wait3A_2205, %dma_wait3A_2209, %dma_wait3A_2210] : memref<16384x24x128xf32, #tpu.memory_space<hbm>> -> memref<1x20x64xf32, #tpu.memory_space<hbm>>
      %dma_wait3A_2212 = tpu.memref_squeeze %dma_wait3A_2211 : memref<1x20x64xf32, #tpu.memory_space<hbm>> -> memref<20x64xf32, #tpu.memory_space<hbm>>
      %dma_wait3A_2213 = arith.constant 0 : i32
      %dma_wait3A_2214 = arith.constant 0 : i32
      %dma_wait3A_2215 = tpu.memref_slice %arg4[%dma_wait3A_2205, %dma_wait3A_2213, %dma_wait3A_2214] : memref<16384x24x128xf32, #tpu.memory_space<hbm>> -> memref<1x20x64xf32, #tpu.memory_space<hbm>>
      %dma_wait3A_2216 = tpu.memref_squeeze %dma_wait3A_2215 : memref<1x20x64xf32, #tpu.memory_space<hbm>> -> memref<20x64xf32, #tpu.memory_space<hbm>>
      %dma_wait3A_2217 = arith.constant 480 : i32
      %dma_wait3A_2218 = arith.constant 0 : i32
      %dma_wait3A_2219 = tpu.memref_slice %arg6[%dma_wait3A_2217, %dma_wait3A_2218] : memref<640x64xf32, #tpu.memory_space<vmem>> -> memref<20x64xf32, #tpu.memory_space<vmem>>
      tpu.wait_dma2 semaphore(%arg10 : memref<!tpu.dma_semaphore, #tpu.memory_space<semaphore_mem>>) src(%dma_wait3A_2219 : memref<20x64xf32, #tpu.memory_space<vmem>>) dst(%dma_wait3A_2216 : memref<20x64xf32, #tpu.memory_space<hbm>>)
      %dma_wait3A_2220 = arith.constant 0 : i32
      %dma_wait3A_2221 = arith.constant 500 : i32
      %dma_wait3A_2222 = arith.constant 0 : i32
      %dma_wait3A_2223 = tpu.memref_slice %arg6[%dma_wait3A_2221, %dma_wait3A_2222] : memref<640x64xf32, #tpu.memory_space<vmem>> -> memref<20x64xf32, #tpu.memory_space<vmem>>
      %dma_wait3A_2224 = arith.constant 0 : i32
      %dma_wait3A_2225 = arith.constant 0 : i32
      %dma_wait3A_2226 = tpu.memref_slice %arg4[%dma_wait3A_2220, %dma_wait3A_2224, %dma_wait3A_2225] : memref<16384x24x128xf32, #tpu.memory_space<hbm>> -> memref<1x20x64xf32, #tpu.memory_space<hbm>>
      %dma_wait3A_2227 = tpu.memref_squeeze %dma_wait3A_2226 : memref<1x20x64xf32, #tpu.memory_space<hbm>> -> memref<20x64xf32, #tpu.memory_space<hbm>>
      %dma_wait3A_2228 = arith.constant 0 : i32
      %dma_wait3A_2229 = arith.constant 0 : i32
      %dma_wait3A_2230 = tpu.memref_slice %arg4[%dma_wait3A_2220, %dma_wait3A_2228, %dma_wait3A_2229] : memref<16384x24x128xf32, #tpu.memory_space<hbm>> -> memref<1x20x64xf32, #tpu.memory_space<hbm>>
      %dma_wait3A_2231 = tpu.memref_squeeze %dma_wait3A_2230 : memref<1x20x64xf32, #tpu.memory_space<hbm>> -> memref<20x64xf32, #tpu.memory_space<hbm>>
      %dma_wait3A_2232 = arith.constant 500 : i32
      %dma_wait3A_2233 = arith.constant 0 : i32
      %dma_wait3A_2234 = tpu.memref_slice %arg6[%dma_wait3A_2232, %dma_wait3A_2233] : memref<640x64xf32, #tpu.memory_space<vmem>> -> memref<20x64xf32, #tpu.memory_space<vmem>>
      tpu.wait_dma2 semaphore(%arg10 : memref<!tpu.dma_semaphore, #tpu.memory_space<semaphore_mem>>) src(%dma_wait3A_2234 : memref<20x64xf32, #tpu.memory_space<vmem>>) dst(%dma_wait3A_2231 : memref<20x64xf32, #tpu.memory_space<hbm>>)
      %dma_wait3A_2235 = arith.constant 0 : i32
      %dma_wait3A_2236 = arith.constant 520 : i32
      %dma_wait3A_2237 = arith.constant 0 : i32
      %dma_wait3A_2238 = tpu.memref_slice %arg6[%dma_wait3A_2236, %dma_wait3A_2237] : memref<640x64xf32, #tpu.memory_space<vmem>> -> memref<20x64xf32, #tpu.memory_space<vmem>>
      %dma_wait3A_2239 = arith.constant 0 : i32
      %dma_wait3A_2240 = arith.constant 0 : i32
      %dma_wait3A_2241 = tpu.memref_slice %arg4[%dma_wait3A_2235, %dma_wait3A_2239, %dma_wait3A_2240] : memref<16384x24x128xf32, #tpu.memory_space<hbm>> -> memref<1x20x64xf32, #tpu.memory_space<hbm>>
      %dma_wait3A_2242 = tpu.memref_squeeze %dma_wait3A_2241 : memref<1x20x64xf32, #tpu.memory_space<hbm>> -> memref<20x64xf32, #tpu.memory_space<hbm>>
      %dma_wait3A_2243 = arith.constant 0 : i32
      %dma_wait3A_2244 = arith.constant 0 : i32
      %dma_wait3A_2245 = tpu.memref_slice %arg4[%dma_wait3A_2235, %dma_wait3A_2243, %dma_wait3A_2244] : memref<16384x24x128xf32, #tpu.memory_space<hbm>> -> memref<1x20x64xf32, #tpu.memory_space<hbm>>
      %dma_wait3A_2246 = tpu.memref_squeeze %dma_wait3A_2245 : memref<1x20x64xf32, #tpu.memory_space<hbm>> -> memref<20x64xf32, #tpu.memory_space<hbm>>
      %dma_wait3A_2247 = arith.constant 520 : i32
      %dma_wait3A_2248 = arith.constant 0 : i32
      %dma_wait3A_2249 = tpu.memref_slice %arg6[%dma_wait3A_2247, %dma_wait3A_2248] : memref<640x64xf32, #tpu.memory_space<vmem>> -> memref<20x64xf32, #tpu.memory_space<vmem>>
      tpu.wait_dma2 semaphore(%arg10 : memref<!tpu.dma_semaphore, #tpu.memory_space<semaphore_mem>>) src(%dma_wait3A_2249 : memref<20x64xf32, #tpu.memory_space<vmem>>) dst(%dma_wait3A_2246 : memref<20x64xf32, #tpu.memory_space<hbm>>)
      %dma_wait3A_2250 = arith.constant 0 : i32
      %dma_wait3A_2251 = arith.constant 540 : i32
      %dma_wait3A_2252 = arith.constant 0 : i32
      %dma_wait3A_2253 = tpu.memref_slice %arg6[%dma_wait3A_2251, %dma_wait3A_2252] : memref<640x64xf32, #tpu.memory_space<vmem>> -> memref<20x64xf32, #tpu.memory_space<vmem>>
      %dma_wait3A_2254 = arith.constant 0 : i32
      %dma_wait3A_2255 = arith.constant 0 : i32
      %dma_wait3A_2256 = tpu.memref_slice %arg4[%dma_wait3A_2250, %dma_wait3A_2254, %dma_wait3A_2255] : memref<16384x24x128xf32, #tpu.memory_space<hbm>> -> memref<1x20x64xf32, #tpu.memory_space<hbm>>
      %dma_wait3A_2257 = tpu.memref_squeeze %dma_wait3A_2256 : memref<1x20x64xf32, #tpu.memory_space<hbm>> -> memref<20x64xf32, #tpu.memory_space<hbm>>
      %dma_wait3A_2258 = arith.constant 0 : i32
      %dma_wait3A_2259 = arith.constant 0 : i32
      %dma_wait3A_2260 = tpu.memref_slice %arg4[%dma_wait3A_2250, %dma_wait3A_2258, %dma_wait3A_2259] : memref<16384x24x128xf32, #tpu.memory_space<hbm>> -> memref<1x20x64xf32, #tpu.memory_space<hbm>>
      %dma_wait3A_2261 = tpu.memref_squeeze %dma_wait3A_2260 : memref<1x20x64xf32, #tpu.memory_space<hbm>> -> memref<20x64xf32, #tpu.memory_space<hbm>>
      %dma_wait3A_2262 = arith.constant 540 : i32
      %dma_wait3A_2263 = arith.constant 0 : i32
      %dma_wait3A_2264 = tpu.memref_slice %arg6[%dma_wait3A_2262, %dma_wait3A_2263] : memref<640x64xf32, #tpu.memory_space<vmem>> -> memref<20x64xf32, #tpu.memory_space<vmem>>
      tpu.wait_dma2 semaphore(%arg10 : memref<!tpu.dma_semaphore, #tpu.memory_space<semaphore_mem>>) src(%dma_wait3A_2264 : memref<20x64xf32, #tpu.memory_space<vmem>>) dst(%dma_wait3A_2261 : memref<20x64xf32, #tpu.memory_space<hbm>>)
      %dma_wait3A_2265 = arith.constant 0 : i32
      %dma_wait3A_2266 = arith.constant 560 : i32
      %dma_wait3A_2267 = arith.constant 0 : i32
      %dma_wait3A_2268 = tpu.memref_slice %arg6[%dma_wait3A_2266, %dma_wait3A_2267] : memref<640x64xf32, #tpu.memory_space<vmem>> -> memref<20x64xf32, #tpu.memory_space<vmem>>
      %dma_wait3A_2269 = arith.constant 0 : i32
      %dma_wait3A_2270 = arith.constant 0 : i32
      %dma_wait3A_2271 = tpu.memref_slice %arg4[%dma_wait3A_2265, %dma_wait3A_2269, %dma_wait3A_2270] : memref<16384x24x128xf32, #tpu.memory_space<hbm>> -> memref<1x20x64xf32, #tpu.memory_space<hbm>>
      %dma_wait3A_2272 = tpu.memref_squeeze %dma_wait3A_2271 : memref<1x20x64xf32, #tpu.memory_space<hbm>> -> memref<20x64xf32, #tpu.memory_space<hbm>>
      %dma_wait3A_2273 = arith.constant 0 : i32
      %dma_wait3A_2274 = arith.constant 0 : i32
      %dma_wait3A_2275 = tpu.memref_slice %arg4[%dma_wait3A_2265, %dma_wait3A_2273, %dma_wait3A_2274] : memref<16384x24x128xf32, #tpu.memory_space<hbm>> -> memref<1x20x64xf32, #tpu.memory_space<hbm>>
      %dma_wait3A_2276 = tpu.memref_squeeze %dma_wait3A_2275 : memref<1x20x64xf32, #tpu.memory_space<hbm>> -> memref<20x64xf32, #tpu.memory_space<hbm>>
      %dma_wait3A_2277 = arith.constant 560 : i32
      %dma_wait3A_2278 = arith.constant 0 : i32
      %dma_wait3A_2279 = tpu.memref_slice %arg6[%dma_wait3A_2277, %dma_wait3A_2278] : memref<640x64xf32, #tpu.memory_space<vmem>> -> memref<20x64xf32, #tpu.memory_space<vmem>>
      tpu.wait_dma2 semaphore(%arg10 : memref<!tpu.dma_semaphore, #tpu.memory_space<semaphore_mem>>) src(%dma_wait3A_2279 : memref<20x64xf32, #tpu.memory_space<vmem>>) dst(%dma_wait3A_2276 : memref<20x64xf32, #tpu.memory_space<hbm>>)
      %dma_wait3A_2280 = arith.constant 0 : i32
      %dma_wait3A_2281 = arith.constant 580 : i32
      %dma_wait3A_2282 = arith.constant 0 : i32
      %dma_wait3A_2283 = tpu.memref_slice %arg6[%dma_wait3A_2281, %dma_wait3A_2282] : memref<640x64xf32, #tpu.memory_space<vmem>> -> memref<20x64xf32, #tpu.memory_space<vmem>>
      %dma_wait3A_2284 = arith.constant 0 : i32
      %dma_wait3A_2285 = arith.constant 0 : i32
      %dma_wait3A_2286 = tpu.memref_slice %arg4[%dma_wait3A_2280, %dma_wait3A_2284, %dma_wait3A_2285] : memref<16384x24x128xf32, #tpu.memory_space<hbm>> -> memref<1x20x64xf32, #tpu.memory_space<hbm>>
      %dma_wait3A_2287 = tpu.memref_squeeze %dma_wait3A_2286 : memref<1x20x64xf32, #tpu.memory_space<hbm>> -> memref<20x64xf32, #tpu.memory_space<hbm>>
      %dma_wait3A_2288 = arith.constant 0 : i32
      %dma_wait3A_2289 = arith.constant 0 : i32
      %dma_wait3A_2290 = tpu.memref_slice %arg4[%dma_wait3A_2280, %dma_wait3A_2288, %dma_wait3A_2289] : memref<16384x24x128xf32, #tpu.memory_space<hbm>> -> memref<1x20x64xf32, #tpu.memory_space<hbm>>
      %dma_wait3A_2291 = tpu.memref_squeeze %dma_wait3A_2290 : memref<1x20x64xf32, #tpu.memory_space<hbm>> -> memref<20x64xf32, #tpu.memory_space<hbm>>
      %dma_wait3A_2292 = arith.constant 580 : i32
      %dma_wait3A_2293 = arith.constant 0 : i32
      %dma_wait3A_2294 = tpu.memref_slice %arg6[%dma_wait3A_2292, %dma_wait3A_2293] : memref<640x64xf32, #tpu.memory_space<vmem>> -> memref<20x64xf32, #tpu.memory_space<vmem>>
      tpu.wait_dma2 semaphore(%arg10 : memref<!tpu.dma_semaphore, #tpu.memory_space<semaphore_mem>>) src(%dma_wait3A_2294 : memref<20x64xf32, #tpu.memory_space<vmem>>) dst(%dma_wait3A_2291 : memref<20x64xf32, #tpu.memory_space<hbm>>)
      %dma_wait3A_2295 = arith.constant 0 : i32
      %dma_wait3A_2296 = arith.constant 600 : i32
      %dma_wait3A_2297 = arith.constant 0 : i32
      %dma_wait3A_2298 = tpu.memref_slice %arg6[%dma_wait3A_2296, %dma_wait3A_2297] : memref<640x64xf32, #tpu.memory_space<vmem>> -> memref<20x64xf32, #tpu.memory_space<vmem>>
      %dma_wait3A_2299 = arith.constant 0 : i32
      %dma_wait3A_2300 = arith.constant 0 : i32
      %dma_wait3A_2301 = tpu.memref_slice %arg4[%dma_wait3A_2295, %dma_wait3A_2299, %dma_wait3A_2300] : memref<16384x24x128xf32, #tpu.memory_space<hbm>> -> memref<1x20x64xf32, #tpu.memory_space<hbm>>
      %dma_wait3A_2302 = tpu.memref_squeeze %dma_wait3A_2301 : memref<1x20x64xf32, #tpu.memory_space<hbm>> -> memref<20x64xf32, #tpu.memory_space<hbm>>
      %dma_wait3A_2303 = arith.constant 0 : i32
      %dma_wait3A_2304 = arith.constant 0 : i32
      %dma_wait3A_2305 = tpu.memref_slice %arg4[%dma_wait3A_2295, %dma_wait3A_2303, %dma_wait3A_2304] : memref<16384x24x128xf32, #tpu.memory_space<hbm>> -> memref<1x20x64xf32, #tpu.memory_space<hbm>>
      %dma_wait3A_2306 = tpu.memref_squeeze %dma_wait3A_2305 : memref<1x20x64xf32, #tpu.memory_space<hbm>> -> memref<20x64xf32, #tpu.memory_space<hbm>>
      %dma_wait3A_2307 = arith.constant 600 : i32
      %dma_wait3A_2308 = arith.constant 0 : i32
      %dma_wait3A_2309 = tpu.memref_slice %arg6[%dma_wait3A_2307, %dma_wait3A_2308] : memref<640x64xf32, #tpu.memory_space<vmem>> -> memref<20x64xf32, #tpu.memory_space<vmem>>
      tpu.wait_dma2 semaphore(%arg10 : memref<!tpu.dma_semaphore, #tpu.memory_space<semaphore_mem>>) src(%dma_wait3A_2309 : memref<20x64xf32, #tpu.memory_space<vmem>>) dst(%dma_wait3A_2306 : memref<20x64xf32, #tpu.memory_space<hbm>>)
      %dma_wait3A_2310 = arith.constant 0 : i32
      %dma_wait3A_2311 = arith.constant 620 : i32
      %dma_wait3A_2312 = arith.constant 0 : i32
      %dma_wait3A_2313 = tpu.memref_slice %arg6[%dma_wait3A_2311, %dma_wait3A_2312] : memref<640x64xf32, #tpu.memory_space<vmem>> -> memref<20x64xf32, #tpu.memory_space<vmem>>
      %dma_wait3A_2314 = arith.constant 0 : i32
      %dma_wait3A_2315 = arith.constant 0 : i32
      %dma_wait3A_2316 = tpu.memref_slice %arg4[%dma_wait3A_2310, %dma_wait3A_2314, %dma_wait3A_2315] : memref<16384x24x128xf32, #tpu.memory_space<hbm>> -> memref<1x20x64xf32, #tpu.memory_space<hbm>>
      %dma_wait3A_2317 = tpu.memref_squeeze %dma_wait3A_2316 : memref<1x20x64xf32, #tpu.memory_space<hbm>> -> memref<20x64xf32, #tpu.memory_space<hbm>>
      %dma_wait3A_2318 = arith.constant 0 : i32
      %dma_wait3A_2319 = arith.constant 0 : i32
      %dma_wait3A_2320 = tpu.memref_slice %arg4[%dma_wait3A_2310, %dma_wait3A_2318, %dma_wait3A_2319] : memref<16384x24x128xf32, #tpu.memory_space<hbm>> -> memref<1x20x64xf32, #tpu.memory_space<hbm>>
      %dma_wait3A_2321 = tpu.memref_squeeze %dma_wait3A_2320 : memref<1x20x64xf32, #tpu.memory_space<hbm>> -> memref<20x64xf32, #tpu.memory_space<hbm>>
      %dma_wait3A_2322 = arith.constant 620 : i32
      %dma_wait3A_2323 = arith.constant 0 : i32
      %dma_wait3A_2324 = tpu.memref_slice %arg6[%dma_wait3A_2322, %dma_wait3A_2323] : memref<640x64xf32, #tpu.memory_space<vmem>> -> memref<20x64xf32, #tpu.memory_space<vmem>>
      tpu.wait_dma2 semaphore(%arg10 : memref<!tpu.dma_semaphore, #tpu.memory_space<semaphore_mem>>) src(%dma_wait3A_2324 : memref<20x64xf32, #tpu.memory_space<vmem>>) dst(%dma_wait3A_2321 : memref<20x64xf32, #tpu.memory_space<hbm>>)
      %lt3A = arith.constant 7 : i32
      %lt3A_2325 = arith.cmpi slt, %scan3A_806, %lt3A : i32
      %convert_element_type3A_2326 = arith.extui %lt3A_2325 : i1 to i32
      %cond3A_2327 = arith.constant 0 : i32
      %cond3A_2328 = arith.cmpi ne, %convert_element_type3A_2326, %cond3A_2327 : i32
      scf.if %cond3A_2328 {
        %mul3A_2947 = arith.constant 2 : i32
        %mul3A_2948 = arith.muli %mul3A_2947, %scan3A_806 : i32
        %add3A_2949 = arith.constant 2 : i32
        %add3A_2950 = arith.addi %mul3A_2948, %add3A_2949 : i32
        %mul3A_2951 = arith.constant 32 : i32
        %mul3A_2952 = arith.muli %add3A_2950, %mul3A_2951 : i32
        %add3A_2953 = arith.constant 0 : i32
        %add3A_2954 = arith.addi %mul3A_2952, %add3A_2953 : i32
        %dma_start3A_2955 = arith.constant 0 : i32
        %dma_start3A_2956 = arith.constant 0 : i32
        %dma_start3A_2957 = tpu.memref_slice %arg6[%dma_start3A_2955, %dma_start3A_2956] : memref<640x64xf32, #tpu.memory_space<vmem>> -> memref<20x64xf32, #tpu.memory_space<vmem>>
        %dma_start3A_2958 = arith.constant 0 : i32
        %dma_start3A_2959 = tpu.memref_slice %arg5[%add3A_2954, %dma_start3A_2958] : memref<512x20xi32, #tpu.memory_space<vmem>> -> memref<1x20xi32, #tpu.memory_space<vmem>>
        %dma_start3A_2960 = tpu.memref_squeeze %dma_start3A_2959 : memref<1x20xi32, #tpu.memory_space<vmem>> -> memref<20xi32, #tpu.memory_space<vmem>>
        %dma_start3A_2961 = arith.constant 0 : i32
        %dma_start3A_2962 = arith.constant 0 : i32
        %dma_start3A_2963 = tpu.memref_slice %arg3[%dma_start3A_2961, %dma_start3A_2962] : memref<100001x64xf32, #tpu.memory_space<hbm>> -> memref<100001x64xf32, #tpu.memory_space<hbm>>
        tpu.enqueue_indirect_dma source(%dma_start3A_2963 : memref<100001x64xf32, #tpu.memory_space<hbm>>) target(%dma_start3A_2957 : memref<20x64xf32, #tpu.memory_space<vmem>>) offsets(%dma_start3A_2960 : memref<20xi32, #tpu.memory_space<vmem>>) semaphore(%arg8 : memref<!tpu.dma_semaphore, #tpu.memory_space<semaphore_mem>>)
        %mul3A_2964 = arith.constant 32 : i32
        %mul3A_2965 = arith.muli %add3A_2950, %mul3A_2964 : i32
        %add3A_2966 = arith.constant 1 : i32
        %add3A_2967 = arith.addi %mul3A_2965, %add3A_2966 : i32
        %dma_start3A_2968 = arith.constant 20 : i32
        %dma_start3A_2969 = arith.constant 0 : i32
        %dma_start3A_2970 = tpu.memref_slice %arg6[%dma_start3A_2968, %dma_start3A_2969] : memref<640x64xf32, #tpu.memory_space<vmem>> -> memref<20x64xf32, #tpu.memory_space<vmem>>
        %dma_start3A_2971 = arith.constant 0 : i32
        %dma_start3A_2972 = tpu.memref_slice %arg5[%add3A_2967, %dma_start3A_2971] : memref<512x20xi32, #tpu.memory_space<vmem>> -> memref<1x20xi32, #tpu.memory_space<vmem>>
        %dma_start3A_2973 = tpu.memref_squeeze %dma_start3A_2972 : memref<1x20xi32, #tpu.memory_space<vmem>> -> memref<20xi32, #tpu.memory_space<vmem>>
        %dma_start3A_2974 = arith.constant 0 : i32
        %dma_start3A_2975 = arith.constant 0 : i32
        %dma_start3A_2976 = tpu.memref_slice %arg3[%dma_start3A_2974, %dma_start3A_2975] : memref<100001x64xf32, #tpu.memory_space<hbm>> -> memref<100001x64xf32, #tpu.memory_space<hbm>>
        tpu.enqueue_indirect_dma source(%dma_start3A_2976 : memref<100001x64xf32, #tpu.memory_space<hbm>>) target(%dma_start3A_2970 : memref<20x64xf32, #tpu.memory_space<vmem>>) offsets(%dma_start3A_2973 : memref<20xi32, #tpu.memory_space<vmem>>) semaphore(%arg8 : memref<!tpu.dma_semaphore, #tpu.memory_space<semaphore_mem>>)
        %mul3A_2977 = arith.constant 32 : i32
        %mul3A_2978 = arith.muli %add3A_2950, %mul3A_2977 : i32
        %add3A_2979 = arith.constant 2 : i32
        %add3A_2980 = arith.addi %mul3A_2978, %add3A_2979 : i32
        %dma_start3A_2981 = arith.constant 40 : i32
        %dma_start3A_2982 = arith.constant 0 : i32
        %dma_start3A_2983 = tpu.memref_slice %arg6[%dma_start3A_2981, %dma_start3A_2982] : memref<640x64xf32, #tpu.memory_space<vmem>> -> memref<20x64xf32, #tpu.memory_space<vmem>>
        %dma_start3A_2984 = arith.constant 0 : i32
        %dma_start3A_2985 = tpu.memref_slice %arg5[%add3A_2980, %dma_start3A_2984] : memref<512x20xi32, #tpu.memory_space<vmem>> -> memref<1x20xi32, #tpu.memory_space<vmem>>
        %dma_start3A_2986 = tpu.memref_squeeze %dma_start3A_2985 : memref<1x20xi32, #tpu.memory_space<vmem>> -> memref<20xi32, #tpu.memory_space<vmem>>
        %dma_start3A_2987 = arith.constant 0 : i32
        %dma_start3A_2988 = arith.constant 0 : i32
        %dma_start3A_2989 = tpu.memref_slice %arg3[%dma_start3A_2987, %dma_start3A_2988] : memref<100001x64xf32, #tpu.memory_space<hbm>> -> memref<100001x64xf32, #tpu.memory_space<hbm>>
        tpu.enqueue_indirect_dma source(%dma_start3A_2989 : memref<100001x64xf32, #tpu.memory_space<hbm>>) target(%dma_start3A_2983 : memref<20x64xf32, #tpu.memory_space<vmem>>) offsets(%dma_start3A_2986 : memref<20xi32, #tpu.memory_space<vmem>>) semaphore(%arg8 : memref<!tpu.dma_semaphore, #tpu.memory_space<semaphore_mem>>)
        %mul3A_2990 = arith.constant 32 : i32
        %mul3A_2991 = arith.muli %add3A_2950, %mul3A_2990 : i32
        %add3A_2992 = arith.constant 3 : i32
        %add3A_2993 = arith.addi %mul3A_2991, %add3A_2992 : i32
        %dma_start3A_2994 = arith.constant 60 : i32
        %dma_start3A_2995 = arith.constant 0 : i32
        %dma_start3A_2996 = tpu.memref_slice %arg6[%dma_start3A_2994, %dma_start3A_2995] : memref<640x64xf32, #tpu.memory_space<vmem>> -> memref<20x64xf32, #tpu.memory_space<vmem>>
        %dma_start3A_2997 = arith.constant 0 : i32
        %dma_start3A_2998 = tpu.memref_slice %arg5[%add3A_2993, %dma_start3A_2997] : memref<512x20xi32, #tpu.memory_space<vmem>> -> memref<1x20xi32, #tpu.memory_space<vmem>>
        %dma_start3A_2999 = tpu.memref_squeeze %dma_start3A_2998 : memref<1x20xi32, #tpu.memory_space<vmem>> -> memref<20xi32, #tpu.memory_space<vmem>>
        %dma_start3A_3000 = arith.constant 0 : i32
        %dma_start3A_3001 = arith.constant 0 : i32
        %dma_start3A_3002 = tpu.memref_slice %arg3[%dma_start3A_3000, %dma_start3A_3001] : memref<100001x64xf32, #tpu.memory_space<hbm>> -> memref<100001x64xf32, #tpu.memory_space<hbm>>
        tpu.enqueue_indirect_dma source(%dma_start3A_3002 : memref<100001x64xf32, #tpu.memory_space<hbm>>) target(%dma_start3A_2996 : memref<20x64xf32, #tpu.memory_space<vmem>>) offsets(%dma_start3A_2999 : memref<20xi32, #tpu.memory_space<vmem>>) semaphore(%arg8 : memref<!tpu.dma_semaphore, #tpu.memory_space<semaphore_mem>>)
        %mul3A_3003 = arith.constant 32 : i32
        %mul3A_3004 = arith.muli %add3A_2950, %mul3A_3003 : i32
        %add3A_3005 = arith.constant 4 : i32
        %add3A_3006 = arith.addi %mul3A_3004, %add3A_3005 : i32
        %dma_start3A_3007 = arith.constant 80 : i32
        %dma_start3A_3008 = arith.constant 0 : i32
        %dma_start3A_3009 = tpu.memref_slice %arg6[%dma_start3A_3007, %dma_start3A_3008] : memref<640x64xf32, #tpu.memory_space<vmem>> -> memref<20x64xf32, #tpu.memory_space<vmem>>
        %dma_start3A_3010 = arith.constant 0 : i32
        %dma_start3A_3011 = tpu.memref_slice %arg5[%add3A_3006, %dma_start3A_3010] : memref<512x20xi32, #tpu.memory_space<vmem>> -> memref<1x20xi32, #tpu.memory_space<vmem>>
        %dma_start3A_3012 = tpu.memref_squeeze %dma_start3A_3011 : memref<1x20xi32, #tpu.memory_space<vmem>> -> memref<20xi32, #tpu.memory_space<vmem>>
        %dma_start3A_3013 = arith.constant 0 : i32
        %dma_start3A_3014 = arith.constant 0 : i32
        %dma_start3A_3015 = tpu.memref_slice %arg3[%dma_start3A_3013, %dma_start3A_3014] : memref<100001x64xf32, #tpu.memory_space<hbm>> -> memref<100001x64xf32, #tpu.memory_space<hbm>>
        tpu.enqueue_indirect_dma source(%dma_start3A_3015 : memref<100001x64xf32, #tpu.memory_space<hbm>>) target(%dma_start3A_3009 : memref<20x64xf32, #tpu.memory_space<vmem>>) offsets(%dma_start3A_3012 : memref<20xi32, #tpu.memory_space<vmem>>) semaphore(%arg8 : memref<!tpu.dma_semaphore, #tpu.memory_space<semaphore_mem>>)
        %mul3A_3016 = arith.constant 32 : i32
        %mul3A_3017 = arith.muli %add3A_2950, %mul3A_3016 : i32
        %add3A_3018 = arith.constant 5 : i32
        %add3A_3019 = arith.addi %mul3A_3017, %add3A_3018 : i32
        %dma_start3A_3020 = arith.constant 100 : i32
        %dma_start3A_3021 = arith.constant 0 : i32
        %dma_start3A_3022 = tpu.memref_slice %arg6[%dma_start3A_3020, %dma_start3A_3021] : memref<640x64xf32, #tpu.memory_space<vmem>> -> memref<20x64xf32, #tpu.memory_space<vmem>>
        %dma_start3A_3023 = arith.constant 0 : i32
        %dma_start3A_3024 = tpu.memref_slice %arg5[%add3A_3019, %dma_start3A_3023] : memref<512x20xi32, #tpu.memory_space<vmem>> -> memref<1x20xi32, #tpu.memory_space<vmem>>
        %dma_start3A_3025 = tpu.memref_squeeze %dma_start3A_3024 : memref<1x20xi32, #tpu.memory_space<vmem>> -> memref<20xi32, #tpu.memory_space<vmem>>
        %dma_start3A_3026 = arith.constant 0 : i32
        %dma_start3A_3027 = arith.constant 0 : i32
        %dma_start3A_3028 = tpu.memref_slice %arg3[%dma_start3A_3026, %dma_start3A_3027] : memref<100001x64xf32, #tpu.memory_space<hbm>> -> memref<100001x64xf32, #tpu.memory_space<hbm>>
        tpu.enqueue_indirect_dma source(%dma_start3A_3028 : memref<100001x64xf32, #tpu.memory_space<hbm>>) target(%dma_start3A_3022 : memref<20x64xf32, #tpu.memory_space<vmem>>) offsets(%dma_start3A_3025 : memref<20xi32, #tpu.memory_space<vmem>>) semaphore(%arg8 : memref<!tpu.dma_semaphore, #tpu.memory_space<semaphore_mem>>)
        %mul3A_3029 = arith.constant 32 : i32
        %mul3A_3030 = arith.muli %add3A_2950, %mul3A_3029 : i32
        %add3A_3031 = arith.constant 6 : i32
        %add3A_3032 = arith.addi %mul3A_3030, %add3A_3031 : i32
        %dma_start3A_3033 = arith.constant 120 : i32
        %dma_start3A_3034 = arith.constant 0 : i32
        %dma_start3A_3035 = tpu.memref_slice %arg6[%dma_start3A_3033, %dma_start3A_3034] : memref<640x64xf32, #tpu.memory_space<vmem>> -> memref<20x64xf32, #tpu.memory_space<vmem>>
        %dma_start3A_3036 = arith.constant 0 : i32
        %dma_start3A_3037 = tpu.memref_slice %arg5[%add3A_3032, %dma_start3A_3036] : memref<512x20xi32, #tpu.memory_space<vmem>> -> memref<1x20xi32, #tpu.memory_space<vmem>>
        %dma_start3A_3038 = tpu.memref_squeeze %dma_start3A_3037 : memref<1x20xi32, #tpu.memory_space<vmem>> -> memref<20xi32, #tpu.memory_space<vmem>>
        %dma_start3A_3039 = arith.constant 0 : i32
        %dma_start3A_3040 = arith.constant 0 : i32
        %dma_start3A_3041 = tpu.memref_slice %arg3[%dma_start3A_3039, %dma_start3A_3040] : memref<100001x64xf32, #tpu.memory_space<hbm>> -> memref<100001x64xf32, #tpu.memory_space<hbm>>
        tpu.enqueue_indirect_dma source(%dma_start3A_3041 : memref<100001x64xf32, #tpu.memory_space<hbm>>) target(%dma_start3A_3035 : memref<20x64xf32, #tpu.memory_space<vmem>>) offsets(%dma_start3A_3038 : memref<20xi32, #tpu.memory_space<vmem>>) semaphore(%arg8 : memref<!tpu.dma_semaphore, #tpu.memory_space<semaphore_mem>>)
        %mul3A_3042 = arith.constant 32 : i32
        %mul3A_3043 = arith.muli %add3A_2950, %mul3A_3042 : i32
        %add3A_3044 = arith.constant 7 : i32
        %add3A_3045 = arith.addi %mul3A_3043, %add3A_3044 : i32
        %dma_start3A_3046 = arith.constant 140 : i32
        %dma_start3A_3047 = arith.constant 0 : i32
        %dma_start3A_3048 = tpu.memref_slice %arg6[%dma_start3A_3046, %dma_start3A_3047] : memref<640x64xf32, #tpu.memory_space<vmem>> -> memref<20x64xf32, #tpu.memory_space<vmem>>
        %dma_start3A_3049 = arith.constant 0 : i32
        %dma_start3A_3050 = tpu.memref_slice %arg5[%add3A_3045, %dma_start3A_3049] : memref<512x20xi32, #tpu.memory_space<vmem>> -> memref<1x20xi32, #tpu.memory_space<vmem>>
        %dma_start3A_3051 = tpu.memref_squeeze %dma_start3A_3050 : memref<1x20xi32, #tpu.memory_space<vmem>> -> memref<20xi32, #tpu.memory_space<vmem>>
        %dma_start3A_3052 = arith.constant 0 : i32
        %dma_start3A_3053 = arith.constant 0 : i32
        %dma_start3A_3054 = tpu.memref_slice %arg3[%dma_start3A_3052, %dma_start3A_3053] : memref<100001x64xf32, #tpu.memory_space<hbm>> -> memref<100001x64xf32, #tpu.memory_space<hbm>>
        tpu.enqueue_indirect_dma source(%dma_start3A_3054 : memref<100001x64xf32, #tpu.memory_space<hbm>>) target(%dma_start3A_3048 : memref<20x64xf32, #tpu.memory_space<vmem>>) offsets(%dma_start3A_3051 : memref<20xi32, #tpu.memory_space<vmem>>) semaphore(%arg8 : memref<!tpu.dma_semaphore, #tpu.memory_space<semaphore_mem>>)
        %mul3A_3055 = arith.constant 32 : i32
        %mul3A_3056 = arith.muli %add3A_2950, %mul3A_3055 : i32
        %add3A_3057 = arith.constant 8 : i32
        %add3A_3058 = arith.addi %mul3A_3056, %add3A_3057 : i32
        %dma_start3A_3059 = arith.constant 160 : i32
        %dma_start3A_3060 = arith.constant 0 : i32
        %dma_start3A_3061 = tpu.memref_slice %arg6[%dma_start3A_3059, %dma_start3A_3060] : memref<640x64xf32, #tpu.memory_space<vmem>> -> memref<20x64xf32, #tpu.memory_space<vmem>>
        %dma_start3A_3062 = arith.constant 0 : i32
        %dma_start3A_3063 = tpu.memref_slice %arg5[%add3A_3058, %dma_start3A_3062] : memref<512x20xi32, #tpu.memory_space<vmem>> -> memref<1x20xi32, #tpu.memory_space<vmem>>
        %dma_start3A_3064 = tpu.memref_squeeze %dma_start3A_3063 : memref<1x20xi32, #tpu.memory_space<vmem>> -> memref<20xi32, #tpu.memory_space<vmem>>
        %dma_start3A_3065 = arith.constant 0 : i32
        %dma_start3A_3066 = arith.constant 0 : i32
        %dma_start3A_3067 = tpu.memref_slice %arg3[%dma_start3A_3065, %dma_start3A_3066] : memref<100001x64xf32, #tpu.memory_space<hbm>> -> memref<100001x64xf32, #tpu.memory_space<hbm>>
        tpu.enqueue_indirect_dma source(%dma_start3A_3067 : memref<100001x64xf32, #tpu.memory_space<hbm>>) target(%dma_start3A_3061 : memref<20x64xf32, #tpu.memory_space<vmem>>) offsets(%dma_start3A_3064 : memref<20xi32, #tpu.memory_space<vmem>>) semaphore(%arg8 : memref<!tpu.dma_semaphore, #tpu.memory_space<semaphore_mem>>)
        %mul3A_3068 = arith.constant 32 : i32
        %mul3A_3069 = arith.muli %add3A_2950, %mul3A_3068 : i32
        %add3A_3070 = arith.constant 9 : i32
        %add3A_3071 = arith.addi %mul3A_3069, %add3A_3070 : i32
        %dma_start3A_3072 = arith.constant 180 : i32
        %dma_start3A_3073 = arith.constant 0 : i32
        %dma_start3A_3074 = tpu.memref_slice %arg6[%dma_start3A_3072, %dma_start3A_3073] : memref<640x64xf32, #tpu.memory_space<vmem>> -> memref<20x64xf32, #tpu.memory_space<vmem>>
        %dma_start3A_3075 = arith.constant 0 : i32
        %dma_start3A_3076 = tpu.memref_slice %arg5[%add3A_3071, %dma_start3A_3075] : memref<512x20xi32, #tpu.memory_space<vmem>> -> memref<1x20xi32, #tpu.memory_space<vmem>>
        %dma_start3A_3077 = tpu.memref_squeeze %dma_start3A_3076 : memref<1x20xi32, #tpu.memory_space<vmem>> -> memref<20xi32, #tpu.memory_space<vmem>>
        %dma_start3A_3078 = arith.constant 0 : i32
        %dma_start3A_3079 = arith.constant 0 : i32
        %dma_start3A_3080 = tpu.memref_slice %arg3[%dma_start3A_3078, %dma_start3A_3079] : memref<100001x64xf32, #tpu.memory_space<hbm>> -> memref<100001x64xf32, #tpu.memory_space<hbm>>
        tpu.enqueue_indirect_dma source(%dma_start3A_3080 : memref<100001x64xf32, #tpu.memory_space<hbm>>) target(%dma_start3A_3074 : memref<20x64xf32, #tpu.memory_space<vmem>>) offsets(%dma_start3A_3077 : memref<20xi32, #tpu.memory_space<vmem>>) semaphore(%arg8 : memref<!tpu.dma_semaphore, #tpu.memory_space<semaphore_mem>>)
        %mul3A_3081 = arith.constant 32 : i32
        %mul3A_3082 = arith.muli %add3A_2950, %mul3A_3081 : i32
        %add3A_3083 = arith.constant 10 : i32
        %add3A_3084 = arith.addi %mul3A_3082, %add3A_3083 : i32
        %dma_start3A_3085 = arith.constant 200 : i32
        %dma_start3A_3086 = arith.constant 0 : i32
        %dma_start3A_3087 = tpu.memref_slice %arg6[%dma_start3A_3085, %dma_start3A_3086] : memref<640x64xf32, #tpu.memory_space<vmem>> -> memref<20x64xf32, #tpu.memory_space<vmem>>
        %dma_start3A_3088 = arith.constant 0 : i32
        %dma_start3A_3089 = tpu.memref_slice %arg5[%add3A_3084, %dma_start3A_3088] : memref<512x20xi32, #tpu.memory_space<vmem>> -> memref<1x20xi32, #tpu.memory_space<vmem>>
        %dma_start3A_3090 = tpu.memref_squeeze %dma_start3A_3089 : memref<1x20xi32, #tpu.memory_space<vmem>> -> memref<20xi32, #tpu.memory_space<vmem>>
        %dma_start3A_3091 = arith.constant 0 : i32
        %dma_start3A_3092 = arith.constant 0 : i32
        %dma_start3A_3093 = tpu.memref_slice %arg3[%dma_start3A_3091, %dma_start3A_3092] : memref<100001x64xf32, #tpu.memory_space<hbm>> -> memref<100001x64xf32, #tpu.memory_space<hbm>>
        tpu.enqueue_indirect_dma source(%dma_start3A_3093 : memref<100001x64xf32, #tpu.memory_space<hbm>>) target(%dma_start3A_3087 : memref<20x64xf32, #tpu.memory_space<vmem>>) offsets(%dma_start3A_3090 : memref<20xi32, #tpu.memory_space<vmem>>) semaphore(%arg8 : memref<!tpu.dma_semaphore, #tpu.memory_space<semaphore_mem>>)
        %mul3A_3094 = arith.constant 32 : i32
        %mul3A_3095 = arith.muli %add3A_2950, %mul3A_3094 : i32
        %add3A_3096 = arith.constant 11 : i32
        %add3A_3097 = arith.addi %mul3A_3095, %add3A_3096 : i32
        %dma_start3A_3098 = arith.constant 220 : i32
        %dma_start3A_3099 = arith.constant 0 : i32
        %dma_start3A_3100 = tpu.memref_slice %arg6[%dma_start3A_3098, %dma_start3A_3099] : memref<640x64xf32, #tpu.memory_space<vmem>> -> memref<20x64xf32, #tpu.memory_space<vmem>>
        %dma_start3A_3101 = arith.constant 0 : i32
        %dma_start3A_3102 = tpu.memref_slice %arg5[%add3A_3097, %dma_start3A_3101] : memref<512x20xi32, #tpu.memory_space<vmem>> -> memref<1x20xi32, #tpu.memory_space<vmem>>
        %dma_start3A_3103 = tpu.memref_squeeze %dma_start3A_3102 : memref<1x20xi32, #tpu.memory_space<vmem>> -> memref<20xi32, #tpu.memory_space<vmem>>
        %dma_start3A_3104 = arith.constant 0 : i32
        %dma_start3A_3105 = arith.constant 0 : i32
        %dma_start3A_3106 = tpu.memref_slice %arg3[%dma_start3A_3104, %dma_start3A_3105] : memref<100001x64xf32, #tpu.memory_space<hbm>> -> memref<100001x64xf32, #tpu.memory_space<hbm>>
        tpu.enqueue_indirect_dma source(%dma_start3A_3106 : memref<100001x64xf32, #tpu.memory_space<hbm>>) target(%dma_start3A_3100 : memref<20x64xf32, #tpu.memory_space<vmem>>) offsets(%dma_start3A_3103 : memref<20xi32, #tpu.memory_space<vmem>>) semaphore(%arg8 : memref<!tpu.dma_semaphore, #tpu.memory_space<semaphore_mem>>)
        %mul3A_3107 = arith.constant 32 : i32
        %mul3A_3108 = arith.muli %add3A_2950, %mul3A_3107 : i32
        %add3A_3109 = arith.constant 12 : i32
        %add3A_3110 = arith.addi %mul3A_3108, %add3A_3109 : i32
        %dma_start3A_3111 = arith.constant 240 : i32
        %dma_start3A_3112 = arith.constant 0 : i32
        %dma_start3A_3113 = tpu.memref_slice %arg6[%dma_start3A_3111, %dma_start3A_3112] : memref<640x64xf32, #tpu.memory_space<vmem>> -> memref<20x64xf32, #tpu.memory_space<vmem>>
        %dma_start3A_3114 = arith.constant 0 : i32
        %dma_start3A_3115 = tpu.memref_slice %arg5[%add3A_3110, %dma_start3A_3114] : memref<512x20xi32, #tpu.memory_space<vmem>> -> memref<1x20xi32, #tpu.memory_space<vmem>>
        %dma_start3A_3116 = tpu.memref_squeeze %dma_start3A_3115 : memref<1x20xi32, #tpu.memory_space<vmem>> -> memref<20xi32, #tpu.memory_space<vmem>>
        %dma_start3A_3117 = arith.constant 0 : i32
        %dma_start3A_3118 = arith.constant 0 : i32
        %dma_start3A_3119 = tpu.memref_slice %arg3[%dma_start3A_3117, %dma_start3A_3118] : memref<100001x64xf32, #tpu.memory_space<hbm>> -> memref<100001x64xf32, #tpu.memory_space<hbm>>
        tpu.enqueue_indirect_dma source(%dma_start3A_3119 : memref<100001x64xf32, #tpu.memory_space<hbm>>) target(%dma_start3A_3113 : memref<20x64xf32, #tpu.memory_space<vmem>>) offsets(%dma_start3A_3116 : memref<20xi32, #tpu.memory_space<vmem>>) semaphore(%arg8 : memref<!tpu.dma_semaphore, #tpu.memory_space<semaphore_mem>>)
        %mul3A_3120 = arith.constant 32 : i32
        %mul3A_3121 = arith.muli %add3A_2950, %mul3A_3120 : i32
        %add3A_3122 = arith.constant 13 : i32
        %add3A_3123 = arith.addi %mul3A_3121, %add3A_3122 : i32
        %dma_start3A_3124 = arith.constant 260 : i32
        %dma_start3A_3125 = arith.constant 0 : i32
        %dma_start3A_3126 = tpu.memref_slice %arg6[%dma_start3A_3124, %dma_start3A_3125] : memref<640x64xf32, #tpu.memory_space<vmem>> -> memref<20x64xf32, #tpu.memory_space<vmem>>
        %dma_start3A_3127 = arith.constant 0 : i32
        %dma_start3A_3128 = tpu.memref_slice %arg5[%add3A_3123, %dma_start3A_3127] : memref<512x20xi32, #tpu.memory_space<vmem>> -> memref<1x20xi32, #tpu.memory_space<vmem>>
        %dma_start3A_3129 = tpu.memref_squeeze %dma_start3A_3128 : memref<1x20xi32, #tpu.memory_space<vmem>> -> memref<20xi32, #tpu.memory_space<vmem>>
        %dma_start3A_3130 = arith.constant 0 : i32
        %dma_start3A_3131 = arith.constant 0 : i32
        %dma_start3A_3132 = tpu.memref_slice %arg3[%dma_start3A_3130, %dma_start3A_3131] : memref<100001x64xf32, #tpu.memory_space<hbm>> -> memref<100001x64xf32, #tpu.memory_space<hbm>>
        tpu.enqueue_indirect_dma source(%dma_start3A_3132 : memref<100001x64xf32, #tpu.memory_space<hbm>>) target(%dma_start3A_3126 : memref<20x64xf32, #tpu.memory_space<vmem>>) offsets(%dma_start3A_3129 : memref<20xi32, #tpu.memory_space<vmem>>) semaphore(%arg8 : memref<!tpu.dma_semaphore, #tpu.memory_space<semaphore_mem>>)
        %mul3A_3133 = arith.constant 32 : i32
        %mul3A_3134 = arith.muli %add3A_2950, %mul3A_3133 : i32
        %add3A_3135 = arith.constant 14 : i32
        %add3A_3136 = arith.addi %mul3A_3134, %add3A_3135 : i32
        %dma_start3A_3137 = arith.constant 280 : i32
        %dma_start3A_3138 = arith.constant 0 : i32
        %dma_start3A_3139 = tpu.memref_slice %arg6[%dma_start3A_3137, %dma_start3A_3138] : memref<640x64xf32, #tpu.memory_space<vmem>> -> memref<20x64xf32, #tpu.memory_space<vmem>>
        %dma_start3A_3140 = arith.constant 0 : i32
        %dma_start3A_3141 = tpu.memref_slice %arg5[%add3A_3136, %dma_start3A_3140] : memref<512x20xi32, #tpu.memory_space<vmem>> -> memref<1x20xi32, #tpu.memory_space<vmem>>
        %dma_start3A_3142 = tpu.memref_squeeze %dma_start3A_3141 : memref<1x20xi32, #tpu.memory_space<vmem>> -> memref<20xi32, #tpu.memory_space<vmem>>
        %dma_start3A_3143 = arith.constant 0 : i32
        %dma_start3A_3144 = arith.constant 0 : i32
        %dma_start3A_3145 = tpu.memref_slice %arg3[%dma_start3A_3143, %dma_start3A_3144] : memref<100001x64xf32, #tpu.memory_space<hbm>> -> memref<100001x64xf32, #tpu.memory_space<hbm>>
        tpu.enqueue_indirect_dma source(%dma_start3A_3145 : memref<100001x64xf32, #tpu.memory_space<hbm>>) target(%dma_start3A_3139 : memref<20x64xf32, #tpu.memory_space<vmem>>) offsets(%dma_start3A_3142 : memref<20xi32, #tpu.memory_space<vmem>>) semaphore(%arg8 : memref<!tpu.dma_semaphore, #tpu.memory_space<semaphore_mem>>)
        %mul3A_3146 = arith.constant 32 : i32
        %mul3A_3147 = arith.muli %add3A_2950, %mul3A_3146 : i32
        %add3A_3148 = arith.constant 15 : i32
        %add3A_3149 = arith.addi %mul3A_3147, %add3A_3148 : i32
        %dma_start3A_3150 = arith.constant 300 : i32
        %dma_start3A_3151 = arith.constant 0 : i32
        %dma_start3A_3152 = tpu.memref_slice %arg6[%dma_start3A_3150, %dma_start3A_3151] : memref<640x64xf32, #tpu.memory_space<vmem>> -> memref<20x64xf32, #tpu.memory_space<vmem>>
        %dma_start3A_3153 = arith.constant 0 : i32
        %dma_start3A_3154 = tpu.memref_slice %arg5[%add3A_3149, %dma_start3A_3153] : memref<512x20xi32, #tpu.memory_space<vmem>> -> memref<1x20xi32, #tpu.memory_space<vmem>>
        %dma_start3A_3155 = tpu.memref_squeeze %dma_start3A_3154 : memref<1x20xi32, #tpu.memory_space<vmem>> -> memref<20xi32, #tpu.memory_space<vmem>>
        %dma_start3A_3156 = arith.constant 0 : i32
        %dma_start3A_3157 = arith.constant 0 : i32
        %dma_start3A_3158 = tpu.memref_slice %arg3[%dma_start3A_3156, %dma_start3A_3157] : memref<100001x64xf32, #tpu.memory_space<hbm>> -> memref<100001x64xf32, #tpu.memory_space<hbm>>
        tpu.enqueue_indirect_dma source(%dma_start3A_3158 : memref<100001x64xf32, #tpu.memory_space<hbm>>) target(%dma_start3A_3152 : memref<20x64xf32, #tpu.memory_space<vmem>>) offsets(%dma_start3A_3155 : memref<20xi32, #tpu.memory_space<vmem>>) semaphore(%arg8 : memref<!tpu.dma_semaphore, #tpu.memory_space<semaphore_mem>>)
        %mul3A_3159 = arith.constant 32 : i32
        %mul3A_3160 = arith.muli %add3A_2950, %mul3A_3159 : i32
        %add3A_3161 = arith.constant 16 : i32
        %add3A_3162 = arith.addi %mul3A_3160, %add3A_3161 : i32
        %dma_start3A_3163 = arith.constant 320 : i32
        %dma_start3A_3164 = arith.constant 0 : i32
        %dma_start3A_3165 = tpu.memref_slice %arg6[%dma_start3A_3163, %dma_start3A_3164] : memref<640x64xf32, #tpu.memory_space<vmem>> -> memref<20x64xf32, #tpu.memory_space<vmem>>
        %dma_start3A_3166 = arith.constant 0 : i32
        %dma_start3A_3167 = tpu.memref_slice %arg5[%add3A_3162, %dma_start3A_3166] : memref<512x20xi32, #tpu.memory_space<vmem>> -> memref<1x20xi32, #tpu.memory_space<vmem>>
        %dma_start3A_3168 = tpu.memref_squeeze %dma_start3A_3167 : memref<1x20xi32, #tpu.memory_space<vmem>> -> memref<20xi32, #tpu.memory_space<vmem>>
        %dma_start3A_3169 = arith.constant 0 : i32
        %dma_start3A_3170 = arith.constant 0 : i32
        %dma_start3A_3171 = tpu.memref_slice %arg3[%dma_start3A_3169, %dma_start3A_3170] : memref<100001x64xf32, #tpu.memory_space<hbm>> -> memref<100001x64xf32, #tpu.memory_space<hbm>>
        tpu.enqueue_indirect_dma source(%dma_start3A_3171 : memref<100001x64xf32, #tpu.memory_space<hbm>>) target(%dma_start3A_3165 : memref<20x64xf32, #tpu.memory_space<vmem>>) offsets(%dma_start3A_3168 : memref<20xi32, #tpu.memory_space<vmem>>) semaphore(%arg8 : memref<!tpu.dma_semaphore, #tpu.memory_space<semaphore_mem>>)
        %mul3A_3172 = arith.constant 32 : i32
        %mul3A_3173 = arith.muli %add3A_2950, %mul3A_3172 : i32
        %add3A_3174 = arith.constant 17 : i32
        %add3A_3175 = arith.addi %mul3A_3173, %add3A_3174 : i32
        %dma_start3A_3176 = arith.constant 340 : i32
        %dma_start3A_3177 = arith.constant 0 : i32
        %dma_start3A_3178 = tpu.memref_slice %arg6[%dma_start3A_3176, %dma_start3A_3177] : memref<640x64xf32, #tpu.memory_space<vmem>> -> memref<20x64xf32, #tpu.memory_space<vmem>>
        %dma_start3A_3179 = arith.constant 0 : i32
        %dma_start3A_3180 = tpu.memref_slice %arg5[%add3A_3175, %dma_start3A_3179] : memref<512x20xi32, #tpu.memory_space<vmem>> -> memref<1x20xi32, #tpu.memory_space<vmem>>
        %dma_start3A_3181 = tpu.memref_squeeze %dma_start3A_3180 : memref<1x20xi32, #tpu.memory_space<vmem>> -> memref<20xi32, #tpu.memory_space<vmem>>
        %dma_start3A_3182 = arith.constant 0 : i32
        %dma_start3A_3183 = arith.constant 0 : i32
        %dma_start3A_3184 = tpu.memref_slice %arg3[%dma_start3A_3182, %dma_start3A_3183] : memref<100001x64xf32, #tpu.memory_space<hbm>> -> memref<100001x64xf32, #tpu.memory_space<hbm>>
        tpu.enqueue_indirect_dma source(%dma_start3A_3184 : memref<100001x64xf32, #tpu.memory_space<hbm>>) target(%dma_start3A_3178 : memref<20x64xf32, #tpu.memory_space<vmem>>) offsets(%dma_start3A_3181 : memref<20xi32, #tpu.memory_space<vmem>>) semaphore(%arg8 : memref<!tpu.dma_semaphore, #tpu.memory_space<semaphore_mem>>)
        %mul3A_3185 = arith.constant 32 : i32
        %mul3A_3186 = arith.muli %add3A_2950, %mul3A_3185 : i32
        %add3A_3187 = arith.constant 18 : i32
        %add3A_3188 = arith.addi %mul3A_3186, %add3A_3187 : i32
        %dma_start3A_3189 = arith.constant 360 : i32
        %dma_start3A_3190 = arith.constant 0 : i32
        %dma_start3A_3191 = tpu.memref_slice %arg6[%dma_start3A_3189, %dma_start3A_3190] : memref<640x64xf32, #tpu.memory_space<vmem>> -> memref<20x64xf32, #tpu.memory_space<vmem>>
        %dma_start3A_3192 = arith.constant 0 : i32
        %dma_start3A_3193 = tpu.memref_slice %arg5[%add3A_3188, %dma_start3A_3192] : memref<512x20xi32, #tpu.memory_space<vmem>> -> memref<1x20xi32, #tpu.memory_space<vmem>>
        %dma_start3A_3194 = tpu.memref_squeeze %dma_start3A_3193 : memref<1x20xi32, #tpu.memory_space<vmem>> -> memref<20xi32, #tpu.memory_space<vmem>>
        %dma_start3A_3195 = arith.constant 0 : i32
        %dma_start3A_3196 = arith.constant 0 : i32
        %dma_start3A_3197 = tpu.memref_slice %arg3[%dma_start3A_3195, %dma_start3A_3196] : memref<100001x64xf32, #tpu.memory_space<hbm>> -> memref<100001x64xf32, #tpu.memory_space<hbm>>
        tpu.enqueue_indirect_dma source(%dma_start3A_3197 : memref<100001x64xf32, #tpu.memory_space<hbm>>) target(%dma_start3A_3191 : memref<20x64xf32, #tpu.memory_space<vmem>>) offsets(%dma_start3A_3194 : memref<20xi32, #tpu.memory_space<vmem>>) semaphore(%arg8 : memref<!tpu.dma_semaphore, #tpu.memory_space<semaphore_mem>>)
        %mul3A_3198 = arith.constant 32 : i32
        %mul3A_3199 = arith.muli %add3A_2950, %mul3A_3198 : i32
        %add3A_3200 = arith.constant 19 : i32
        %add3A_3201 = arith.addi %mul3A_3199, %add3A_3200 : i32
        %dma_start3A_3202 = arith.constant 380 : i32
        %dma_start3A_3203 = arith.constant 0 : i32
        %dma_start3A_3204 = tpu.memref_slice %arg6[%dma_start3A_3202, %dma_start3A_3203] : memref<640x64xf32, #tpu.memory_space<vmem>> -> memref<20x64xf32, #tpu.memory_space<vmem>>
        %dma_start3A_3205 = arith.constant 0 : i32
        %dma_start3A_3206 = tpu.memref_slice %arg5[%add3A_3201, %dma_start3A_3205] : memref<512x20xi32, #tpu.memory_space<vmem>> -> memref<1x20xi32, #tpu.memory_space<vmem>>
        %dma_start3A_3207 = tpu.memref_squeeze %dma_start3A_3206 : memref<1x20xi32, #tpu.memory_space<vmem>> -> memref<20xi32, #tpu.memory_space<vmem>>
        %dma_start3A_3208 = arith.constant 0 : i32
        %dma_start3A_3209 = arith.constant 0 : i32
        %dma_start3A_3210 = tpu.memref_slice %arg3[%dma_start3A_3208, %dma_start3A_3209] : memref<100001x64xf32, #tpu.memory_space<hbm>> -> memref<100001x64xf32, #tpu.memory_space<hbm>>
        tpu.enqueue_indirect_dma source(%dma_start3A_3210 : memref<100001x64xf32, #tpu.memory_space<hbm>>) target(%dma_start3A_3204 : memref<20x64xf32, #tpu.memory_space<vmem>>) offsets(%dma_start3A_3207 : memref<20xi32, #tpu.memory_space<vmem>>) semaphore(%arg8 : memref<!tpu.dma_semaphore, #tpu.memory_space<semaphore_mem>>)
        %mul3A_3211 = arith.constant 32 : i32
        %mul3A_3212 = arith.muli %add3A_2950, %mul3A_3211 : i32
        %add3A_3213 = arith.constant 20 : i32
        %add3A_3214 = arith.addi %mul3A_3212, %add3A_3213 : i32
        %dma_start3A_3215 = arith.constant 400 : i32
        %dma_start3A_3216 = arith.constant 0 : i32
        %dma_start3A_3217 = tpu.memref_slice %arg6[%dma_start3A_3215, %dma_start3A_3216] : memref<640x64xf32, #tpu.memory_space<vmem>> -> memref<20x64xf32, #tpu.memory_space<vmem>>
        %dma_start3A_3218 = arith.constant 0 : i32
        %dma_start3A_3219 = tpu.memref_slice %arg5[%add3A_3214, %dma_start3A_3218] : memref<512x20xi32, #tpu.memory_space<vmem>> -> memref<1x20xi32, #tpu.memory_space<vmem>>
        %dma_start3A_3220 = tpu.memref_squeeze %dma_start3A_3219 : memref<1x20xi32, #tpu.memory_space<vmem>> -> memref<20xi32, #tpu.memory_space<vmem>>
        %dma_start3A_3221 = arith.constant 0 : i32
        %dma_start3A_3222 = arith.constant 0 : i32
        %dma_start3A_3223 = tpu.memref_slice %arg3[%dma_start3A_3221, %dma_start3A_3222] : memref<100001x64xf32, #tpu.memory_space<hbm>> -> memref<100001x64xf32, #tpu.memory_space<hbm>>
        tpu.enqueue_indirect_dma source(%dma_start3A_3223 : memref<100001x64xf32, #tpu.memory_space<hbm>>) target(%dma_start3A_3217 : memref<20x64xf32, #tpu.memory_space<vmem>>) offsets(%dma_start3A_3220 : memref<20xi32, #tpu.memory_space<vmem>>) semaphore(%arg8 : memref<!tpu.dma_semaphore, #tpu.memory_space<semaphore_mem>>)
        %mul3A_3224 = arith.constant 32 : i32
        %mul3A_3225 = arith.muli %add3A_2950, %mul3A_3224 : i32
        %add3A_3226 = arith.constant 21 : i32
        %add3A_3227 = arith.addi %mul3A_3225, %add3A_3226 : i32
        %dma_start3A_3228 = arith.constant 420 : i32
        %dma_start3A_3229 = arith.constant 0 : i32
        %dma_start3A_3230 = tpu.memref_slice %arg6[%dma_start3A_3228, %dma_start3A_3229] : memref<640x64xf32, #tpu.memory_space<vmem>> -> memref<20x64xf32, #tpu.memory_space<vmem>>
        %dma_start3A_3231 = arith.constant 0 : i32
        %dma_start3A_3232 = tpu.memref_slice %arg5[%add3A_3227, %dma_start3A_3231] : memref<512x20xi32, #tpu.memory_space<vmem>> -> memref<1x20xi32, #tpu.memory_space<vmem>>
        %dma_start3A_3233 = tpu.memref_squeeze %dma_start3A_3232 : memref<1x20xi32, #tpu.memory_space<vmem>> -> memref<20xi32, #tpu.memory_space<vmem>>
        %dma_start3A_3234 = arith.constant 0 : i32
        %dma_start3A_3235 = arith.constant 0 : i32
        %dma_start3A_3236 = tpu.memref_slice %arg3[%dma_start3A_3234, %dma_start3A_3235] : memref<100001x64xf32, #tpu.memory_space<hbm>> -> memref<100001x64xf32, #tpu.memory_space<hbm>>
        tpu.enqueue_indirect_dma source(%dma_start3A_3236 : memref<100001x64xf32, #tpu.memory_space<hbm>>) target(%dma_start3A_3230 : memref<20x64xf32, #tpu.memory_space<vmem>>) offsets(%dma_start3A_3233 : memref<20xi32, #tpu.memory_space<vmem>>) semaphore(%arg8 : memref<!tpu.dma_semaphore, #tpu.memory_space<semaphore_mem>>)
        %mul3A_3237 = arith.constant 32 : i32
        %mul3A_3238 = arith.muli %add3A_2950, %mul3A_3237 : i32
        %add3A_3239 = arith.constant 22 : i32
        %add3A_3240 = arith.addi %mul3A_3238, %add3A_3239 : i32
        %dma_start3A_3241 = arith.constant 440 : i32
        %dma_start3A_3242 = arith.constant 0 : i32
        %dma_start3A_3243 = tpu.memref_slice %arg6[%dma_start3A_3241, %dma_start3A_3242] : memref<640x64xf32, #tpu.memory_space<vmem>> -> memref<20x64xf32, #tpu.memory_space<vmem>>
        %dma_start3A_3244 = arith.constant 0 : i32
        %dma_start3A_3245 = tpu.memref_slice %arg5[%add3A_3240, %dma_start3A_3244] : memref<512x20xi32, #tpu.memory_space<vmem>> -> memref<1x20xi32, #tpu.memory_space<vmem>>
        %dma_start3A_3246 = tpu.memref_squeeze %dma_start3A_3245 : memref<1x20xi32, #tpu.memory_space<vmem>> -> memref<20xi32, #tpu.memory_space<vmem>>
        %dma_start3A_3247 = arith.constant 0 : i32
        %dma_start3A_3248 = arith.constant 0 : i32
        %dma_start3A_3249 = tpu.memref_slice %arg3[%dma_start3A_3247, %dma_start3A_3248] : memref<100001x64xf32, #tpu.memory_space<hbm>> -> memref<100001x64xf32, #tpu.memory_space<hbm>>
        tpu.enqueue_indirect_dma source(%dma_start3A_3249 : memref<100001x64xf32, #tpu.memory_space<hbm>>) target(%dma_start3A_3243 : memref<20x64xf32, #tpu.memory_space<vmem>>) offsets(%dma_start3A_3246 : memref<20xi32, #tpu.memory_space<vmem>>) semaphore(%arg8 : memref<!tpu.dma_semaphore, #tpu.memory_space<semaphore_mem>>)
        %mul3A_3250 = arith.constant 32 : i32
        %mul3A_3251 = arith.muli %add3A_2950, %mul3A_3250 : i32
        %add3A_3252 = arith.constant 23 : i32
        %add3A_3253 = arith.addi %mul3A_3251, %add3A_3252 : i32
        %dma_start3A_3254 = arith.constant 460 : i32
        %dma_start3A_3255 = arith.constant 0 : i32
        %dma_start3A_3256 = tpu.memref_slice %arg6[%dma_start3A_3254, %dma_start3A_3255] : memref<640x64xf32, #tpu.memory_space<vmem>> -> memref<20x64xf32, #tpu.memory_space<vmem>>
        %dma_start3A_3257 = arith.constant 0 : i32
        %dma_start3A_3258 = tpu.memref_slice %arg5[%add3A_3253, %dma_start3A_3257] : memref<512x20xi32, #tpu.memory_space<vmem>> -> memref<1x20xi32, #tpu.memory_space<vmem>>
        %dma_start3A_3259 = tpu.memref_squeeze %dma_start3A_3258 : memref<1x20xi32, #tpu.memory_space<vmem>> -> memref<20xi32, #tpu.memory_space<vmem>>
        %dma_start3A_3260 = arith.constant 0 : i32
        %dma_start3A_3261 = arith.constant 0 : i32
        %dma_start3A_3262 = tpu.memref_slice %arg3[%dma_start3A_3260, %dma_start3A_3261] : memref<100001x64xf32, #tpu.memory_space<hbm>> -> memref<100001x64xf32, #tpu.memory_space<hbm>>
        tpu.enqueue_indirect_dma source(%dma_start3A_3262 : memref<100001x64xf32, #tpu.memory_space<hbm>>) target(%dma_start3A_3256 : memref<20x64xf32, #tpu.memory_space<vmem>>) offsets(%dma_start3A_3259 : memref<20xi32, #tpu.memory_space<vmem>>) semaphore(%arg8 : memref<!tpu.dma_semaphore, #tpu.memory_space<semaphore_mem>>)
        %mul3A_3263 = arith.constant 32 : i32
        %mul3A_3264 = arith.muli %add3A_2950, %mul3A_3263 : i32
        %add3A_3265 = arith.constant 24 : i32
        %add3A_3266 = arith.addi %mul3A_3264, %add3A_3265 : i32
        %dma_start3A_3267 = arith.constant 480 : i32
        %dma_start3A_3268 = arith.constant 0 : i32
        %dma_start3A_3269 = tpu.memref_slice %arg6[%dma_start3A_3267, %dma_start3A_3268] : memref<640x64xf32, #tpu.memory_space<vmem>> -> memref<20x64xf32, #tpu.memory_space<vmem>>
        %dma_start3A_3270 = arith.constant 0 : i32
        %dma_start3A_3271 = tpu.memref_slice %arg5[%add3A_3266, %dma_start3A_3270] : memref<512x20xi32, #tpu.memory_space<vmem>> -> memref<1x20xi32, #tpu.memory_space<vmem>>
        %dma_start3A_3272 = tpu.memref_squeeze %dma_start3A_3271 : memref<1x20xi32, #tpu.memory_space<vmem>> -> memref<20xi32, #tpu.memory_space<vmem>>
        %dma_start3A_3273 = arith.constant 0 : i32
        %dma_start3A_3274 = arith.constant 0 : i32
        %dma_start3A_3275 = tpu.memref_slice %arg3[%dma_start3A_3273, %dma_start3A_3274] : memref<100001x64xf32, #tpu.memory_space<hbm>> -> memref<100001x64xf32, #tpu.memory_space<hbm>>
        tpu.enqueue_indirect_dma source(%dma_start3A_3275 : memref<100001x64xf32, #tpu.memory_space<hbm>>) target(%dma_start3A_3269 : memref<20x64xf32, #tpu.memory_space<vmem>>) offsets(%dma_start3A_3272 : memref<20xi32, #tpu.memory_space<vmem>>) semaphore(%arg8 : memref<!tpu.dma_semaphore, #tpu.memory_space<semaphore_mem>>)
        %mul3A_3276 = arith.constant 32 : i32
        %mul3A_3277 = arith.muli %add3A_2950, %mul3A_3276 : i32
        %add3A_3278 = arith.constant 25 : i32
        %add3A_3279 = arith.addi %mul3A_3277, %add3A_3278 : i32
        %dma_start3A_3280 = arith.constant 500 : i32
        %dma_start3A_3281 = arith.constant 0 : i32
        %dma_start3A_3282 = tpu.memref_slice %arg6[%dma_start3A_3280, %dma_start3A_3281] : memref<640x64xf32, #tpu.memory_space<vmem>> -> memref<20x64xf32, #tpu.memory_space<vmem>>
        %dma_start3A_3283 = arith.constant 0 : i32
        %dma_start3A_3284 = tpu.memref_slice %arg5[%add3A_3279, %dma_start3A_3283] : memref<512x20xi32, #tpu.memory_space<vmem>> -> memref<1x20xi32, #tpu.memory_space<vmem>>
        %dma_start3A_3285 = tpu.memref_squeeze %dma_start3A_3284 : memref<1x20xi32, #tpu.memory_space<vmem>> -> memref<20xi32, #tpu.memory_space<vmem>>
        %dma_start3A_3286 = arith.constant 0 : i32
        %dma_start3A_3287 = arith.constant 0 : i32
        %dma_start3A_3288 = tpu.memref_slice %arg3[%dma_start3A_3286, %dma_start3A_3287] : memref<100001x64xf32, #tpu.memory_space<hbm>> -> memref<100001x64xf32, #tpu.memory_space<hbm>>
        tpu.enqueue_indirect_dma source(%dma_start3A_3288 : memref<100001x64xf32, #tpu.memory_space<hbm>>) target(%dma_start3A_3282 : memref<20x64xf32, #tpu.memory_space<vmem>>) offsets(%dma_start3A_3285 : memref<20xi32, #tpu.memory_space<vmem>>) semaphore(%arg8 : memref<!tpu.dma_semaphore, #tpu.memory_space<semaphore_mem>>)
        %mul3A_3289 = arith.constant 32 : i32
        %mul3A_3290 = arith.muli %add3A_2950, %mul3A_3289 : i32
        %add3A_3291 = arith.constant 26 : i32
        %add3A_3292 = arith.addi %mul3A_3290, %add3A_3291 : i32
        %dma_start3A_3293 = arith.constant 520 : i32
        %dma_start3A_3294 = arith.constant 0 : i32
        %dma_start3A_3295 = tpu.memref_slice %arg6[%dma_start3A_3293, %dma_start3A_3294] : memref<640x64xf32, #tpu.memory_space<vmem>> -> memref<20x64xf32, #tpu.memory_space<vmem>>
        %dma_start3A_3296 = arith.constant 0 : i32
        %dma_start3A_3297 = tpu.memref_slice %arg5[%add3A_3292, %dma_start3A_3296] : memref<512x20xi32, #tpu.memory_space<vmem>> -> memref<1x20xi32, #tpu.memory_space<vmem>>
        %dma_start3A_3298 = tpu.memref_squeeze %dma_start3A_3297 : memref<1x20xi32, #tpu.memory_space<vmem>> -> memref<20xi32, #tpu.memory_space<vmem>>
        %dma_start3A_3299 = arith.constant 0 : i32
        %dma_start3A_3300 = arith.constant 0 : i32
        %dma_start3A_3301 = tpu.memref_slice %arg3[%dma_start3A_3299, %dma_start3A_3300] : memref<100001x64xf32, #tpu.memory_space<hbm>> -> memref<100001x64xf32, #tpu.memory_space<hbm>>
        tpu.enqueue_indirect_dma source(%dma_start3A_3301 : memref<100001x64xf32, #tpu.memory_space<hbm>>) target(%dma_start3A_3295 : memref<20x64xf32, #tpu.memory_space<vmem>>) offsets(%dma_start3A_3298 : memref<20xi32, #tpu.memory_space<vmem>>) semaphore(%arg8 : memref<!tpu.dma_semaphore, #tpu.memory_space<semaphore_mem>>)
        %mul3A_3302 = arith.constant 32 : i32
        %mul3A_3303 = arith.muli %add3A_2950, %mul3A_3302 : i32
        %add3A_3304 = arith.constant 27 : i32
        %add3A_3305 = arith.addi %mul3A_3303, %add3A_3304 : i32
        %dma_start3A_3306 = arith.constant 540 : i32
        %dma_start3A_3307 = arith.constant 0 : i32
        %dma_start3A_3308 = tpu.memref_slice %arg6[%dma_start3A_3306, %dma_start3A_3307] : memref<640x64xf32, #tpu.memory_space<vmem>> -> memref<20x64xf32, #tpu.memory_space<vmem>>
        %dma_start3A_3309 = arith.constant 0 : i32
        %dma_start3A_3310 = tpu.memref_slice %arg5[%add3A_3305, %dma_start3A_3309] : memref<512x20xi32, #tpu.memory_space<vmem>> -> memref<1x20xi32, #tpu.memory_space<vmem>>
        %dma_start3A_3311 = tpu.memref_squeeze %dma_start3A_3310 : memref<1x20xi32, #tpu.memory_space<vmem>> -> memref<20xi32, #tpu.memory_space<vmem>>
        %dma_start3A_3312 = arith.constant 0 : i32
        %dma_start3A_3313 = arith.constant 0 : i32
        %dma_start3A_3314 = tpu.memref_slice %arg3[%dma_start3A_3312, %dma_start3A_3313] : memref<100001x64xf32, #tpu.memory_space<hbm>> -> memref<100001x64xf32, #tpu.memory_space<hbm>>
        tpu.enqueue_indirect_dma source(%dma_start3A_3314 : memref<100001x64xf32, #tpu.memory_space<hbm>>) target(%dma_start3A_3308 : memref<20x64xf32, #tpu.memory_space<vmem>>) offsets(%dma_start3A_3311 : memref<20xi32, #tpu.memory_space<vmem>>) semaphore(%arg8 : memref<!tpu.dma_semaphore, #tpu.memory_space<semaphore_mem>>)
        %mul3A_3315 = arith.constant 32 : i32
        %mul3A_3316 = arith.muli %add3A_2950, %mul3A_3315 : i32
        %add3A_3317 = arith.constant 28 : i32
        %add3A_3318 = arith.addi %mul3A_3316, %add3A_3317 : i32
        %dma_start3A_3319 = arith.constant 560 : i32
        %dma_start3A_3320 = arith.constant 0 : i32
        %dma_start3A_3321 = tpu.memref_slice %arg6[%dma_start3A_3319, %dma_start3A_3320] : memref<640x64xf32, #tpu.memory_space<vmem>> -> memref<20x64xf32, #tpu.memory_space<vmem>>
        %dma_start3A_3322 = arith.constant 0 : i32
        %dma_start3A_3323 = tpu.memref_slice %arg5[%add3A_3318, %dma_start3A_3322] : memref<512x20xi32, #tpu.memory_space<vmem>> -> memref<1x20xi32, #tpu.memory_space<vmem>>
        %dma_start3A_3324 = tpu.memref_squeeze %dma_start3A_3323 : memref<1x20xi32, #tpu.memory_space<vmem>> -> memref<20xi32, #tpu.memory_space<vmem>>
        %dma_start3A_3325 = arith.constant 0 : i32
        %dma_start3A_3326 = arith.constant 0 : i32
        %dma_start3A_3327 = tpu.memref_slice %arg3[%dma_start3A_3325, %dma_start3A_3326] : memref<100001x64xf32, #tpu.memory_space<hbm>> -> memref<100001x64xf32, #tpu.memory_space<hbm>>
        tpu.enqueue_indirect_dma source(%dma_start3A_3327 : memref<100001x64xf32, #tpu.memory_space<hbm>>) target(%dma_start3A_3321 : memref<20x64xf32, #tpu.memory_space<vmem>>) offsets(%dma_start3A_3324 : memref<20xi32, #tpu.memory_space<vmem>>) semaphore(%arg8 : memref<!tpu.dma_semaphore, #tpu.memory_space<semaphore_mem>>)
        %mul3A_3328 = arith.constant 32 : i32
        %mul3A_3329 = arith.muli %add3A_2950, %mul3A_3328 : i32
        %add3A_3330 = arith.constant 29 : i32
        %add3A_3331 = arith.addi %mul3A_3329, %add3A_3330 : i32
        %dma_start3A_3332 = arith.constant 580 : i32
        %dma_start3A_3333 = arith.constant 0 : i32
        %dma_start3A_3334 = tpu.memref_slice %arg6[%dma_start3A_3332, %dma_start3A_3333] : memref<640x64xf32, #tpu.memory_space<vmem>> -> memref<20x64xf32, #tpu.memory_space<vmem>>
        %dma_start3A_3335 = arith.constant 0 : i32
        %dma_start3A_3336 = tpu.memref_slice %arg5[%add3A_3331, %dma_start3A_3335] : memref<512x20xi32, #tpu.memory_space<vmem>> -> memref<1x20xi32, #tpu.memory_space<vmem>>
        %dma_start3A_3337 = tpu.memref_squeeze %dma_start3A_3336 : memref<1x20xi32, #tpu.memory_space<vmem>> -> memref<20xi32, #tpu.memory_space<vmem>>
        %dma_start3A_3338 = arith.constant 0 : i32
        %dma_start3A_3339 = arith.constant 0 : i32
        %dma_start3A_3340 = tpu.memref_slice %arg3[%dma_start3A_3338, %dma_start3A_3339] : memref<100001x64xf32, #tpu.memory_space<hbm>> -> memref<100001x64xf32, #tpu.memory_space<hbm>>
        tpu.enqueue_indirect_dma source(%dma_start3A_3340 : memref<100001x64xf32, #tpu.memory_space<hbm>>) target(%dma_start3A_3334 : memref<20x64xf32, #tpu.memory_space<vmem>>) offsets(%dma_start3A_3337 : memref<20xi32, #tpu.memory_space<vmem>>) semaphore(%arg8 : memref<!tpu.dma_semaphore, #tpu.memory_space<semaphore_mem>>)
        %mul3A_3341 = arith.constant 32 : i32
        %mul3A_3342 = arith.muli %add3A_2950, %mul3A_3341 : i32
        %add3A_3343 = arith.constant 30 : i32
        %add3A_3344 = arith.addi %mul3A_3342, %add3A_3343 : i32
        %dma_start3A_3345 = arith.constant 600 : i32
        %dma_start3A_3346 = arith.constant 0 : i32
        %dma_start3A_3347 = tpu.memref_slice %arg6[%dma_start3A_3345, %dma_start3A_3346] : memref<640x64xf32, #tpu.memory_space<vmem>> -> memref<20x64xf32, #tpu.memory_space<vmem>>
        %dma_start3A_3348 = arith.constant 0 : i32
        %dma_start3A_3349 = tpu.memref_slice %arg5[%add3A_3344, %dma_start3A_3348] : memref<512x20xi32, #tpu.memory_space<vmem>> -> memref<1x20xi32, #tpu.memory_space<vmem>>
        %dma_start3A_3350 = tpu.memref_squeeze %dma_start3A_3349 : memref<1x20xi32, #tpu.memory_space<vmem>> -> memref<20xi32, #tpu.memory_space<vmem>>
        %dma_start3A_3351 = arith.constant 0 : i32
        %dma_start3A_3352 = arith.constant 0 : i32
        %dma_start3A_3353 = tpu.memref_slice %arg3[%dma_start3A_3351, %dma_start3A_3352] : memref<100001x64xf32, #tpu.memory_space<hbm>> -> memref<100001x64xf32, #tpu.memory_space<hbm>>
        tpu.enqueue_indirect_dma source(%dma_start3A_3353 : memref<100001x64xf32, #tpu.memory_space<hbm>>) target(%dma_start3A_3347 : memref<20x64xf32, #tpu.memory_space<vmem>>) offsets(%dma_start3A_3350 : memref<20xi32, #tpu.memory_space<vmem>>) semaphore(%arg8 : memref<!tpu.dma_semaphore, #tpu.memory_space<semaphore_mem>>)
        %mul3A_3354 = arith.constant 32 : i32
        %mul3A_3355 = arith.muli %add3A_2950, %mul3A_3354 : i32
        %add3A_3356 = arith.constant 31 : i32
        %add3A_3357 = arith.addi %mul3A_3355, %add3A_3356 : i32
        %dma_start3A_3358 = arith.constant 620 : i32
        %dma_start3A_3359 = arith.constant 0 : i32
        %dma_start3A_3360 = tpu.memref_slice %arg6[%dma_start3A_3358, %dma_start3A_3359] : memref<640x64xf32, #tpu.memory_space<vmem>> -> memref<20x64xf32, #tpu.memory_space<vmem>>
        %dma_start3A_3361 = arith.constant 0 : i32
        %dma_start3A_3362 = tpu.memref_slice %arg5[%add3A_3357, %dma_start3A_3361] : memref<512x20xi32, #tpu.memory_space<vmem>> -> memref<1x20xi32, #tpu.memory_space<vmem>>
        %dma_start3A_3363 = tpu.memref_squeeze %dma_start3A_3362 : memref<1x20xi32, #tpu.memory_space<vmem>> -> memref<20xi32, #tpu.memory_space<vmem>>
        %dma_start3A_3364 = arith.constant 0 : i32
        %dma_start3A_3365 = arith.constant 0 : i32
        %dma_start3A_3366 = tpu.memref_slice %arg3[%dma_start3A_3364, %dma_start3A_3365] : memref<100001x64xf32, #tpu.memory_space<hbm>> -> memref<100001x64xf32, #tpu.memory_space<hbm>>
        tpu.enqueue_indirect_dma source(%dma_start3A_3366 : memref<100001x64xf32, #tpu.memory_space<hbm>>) target(%dma_start3A_3360 : memref<20x64xf32, #tpu.memory_space<vmem>>) offsets(%dma_start3A_3363 : memref<20xi32, #tpu.memory_space<vmem>>) semaphore(%arg8 : memref<!tpu.dma_semaphore, #tpu.memory_space<semaphore_mem>>)
      } else {
      }
      %dma_wait3A_2329 = arith.constant 0 : i32
      %dma_wait3A_2330 = arith.constant 0 : i32
      %dma_wait3A_2331 = tpu.memref_slice %arg3[%dma_wait3A_2329, %dma_wait3A_2330] : memref<100001x64xf32, #tpu.memory_space<hbm>> -> memref<640x64xf32, #tpu.memory_space<hbm>>
      %dma_wait3A_2332 = arith.constant 0 : i32
      %dma_wait3A_2333 = arith.constant 0 : i32
      %dma_wait3A_2334 = tpu.memref_slice %arg3[%dma_wait3A_2332, %dma_wait3A_2333] : memref<100001x64xf32, #tpu.memory_space<hbm>> -> memref<640x64xf32, #tpu.memory_space<hbm>>
      tpu.wait_dma2 semaphore(%arg9 : memref<!tpu.dma_semaphore, #tpu.memory_space<semaphore_mem>>) src(%dma_wait3A_2334 : memref<640x64xf32, #tpu.memory_space<hbm>>) dst(%arg7 : memref<640x64xf32, #tpu.memory_space<vmem>>)
      %mul3A_2335 = arith.constant 2 : i32
      %mul3A_2336 = arith.muli %mul3A_2335, %scan3A_806 : i32
      %add3A_2337 = arith.constant 1 : i32
      %add3A_2338 = arith.addi %mul3A_2336, %add3A_2337 : i32
      %mul3A_2339 = arith.constant 32 : i32
      %mul3A_2340 = arith.muli %add3A_2338, %mul3A_2339 : i32
      %add3A_2341 = arith.addi %mul3A_2, %mul3A_2340 : i32
      %add3A_2342 = arith.constant 0 : i32
      %add3A_2343 = arith.addi %add3A_2341, %add3A_2342 : i32
      %dma_start3A_2344 = arith.constant 0 : i32
      %dma_start3A_2345 = arith.constant 0 : i32
      %dma_start3A_2346 = tpu.memref_slice %arg7[%dma_start3A_2344, %dma_start3A_2345] : memref<640x64xf32, #tpu.memory_space<vmem>> -> memref<20x64xf32, #tpu.memory_space<vmem>>
      %dma_start3A_2347 = arith.constant 0 : i32
      %dma_start3A_2348 = arith.constant 0 : i32
      %dma_start3A_2349 = tpu.memref_slice %arg4[%add3A_2343, %dma_start3A_2347, %dma_start3A_2348] : memref<16384x24x128xf32, #tpu.memory_space<hbm>> -> memref<1x20x64xf32, #tpu.memory_space<hbm>>
      %dma_start3A_2350 = tpu.memref_squeeze %dma_start3A_2349 : memref<1x20x64xf32, #tpu.memory_space<hbm>> -> memref<20x64xf32, #tpu.memory_space<hbm>>
      %dma_start3A_2351 = arith.constant 0 : i32
      %dma_start3A_2352 = arith.constant 0 : i32
      %dma_start3A_2353 = tpu.memref_slice %arg4[%add3A_2343, %dma_start3A_2351, %dma_start3A_2352] : memref<16384x24x128xf32, #tpu.memory_space<hbm>> -> memref<1x20x64xf32, #tpu.memory_space<hbm>>
      %dma_start3A_2354 = tpu.memref_squeeze %dma_start3A_2353 : memref<1x20x64xf32, #tpu.memory_space<hbm>> -> memref<20x64xf32, #tpu.memory_space<hbm>>
      %dma_start3A_2355 = arith.constant 0 : i32
      %dma_start3A_2356 = arith.constant 0 : i32
      %dma_start3A_2357 = tpu.memref_slice %arg7[%dma_start3A_2355, %dma_start3A_2356] : memref<640x64xf32, #tpu.memory_space<vmem>> -> memref<20x64xf32, #tpu.memory_space<vmem>>
      tpu.enqueue_dma source(%dma_start3A_2357 : memref<20x64xf32, #tpu.memory_space<vmem>>) target(%dma_start3A_2354 : memref<20x64xf32, #tpu.memory_space<hbm>>) target_semaphore(%arg11 : memref<!tpu.dma_semaphore, #tpu.memory_space<semaphore_mem>>)
      %mul3A_2358 = arith.constant 32 : i32
      %mul3A_2359 = arith.muli %add3A_2338, %mul3A_2358 : i32
      %add3A_2360 = arith.addi %mul3A_2, %mul3A_2359 : i32
      %add3A_2361 = arith.constant 1 : i32
      %add3A_2362 = arith.addi %add3A_2360, %add3A_2361 : i32
      %dma_start3A_2363 = arith.constant 20 : i32
      %dma_start3A_2364 = arith.constant 0 : i32
      %dma_start3A_2365 = tpu.memref_slice %arg7[%dma_start3A_2363, %dma_start3A_2364] : memref<640x64xf32, #tpu.memory_space<vmem>> -> memref<20x64xf32, #tpu.memory_space<vmem>>
      %dma_start3A_2366 = arith.constant 0 : i32
      %dma_start3A_2367 = arith.constant 0 : i32
      %dma_start3A_2368 = tpu.memref_slice %arg4[%add3A_2362, %dma_start3A_2366, %dma_start3A_2367] : memref<16384x24x128xf32, #tpu.memory_space<hbm>> -> memref<1x20x64xf32, #tpu.memory_space<hbm>>
      %dma_start3A_2369 = tpu.memref_squeeze %dma_start3A_2368 : memref<1x20x64xf32, #tpu.memory_space<hbm>> -> memref<20x64xf32, #tpu.memory_space<hbm>>
      %dma_start3A_2370 = arith.constant 0 : i32
      %dma_start3A_2371 = arith.constant 0 : i32
      %dma_start3A_2372 = tpu.memref_slice %arg4[%add3A_2362, %dma_start3A_2370, %dma_start3A_2371] : memref<16384x24x128xf32, #tpu.memory_space<hbm>> -> memref<1x20x64xf32, #tpu.memory_space<hbm>>
      %dma_start3A_2373 = tpu.memref_squeeze %dma_start3A_2372 : memref<1x20x64xf32, #tpu.memory_space<hbm>> -> memref<20x64xf32, #tpu.memory_space<hbm>>
      %dma_start3A_2374 = arith.constant 20 : i32
      %dma_start3A_2375 = arith.constant 0 : i32
      %dma_start3A_2376 = tpu.memref_slice %arg7[%dma_start3A_2374, %dma_start3A_2375] : memref<640x64xf32, #tpu.memory_space<vmem>> -> memref<20x64xf32, #tpu.memory_space<vmem>>
      tpu.enqueue_dma source(%dma_start3A_2376 : memref<20x64xf32, #tpu.memory_space<vmem>>) target(%dma_start3A_2373 : memref<20x64xf32, #tpu.memory_space<hbm>>) target_semaphore(%arg11 : memref<!tpu.dma_semaphore, #tpu.memory_space<semaphore_mem>>)
      %mul3A_2377 = arith.constant 32 : i32
      %mul3A_2378 = arith.muli %add3A_2338, %mul3A_2377 : i32
      %add3A_2379 = arith.addi %mul3A_2, %mul3A_2378 : i32
      %add3A_2380 = arith.constant 2 : i32
      %add3A_2381 = arith.addi %add3A_2379, %add3A_2380 : i32
      %dma_start3A_2382 = arith.constant 40 : i32
      %dma_start3A_2383 = arith.constant 0 : i32
      %dma_start3A_2384 = tpu.memref_slice %arg7[%dma_start3A_2382, %dma_start3A_2383] : memref<640x64xf32, #tpu.memory_space<vmem>> -> memref<20x64xf32, #tpu.memory_space<vmem>>
      %dma_start3A_2385 = arith.constant 0 : i32
      %dma_start3A_2386 = arith.constant 0 : i32
      %dma_start3A_2387 = tpu.memref_slice %arg4[%add3A_2381, %dma_start3A_2385, %dma_start3A_2386] : memref<16384x24x128xf32, #tpu.memory_space<hbm>> -> memref<1x20x64xf32, #tpu.memory_space<hbm>>
      %dma_start3A_2388 = tpu.memref_squeeze %dma_start3A_2387 : memref<1x20x64xf32, #tpu.memory_space<hbm>> -> memref<20x64xf32, #tpu.memory_space<hbm>>
      %dma_start3A_2389 = arith.constant 0 : i32
      %dma_start3A_2390 = arith.constant 0 : i32
      %dma_start3A_2391 = tpu.memref_slice %arg4[%add3A_2381, %dma_start3A_2389, %dma_start3A_2390] : memref<16384x24x128xf32, #tpu.memory_space<hbm>> -> memref<1x20x64xf32, #tpu.memory_space<hbm>>
      %dma_start3A_2392 = tpu.memref_squeeze %dma_start3A_2391 : memref<1x20x64xf32, #tpu.memory_space<hbm>> -> memref<20x64xf32, #tpu.memory_space<hbm>>
      %dma_start3A_2393 = arith.constant 40 : i32
      %dma_start3A_2394 = arith.constant 0 : i32
      %dma_start3A_2395 = tpu.memref_slice %arg7[%dma_start3A_2393, %dma_start3A_2394] : memref<640x64xf32, #tpu.memory_space<vmem>> -> memref<20x64xf32, #tpu.memory_space<vmem>>
      tpu.enqueue_dma source(%dma_start3A_2395 : memref<20x64xf32, #tpu.memory_space<vmem>>) target(%dma_start3A_2392 : memref<20x64xf32, #tpu.memory_space<hbm>>) target_semaphore(%arg11 : memref<!tpu.dma_semaphore, #tpu.memory_space<semaphore_mem>>)
      %mul3A_2396 = arith.constant 32 : i32
      %mul3A_2397 = arith.muli %add3A_2338, %mul3A_2396 : i32
      %add3A_2398 = arith.addi %mul3A_2, %mul3A_2397 : i32
      %add3A_2399 = arith.constant 3 : i32
      %add3A_2400 = arith.addi %add3A_2398, %add3A_2399 : i32
      %dma_start3A_2401 = arith.constant 60 : i32
      %dma_start3A_2402 = arith.constant 0 : i32
      %dma_start3A_2403 = tpu.memref_slice %arg7[%dma_start3A_2401, %dma_start3A_2402] : memref<640x64xf32, #tpu.memory_space<vmem>> -> memref<20x64xf32, #tpu.memory_space<vmem>>
      %dma_start3A_2404 = arith.constant 0 : i32
      %dma_start3A_2405 = arith.constant 0 : i32
      %dma_start3A_2406 = tpu.memref_slice %arg4[%add3A_2400, %dma_start3A_2404, %dma_start3A_2405] : memref<16384x24x128xf32, #tpu.memory_space<hbm>> -> memref<1x20x64xf32, #tpu.memory_space<hbm>>
      %dma_start3A_2407 = tpu.memref_squeeze %dma_start3A_2406 : memref<1x20x64xf32, #tpu.memory_space<hbm>> -> memref<20x64xf32, #tpu.memory_space<hbm>>
      %dma_start3A_2408 = arith.constant 0 : i32
      %dma_start3A_2409 = arith.constant 0 : i32
      %dma_start3A_2410 = tpu.memref_slice %arg4[%add3A_2400, %dma_start3A_2408, %dma_start3A_2409] : memref<16384x24x128xf32, #tpu.memory_space<hbm>> -> memref<1x20x64xf32, #tpu.memory_space<hbm>>
      %dma_start3A_2411 = tpu.memref_squeeze %dma_start3A_2410 : memref<1x20x64xf32, #tpu.memory_space<hbm>> -> memref<20x64xf32, #tpu.memory_space<hbm>>
      %dma_start3A_2412 = arith.constant 60 : i32
      %dma_start3A_2413 = arith.constant 0 : i32
      %dma_start3A_2414 = tpu.memref_slice %arg7[%dma_start3A_2412, %dma_start3A_2413] : memref<640x64xf32, #tpu.memory_space<vmem>> -> memref<20x64xf32, #tpu.memory_space<vmem>>
      tpu.enqueue_dma source(%dma_start3A_2414 : memref<20x64xf32, #tpu.memory_space<vmem>>) target(%dma_start3A_2411 : memref<20x64xf32, #tpu.memory_space<hbm>>) target_semaphore(%arg11 : memref<!tpu.dma_semaphore, #tpu.memory_space<semaphore_mem>>)
      %mul3A_2415 = arith.constant 32 : i32
      %mul3A_2416 = arith.muli %add3A_2338, %mul3A_2415 : i32
      %add3A_2417 = arith.addi %mul3A_2, %mul3A_2416 : i32
      %add3A_2418 = arith.constant 4 : i32
      %add3A_2419 = arith.addi %add3A_2417, %add3A_2418 : i32
      %dma_start3A_2420 = arith.constant 80 : i32
      %dma_start3A_2421 = arith.constant 0 : i32
      %dma_start3A_2422 = tpu.memref_slice %arg7[%dma_start3A_2420, %dma_start3A_2421] : memref<640x64xf32, #tpu.memory_space<vmem>> -> memref<20x64xf32, #tpu.memory_space<vmem>>
      %dma_start3A_2423 = arith.constant 0 : i32
      %dma_start3A_2424 = arith.constant 0 : i32
      %dma_start3A_2425 = tpu.memref_slice %arg4[%add3A_2419, %dma_start3A_2423, %dma_start3A_2424] : memref<16384x24x128xf32, #tpu.memory_space<hbm>> -> memref<1x20x64xf32, #tpu.memory_space<hbm>>
      %dma_start3A_2426 = tpu.memref_squeeze %dma_start3A_2425 : memref<1x20x64xf32, #tpu.memory_space<hbm>> -> memref<20x64xf32, #tpu.memory_space<hbm>>
      %dma_start3A_2427 = arith.constant 0 : i32
      %dma_start3A_2428 = arith.constant 0 : i32
      %dma_start3A_2429 = tpu.memref_slice %arg4[%add3A_2419, %dma_start3A_2427, %dma_start3A_2428] : memref<16384x24x128xf32, #tpu.memory_space<hbm>> -> memref<1x20x64xf32, #tpu.memory_space<hbm>>
      %dma_start3A_2430 = tpu.memref_squeeze %dma_start3A_2429 : memref<1x20x64xf32, #tpu.memory_space<hbm>> -> memref<20x64xf32, #tpu.memory_space<hbm>>
      %dma_start3A_2431 = arith.constant 80 : i32
      %dma_start3A_2432 = arith.constant 0 : i32
      %dma_start3A_2433 = tpu.memref_slice %arg7[%dma_start3A_2431, %dma_start3A_2432] : memref<640x64xf32, #tpu.memory_space<vmem>> -> memref<20x64xf32, #tpu.memory_space<vmem>>
      tpu.enqueue_dma source(%dma_start3A_2433 : memref<20x64xf32, #tpu.memory_space<vmem>>) target(%dma_start3A_2430 : memref<20x64xf32, #tpu.memory_space<hbm>>) target_semaphore(%arg11 : memref<!tpu.dma_semaphore, #tpu.memory_space<semaphore_mem>>)
      %mul3A_2434 = arith.constant 32 : i32
      %mul3A_2435 = arith.muli %add3A_2338, %mul3A_2434 : i32
      %add3A_2436 = arith.addi %mul3A_2, %mul3A_2435 : i32
      %add3A_2437 = arith.constant 5 : i32
      %add3A_2438 = arith.addi %add3A_2436, %add3A_2437 : i32
      %dma_start3A_2439 = arith.constant 100 : i32
      %dma_start3A_2440 = arith.constant 0 : i32
      %dma_start3A_2441 = tpu.memref_slice %arg7[%dma_start3A_2439, %dma_start3A_2440] : memref<640x64xf32, #tpu.memory_space<vmem>> -> memref<20x64xf32, #tpu.memory_space<vmem>>
      %dma_start3A_2442 = arith.constant 0 : i32
      %dma_start3A_2443 = arith.constant 0 : i32
      %dma_start3A_2444 = tpu.memref_slice %arg4[%add3A_2438, %dma_start3A_2442, %dma_start3A_2443] : memref<16384x24x128xf32, #tpu.memory_space<hbm>> -> memref<1x20x64xf32, #tpu.memory_space<hbm>>
      %dma_start3A_2445 = tpu.memref_squeeze %dma_start3A_2444 : memref<1x20x64xf32, #tpu.memory_space<hbm>> -> memref<20x64xf32, #tpu.memory_space<hbm>>
      %dma_start3A_2446 = arith.constant 0 : i32
      %dma_start3A_2447 = arith.constant 0 : i32
      %dma_start3A_2448 = tpu.memref_slice %arg4[%add3A_2438, %dma_start3A_2446, %dma_start3A_2447] : memref<16384x24x128xf32, #tpu.memory_space<hbm>> -> memref<1x20x64xf32, #tpu.memory_space<hbm>>
      %dma_start3A_2449 = tpu.memref_squeeze %dma_start3A_2448 : memref<1x20x64xf32, #tpu.memory_space<hbm>> -> memref<20x64xf32, #tpu.memory_space<hbm>>
      %dma_start3A_2450 = arith.constant 100 : i32
      %dma_start3A_2451 = arith.constant 0 : i32
      %dma_start3A_2452 = tpu.memref_slice %arg7[%dma_start3A_2450, %dma_start3A_2451] : memref<640x64xf32, #tpu.memory_space<vmem>> -> memref<20x64xf32, #tpu.memory_space<vmem>>
      tpu.enqueue_dma source(%dma_start3A_2452 : memref<20x64xf32, #tpu.memory_space<vmem>>) target(%dma_start3A_2449 : memref<20x64xf32, #tpu.memory_space<hbm>>) target_semaphore(%arg11 : memref<!tpu.dma_semaphore, #tpu.memory_space<semaphore_mem>>)
      %mul3A_2453 = arith.constant 32 : i32
      %mul3A_2454 = arith.muli %add3A_2338, %mul3A_2453 : i32
      %add3A_2455 = arith.addi %mul3A_2, %mul3A_2454 : i32
      %add3A_2456 = arith.constant 6 : i32
      %add3A_2457 = arith.addi %add3A_2455, %add3A_2456 : i32
      %dma_start3A_2458 = arith.constant 120 : i32
      %dma_start3A_2459 = arith.constant 0 : i32
      %dma_start3A_2460 = tpu.memref_slice %arg7[%dma_start3A_2458, %dma_start3A_2459] : memref<640x64xf32, #tpu.memory_space<vmem>> -> memref<20x64xf32, #tpu.memory_space<vmem>>
      %dma_start3A_2461 = arith.constant 0 : i32
      %dma_start3A_2462 = arith.constant 0 : i32
      %dma_start3A_2463 = tpu.memref_slice %arg4[%add3A_2457, %dma_start3A_2461, %dma_start3A_2462] : memref<16384x24x128xf32, #tpu.memory_space<hbm>> -> memref<1x20x64xf32, #tpu.memory_space<hbm>>
      %dma_start3A_2464 = tpu.memref_squeeze %dma_start3A_2463 : memref<1x20x64xf32, #tpu.memory_space<hbm>> -> memref<20x64xf32, #tpu.memory_space<hbm>>
      %dma_start3A_2465 = arith.constant 0 : i32
      %dma_start3A_2466 = arith.constant 0 : i32
      %dma_start3A_2467 = tpu.memref_slice %arg4[%add3A_2457, %dma_start3A_2465, %dma_start3A_2466] : memref<16384x24x128xf32, #tpu.memory_space<hbm>> -> memref<1x20x64xf32, #tpu.memory_space<hbm>>
      %dma_start3A_2468 = tpu.memref_squeeze %dma_start3A_2467 : memref<1x20x64xf32, #tpu.memory_space<hbm>> -> memref<20x64xf32, #tpu.memory_space<hbm>>
      %dma_start3A_2469 = arith.constant 120 : i32
      %dma_start3A_2470 = arith.constant 0 : i32
      %dma_start3A_2471 = tpu.memref_slice %arg7[%dma_start3A_2469, %dma_start3A_2470] : memref<640x64xf32, #tpu.memory_space<vmem>> -> memref<20x64xf32, #tpu.memory_space<vmem>>
      tpu.enqueue_dma source(%dma_start3A_2471 : memref<20x64xf32, #tpu.memory_space<vmem>>) target(%dma_start3A_2468 : memref<20x64xf32, #tpu.memory_space<hbm>>) target_semaphore(%arg11 : memref<!tpu.dma_semaphore, #tpu.memory_space<semaphore_mem>>)
      %mul3A_2472 = arith.constant 32 : i32
      %mul3A_2473 = arith.muli %add3A_2338, %mul3A_2472 : i32
      %add3A_2474 = arith.addi %mul3A_2, %mul3A_2473 : i32
      %add3A_2475 = arith.constant 7 : i32
      %add3A_2476 = arith.addi %add3A_2474, %add3A_2475 : i32
      %dma_start3A_2477 = arith.constant 140 : i32
      %dma_start3A_2478 = arith.constant 0 : i32
      %dma_start3A_2479 = tpu.memref_slice %arg7[%dma_start3A_2477, %dma_start3A_2478] : memref<640x64xf32, #tpu.memory_space<vmem>> -> memref<20x64xf32, #tpu.memory_space<vmem>>
      %dma_start3A_2480 = arith.constant 0 : i32
      %dma_start3A_2481 = arith.constant 0 : i32
      %dma_start3A_2482 = tpu.memref_slice %arg4[%add3A_2476, %dma_start3A_2480, %dma_start3A_2481] : memref<16384x24x128xf32, #tpu.memory_space<hbm>> -> memref<1x20x64xf32, #tpu.memory_space<hbm>>
      %dma_start3A_2483 = tpu.memref_squeeze %dma_start3A_2482 : memref<1x20x64xf32, #tpu.memory_space<hbm>> -> memref<20x64xf32, #tpu.memory_space<hbm>>
      %dma_start3A_2484 = arith.constant 0 : i32
      %dma_start3A_2485 = arith.constant 0 : i32
      %dma_start3A_2486 = tpu.memref_slice %arg4[%add3A_2476, %dma_start3A_2484, %dma_start3A_2485] : memref<16384x24x128xf32, #tpu.memory_space<hbm>> -> memref<1x20x64xf32, #tpu.memory_space<hbm>>
      %dma_start3A_2487 = tpu.memref_squeeze %dma_start3A_2486 : memref<1x20x64xf32, #tpu.memory_space<hbm>> -> memref<20x64xf32, #tpu.memory_space<hbm>>
      %dma_start3A_2488 = arith.constant 140 : i32
      %dma_start3A_2489 = arith.constant 0 : i32
      %dma_start3A_2490 = tpu.memref_slice %arg7[%dma_start3A_2488, %dma_start3A_2489] : memref<640x64xf32, #tpu.memory_space<vmem>> -> memref<20x64xf32, #tpu.memory_space<vmem>>
      tpu.enqueue_dma source(%dma_start3A_2490 : memref<20x64xf32, #tpu.memory_space<vmem>>) target(%dma_start3A_2487 : memref<20x64xf32, #tpu.memory_space<hbm>>) target_semaphore(%arg11 : memref<!tpu.dma_semaphore, #tpu.memory_space<semaphore_mem>>)
      %mul3A_2491 = arith.constant 32 : i32
      %mul3A_2492 = arith.muli %add3A_2338, %mul3A_2491 : i32
      %add3A_2493 = arith.addi %mul3A_2, %mul3A_2492 : i32
      %add3A_2494 = arith.constant 8 : i32
      %add3A_2495 = arith.addi %add3A_2493, %add3A_2494 : i32
      %dma_start3A_2496 = arith.constant 160 : i32
      %dma_start3A_2497 = arith.constant 0 : i32
      %dma_start3A_2498 = tpu.memref_slice %arg7[%dma_start3A_2496, %dma_start3A_2497] : memref<640x64xf32, #tpu.memory_space<vmem>> -> memref<20x64xf32, #tpu.memory_space<vmem>>
      %dma_start3A_2499 = arith.constant 0 : i32
      %dma_start3A_2500 = arith.constant 0 : i32
      %dma_start3A_2501 = tpu.memref_slice %arg4[%add3A_2495, %dma_start3A_2499, %dma_start3A_2500] : memref<16384x24x128xf32, #tpu.memory_space<hbm>> -> memref<1x20x64xf32, #tpu.memory_space<hbm>>
      %dma_start3A_2502 = tpu.memref_squeeze %dma_start3A_2501 : memref<1x20x64xf32, #tpu.memory_space<hbm>> -> memref<20x64xf32, #tpu.memory_space<hbm>>
      %dma_start3A_2503 = arith.constant 0 : i32
      %dma_start3A_2504 = arith.constant 0 : i32
      %dma_start3A_2505 = tpu.memref_slice %arg4[%add3A_2495, %dma_start3A_2503, %dma_start3A_2504] : memref<16384x24x128xf32, #tpu.memory_space<hbm>> -> memref<1x20x64xf32, #tpu.memory_space<hbm>>
      %dma_start3A_2506 = tpu.memref_squeeze %dma_start3A_2505 : memref<1x20x64xf32, #tpu.memory_space<hbm>> -> memref<20x64xf32, #tpu.memory_space<hbm>>
      %dma_start3A_2507 = arith.constant 160 : i32
      %dma_start3A_2508 = arith.constant 0 : i32
      %dma_start3A_2509 = tpu.memref_slice %arg7[%dma_start3A_2507, %dma_start3A_2508] : memref<640x64xf32, #tpu.memory_space<vmem>> -> memref<20x64xf32, #tpu.memory_space<vmem>>
      tpu.enqueue_dma source(%dma_start3A_2509 : memref<20x64xf32, #tpu.memory_space<vmem>>) target(%dma_start3A_2506 : memref<20x64xf32, #tpu.memory_space<hbm>>) target_semaphore(%arg11 : memref<!tpu.dma_semaphore, #tpu.memory_space<semaphore_mem>>)
      %mul3A_2510 = arith.constant 32 : i32
      %mul3A_2511 = arith.muli %add3A_2338, %mul3A_2510 : i32
      %add3A_2512 = arith.addi %mul3A_2, %mul3A_2511 : i32
      %add3A_2513 = arith.constant 9 : i32
      %add3A_2514 = arith.addi %add3A_2512, %add3A_2513 : i32
      %dma_start3A_2515 = arith.constant 180 : i32
      %dma_start3A_2516 = arith.constant 0 : i32
      %dma_start3A_2517 = tpu.memref_slice %arg7[%dma_start3A_2515, %dma_start3A_2516] : memref<640x64xf32, #tpu.memory_space<vmem>> -> memref<20x64xf32, #tpu.memory_space<vmem>>
      %dma_start3A_2518 = arith.constant 0 : i32
      %dma_start3A_2519 = arith.constant 0 : i32
      %dma_start3A_2520 = tpu.memref_slice %arg4[%add3A_2514, %dma_start3A_2518, %dma_start3A_2519] : memref<16384x24x128xf32, #tpu.memory_space<hbm>> -> memref<1x20x64xf32, #tpu.memory_space<hbm>>
      %dma_start3A_2521 = tpu.memref_squeeze %dma_start3A_2520 : memref<1x20x64xf32, #tpu.memory_space<hbm>> -> memref<20x64xf32, #tpu.memory_space<hbm>>
      %dma_start3A_2522 = arith.constant 0 : i32
      %dma_start3A_2523 = arith.constant 0 : i32
      %dma_start3A_2524 = tpu.memref_slice %arg4[%add3A_2514, %dma_start3A_2522, %dma_start3A_2523] : memref<16384x24x128xf32, #tpu.memory_space<hbm>> -> memref<1x20x64xf32, #tpu.memory_space<hbm>>
      %dma_start3A_2525 = tpu.memref_squeeze %dma_start3A_2524 : memref<1x20x64xf32, #tpu.memory_space<hbm>> -> memref<20x64xf32, #tpu.memory_space<hbm>>
      %dma_start3A_2526 = arith.constant 180 : i32
      %dma_start3A_2527 = arith.constant 0 : i32
      %dma_start3A_2528 = tpu.memref_slice %arg7[%dma_start3A_2526, %dma_start3A_2527] : memref<640x64xf32, #tpu.memory_space<vmem>> -> memref<20x64xf32, #tpu.memory_space<vmem>>
      tpu.enqueue_dma source(%dma_start3A_2528 : memref<20x64xf32, #tpu.memory_space<vmem>>) target(%dma_start3A_2525 : memref<20x64xf32, #tpu.memory_space<hbm>>) target_semaphore(%arg11 : memref<!tpu.dma_semaphore, #tpu.memory_space<semaphore_mem>>)
      %mul3A_2529 = arith.constant 32 : i32
      %mul3A_2530 = arith.muli %add3A_2338, %mul3A_2529 : i32
      %add3A_2531 = arith.addi %mul3A_2, %mul3A_2530 : i32
      %add3A_2532 = arith.constant 10 : i32
      %add3A_2533 = arith.addi %add3A_2531, %add3A_2532 : i32
      %dma_start3A_2534 = arith.constant 200 : i32
      %dma_start3A_2535 = arith.constant 0 : i32
      %dma_start3A_2536 = tpu.memref_slice %arg7[%dma_start3A_2534, %dma_start3A_2535] : memref<640x64xf32, #tpu.memory_space<vmem>> -> memref<20x64xf32, #tpu.memory_space<vmem>>
      %dma_start3A_2537 = arith.constant 0 : i32
      %dma_start3A_2538 = arith.constant 0 : i32
      %dma_start3A_2539 = tpu.memref_slice %arg4[%add3A_2533, %dma_start3A_2537, %dma_start3A_2538] : memref<16384x24x128xf32, #tpu.memory_space<hbm>> -> memref<1x20x64xf32, #tpu.memory_space<hbm>>
      %dma_start3A_2540 = tpu.memref_squeeze %dma_start3A_2539 : memref<1x20x64xf32, #tpu.memory_space<hbm>> -> memref<20x64xf32, #tpu.memory_space<hbm>>
      %dma_start3A_2541 = arith.constant 0 : i32
      %dma_start3A_2542 = arith.constant 0 : i32
      %dma_start3A_2543 = tpu.memref_slice %arg4[%add3A_2533, %dma_start3A_2541, %dma_start3A_2542] : memref<16384x24x128xf32, #tpu.memory_space<hbm>> -> memref<1x20x64xf32, #tpu.memory_space<hbm>>
      %dma_start3A_2544 = tpu.memref_squeeze %dma_start3A_2543 : memref<1x20x64xf32, #tpu.memory_space<hbm>> -> memref<20x64xf32, #tpu.memory_space<hbm>>
      %dma_start3A_2545 = arith.constant 200 : i32
      %dma_start3A_2546 = arith.constant 0 : i32
      %dma_start3A_2547 = tpu.memref_slice %arg7[%dma_start3A_2545, %dma_start3A_2546] : memref<640x64xf32, #tpu.memory_space<vmem>> -> memref<20x64xf32, #tpu.memory_space<vmem>>
      tpu.enqueue_dma source(%dma_start3A_2547 : memref<20x64xf32, #tpu.memory_space<vmem>>) target(%dma_start3A_2544 : memref<20x64xf32, #tpu.memory_space<hbm>>) target_semaphore(%arg11 : memref<!tpu.dma_semaphore, #tpu.memory_space<semaphore_mem>>)
      %mul3A_2548 = arith.constant 32 : i32
      %mul3A_2549 = arith.muli %add3A_2338, %mul3A_2548 : i32
      %add3A_2550 = arith.addi %mul3A_2, %mul3A_2549 : i32
      %add3A_2551 = arith.constant 11 : i32
      %add3A_2552 = arith.addi %add3A_2550, %add3A_2551 : i32
      %dma_start3A_2553 = arith.constant 220 : i32
      %dma_start3A_2554 = arith.constant 0 : i32
      %dma_start3A_2555 = tpu.memref_slice %arg7[%dma_start3A_2553, %dma_start3A_2554] : memref<640x64xf32, #tpu.memory_space<vmem>> -> memref<20x64xf32, #tpu.memory_space<vmem>>
      %dma_start3A_2556 = arith.constant 0 : i32
      %dma_start3A_2557 = arith.constant 0 : i32
      %dma_start3A_2558 = tpu.memref_slice %arg4[%add3A_2552, %dma_start3A_2556, %dma_start3A_2557] : memref<16384x24x128xf32, #tpu.memory_space<hbm>> -> memref<1x20x64xf32, #tpu.memory_space<hbm>>
      %dma_start3A_2559 = tpu.memref_squeeze %dma_start3A_2558 : memref<1x20x64xf32, #tpu.memory_space<hbm>> -> memref<20x64xf32, #tpu.memory_space<hbm>>
      %dma_start3A_2560 = arith.constant 0 : i32
      %dma_start3A_2561 = arith.constant 0 : i32
      %dma_start3A_2562 = tpu.memref_slice %arg4[%add3A_2552, %dma_start3A_2560, %dma_start3A_2561] : memref<16384x24x128xf32, #tpu.memory_space<hbm>> -> memref<1x20x64xf32, #tpu.memory_space<hbm>>
      %dma_start3A_2563 = tpu.memref_squeeze %dma_start3A_2562 : memref<1x20x64xf32, #tpu.memory_space<hbm>> -> memref<20x64xf32, #tpu.memory_space<hbm>>
      %dma_start3A_2564 = arith.constant 220 : i32
      %dma_start3A_2565 = arith.constant 0 : i32
      %dma_start3A_2566 = tpu.memref_slice %arg7[%dma_start3A_2564, %dma_start3A_2565] : memref<640x64xf32, #tpu.memory_space<vmem>> -> memref<20x64xf32, #tpu.memory_space<vmem>>
      tpu.enqueue_dma source(%dma_start3A_2566 : memref<20x64xf32, #tpu.memory_space<vmem>>) target(%dma_start3A_2563 : memref<20x64xf32, #tpu.memory_space<hbm>>) target_semaphore(%arg11 : memref<!tpu.dma_semaphore, #tpu.memory_space<semaphore_mem>>)
      %mul3A_2567 = arith.constant 32 : i32
      %mul3A_2568 = arith.muli %add3A_2338, %mul3A_2567 : i32
      %add3A_2569 = arith.addi %mul3A_2, %mul3A_2568 : i32
      %add3A_2570 = arith.constant 12 : i32
      %add3A_2571 = arith.addi %add3A_2569, %add3A_2570 : i32
      %dma_start3A_2572 = arith.constant 240 : i32
      %dma_start3A_2573 = arith.constant 0 : i32
      %dma_start3A_2574 = tpu.memref_slice %arg7[%dma_start3A_2572, %dma_start3A_2573] : memref<640x64xf32, #tpu.memory_space<vmem>> -> memref<20x64xf32, #tpu.memory_space<vmem>>
      %dma_start3A_2575 = arith.constant 0 : i32
      %dma_start3A_2576 = arith.constant 0 : i32
      %dma_start3A_2577 = tpu.memref_slice %arg4[%add3A_2571, %dma_start3A_2575, %dma_start3A_2576] : memref<16384x24x128xf32, #tpu.memory_space<hbm>> -> memref<1x20x64xf32, #tpu.memory_space<hbm>>
      %dma_start3A_2578 = tpu.memref_squeeze %dma_start3A_2577 : memref<1x20x64xf32, #tpu.memory_space<hbm>> -> memref<20x64xf32, #tpu.memory_space<hbm>>
      %dma_start3A_2579 = arith.constant 0 : i32
      %dma_start3A_2580 = arith.constant 0 : i32
      %dma_start3A_2581 = tpu.memref_slice %arg4[%add3A_2571, %dma_start3A_2579, %dma_start3A_2580] : memref<16384x24x128xf32, #tpu.memory_space<hbm>> -> memref<1x20x64xf32, #tpu.memory_space<hbm>>
      %dma_start3A_2582 = tpu.memref_squeeze %dma_start3A_2581 : memref<1x20x64xf32, #tpu.memory_space<hbm>> -> memref<20x64xf32, #tpu.memory_space<hbm>>
      %dma_start3A_2583 = arith.constant 240 : i32
      %dma_start3A_2584 = arith.constant 0 : i32
      %dma_start3A_2585 = tpu.memref_slice %arg7[%dma_start3A_2583, %dma_start3A_2584] : memref<640x64xf32, #tpu.memory_space<vmem>> -> memref<20x64xf32, #tpu.memory_space<vmem>>
      tpu.enqueue_dma source(%dma_start3A_2585 : memref<20x64xf32, #tpu.memory_space<vmem>>) target(%dma_start3A_2582 : memref<20x64xf32, #tpu.memory_space<hbm>>) target_semaphore(%arg11 : memref<!tpu.dma_semaphore, #tpu.memory_space<semaphore_mem>>)
      %mul3A_2586 = arith.constant 32 : i32
      %mul3A_2587 = arith.muli %add3A_2338, %mul3A_2586 : i32
      %add3A_2588 = arith.addi %mul3A_2, %mul3A_2587 : i32
      %add3A_2589 = arith.constant 13 : i32
      %add3A_2590 = arith.addi %add3A_2588, %add3A_2589 : i32
      %dma_start3A_2591 = arith.constant 260 : i32
      %dma_start3A_2592 = arith.constant 0 : i32
      %dma_start3A_2593 = tpu.memref_slice %arg7[%dma_start3A_2591, %dma_start3A_2592] : memref<640x64xf32, #tpu.memory_space<vmem>> -> memref<20x64xf32, #tpu.memory_space<vmem>>
      %dma_start3A_2594 = arith.constant 0 : i32
      %dma_start3A_2595 = arith.constant 0 : i32
      %dma_start3A_2596 = tpu.memref_slice %arg4[%add3A_2590, %dma_start3A_2594, %dma_start3A_2595] : memref<16384x24x128xf32, #tpu.memory_space<hbm>> -> memref<1x20x64xf32, #tpu.memory_space<hbm>>
      %dma_start3A_2597 = tpu.memref_squeeze %dma_start3A_2596 : memref<1x20x64xf32, #tpu.memory_space<hbm>> -> memref<20x64xf32, #tpu.memory_space<hbm>>
      %dma_start3A_2598 = arith.constant 0 : i32
      %dma_start3A_2599 = arith.constant 0 : i32
      %dma_start3A_2600 = tpu.memref_slice %arg4[%add3A_2590, %dma_start3A_2598, %dma_start3A_2599] : memref<16384x24x128xf32, #tpu.memory_space<hbm>> -> memref<1x20x64xf32, #tpu.memory_space<hbm>>
      %dma_start3A_2601 = tpu.memref_squeeze %dma_start3A_2600 : memref<1x20x64xf32, #tpu.memory_space<hbm>> -> memref<20x64xf32, #tpu.memory_space<hbm>>
      %dma_start3A_2602 = arith.constant 260 : i32
      %dma_start3A_2603 = arith.constant 0 : i32
      %dma_start3A_2604 = tpu.memref_slice %arg7[%dma_start3A_2602, %dma_start3A_2603] : memref<640x64xf32, #tpu.memory_space<vmem>> -> memref<20x64xf32, #tpu.memory_space<vmem>>
      tpu.enqueue_dma source(%dma_start3A_2604 : memref<20x64xf32, #tpu.memory_space<vmem>>) target(%dma_start3A_2601 : memref<20x64xf32, #tpu.memory_space<hbm>>) target_semaphore(%arg11 : memref<!tpu.dma_semaphore, #tpu.memory_space<semaphore_mem>>)
      %mul3A_2605 = arith.constant 32 : i32
      %mul3A_2606 = arith.muli %add3A_2338, %mul3A_2605 : i32
      %add3A_2607 = arith.addi %mul3A_2, %mul3A_2606 : i32
      %add3A_2608 = arith.constant 14 : i32
      %add3A_2609 = arith.addi %add3A_2607, %add3A_2608 : i32
      %dma_start3A_2610 = arith.constant 280 : i32
      %dma_start3A_2611 = arith.constant 0 : i32
      %dma_start3A_2612 = tpu.memref_slice %arg7[%dma_start3A_2610, %dma_start3A_2611] : memref<640x64xf32, #tpu.memory_space<vmem>> -> memref<20x64xf32, #tpu.memory_space<vmem>>
      %dma_start3A_2613 = arith.constant 0 : i32
      %dma_start3A_2614 = arith.constant 0 : i32
      %dma_start3A_2615 = tpu.memref_slice %arg4[%add3A_2609, %dma_start3A_2613, %dma_start3A_2614] : memref<16384x24x128xf32, #tpu.memory_space<hbm>> -> memref<1x20x64xf32, #tpu.memory_space<hbm>>
      %dma_start3A_2616 = tpu.memref_squeeze %dma_start3A_2615 : memref<1x20x64xf32, #tpu.memory_space<hbm>> -> memref<20x64xf32, #tpu.memory_space<hbm>>
      %dma_start3A_2617 = arith.constant 0 : i32
      %dma_start3A_2618 = arith.constant 0 : i32
      %dma_start3A_2619 = tpu.memref_slice %arg4[%add3A_2609, %dma_start3A_2617, %dma_start3A_2618] : memref<16384x24x128xf32, #tpu.memory_space<hbm>> -> memref<1x20x64xf32, #tpu.memory_space<hbm>>
      %dma_start3A_2620 = tpu.memref_squeeze %dma_start3A_2619 : memref<1x20x64xf32, #tpu.memory_space<hbm>> -> memref<20x64xf32, #tpu.memory_space<hbm>>
      %dma_start3A_2621 = arith.constant 280 : i32
      %dma_start3A_2622 = arith.constant 0 : i32
      %dma_start3A_2623 = tpu.memref_slice %arg7[%dma_start3A_2621, %dma_start3A_2622] : memref<640x64xf32, #tpu.memory_space<vmem>> -> memref<20x64xf32, #tpu.memory_space<vmem>>
      tpu.enqueue_dma source(%dma_start3A_2623 : memref<20x64xf32, #tpu.memory_space<vmem>>) target(%dma_start3A_2620 : memref<20x64xf32, #tpu.memory_space<hbm>>) target_semaphore(%arg11 : memref<!tpu.dma_semaphore, #tpu.memory_space<semaphore_mem>>)
      %mul3A_2624 = arith.constant 32 : i32
      %mul3A_2625 = arith.muli %add3A_2338, %mul3A_2624 : i32
      %add3A_2626 = arith.addi %mul3A_2, %mul3A_2625 : i32
      %add3A_2627 = arith.constant 15 : i32
      %add3A_2628 = arith.addi %add3A_2626, %add3A_2627 : i32
      %dma_start3A_2629 = arith.constant 300 : i32
      %dma_start3A_2630 = arith.constant 0 : i32
      %dma_start3A_2631 = tpu.memref_slice %arg7[%dma_start3A_2629, %dma_start3A_2630] : memref<640x64xf32, #tpu.memory_space<vmem>> -> memref<20x64xf32, #tpu.memory_space<vmem>>
      %dma_start3A_2632 = arith.constant 0 : i32
      %dma_start3A_2633 = arith.constant 0 : i32
      %dma_start3A_2634 = tpu.memref_slice %arg4[%add3A_2628, %dma_start3A_2632, %dma_start3A_2633] : memref<16384x24x128xf32, #tpu.memory_space<hbm>> -> memref<1x20x64xf32, #tpu.memory_space<hbm>>
      %dma_start3A_2635 = tpu.memref_squeeze %dma_start3A_2634 : memref<1x20x64xf32, #tpu.memory_space<hbm>> -> memref<20x64xf32, #tpu.memory_space<hbm>>
      %dma_start3A_2636 = arith.constant 0 : i32
      %dma_start3A_2637 = arith.constant 0 : i32
      %dma_start3A_2638 = tpu.memref_slice %arg4[%add3A_2628, %dma_start3A_2636, %dma_start3A_2637] : memref<16384x24x128xf32, #tpu.memory_space<hbm>> -> memref<1x20x64xf32, #tpu.memory_space<hbm>>
      %dma_start3A_2639 = tpu.memref_squeeze %dma_start3A_2638 : memref<1x20x64xf32, #tpu.memory_space<hbm>> -> memref<20x64xf32, #tpu.memory_space<hbm>>
      %dma_start3A_2640 = arith.constant 300 : i32
      %dma_start3A_2641 = arith.constant 0 : i32
      %dma_start3A_2642 = tpu.memref_slice %arg7[%dma_start3A_2640, %dma_start3A_2641] : memref<640x64xf32, #tpu.memory_space<vmem>> -> memref<20x64xf32, #tpu.memory_space<vmem>>
      tpu.enqueue_dma source(%dma_start3A_2642 : memref<20x64xf32, #tpu.memory_space<vmem>>) target(%dma_start3A_2639 : memref<20x64xf32, #tpu.memory_space<hbm>>) target_semaphore(%arg11 : memref<!tpu.dma_semaphore, #tpu.memory_space<semaphore_mem>>)
      %mul3A_2643 = arith.constant 32 : i32
      %mul3A_2644 = arith.muli %add3A_2338, %mul3A_2643 : i32
      %add3A_2645 = arith.addi %mul3A_2, %mul3A_2644 : i32
      %add3A_2646 = arith.constant 16 : i32
      %add3A_2647 = arith.addi %add3A_2645, %add3A_2646 : i32
      %dma_start3A_2648 = arith.constant 320 : i32
      %dma_start3A_2649 = arith.constant 0 : i32
      %dma_start3A_2650 = tpu.memref_slice %arg7[%dma_start3A_2648, %dma_start3A_2649] : memref<640x64xf32, #tpu.memory_space<vmem>> -> memref<20x64xf32, #tpu.memory_space<vmem>>
      %dma_start3A_2651 = arith.constant 0 : i32
      %dma_start3A_2652 = arith.constant 0 : i32
      %dma_start3A_2653 = tpu.memref_slice %arg4[%add3A_2647, %dma_start3A_2651, %dma_start3A_2652] : memref<16384x24x128xf32, #tpu.memory_space<hbm>> -> memref<1x20x64xf32, #tpu.memory_space<hbm>>
      %dma_start3A_2654 = tpu.memref_squeeze %dma_start3A_2653 : memref<1x20x64xf32, #tpu.memory_space<hbm>> -> memref<20x64xf32, #tpu.memory_space<hbm>>
      %dma_start3A_2655 = arith.constant 0 : i32
      %dma_start3A_2656 = arith.constant 0 : i32
      %dma_start3A_2657 = tpu.memref_slice %arg4[%add3A_2647, %dma_start3A_2655, %dma_start3A_2656] : memref<16384x24x128xf32, #tpu.memory_space<hbm>> -> memref<1x20x64xf32, #tpu.memory_space<hbm>>
      %dma_start3A_2658 = tpu.memref_squeeze %dma_start3A_2657 : memref<1x20x64xf32, #tpu.memory_space<hbm>> -> memref<20x64xf32, #tpu.memory_space<hbm>>
      %dma_start3A_2659 = arith.constant 320 : i32
      %dma_start3A_2660 = arith.constant 0 : i32
      %dma_start3A_2661 = tpu.memref_slice %arg7[%dma_start3A_2659, %dma_start3A_2660] : memref<640x64xf32, #tpu.memory_space<vmem>> -> memref<20x64xf32, #tpu.memory_space<vmem>>
      tpu.enqueue_dma source(%dma_start3A_2661 : memref<20x64xf32, #tpu.memory_space<vmem>>) target(%dma_start3A_2658 : memref<20x64xf32, #tpu.memory_space<hbm>>) target_semaphore(%arg11 : memref<!tpu.dma_semaphore, #tpu.memory_space<semaphore_mem>>)
      %mul3A_2662 = arith.constant 32 : i32
      %mul3A_2663 = arith.muli %add3A_2338, %mul3A_2662 : i32
      %add3A_2664 = arith.addi %mul3A_2, %mul3A_2663 : i32
      %add3A_2665 = arith.constant 17 : i32
      %add3A_2666 = arith.addi %add3A_2664, %add3A_2665 : i32
      %dma_start3A_2667 = arith.constant 340 : i32
      %dma_start3A_2668 = arith.constant 0 : i32
      %dma_start3A_2669 = tpu.memref_slice %arg7[%dma_start3A_2667, %dma_start3A_2668] : memref<640x64xf32, #tpu.memory_space<vmem>> -> memref<20x64xf32, #tpu.memory_space<vmem>>
      %dma_start3A_2670 = arith.constant 0 : i32
      %dma_start3A_2671 = arith.constant 0 : i32
      %dma_start3A_2672 = tpu.memref_slice %arg4[%add3A_2666, %dma_start3A_2670, %dma_start3A_2671] : memref<16384x24x128xf32, #tpu.memory_space<hbm>> -> memref<1x20x64xf32, #tpu.memory_space<hbm>>
      %dma_start3A_2673 = tpu.memref_squeeze %dma_start3A_2672 : memref<1x20x64xf32, #tpu.memory_space<hbm>> -> memref<20x64xf32, #tpu.memory_space<hbm>>
      %dma_start3A_2674 = arith.constant 0 : i32
      %dma_start3A_2675 = arith.constant 0 : i32
      %dma_start3A_2676 = tpu.memref_slice %arg4[%add3A_2666, %dma_start3A_2674, %dma_start3A_2675] : memref<16384x24x128xf32, #tpu.memory_space<hbm>> -> memref<1x20x64xf32, #tpu.memory_space<hbm>>
      %dma_start3A_2677 = tpu.memref_squeeze %dma_start3A_2676 : memref<1x20x64xf32, #tpu.memory_space<hbm>> -> memref<20x64xf32, #tpu.memory_space<hbm>>
      %dma_start3A_2678 = arith.constant 340 : i32
      %dma_start3A_2679 = arith.constant 0 : i32
      %dma_start3A_2680 = tpu.memref_slice %arg7[%dma_start3A_2678, %dma_start3A_2679] : memref<640x64xf32, #tpu.memory_space<vmem>> -> memref<20x64xf32, #tpu.memory_space<vmem>>
      tpu.enqueue_dma source(%dma_start3A_2680 : memref<20x64xf32, #tpu.memory_space<vmem>>) target(%dma_start3A_2677 : memref<20x64xf32, #tpu.memory_space<hbm>>) target_semaphore(%arg11 : memref<!tpu.dma_semaphore, #tpu.memory_space<semaphore_mem>>)
      %mul3A_2681 = arith.constant 32 : i32
      %mul3A_2682 = arith.muli %add3A_2338, %mul3A_2681 : i32
      %add3A_2683 = arith.addi %mul3A_2, %mul3A_2682 : i32
      %add3A_2684 = arith.constant 18 : i32
      %add3A_2685 = arith.addi %add3A_2683, %add3A_2684 : i32
      %dma_start3A_2686 = arith.constant 360 : i32
      %dma_start3A_2687 = arith.constant 0 : i32
      %dma_start3A_2688 = tpu.memref_slice %arg7[%dma_start3A_2686, %dma_start3A_2687] : memref<640x64xf32, #tpu.memory_space<vmem>> -> memref<20x64xf32, #tpu.memory_space<vmem>>
      %dma_start3A_2689 = arith.constant 0 : i32
      %dma_start3A_2690 = arith.constant 0 : i32
      %dma_start3A_2691 = tpu.memref_slice %arg4[%add3A_2685, %dma_start3A_2689, %dma_start3A_2690] : memref<16384x24x128xf32, #tpu.memory_space<hbm>> -> memref<1x20x64xf32, #tpu.memory_space<hbm>>
      %dma_start3A_2692 = tpu.memref_squeeze %dma_start3A_2691 : memref<1x20x64xf32, #tpu.memory_space<hbm>> -> memref<20x64xf32, #tpu.memory_space<hbm>>
      %dma_start3A_2693 = arith.constant 0 : i32
      %dma_start3A_2694 = arith.constant 0 : i32
      %dma_start3A_2695 = tpu.memref_slice %arg4[%add3A_2685, %dma_start3A_2693, %dma_start3A_2694] : memref<16384x24x128xf32, #tpu.memory_space<hbm>> -> memref<1x20x64xf32, #tpu.memory_space<hbm>>
      %dma_start3A_2696 = tpu.memref_squeeze %dma_start3A_2695 : memref<1x20x64xf32, #tpu.memory_space<hbm>> -> memref<20x64xf32, #tpu.memory_space<hbm>>
      %dma_start3A_2697 = arith.constant 360 : i32
      %dma_start3A_2698 = arith.constant 0 : i32
      %dma_start3A_2699 = tpu.memref_slice %arg7[%dma_start3A_2697, %dma_start3A_2698] : memref<640x64xf32, #tpu.memory_space<vmem>> -> memref<20x64xf32, #tpu.memory_space<vmem>>
      tpu.enqueue_dma source(%dma_start3A_2699 : memref<20x64xf32, #tpu.memory_space<vmem>>) target(%dma_start3A_2696 : memref<20x64xf32, #tpu.memory_space<hbm>>) target_semaphore(%arg11 : memref<!tpu.dma_semaphore, #tpu.memory_space<semaphore_mem>>)
      %mul3A_2700 = arith.constant 32 : i32
      %mul3A_2701 = arith.muli %add3A_2338, %mul3A_2700 : i32
      %add3A_2702 = arith.addi %mul3A_2, %mul3A_2701 : i32
      %add3A_2703 = arith.constant 19 : i32
      %add3A_2704 = arith.addi %add3A_2702, %add3A_2703 : i32
      %dma_start3A_2705 = arith.constant 380 : i32
      %dma_start3A_2706 = arith.constant 0 : i32
      %dma_start3A_2707 = tpu.memref_slice %arg7[%dma_start3A_2705, %dma_start3A_2706] : memref<640x64xf32, #tpu.memory_space<vmem>> -> memref<20x64xf32, #tpu.memory_space<vmem>>
      %dma_start3A_2708 = arith.constant 0 : i32
      %dma_start3A_2709 = arith.constant 0 : i32
      %dma_start3A_2710 = tpu.memref_slice %arg4[%add3A_2704, %dma_start3A_2708, %dma_start3A_2709] : memref<16384x24x128xf32, #tpu.memory_space<hbm>> -> memref<1x20x64xf32, #tpu.memory_space<hbm>>
      %dma_start3A_2711 = tpu.memref_squeeze %dma_start3A_2710 : memref<1x20x64xf32, #tpu.memory_space<hbm>> -> memref<20x64xf32, #tpu.memory_space<hbm>>
      %dma_start3A_2712 = arith.constant 0 : i32
      %dma_start3A_2713 = arith.constant 0 : i32
      %dma_start3A_2714 = tpu.memref_slice %arg4[%add3A_2704, %dma_start3A_2712, %dma_start3A_2713] : memref<16384x24x128xf32, #tpu.memory_space<hbm>> -> memref<1x20x64xf32, #tpu.memory_space<hbm>>
      %dma_start3A_2715 = tpu.memref_squeeze %dma_start3A_2714 : memref<1x20x64xf32, #tpu.memory_space<hbm>> -> memref<20x64xf32, #tpu.memory_space<hbm>>
      %dma_start3A_2716 = arith.constant 380 : i32
      %dma_start3A_2717 = arith.constant 0 : i32
      %dma_start3A_2718 = tpu.memref_slice %arg7[%dma_start3A_2716, %dma_start3A_2717] : memref<640x64xf32, #tpu.memory_space<vmem>> -> memref<20x64xf32, #tpu.memory_space<vmem>>
      tpu.enqueue_dma source(%dma_start3A_2718 : memref<20x64xf32, #tpu.memory_space<vmem>>) target(%dma_start3A_2715 : memref<20x64xf32, #tpu.memory_space<hbm>>) target_semaphore(%arg11 : memref<!tpu.dma_semaphore, #tpu.memory_space<semaphore_mem>>)
      %mul3A_2719 = arith.constant 32 : i32
      %mul3A_2720 = arith.muli %add3A_2338, %mul3A_2719 : i32
      %add3A_2721 = arith.addi %mul3A_2, %mul3A_2720 : i32
      %add3A_2722 = arith.constant 20 : i32
      %add3A_2723 = arith.addi %add3A_2721, %add3A_2722 : i32
      %dma_start3A_2724 = arith.constant 400 : i32
      %dma_start3A_2725 = arith.constant 0 : i32
      %dma_start3A_2726 = tpu.memref_slice %arg7[%dma_start3A_2724, %dma_start3A_2725] : memref<640x64xf32, #tpu.memory_space<vmem>> -> memref<20x64xf32, #tpu.memory_space<vmem>>
      %dma_start3A_2727 = arith.constant 0 : i32
      %dma_start3A_2728 = arith.constant 0 : i32
      %dma_start3A_2729 = tpu.memref_slice %arg4[%add3A_2723, %dma_start3A_2727, %dma_start3A_2728] : memref<16384x24x128xf32, #tpu.memory_space<hbm>> -> memref<1x20x64xf32, #tpu.memory_space<hbm>>
      %dma_start3A_2730 = tpu.memref_squeeze %dma_start3A_2729 : memref<1x20x64xf32, #tpu.memory_space<hbm>> -> memref<20x64xf32, #tpu.memory_space<hbm>>
      %dma_start3A_2731 = arith.constant 0 : i32
      %dma_start3A_2732 = arith.constant 0 : i32
      %dma_start3A_2733 = tpu.memref_slice %arg4[%add3A_2723, %dma_start3A_2731, %dma_start3A_2732] : memref<16384x24x128xf32, #tpu.memory_space<hbm>> -> memref<1x20x64xf32, #tpu.memory_space<hbm>>
      %dma_start3A_2734 = tpu.memref_squeeze %dma_start3A_2733 : memref<1x20x64xf32, #tpu.memory_space<hbm>> -> memref<20x64xf32, #tpu.memory_space<hbm>>
      %dma_start3A_2735 = arith.constant 400 : i32
      %dma_start3A_2736 = arith.constant 0 : i32
      %dma_start3A_2737 = tpu.memref_slice %arg7[%dma_start3A_2735, %dma_start3A_2736] : memref<640x64xf32, #tpu.memory_space<vmem>> -> memref<20x64xf32, #tpu.memory_space<vmem>>
      tpu.enqueue_dma source(%dma_start3A_2737 : memref<20x64xf32, #tpu.memory_space<vmem>>) target(%dma_start3A_2734 : memref<20x64xf32, #tpu.memory_space<hbm>>) target_semaphore(%arg11 : memref<!tpu.dma_semaphore, #tpu.memory_space<semaphore_mem>>)
      %mul3A_2738 = arith.constant 32 : i32
      %mul3A_2739 = arith.muli %add3A_2338, %mul3A_2738 : i32
      %add3A_2740 = arith.addi %mul3A_2, %mul3A_2739 : i32
      %add3A_2741 = arith.constant 21 : i32
      %add3A_2742 = arith.addi %add3A_2740, %add3A_2741 : i32
      %dma_start3A_2743 = arith.constant 420 : i32
      %dma_start3A_2744 = arith.constant 0 : i32
      %dma_start3A_2745 = tpu.memref_slice %arg7[%dma_start3A_2743, %dma_start3A_2744] : memref<640x64xf32, #tpu.memory_space<vmem>> -> memref<20x64xf32, #tpu.memory_space<vmem>>
      %dma_start3A_2746 = arith.constant 0 : i32
      %dma_start3A_2747 = arith.constant 0 : i32
      %dma_start3A_2748 = tpu.memref_slice %arg4[%add3A_2742, %dma_start3A_2746, %dma_start3A_2747] : memref<16384x24x128xf32, #tpu.memory_space<hbm>> -> memref<1x20x64xf32, #tpu.memory_space<hbm>>
      %dma_start3A_2749 = tpu.memref_squeeze %dma_start3A_2748 : memref<1x20x64xf32, #tpu.memory_space<hbm>> -> memref<20x64xf32, #tpu.memory_space<hbm>>
      %dma_start3A_2750 = arith.constant 0 : i32
      %dma_start3A_2751 = arith.constant 0 : i32
      %dma_start3A_2752 = tpu.memref_slice %arg4[%add3A_2742, %dma_start3A_2750, %dma_start3A_2751] : memref<16384x24x128xf32, #tpu.memory_space<hbm>> -> memref<1x20x64xf32, #tpu.memory_space<hbm>>
      %dma_start3A_2753 = tpu.memref_squeeze %dma_start3A_2752 : memref<1x20x64xf32, #tpu.memory_space<hbm>> -> memref<20x64xf32, #tpu.memory_space<hbm>>
      %dma_start3A_2754 = arith.constant 420 : i32
      %dma_start3A_2755 = arith.constant 0 : i32
      %dma_start3A_2756 = tpu.memref_slice %arg7[%dma_start3A_2754, %dma_start3A_2755] : memref<640x64xf32, #tpu.memory_space<vmem>> -> memref<20x64xf32, #tpu.memory_space<vmem>>
      tpu.enqueue_dma source(%dma_start3A_2756 : memref<20x64xf32, #tpu.memory_space<vmem>>) target(%dma_start3A_2753 : memref<20x64xf32, #tpu.memory_space<hbm>>) target_semaphore(%arg11 : memref<!tpu.dma_semaphore, #tpu.memory_space<semaphore_mem>>)
      %mul3A_2757 = arith.constant 32 : i32
      %mul3A_2758 = arith.muli %add3A_2338, %mul3A_2757 : i32
      %add3A_2759 = arith.addi %mul3A_2, %mul3A_2758 : i32
      %add3A_2760 = arith.constant 22 : i32
      %add3A_2761 = arith.addi %add3A_2759, %add3A_2760 : i32
      %dma_start3A_2762 = arith.constant 440 : i32
      %dma_start3A_2763 = arith.constant 0 : i32
      %dma_start3A_2764 = tpu.memref_slice %arg7[%dma_start3A_2762, %dma_start3A_2763] : memref<640x64xf32, #tpu.memory_space<vmem>> -> memref<20x64xf32, #tpu.memory_space<vmem>>
      %dma_start3A_2765 = arith.constant 0 : i32
      %dma_start3A_2766 = arith.constant 0 : i32
      %dma_start3A_2767 = tpu.memref_slice %arg4[%add3A_2761, %dma_start3A_2765, %dma_start3A_2766] : memref<16384x24x128xf32, #tpu.memory_space<hbm>> -> memref<1x20x64xf32, #tpu.memory_space<hbm>>
      %dma_start3A_2768 = tpu.memref_squeeze %dma_start3A_2767 : memref<1x20x64xf32, #tpu.memory_space<hbm>> -> memref<20x64xf32, #tpu.memory_space<hbm>>
      %dma_start3A_2769 = arith.constant 0 : i32
      %dma_start3A_2770 = arith.constant 0 : i32
      %dma_start3A_2771 = tpu.memref_slice %arg4[%add3A_2761, %dma_start3A_2769, %dma_start3A_2770] : memref<16384x24x128xf32, #tpu.memory_space<hbm>> -> memref<1x20x64xf32, #tpu.memory_space<hbm>>
      %dma_start3A_2772 = tpu.memref_squeeze %dma_start3A_2771 : memref<1x20x64xf32, #tpu.memory_space<hbm>> -> memref<20x64xf32, #tpu.memory_space<hbm>>
      %dma_start3A_2773 = arith.constant 440 : i32
      %dma_start3A_2774 = arith.constant 0 : i32
      %dma_start3A_2775 = tpu.memref_slice %arg7[%dma_start3A_2773, %dma_start3A_2774] : memref<640x64xf32, #tpu.memory_space<vmem>> -> memref<20x64xf32, #tpu.memory_space<vmem>>
      tpu.enqueue_dma source(%dma_start3A_2775 : memref<20x64xf32, #tpu.memory_space<vmem>>) target(%dma_start3A_2772 : memref<20x64xf32, #tpu.memory_space<hbm>>) target_semaphore(%arg11 : memref<!tpu.dma_semaphore, #tpu.memory_space<semaphore_mem>>)
      %mul3A_2776 = arith.constant 32 : i32
      %mul3A_2777 = arith.muli %add3A_2338, %mul3A_2776 : i32
      %add3A_2778 = arith.addi %mul3A_2, %mul3A_2777 : i32
      %add3A_2779 = arith.constant 23 : i32
      %add3A_2780 = arith.addi %add3A_2778, %add3A_2779 : i32
      %dma_start3A_2781 = arith.constant 460 : i32
      %dma_start3A_2782 = arith.constant 0 : i32
      %dma_start3A_2783 = tpu.memref_slice %arg7[%dma_start3A_2781, %dma_start3A_2782] : memref<640x64xf32, #tpu.memory_space<vmem>> -> memref<20x64xf32, #tpu.memory_space<vmem>>
      %dma_start3A_2784 = arith.constant 0 : i32
      %dma_start3A_2785 = arith.constant 0 : i32
      %dma_start3A_2786 = tpu.memref_slice %arg4[%add3A_2780, %dma_start3A_2784, %dma_start3A_2785] : memref<16384x24x128xf32, #tpu.memory_space<hbm>> -> memref<1x20x64xf32, #tpu.memory_space<hbm>>
      %dma_start3A_2787 = tpu.memref_squeeze %dma_start3A_2786 : memref<1x20x64xf32, #tpu.memory_space<hbm>> -> memref<20x64xf32, #tpu.memory_space<hbm>>
      %dma_start3A_2788 = arith.constant 0 : i32
      %dma_start3A_2789 = arith.constant 0 : i32
      %dma_start3A_2790 = tpu.memref_slice %arg4[%add3A_2780, %dma_start3A_2788, %dma_start3A_2789] : memref<16384x24x128xf32, #tpu.memory_space<hbm>> -> memref<1x20x64xf32, #tpu.memory_space<hbm>>
      %dma_start3A_2791 = tpu.memref_squeeze %dma_start3A_2790 : memref<1x20x64xf32, #tpu.memory_space<hbm>> -> memref<20x64xf32, #tpu.memory_space<hbm>>
      %dma_start3A_2792 = arith.constant 460 : i32
      %dma_start3A_2793 = arith.constant 0 : i32
      %dma_start3A_2794 = tpu.memref_slice %arg7[%dma_start3A_2792, %dma_start3A_2793] : memref<640x64xf32, #tpu.memory_space<vmem>> -> memref<20x64xf32, #tpu.memory_space<vmem>>
      tpu.enqueue_dma source(%dma_start3A_2794 : memref<20x64xf32, #tpu.memory_space<vmem>>) target(%dma_start3A_2791 : memref<20x64xf32, #tpu.memory_space<hbm>>) target_semaphore(%arg11 : memref<!tpu.dma_semaphore, #tpu.memory_space<semaphore_mem>>)
      %mul3A_2795 = arith.constant 32 : i32
      %mul3A_2796 = arith.muli %add3A_2338, %mul3A_2795 : i32
      %add3A_2797 = arith.addi %mul3A_2, %mul3A_2796 : i32
      %add3A_2798 = arith.constant 24 : i32
      %add3A_2799 = arith.addi %add3A_2797, %add3A_2798 : i32
      %dma_start3A_2800 = arith.constant 480 : i32
      %dma_start3A_2801 = arith.constant 0 : i32
      %dma_start3A_2802 = tpu.memref_slice %arg7[%dma_start3A_2800, %dma_start3A_2801] : memref<640x64xf32, #tpu.memory_space<vmem>> -> memref<20x64xf32, #tpu.memory_space<vmem>>
      %dma_start3A_2803 = arith.constant 0 : i32
      %dma_start3A_2804 = arith.constant 0 : i32
      %dma_start3A_2805 = tpu.memref_slice %arg4[%add3A_2799, %dma_start3A_2803, %dma_start3A_2804] : memref<16384x24x128xf32, #tpu.memory_space<hbm>> -> memref<1x20x64xf32, #tpu.memory_space<hbm>>
      %dma_start3A_2806 = tpu.memref_squeeze %dma_start3A_2805 : memref<1x20x64xf32, #tpu.memory_space<hbm>> -> memref<20x64xf32, #tpu.memory_space<hbm>>
      %dma_start3A_2807 = arith.constant 0 : i32
      %dma_start3A_2808 = arith.constant 0 : i32
      %dma_start3A_2809 = tpu.memref_slice %arg4[%add3A_2799, %dma_start3A_2807, %dma_start3A_2808] : memref<16384x24x128xf32, #tpu.memory_space<hbm>> -> memref<1x20x64xf32, #tpu.memory_space<hbm>>
      %dma_start3A_2810 = tpu.memref_squeeze %dma_start3A_2809 : memref<1x20x64xf32, #tpu.memory_space<hbm>> -> memref<20x64xf32, #tpu.memory_space<hbm>>
      %dma_start3A_2811 = arith.constant 480 : i32
      %dma_start3A_2812 = arith.constant 0 : i32
      %dma_start3A_2813 = tpu.memref_slice %arg7[%dma_start3A_2811, %dma_start3A_2812] : memref<640x64xf32, #tpu.memory_space<vmem>> -> memref<20x64xf32, #tpu.memory_space<vmem>>
      tpu.enqueue_dma source(%dma_start3A_2813 : memref<20x64xf32, #tpu.memory_space<vmem>>) target(%dma_start3A_2810 : memref<20x64xf32, #tpu.memory_space<hbm>>) target_semaphore(%arg11 : memref<!tpu.dma_semaphore, #tpu.memory_space<semaphore_mem>>)
      %mul3A_2814 = arith.constant 32 : i32
      %mul3A_2815 = arith.muli %add3A_2338, %mul3A_2814 : i32
      %add3A_2816 = arith.addi %mul3A_2, %mul3A_2815 : i32
      %add3A_2817 = arith.constant 25 : i32
      %add3A_2818 = arith.addi %add3A_2816, %add3A_2817 : i32
      %dma_start3A_2819 = arith.constant 500 : i32
      %dma_start3A_2820 = arith.constant 0 : i32
      %dma_start3A_2821 = tpu.memref_slice %arg7[%dma_start3A_2819, %dma_start3A_2820] : memref<640x64xf32, #tpu.memory_space<vmem>> -> memref<20x64xf32, #tpu.memory_space<vmem>>
      %dma_start3A_2822 = arith.constant 0 : i32
      %dma_start3A_2823 = arith.constant 0 : i32
      %dma_start3A_2824 = tpu.memref_slice %arg4[%add3A_2818, %dma_start3A_2822, %dma_start3A_2823] : memref<16384x24x128xf32, #tpu.memory_space<hbm>> -> memref<1x20x64xf32, #tpu.memory_space<hbm>>
      %dma_start3A_2825 = tpu.memref_squeeze %dma_start3A_2824 : memref<1x20x64xf32, #tpu.memory_space<hbm>> -> memref<20x64xf32, #tpu.memory_space<hbm>>
      %dma_start3A_2826 = arith.constant 0 : i32
      %dma_start3A_2827 = arith.constant 0 : i32
      %dma_start3A_2828 = tpu.memref_slice %arg4[%add3A_2818, %dma_start3A_2826, %dma_start3A_2827] : memref<16384x24x128xf32, #tpu.memory_space<hbm>> -> memref<1x20x64xf32, #tpu.memory_space<hbm>>
      %dma_start3A_2829 = tpu.memref_squeeze %dma_start3A_2828 : memref<1x20x64xf32, #tpu.memory_space<hbm>> -> memref<20x64xf32, #tpu.memory_space<hbm>>
      %dma_start3A_2830 = arith.constant 500 : i32
      %dma_start3A_2831 = arith.constant 0 : i32
      %dma_start3A_2832 = tpu.memref_slice %arg7[%dma_start3A_2830, %dma_start3A_2831] : memref<640x64xf32, #tpu.memory_space<vmem>> -> memref<20x64xf32, #tpu.memory_space<vmem>>
      tpu.enqueue_dma source(%dma_start3A_2832 : memref<20x64xf32, #tpu.memory_space<vmem>>) target(%dma_start3A_2829 : memref<20x64xf32, #tpu.memory_space<hbm>>) target_semaphore(%arg11 : memref<!tpu.dma_semaphore, #tpu.memory_space<semaphore_mem>>)
      %mul3A_2833 = arith.constant 32 : i32
      %mul3A_2834 = arith.muli %add3A_2338, %mul3A_2833 : i32
      %add3A_2835 = arith.addi %mul3A_2, %mul3A_2834 : i32
      %add3A_2836 = arith.constant 26 : i32
      %add3A_2837 = arith.addi %add3A_2835, %add3A_2836 : i32
      %dma_start3A_2838 = arith.constant 520 : i32
      %dma_start3A_2839 = arith.constant 0 : i32
      %dma_start3A_2840 = tpu.memref_slice %arg7[%dma_start3A_2838, %dma_start3A_2839] : memref<640x64xf32, #tpu.memory_space<vmem>> -> memref<20x64xf32, #tpu.memory_space<vmem>>
      %dma_start3A_2841 = arith.constant 0 : i32
      %dma_start3A_2842 = arith.constant 0 : i32
      %dma_start3A_2843 = tpu.memref_slice %arg4[%add3A_2837, %dma_start3A_2841, %dma_start3A_2842] : memref<16384x24x128xf32, #tpu.memory_space<hbm>> -> memref<1x20x64xf32, #tpu.memory_space<hbm>>
      %dma_start3A_2844 = tpu.memref_squeeze %dma_start3A_2843 : memref<1x20x64xf32, #tpu.memory_space<hbm>> -> memref<20x64xf32, #tpu.memory_space<hbm>>
      %dma_start3A_2845 = arith.constant 0 : i32
      %dma_start3A_2846 = arith.constant 0 : i32
      %dma_start3A_2847 = tpu.memref_slice %arg4[%add3A_2837, %dma_start3A_2845, %dma_start3A_2846] : memref<16384x24x128xf32, #tpu.memory_space<hbm>> -> memref<1x20x64xf32, #tpu.memory_space<hbm>>
      %dma_start3A_2848 = tpu.memref_squeeze %dma_start3A_2847 : memref<1x20x64xf32, #tpu.memory_space<hbm>> -> memref<20x64xf32, #tpu.memory_space<hbm>>
      %dma_start3A_2849 = arith.constant 520 : i32
      %dma_start3A_2850 = arith.constant 0 : i32
      %dma_start3A_2851 = tpu.memref_slice %arg7[%dma_start3A_2849, %dma_start3A_2850] : memref<640x64xf32, #tpu.memory_space<vmem>> -> memref<20x64xf32, #tpu.memory_space<vmem>>
      tpu.enqueue_dma source(%dma_start3A_2851 : memref<20x64xf32, #tpu.memory_space<vmem>>) target(%dma_start3A_2848 : memref<20x64xf32, #tpu.memory_space<hbm>>) target_semaphore(%arg11 : memref<!tpu.dma_semaphore, #tpu.memory_space<semaphore_mem>>)
      %mul3A_2852 = arith.constant 32 : i32
      %mul3A_2853 = arith.muli %add3A_2338, %mul3A_2852 : i32
      %add3A_2854 = arith.addi %mul3A_2, %mul3A_2853 : i32
      %add3A_2855 = arith.constant 27 : i32
      %add3A_2856 = arith.addi %add3A_2854, %add3A_2855 : i32
      %dma_start3A_2857 = arith.constant 540 : i32
      %dma_start3A_2858 = arith.constant 0 : i32
      %dma_start3A_2859 = tpu.memref_slice %arg7[%dma_start3A_2857, %dma_start3A_2858] : memref<640x64xf32, #tpu.memory_space<vmem>> -> memref<20x64xf32, #tpu.memory_space<vmem>>
      %dma_start3A_2860 = arith.constant 0 : i32
      %dma_start3A_2861 = arith.constant 0 : i32
      %dma_start3A_2862 = tpu.memref_slice %arg4[%add3A_2856, %dma_start3A_2860, %dma_start3A_2861] : memref<16384x24x128xf32, #tpu.memory_space<hbm>> -> memref<1x20x64xf32, #tpu.memory_space<hbm>>
      %dma_start3A_2863 = tpu.memref_squeeze %dma_start3A_2862 : memref<1x20x64xf32, #tpu.memory_space<hbm>> -> memref<20x64xf32, #tpu.memory_space<hbm>>
      %dma_start3A_2864 = arith.constant 0 : i32
      %dma_start3A_2865 = arith.constant 0 : i32
      %dma_start3A_2866 = tpu.memref_slice %arg4[%add3A_2856, %dma_start3A_2864, %dma_start3A_2865] : memref<16384x24x128xf32, #tpu.memory_space<hbm>> -> memref<1x20x64xf32, #tpu.memory_space<hbm>>
      %dma_start3A_2867 = tpu.memref_squeeze %dma_start3A_2866 : memref<1x20x64xf32, #tpu.memory_space<hbm>> -> memref<20x64xf32, #tpu.memory_space<hbm>>
      %dma_start3A_2868 = arith.constant 540 : i32
      %dma_start3A_2869 = arith.constant 0 : i32
      %dma_start3A_2870 = tpu.memref_slice %arg7[%dma_start3A_2868, %dma_start3A_2869] : memref<640x64xf32, #tpu.memory_space<vmem>> -> memref<20x64xf32, #tpu.memory_space<vmem>>
      tpu.enqueue_dma source(%dma_start3A_2870 : memref<20x64xf32, #tpu.memory_space<vmem>>) target(%dma_start3A_2867 : memref<20x64xf32, #tpu.memory_space<hbm>>) target_semaphore(%arg11 : memref<!tpu.dma_semaphore, #tpu.memory_space<semaphore_mem>>)
      %mul3A_2871 = arith.constant 32 : i32
      %mul3A_2872 = arith.muli %add3A_2338, %mul3A_2871 : i32
      %add3A_2873 = arith.addi %mul3A_2, %mul3A_2872 : i32
      %add3A_2874 = arith.constant 28 : i32
      %add3A_2875 = arith.addi %add3A_2873, %add3A_2874 : i32
      %dma_start3A_2876 = arith.constant 560 : i32
      %dma_start3A_2877 = arith.constant 0 : i32
      %dma_start3A_2878 = tpu.memref_slice %arg7[%dma_start3A_2876, %dma_start3A_2877] : memref<640x64xf32, #tpu.memory_space<vmem>> -> memref<20x64xf32, #tpu.memory_space<vmem>>
      %dma_start3A_2879 = arith.constant 0 : i32
      %dma_start3A_2880 = arith.constant 0 : i32
      %dma_start3A_2881 = tpu.memref_slice %arg4[%add3A_2875, %dma_start3A_2879, %dma_start3A_2880] : memref<16384x24x128xf32, #tpu.memory_space<hbm>> -> memref<1x20x64xf32, #tpu.memory_space<hbm>>
      %dma_start3A_2882 = tpu.memref_squeeze %dma_start3A_2881 : memref<1x20x64xf32, #tpu.memory_space<hbm>> -> memref<20x64xf32, #tpu.memory_space<hbm>>
      %dma_start3A_2883 = arith.constant 0 : i32
      %dma_start3A_2884 = arith.constant 0 : i32
      %dma_start3A_2885 = tpu.memref_slice %arg4[%add3A_2875, %dma_start3A_2883, %dma_start3A_2884] : memref<16384x24x128xf32, #tpu.memory_space<hbm>> -> memref<1x20x64xf32, #tpu.memory_space<hbm>>
      %dma_start3A_2886 = tpu.memref_squeeze %dma_start3A_2885 : memref<1x20x64xf32, #tpu.memory_space<hbm>> -> memref<20x64xf32, #tpu.memory_space<hbm>>
      %dma_start3A_2887 = arith.constant 560 : i32
      %dma_start3A_2888 = arith.constant 0 : i32
      %dma_start3A_2889 = tpu.memref_slice %arg7[%dma_start3A_2887, %dma_start3A_2888] : memref<640x64xf32, #tpu.memory_space<vmem>> -> memref<20x64xf32, #tpu.memory_space<vmem>>
      tpu.enqueue_dma source(%dma_start3A_2889 : memref<20x64xf32, #tpu.memory_space<vmem>>) target(%dma_start3A_2886 : memref<20x64xf32, #tpu.memory_space<hbm>>) target_semaphore(%arg11 : memref<!tpu.dma_semaphore, #tpu.memory_space<semaphore_mem>>)
      %mul3A_2890 = arith.constant 32 : i32
      %mul3A_2891 = arith.muli %add3A_2338, %mul3A_2890 : i32
      %add3A_2892 = arith.addi %mul3A_2, %mul3A_2891 : i32
      %add3A_2893 = arith.constant 29 : i32
      %add3A_2894 = arith.addi %add3A_2892, %add3A_2893 : i32
      %dma_start3A_2895 = arith.constant 580 : i32
      %dma_start3A_2896 = arith.constant 0 : i32
      %dma_start3A_2897 = tpu.memref_slice %arg7[%dma_start3A_2895, %dma_start3A_2896] : memref<640x64xf32, #tpu.memory_space<vmem>> -> memref<20x64xf32, #tpu.memory_space<vmem>>
      %dma_start3A_2898 = arith.constant 0 : i32
      %dma_start3A_2899 = arith.constant 0 : i32
      %dma_start3A_2900 = tpu.memref_slice %arg4[%add3A_2894, %dma_start3A_2898, %dma_start3A_2899] : memref<16384x24x128xf32, #tpu.memory_space<hbm>> -> memref<1x20x64xf32, #tpu.memory_space<hbm>>
      %dma_start3A_2901 = tpu.memref_squeeze %dma_start3A_2900 : memref<1x20x64xf32, #tpu.memory_space<hbm>> -> memref<20x64xf32, #tpu.memory_space<hbm>>
      %dma_start3A_2902 = arith.constant 0 : i32
      %dma_start3A_2903 = arith.constant 0 : i32
      %dma_start3A_2904 = tpu.memref_slice %arg4[%add3A_2894, %dma_start3A_2902, %dma_start3A_2903] : memref<16384x24x128xf32, #tpu.memory_space<hbm>> -> memref<1x20x64xf32, #tpu.memory_space<hbm>>
      %dma_start3A_2905 = tpu.memref_squeeze %dma_start3A_2904 : memref<1x20x64xf32, #tpu.memory_space<hbm>> -> memref<20x64xf32, #tpu.memory_space<hbm>>
      %dma_start3A_2906 = arith.constant 580 : i32
      %dma_start3A_2907 = arith.constant 0 : i32
      %dma_start3A_2908 = tpu.memref_slice %arg7[%dma_start3A_2906, %dma_start3A_2907] : memref<640x64xf32, #tpu.memory_space<vmem>> -> memref<20x64xf32, #tpu.memory_space<vmem>>
      tpu.enqueue_dma source(%dma_start3A_2908 : memref<20x64xf32, #tpu.memory_space<vmem>>) target(%dma_start3A_2905 : memref<20x64xf32, #tpu.memory_space<hbm>>) target_semaphore(%arg11 : memref<!tpu.dma_semaphore, #tpu.memory_space<semaphore_mem>>)
      %mul3A_2909 = arith.constant 32 : i32
      %mul3A_2910 = arith.muli %add3A_2338, %mul3A_2909 : i32
      %add3A_2911 = arith.addi %mul3A_2, %mul3A_2910 : i32
      %add3A_2912 = arith.constant 30 : i32
      %add3A_2913 = arith.addi %add3A_2911, %add3A_2912 : i32
      %dma_start3A_2914 = arith.constant 600 : i32
      %dma_start3A_2915 = arith.constant 0 : i32
      %dma_start3A_2916 = tpu.memref_slice %arg7[%dma_start3A_2914, %dma_start3A_2915] : memref<640x64xf32, #tpu.memory_space<vmem>> -> memref<20x64xf32, #tpu.memory_space<vmem>>
      %dma_start3A_2917 = arith.constant 0 : i32
      %dma_start3A_2918 = arith.constant 0 : i32
      %dma_start3A_2919 = tpu.memref_slice %arg4[%add3A_2913, %dma_start3A_2917, %dma_start3A_2918] : memref<16384x24x128xf32, #tpu.memory_space<hbm>> -> memref<1x20x64xf32, #tpu.memory_space<hbm>>
      %dma_start3A_2920 = tpu.memref_squeeze %dma_start3A_2919 : memref<1x20x64xf32, #tpu.memory_space<hbm>> -> memref<20x64xf32, #tpu.memory_space<hbm>>
      %dma_start3A_2921 = arith.constant 0 : i32
      %dma_start3A_2922 = arith.constant 0 : i32
      %dma_start3A_2923 = tpu.memref_slice %arg4[%add3A_2913, %dma_start3A_2921, %dma_start3A_2922] : memref<16384x24x128xf32, #tpu.memory_space<hbm>> -> memref<1x20x64xf32, #tpu.memory_space<hbm>>
      %dma_start3A_2924 = tpu.memref_squeeze %dma_start3A_2923 : memref<1x20x64xf32, #tpu.memory_space<hbm>> -> memref<20x64xf32, #tpu.memory_space<hbm>>
      %dma_start3A_2925 = arith.constant 600 : i32
      %dma_start3A_2926 = arith.constant 0 : i32
      %dma_start3A_2927 = tpu.memref_slice %arg7[%dma_start3A_2925, %dma_start3A_2926] : memref<640x64xf32, #tpu.memory_space<vmem>> -> memref<20x64xf32, #tpu.memory_space<vmem>>
      tpu.enqueue_dma source(%dma_start3A_2927 : memref<20x64xf32, #tpu.memory_space<vmem>>) target(%dma_start3A_2924 : memref<20x64xf32, #tpu.memory_space<hbm>>) target_semaphore(%arg11 : memref<!tpu.dma_semaphore, #tpu.memory_space<semaphore_mem>>)
      %mul3A_2928 = arith.constant 32 : i32
      %mul3A_2929 = arith.muli %add3A_2338, %mul3A_2928 : i32
      %add3A_2930 = arith.addi %mul3A_2, %mul3A_2929 : i32
      %add3A_2931 = arith.constant 31 : i32
      %add3A_2932 = arith.addi %add3A_2930, %add3A_2931 : i32
      %dma_start3A_2933 = arith.constant 620 : i32
      %dma_start3A_2934 = arith.constant 0 : i32
      %dma_start3A_2935 = tpu.memref_slice %arg7[%dma_start3A_2933, %dma_start3A_2934] : memref<640x64xf32, #tpu.memory_space<vmem>> -> memref<20x64xf32, #tpu.memory_space<vmem>>
      %dma_start3A_2936 = arith.constant 0 : i32
      %dma_start3A_2937 = arith.constant 0 : i32
      %dma_start3A_2938 = tpu.memref_slice %arg4[%add3A_2932, %dma_start3A_2936, %dma_start3A_2937] : memref<16384x24x128xf32, #tpu.memory_space<hbm>> -> memref<1x20x64xf32, #tpu.memory_space<hbm>>
      %dma_start3A_2939 = tpu.memref_squeeze %dma_start3A_2938 : memref<1x20x64xf32, #tpu.memory_space<hbm>> -> memref<20x64xf32, #tpu.memory_space<hbm>>
      %dma_start3A_2940 = arith.constant 0 : i32
      %dma_start3A_2941 = arith.constant 0 : i32
      %dma_start3A_2942 = tpu.memref_slice %arg4[%add3A_2932, %dma_start3A_2940, %dma_start3A_2941] : memref<16384x24x128xf32, #tpu.memory_space<hbm>> -> memref<1x20x64xf32, #tpu.memory_space<hbm>>
      %dma_start3A_2943 = tpu.memref_squeeze %dma_start3A_2942 : memref<1x20x64xf32, #tpu.memory_space<hbm>> -> memref<20x64xf32, #tpu.memory_space<hbm>>
      %dma_start3A_2944 = arith.constant 620 : i32
      %dma_start3A_2945 = arith.constant 0 : i32
      %dma_start3A_2946 = tpu.memref_slice %arg7[%dma_start3A_2944, %dma_start3A_2945] : memref<640x64xf32, #tpu.memory_space<vmem>> -> memref<20x64xf32, #tpu.memory_space<vmem>>
      tpu.enqueue_dma source(%dma_start3A_2946 : memref<20x64xf32, #tpu.memory_space<vmem>>) target(%dma_start3A_2943 : memref<20x64xf32, #tpu.memory_space<hbm>>) target_semaphore(%arg11 : memref<!tpu.dma_semaphore, #tpu.memory_space<semaphore_mem>>)
    }
    %scan3A_326 = arith.constant 8 : i32
    %dma_wait3A = arith.constant 0 : i32
    %dma_wait3A_327 = arith.constant 0 : i32
    %dma_wait3A_328 = arith.constant 0 : i32
    %dma_wait3A_329 = tpu.memref_slice %arg7[%dma_wait3A_327, %dma_wait3A_328] : memref<640x64xf32, #tpu.memory_space<vmem>> -> memref<20x64xf32, #tpu.memory_space<vmem>>
    %dma_wait3A_330 = arith.constant 0 : i32
    %dma_wait3A_331 = arith.constant 0 : i32
    %dma_wait3A_332 = tpu.memref_slice %arg4[%dma_wait3A, %dma_wait3A_330, %dma_wait3A_331] : memref<16384x24x128xf32, #tpu.memory_space<hbm>> -> memref<1x20x64xf32, #tpu.memory_space<hbm>>
    %dma_wait3A_333 = tpu.memref_squeeze %dma_wait3A_332 : memref<1x20x64xf32, #tpu.memory_space<hbm>> -> memref<20x64xf32, #tpu.memory_space<hbm>>
    %dma_wait3A_334 = arith.constant 0 : i32
    %dma_wait3A_335 = arith.constant 0 : i32
    %dma_wait3A_336 = tpu.memref_slice %arg4[%dma_wait3A, %dma_wait3A_334, %dma_wait3A_335] : memref<16384x24x128xf32, #tpu.memory_space<hbm>> -> memref<1x20x64xf32, #tpu.memory_space<hbm>>
    %dma_wait3A_337 = tpu.memref_squeeze %dma_wait3A_336 : memref<1x20x64xf32, #tpu.memory_space<hbm>> -> memref<20x64xf32, #tpu.memory_space<hbm>>
    %dma_wait3A_338 = arith.constant 0 : i32
    %dma_wait3A_339 = arith.constant 0 : i32
    %dma_wait3A_340 = tpu.memref_slice %arg7[%dma_wait3A_338, %dma_wait3A_339] : memref<640x64xf32, #tpu.memory_space<vmem>> -> memref<20x64xf32, #tpu.memory_space<vmem>>
    tpu.wait_dma2 semaphore(%arg11 : memref<!tpu.dma_semaphore, #tpu.memory_space<semaphore_mem>>) src(%dma_wait3A_340 : memref<20x64xf32, #tpu.memory_space<vmem>>) dst(%dma_wait3A_337 : memref<20x64xf32, #tpu.memory_space<hbm>>)
    %dma_wait3A_341 = arith.constant 0 : i32
    %dma_wait3A_342 = arith.constant 20 : i32
    %dma_wait3A_343 = arith.constant 0 : i32
    %dma_wait3A_344 = tpu.memref_slice %arg7[%dma_wait3A_342, %dma_wait3A_343] : memref<640x64xf32, #tpu.memory_space<vmem>> -> memref<20x64xf32, #tpu.memory_space<vmem>>
    %dma_wait3A_345 = arith.constant 0 : i32
    %dma_wait3A_346 = arith.constant 0 : i32
    %dma_wait3A_347 = tpu.memref_slice %arg4[%dma_wait3A_341, %dma_wait3A_345, %dma_wait3A_346] : memref<16384x24x128xf32, #tpu.memory_space<hbm>> -> memref<1x20x64xf32, #tpu.memory_space<hbm>>
    %dma_wait3A_348 = tpu.memref_squeeze %dma_wait3A_347 : memref<1x20x64xf32, #tpu.memory_space<hbm>> -> memref<20x64xf32, #tpu.memory_space<hbm>>
    %dma_wait3A_349 = arith.constant 0 : i32
    %dma_wait3A_350 = arith.constant 0 : i32
    %dma_wait3A_351 = tpu.memref_slice %arg4[%dma_wait3A_341, %dma_wait3A_349, %dma_wait3A_350] : memref<16384x24x128xf32, #tpu.memory_space<hbm>> -> memref<1x20x64xf32, #tpu.memory_space<hbm>>
    %dma_wait3A_352 = tpu.memref_squeeze %dma_wait3A_351 : memref<1x20x64xf32, #tpu.memory_space<hbm>> -> memref<20x64xf32, #tpu.memory_space<hbm>>
    %dma_wait3A_353 = arith.constant 20 : i32
    %dma_wait3A_354 = arith.constant 0 : i32
    %dma_wait3A_355 = tpu.memref_slice %arg7[%dma_wait3A_353, %dma_wait3A_354] : memref<640x64xf32, #tpu.memory_space<vmem>> -> memref<20x64xf32, #tpu.memory_space<vmem>>
    tpu.wait_dma2 semaphore(%arg11 : memref<!tpu.dma_semaphore, #tpu.memory_space<semaphore_mem>>) src(%dma_wait3A_355 : memref<20x64xf32, #tpu.memory_space<vmem>>) dst(%dma_wait3A_352 : memref<20x64xf32, #tpu.memory_space<hbm>>)
    %dma_wait3A_356 = arith.constant 0 : i32
    %dma_wait3A_357 = arith.constant 40 : i32
    %dma_wait3A_358 = arith.constant 0 : i32
    %dma_wait3A_359 = tpu.memref_slice %arg7[%dma_wait3A_357, %dma_wait3A_358] : memref<640x64xf32, #tpu.memory_space<vmem>> -> memref<20x64xf32, #tpu.memory_space<vmem>>
    %dma_wait3A_360 = arith.constant 0 : i32
    %dma_wait3A_361 = arith.constant 0 : i32
    %dma_wait3A_362 = tpu.memref_slice %arg4[%dma_wait3A_356, %dma_wait3A_360, %dma_wait3A_361] : memref<16384x24x128xf32, #tpu.memory_space<hbm>> -> memref<1x20x64xf32, #tpu.memory_space<hbm>>
    %dma_wait3A_363 = tpu.memref_squeeze %dma_wait3A_362 : memref<1x20x64xf32, #tpu.memory_space<hbm>> -> memref<20x64xf32, #tpu.memory_space<hbm>>
    %dma_wait3A_364 = arith.constant 0 : i32
    %dma_wait3A_365 = arith.constant 0 : i32
    %dma_wait3A_366 = tpu.memref_slice %arg4[%dma_wait3A_356, %dma_wait3A_364, %dma_wait3A_365] : memref<16384x24x128xf32, #tpu.memory_space<hbm>> -> memref<1x20x64xf32, #tpu.memory_space<hbm>>
    %dma_wait3A_367 = tpu.memref_squeeze %dma_wait3A_366 : memref<1x20x64xf32, #tpu.memory_space<hbm>> -> memref<20x64xf32, #tpu.memory_space<hbm>>
    %dma_wait3A_368 = arith.constant 40 : i32
    %dma_wait3A_369 = arith.constant 0 : i32
    %dma_wait3A_370 = tpu.memref_slice %arg7[%dma_wait3A_368, %dma_wait3A_369] : memref<640x64xf32, #tpu.memory_space<vmem>> -> memref<20x64xf32, #tpu.memory_space<vmem>>
    tpu.wait_dma2 semaphore(%arg11 : memref<!tpu.dma_semaphore, #tpu.memory_space<semaphore_mem>>) src(%dma_wait3A_370 : memref<20x64xf32, #tpu.memory_space<vmem>>) dst(%dma_wait3A_367 : memref<20x64xf32, #tpu.memory_space<hbm>>)
    %dma_wait3A_371 = arith.constant 0 : i32
    %dma_wait3A_372 = arith.constant 60 : i32
    %dma_wait3A_373 = arith.constant 0 : i32
    %dma_wait3A_374 = tpu.memref_slice %arg7[%dma_wait3A_372, %dma_wait3A_373] : memref<640x64xf32, #tpu.memory_space<vmem>> -> memref<20x64xf32, #tpu.memory_space<vmem>>
    %dma_wait3A_375 = arith.constant 0 : i32
    %dma_wait3A_376 = arith.constant 0 : i32
    %dma_wait3A_377 = tpu.memref_slice %arg4[%dma_wait3A_371, %dma_wait3A_375, %dma_wait3A_376] : memref<16384x24x128xf32, #tpu.memory_space<hbm>> -> memref<1x20x64xf32, #tpu.memory_space<hbm>>
    %dma_wait3A_378 = tpu.memref_squeeze %dma_wait3A_377 : memref<1x20x64xf32, #tpu.memory_space<hbm>> -> memref<20x64xf32, #tpu.memory_space<hbm>>
    %dma_wait3A_379 = arith.constant 0 : i32
    %dma_wait3A_380 = arith.constant 0 : i32
    %dma_wait3A_381 = tpu.memref_slice %arg4[%dma_wait3A_371, %dma_wait3A_379, %dma_wait3A_380] : memref<16384x24x128xf32, #tpu.memory_space<hbm>> -> memref<1x20x64xf32, #tpu.memory_space<hbm>>
    %dma_wait3A_382 = tpu.memref_squeeze %dma_wait3A_381 : memref<1x20x64xf32, #tpu.memory_space<hbm>> -> memref<20x64xf32, #tpu.memory_space<hbm>>
    %dma_wait3A_383 = arith.constant 60 : i32
    %dma_wait3A_384 = arith.constant 0 : i32
    %dma_wait3A_385 = tpu.memref_slice %arg7[%dma_wait3A_383, %dma_wait3A_384] : memref<640x64xf32, #tpu.memory_space<vmem>> -> memref<20x64xf32, #tpu.memory_space<vmem>>
    tpu.wait_dma2 semaphore(%arg11 : memref<!tpu.dma_semaphore, #tpu.memory_space<semaphore_mem>>) src(%dma_wait3A_385 : memref<20x64xf32, #tpu.memory_space<vmem>>) dst(%dma_wait3A_382 : memref<20x64xf32, #tpu.memory_space<hbm>>)
    %dma_wait3A_386 = arith.constant 0 : i32
    %dma_wait3A_387 = arith.constant 80 : i32
    %dma_wait3A_388 = arith.constant 0 : i32
    %dma_wait3A_389 = tpu.memref_slice %arg7[%dma_wait3A_387, %dma_wait3A_388] : memref<640x64xf32, #tpu.memory_space<vmem>> -> memref<20x64xf32, #tpu.memory_space<vmem>>
    %dma_wait3A_390 = arith.constant 0 : i32
    %dma_wait3A_391 = arith.constant 0 : i32
    %dma_wait3A_392 = tpu.memref_slice %arg4[%dma_wait3A_386, %dma_wait3A_390, %dma_wait3A_391] : memref<16384x24x128xf32, #tpu.memory_space<hbm>> -> memref<1x20x64xf32, #tpu.memory_space<hbm>>
    %dma_wait3A_393 = tpu.memref_squeeze %dma_wait3A_392 : memref<1x20x64xf32, #tpu.memory_space<hbm>> -> memref<20x64xf32, #tpu.memory_space<hbm>>
    %dma_wait3A_394 = arith.constant 0 : i32
    %dma_wait3A_395 = arith.constant 0 : i32
    %dma_wait3A_396 = tpu.memref_slice %arg4[%dma_wait3A_386, %dma_wait3A_394, %dma_wait3A_395] : memref<16384x24x128xf32, #tpu.memory_space<hbm>> -> memref<1x20x64xf32, #tpu.memory_space<hbm>>
    %dma_wait3A_397 = tpu.memref_squeeze %dma_wait3A_396 : memref<1x20x64xf32, #tpu.memory_space<hbm>> -> memref<20x64xf32, #tpu.memory_space<hbm>>
    %dma_wait3A_398 = arith.constant 80 : i32
    %dma_wait3A_399 = arith.constant 0 : i32
    %dma_wait3A_400 = tpu.memref_slice %arg7[%dma_wait3A_398, %dma_wait3A_399] : memref<640x64xf32, #tpu.memory_space<vmem>> -> memref<20x64xf32, #tpu.memory_space<vmem>>
    tpu.wait_dma2 semaphore(%arg11 : memref<!tpu.dma_semaphore, #tpu.memory_space<semaphore_mem>>) src(%dma_wait3A_400 : memref<20x64xf32, #tpu.memory_space<vmem>>) dst(%dma_wait3A_397 : memref<20x64xf32, #tpu.memory_space<hbm>>)
    %dma_wait3A_401 = arith.constant 0 : i32
    %dma_wait3A_402 = arith.constant 100 : i32
    %dma_wait3A_403 = arith.constant 0 : i32
    %dma_wait3A_404 = tpu.memref_slice %arg7[%dma_wait3A_402, %dma_wait3A_403] : memref<640x64xf32, #tpu.memory_space<vmem>> -> memref<20x64xf32, #tpu.memory_space<vmem>>
    %dma_wait3A_405 = arith.constant 0 : i32
    %dma_wait3A_406 = arith.constant 0 : i32
    %dma_wait3A_407 = tpu.memref_slice %arg4[%dma_wait3A_401, %dma_wait3A_405, %dma_wait3A_406] : memref<16384x24x128xf32, #tpu.memory_space<hbm>> -> memref<1x20x64xf32, #tpu.memory_space<hbm>>
    %dma_wait3A_408 = tpu.memref_squeeze %dma_wait3A_407 : memref<1x20x64xf32, #tpu.memory_space<hbm>> -> memref<20x64xf32, #tpu.memory_space<hbm>>
    %dma_wait3A_409 = arith.constant 0 : i32
    %dma_wait3A_410 = arith.constant 0 : i32
    %dma_wait3A_411 = tpu.memref_slice %arg4[%dma_wait3A_401, %dma_wait3A_409, %dma_wait3A_410] : memref<16384x24x128xf32, #tpu.memory_space<hbm>> -> memref<1x20x64xf32, #tpu.memory_space<hbm>>
    %dma_wait3A_412 = tpu.memref_squeeze %dma_wait3A_411 : memref<1x20x64xf32, #tpu.memory_space<hbm>> -> memref<20x64xf32, #tpu.memory_space<hbm>>
    %dma_wait3A_413 = arith.constant 100 : i32
    %dma_wait3A_414 = arith.constant 0 : i32
    %dma_wait3A_415 = tpu.memref_slice %arg7[%dma_wait3A_413, %dma_wait3A_414] : memref<640x64xf32, #tpu.memory_space<vmem>> -> memref<20x64xf32, #tpu.memory_space<vmem>>
    tpu.wait_dma2 semaphore(%arg11 : memref<!tpu.dma_semaphore, #tpu.memory_space<semaphore_mem>>) src(%dma_wait3A_415 : memref<20x64xf32, #tpu.memory_space<vmem>>) dst(%dma_wait3A_412 : memref<20x64xf32, #tpu.memory_space<hbm>>)
    %dma_wait3A_416 = arith.constant 0 : i32
    %dma_wait3A_417 = arith.constant 120 : i32
    %dma_wait3A_418 = arith.constant 0 : i32
    %dma_wait3A_419 = tpu.memref_slice %arg7[%dma_wait3A_417, %dma_wait3A_418] : memref<640x64xf32, #tpu.memory_space<vmem>> -> memref<20x64xf32, #tpu.memory_space<vmem>>
    %dma_wait3A_420 = arith.constant 0 : i32
    %dma_wait3A_421 = arith.constant 0 : i32
    %dma_wait3A_422 = tpu.memref_slice %arg4[%dma_wait3A_416, %dma_wait3A_420, %dma_wait3A_421] : memref<16384x24x128xf32, #tpu.memory_space<hbm>> -> memref<1x20x64xf32, #tpu.memory_space<hbm>>
    %dma_wait3A_423 = tpu.memref_squeeze %dma_wait3A_422 : memref<1x20x64xf32, #tpu.memory_space<hbm>> -> memref<20x64xf32, #tpu.memory_space<hbm>>
    %dma_wait3A_424 = arith.constant 0 : i32
    %dma_wait3A_425 = arith.constant 0 : i32
    %dma_wait3A_426 = tpu.memref_slice %arg4[%dma_wait3A_416, %dma_wait3A_424, %dma_wait3A_425] : memref<16384x24x128xf32, #tpu.memory_space<hbm>> -> memref<1x20x64xf32, #tpu.memory_space<hbm>>
    %dma_wait3A_427 = tpu.memref_squeeze %dma_wait3A_426 : memref<1x20x64xf32, #tpu.memory_space<hbm>> -> memref<20x64xf32, #tpu.memory_space<hbm>>
    %dma_wait3A_428 = arith.constant 120 : i32
    %dma_wait3A_429 = arith.constant 0 : i32
    %dma_wait3A_430 = tpu.memref_slice %arg7[%dma_wait3A_428, %dma_wait3A_429] : memref<640x64xf32, #tpu.memory_space<vmem>> -> memref<20x64xf32, #tpu.memory_space<vmem>>
    tpu.wait_dma2 semaphore(%arg11 : memref<!tpu.dma_semaphore, #tpu.memory_space<semaphore_mem>>) src(%dma_wait3A_430 : memref<20x64xf32, #tpu.memory_space<vmem>>) dst(%dma_wait3A_427 : memref<20x64xf32, #tpu.memory_space<hbm>>)
    %dma_wait3A_431 = arith.constant 0 : i32
    %dma_wait3A_432 = arith.constant 140 : i32
    %dma_wait3A_433 = arith.constant 0 : i32
    %dma_wait3A_434 = tpu.memref_slice %arg7[%dma_wait3A_432, %dma_wait3A_433] : memref<640x64xf32, #tpu.memory_space<vmem>> -> memref<20x64xf32, #tpu.memory_space<vmem>>
    %dma_wait3A_435 = arith.constant 0 : i32
    %dma_wait3A_436 = arith.constant 0 : i32
    %dma_wait3A_437 = tpu.memref_slice %arg4[%dma_wait3A_431, %dma_wait3A_435, %dma_wait3A_436] : memref<16384x24x128xf32, #tpu.memory_space<hbm>> -> memref<1x20x64xf32, #tpu.memory_space<hbm>>
    %dma_wait3A_438 = tpu.memref_squeeze %dma_wait3A_437 : memref<1x20x64xf32, #tpu.memory_space<hbm>> -> memref<20x64xf32, #tpu.memory_space<hbm>>
    %dma_wait3A_439 = arith.constant 0 : i32
    %dma_wait3A_440 = arith.constant 0 : i32
    %dma_wait3A_441 = tpu.memref_slice %arg4[%dma_wait3A_431, %dma_wait3A_439, %dma_wait3A_440] : memref<16384x24x128xf32, #tpu.memory_space<hbm>> -> memref<1x20x64xf32, #tpu.memory_space<hbm>>
    %dma_wait3A_442 = tpu.memref_squeeze %dma_wait3A_441 : memref<1x20x64xf32, #tpu.memory_space<hbm>> -> memref<20x64xf32, #tpu.memory_space<hbm>>
    %dma_wait3A_443 = arith.constant 140 : i32
    %dma_wait3A_444 = arith.constant 0 : i32
    %dma_wait3A_445 = tpu.memref_slice %arg7[%dma_wait3A_443, %dma_wait3A_444] : memref<640x64xf32, #tpu.memory_space<vmem>> -> memref<20x64xf32, #tpu.memory_space<vmem>>
    tpu.wait_dma2 semaphore(%arg11 : memref<!tpu.dma_semaphore, #tpu.memory_space<semaphore_mem>>) src(%dma_wait3A_445 : memref<20x64xf32, #tpu.memory_space<vmem>>) dst(%dma_wait3A_442 : memref<20x64xf32, #tpu.memory_space<hbm>>)
    %dma_wait3A_446 = arith.constant 0 : i32
    %dma_wait3A_447 = arith.constant 160 : i32
    %dma_wait3A_448 = arith.constant 0 : i32
    %dma_wait3A_449 = tpu.memref_slice %arg7[%dma_wait3A_447, %dma_wait3A_448] : memref<640x64xf32, #tpu.memory_space<vmem>> -> memref<20x64xf32, #tpu.memory_space<vmem>>
    %dma_wait3A_450 = arith.constant 0 : i32
    %dma_wait3A_451 = arith.constant 0 : i32
    %dma_wait3A_452 = tpu.memref_slice %arg4[%dma_wait3A_446, %dma_wait3A_450, %dma_wait3A_451] : memref<16384x24x128xf32, #tpu.memory_space<hbm>> -> memref<1x20x64xf32, #tpu.memory_space<hbm>>
    %dma_wait3A_453 = tpu.memref_squeeze %dma_wait3A_452 : memref<1x20x64xf32, #tpu.memory_space<hbm>> -> memref<20x64xf32, #tpu.memory_space<hbm>>
    %dma_wait3A_454 = arith.constant 0 : i32
    %dma_wait3A_455 = arith.constant 0 : i32
    %dma_wait3A_456 = tpu.memref_slice %arg4[%dma_wait3A_446, %dma_wait3A_454, %dma_wait3A_455] : memref<16384x24x128xf32, #tpu.memory_space<hbm>> -> memref<1x20x64xf32, #tpu.memory_space<hbm>>
    %dma_wait3A_457 = tpu.memref_squeeze %dma_wait3A_456 : memref<1x20x64xf32, #tpu.memory_space<hbm>> -> memref<20x64xf32, #tpu.memory_space<hbm>>
    %dma_wait3A_458 = arith.constant 160 : i32
    %dma_wait3A_459 = arith.constant 0 : i32
    %dma_wait3A_460 = tpu.memref_slice %arg7[%dma_wait3A_458, %dma_wait3A_459] : memref<640x64xf32, #tpu.memory_space<vmem>> -> memref<20x64xf32, #tpu.memory_space<vmem>>
    tpu.wait_dma2 semaphore(%arg11 : memref<!tpu.dma_semaphore, #tpu.memory_space<semaphore_mem>>) src(%dma_wait3A_460 : memref<20x64xf32, #tpu.memory_space<vmem>>) dst(%dma_wait3A_457 : memref<20x64xf32, #tpu.memory_space<hbm>>)
    %dma_wait3A_461 = arith.constant 0 : i32
    %dma_wait3A_462 = arith.constant 180 : i32
    %dma_wait3A_463 = arith.constant 0 : i32
    %dma_wait3A_464 = tpu.memref_slice %arg7[%dma_wait3A_462, %dma_wait3A_463] : memref<640x64xf32, #tpu.memory_space<vmem>> -> memref<20x64xf32, #tpu.memory_space<vmem>>
    %dma_wait3A_465 = arith.constant 0 : i32
    %dma_wait3A_466 = arith.constant 0 : i32
    %dma_wait3A_467 = tpu.memref_slice %arg4[%dma_wait3A_461, %dma_wait3A_465, %dma_wait3A_466] : memref<16384x24x128xf32, #tpu.memory_space<hbm>> -> memref<1x20x64xf32, #tpu.memory_space<hbm>>
    %dma_wait3A_468 = tpu.memref_squeeze %dma_wait3A_467 : memref<1x20x64xf32, #tpu.memory_space<hbm>> -> memref<20x64xf32, #tpu.memory_space<hbm>>
    %dma_wait3A_469 = arith.constant 0 : i32
    %dma_wait3A_470 = arith.constant 0 : i32
    %dma_wait3A_471 = tpu.memref_slice %arg4[%dma_wait3A_461, %dma_wait3A_469, %dma_wait3A_470] : memref<16384x24x128xf32, #tpu.memory_space<hbm>> -> memref<1x20x64xf32, #tpu.memory_space<hbm>>
    %dma_wait3A_472 = tpu.memref_squeeze %dma_wait3A_471 : memref<1x20x64xf32, #tpu.memory_space<hbm>> -> memref<20x64xf32, #tpu.memory_space<hbm>>
    %dma_wait3A_473 = arith.constant 180 : i32
    %dma_wait3A_474 = arith.constant 0 : i32
    %dma_wait3A_475 = tpu.memref_slice %arg7[%dma_wait3A_473, %dma_wait3A_474] : memref<640x64xf32, #tpu.memory_space<vmem>> -> memref<20x64xf32, #tpu.memory_space<vmem>>
    tpu.wait_dma2 semaphore(%arg11 : memref<!tpu.dma_semaphore, #tpu.memory_space<semaphore_mem>>) src(%dma_wait3A_475 : memref<20x64xf32, #tpu.memory_space<vmem>>) dst(%dma_wait3A_472 : memref<20x64xf32, #tpu.memory_space<hbm>>)
    %dma_wait3A_476 = arith.constant 0 : i32
    %dma_wait3A_477 = arith.constant 200 : i32
    %dma_wait3A_478 = arith.constant 0 : i32
    %dma_wait3A_479 = tpu.memref_slice %arg7[%dma_wait3A_477, %dma_wait3A_478] : memref<640x64xf32, #tpu.memory_space<vmem>> -> memref<20x64xf32, #tpu.memory_space<vmem>>
    %dma_wait3A_480 = arith.constant 0 : i32
    %dma_wait3A_481 = arith.constant 0 : i32
    %dma_wait3A_482 = tpu.memref_slice %arg4[%dma_wait3A_476, %dma_wait3A_480, %dma_wait3A_481] : memref<16384x24x128xf32, #tpu.memory_space<hbm>> -> memref<1x20x64xf32, #tpu.memory_space<hbm>>
    %dma_wait3A_483 = tpu.memref_squeeze %dma_wait3A_482 : memref<1x20x64xf32, #tpu.memory_space<hbm>> -> memref<20x64xf32, #tpu.memory_space<hbm>>
    %dma_wait3A_484 = arith.constant 0 : i32
    %dma_wait3A_485 = arith.constant 0 : i32
    %dma_wait3A_486 = tpu.memref_slice %arg4[%dma_wait3A_476, %dma_wait3A_484, %dma_wait3A_485] : memref<16384x24x128xf32, #tpu.memory_space<hbm>> -> memref<1x20x64xf32, #tpu.memory_space<hbm>>
    %dma_wait3A_487 = tpu.memref_squeeze %dma_wait3A_486 : memref<1x20x64xf32, #tpu.memory_space<hbm>> -> memref<20x64xf32, #tpu.memory_space<hbm>>
    %dma_wait3A_488 = arith.constant 200 : i32
    %dma_wait3A_489 = arith.constant 0 : i32
    %dma_wait3A_490 = tpu.memref_slice %arg7[%dma_wait3A_488, %dma_wait3A_489] : memref<640x64xf32, #tpu.memory_space<vmem>> -> memref<20x64xf32, #tpu.memory_space<vmem>>
    tpu.wait_dma2 semaphore(%arg11 : memref<!tpu.dma_semaphore, #tpu.memory_space<semaphore_mem>>) src(%dma_wait3A_490 : memref<20x64xf32, #tpu.memory_space<vmem>>) dst(%dma_wait3A_487 : memref<20x64xf32, #tpu.memory_space<hbm>>)
    %dma_wait3A_491 = arith.constant 0 : i32
    %dma_wait3A_492 = arith.constant 220 : i32
    %dma_wait3A_493 = arith.constant 0 : i32
    %dma_wait3A_494 = tpu.memref_slice %arg7[%dma_wait3A_492, %dma_wait3A_493] : memref<640x64xf32, #tpu.memory_space<vmem>> -> memref<20x64xf32, #tpu.memory_space<vmem>>
    %dma_wait3A_495 = arith.constant 0 : i32
    %dma_wait3A_496 = arith.constant 0 : i32
    %dma_wait3A_497 = tpu.memref_slice %arg4[%dma_wait3A_491, %dma_wait3A_495, %dma_wait3A_496] : memref<16384x24x128xf32, #tpu.memory_space<hbm>> -> memref<1x20x64xf32, #tpu.memory_space<hbm>>
    %dma_wait3A_498 = tpu.memref_squeeze %dma_wait3A_497 : memref<1x20x64xf32, #tpu.memory_space<hbm>> -> memref<20x64xf32, #tpu.memory_space<hbm>>
    %dma_wait3A_499 = arith.constant 0 : i32
    %dma_wait3A_500 = arith.constant 0 : i32
    %dma_wait3A_501 = tpu.memref_slice %arg4[%dma_wait3A_491, %dma_wait3A_499, %dma_wait3A_500] : memref<16384x24x128xf32, #tpu.memory_space<hbm>> -> memref<1x20x64xf32, #tpu.memory_space<hbm>>
    %dma_wait3A_502 = tpu.memref_squeeze %dma_wait3A_501 : memref<1x20x64xf32, #tpu.memory_space<hbm>> -> memref<20x64xf32, #tpu.memory_space<hbm>>
    %dma_wait3A_503 = arith.constant 220 : i32
    %dma_wait3A_504 = arith.constant 0 : i32
    %dma_wait3A_505 = tpu.memref_slice %arg7[%dma_wait3A_503, %dma_wait3A_504] : memref<640x64xf32, #tpu.memory_space<vmem>> -> memref<20x64xf32, #tpu.memory_space<vmem>>
    tpu.wait_dma2 semaphore(%arg11 : memref<!tpu.dma_semaphore, #tpu.memory_space<semaphore_mem>>) src(%dma_wait3A_505 : memref<20x64xf32, #tpu.memory_space<vmem>>) dst(%dma_wait3A_502 : memref<20x64xf32, #tpu.memory_space<hbm>>)
    %dma_wait3A_506 = arith.constant 0 : i32
    %dma_wait3A_507 = arith.constant 240 : i32
    %dma_wait3A_508 = arith.constant 0 : i32
    %dma_wait3A_509 = tpu.memref_slice %arg7[%dma_wait3A_507, %dma_wait3A_508] : memref<640x64xf32, #tpu.memory_space<vmem>> -> memref<20x64xf32, #tpu.memory_space<vmem>>
    %dma_wait3A_510 = arith.constant 0 : i32
    %dma_wait3A_511 = arith.constant 0 : i32
    %dma_wait3A_512 = tpu.memref_slice %arg4[%dma_wait3A_506, %dma_wait3A_510, %dma_wait3A_511] : memref<16384x24x128xf32, #tpu.memory_space<hbm>> -> memref<1x20x64xf32, #tpu.memory_space<hbm>>
    %dma_wait3A_513 = tpu.memref_squeeze %dma_wait3A_512 : memref<1x20x64xf32, #tpu.memory_space<hbm>> -> memref<20x64xf32, #tpu.memory_space<hbm>>
    %dma_wait3A_514 = arith.constant 0 : i32
    %dma_wait3A_515 = arith.constant 0 : i32
    %dma_wait3A_516 = tpu.memref_slice %arg4[%dma_wait3A_506, %dma_wait3A_514, %dma_wait3A_515] : memref<16384x24x128xf32, #tpu.memory_space<hbm>> -> memref<1x20x64xf32, #tpu.memory_space<hbm>>
    %dma_wait3A_517 = tpu.memref_squeeze %dma_wait3A_516 : memref<1x20x64xf32, #tpu.memory_space<hbm>> -> memref<20x64xf32, #tpu.memory_space<hbm>>
    %dma_wait3A_518 = arith.constant 240 : i32
    %dma_wait3A_519 = arith.constant 0 : i32
    %dma_wait3A_520 = tpu.memref_slice %arg7[%dma_wait3A_518, %dma_wait3A_519] : memref<640x64xf32, #tpu.memory_space<vmem>> -> memref<20x64xf32, #tpu.memory_space<vmem>>
    tpu.wait_dma2 semaphore(%arg11 : memref<!tpu.dma_semaphore, #tpu.memory_space<semaphore_mem>>) src(%dma_wait3A_520 : memref<20x64xf32, #tpu.memory_space<vmem>>) dst(%dma_wait3A_517 : memref<20x64xf32, #tpu.memory_space<hbm>>)
    %dma_wait3A_521 = arith.constant 0 : i32
    %dma_wait3A_522 = arith.constant 260 : i32
    %dma_wait3A_523 = arith.constant 0 : i32
    %dma_wait3A_524 = tpu.memref_slice %arg7[%dma_wait3A_522, %dma_wait3A_523] : memref<640x64xf32, #tpu.memory_space<vmem>> -> memref<20x64xf32, #tpu.memory_space<vmem>>
    %dma_wait3A_525 = arith.constant 0 : i32
    %dma_wait3A_526 = arith.constant 0 : i32
    %dma_wait3A_527 = tpu.memref_slice %arg4[%dma_wait3A_521, %dma_wait3A_525, %dma_wait3A_526] : memref<16384x24x128xf32, #tpu.memory_space<hbm>> -> memref<1x20x64xf32, #tpu.memory_space<hbm>>
    %dma_wait3A_528 = tpu.memref_squeeze %dma_wait3A_527 : memref<1x20x64xf32, #tpu.memory_space<hbm>> -> memref<20x64xf32, #tpu.memory_space<hbm>>
    %dma_wait3A_529 = arith.constant 0 : i32
    %dma_wait3A_530 = arith.constant 0 : i32
    %dma_wait3A_531 = tpu.memref_slice %arg4[%dma_wait3A_521, %dma_wait3A_529, %dma_wait3A_530] : memref<16384x24x128xf32, #tpu.memory_space<hbm>> -> memref<1x20x64xf32, #tpu.memory_space<hbm>>
    %dma_wait3A_532 = tpu.memref_squeeze %dma_wait3A_531 : memref<1x20x64xf32, #tpu.memory_space<hbm>> -> memref<20x64xf32, #tpu.memory_space<hbm>>
    %dma_wait3A_533 = arith.constant 260 : i32
    %dma_wait3A_534 = arith.constant 0 : i32
    %dma_wait3A_535 = tpu.memref_slice %arg7[%dma_wait3A_533, %dma_wait3A_534] : memref<640x64xf32, #tpu.memory_space<vmem>> -> memref<20x64xf32, #tpu.memory_space<vmem>>
    tpu.wait_dma2 semaphore(%arg11 : memref<!tpu.dma_semaphore, #tpu.memory_space<semaphore_mem>>) src(%dma_wait3A_535 : memref<20x64xf32, #tpu.memory_space<vmem>>) dst(%dma_wait3A_532 : memref<20x64xf32, #tpu.memory_space<hbm>>)
    %dma_wait3A_536 = arith.constant 0 : i32
    %dma_wait3A_537 = arith.constant 280 : i32
    %dma_wait3A_538 = arith.constant 0 : i32
    %dma_wait3A_539 = tpu.memref_slice %arg7[%dma_wait3A_537, %dma_wait3A_538] : memref<640x64xf32, #tpu.memory_space<vmem>> -> memref<20x64xf32, #tpu.memory_space<vmem>>
    %dma_wait3A_540 = arith.constant 0 : i32
    %dma_wait3A_541 = arith.constant 0 : i32
    %dma_wait3A_542 = tpu.memref_slice %arg4[%dma_wait3A_536, %dma_wait3A_540, %dma_wait3A_541] : memref<16384x24x128xf32, #tpu.memory_space<hbm>> -> memref<1x20x64xf32, #tpu.memory_space<hbm>>
    %dma_wait3A_543 = tpu.memref_squeeze %dma_wait3A_542 : memref<1x20x64xf32, #tpu.memory_space<hbm>> -> memref<20x64xf32, #tpu.memory_space<hbm>>
    %dma_wait3A_544 = arith.constant 0 : i32
    %dma_wait3A_545 = arith.constant 0 : i32
    %dma_wait3A_546 = tpu.memref_slice %arg4[%dma_wait3A_536, %dma_wait3A_544, %dma_wait3A_545] : memref<16384x24x128xf32, #tpu.memory_space<hbm>> -> memref<1x20x64xf32, #tpu.memory_space<hbm>>
    %dma_wait3A_547 = tpu.memref_squeeze %dma_wait3A_546 : memref<1x20x64xf32, #tpu.memory_space<hbm>> -> memref<20x64xf32, #tpu.memory_space<hbm>>
    %dma_wait3A_548 = arith.constant 280 : i32
    %dma_wait3A_549 = arith.constant 0 : i32
    %dma_wait3A_550 = tpu.memref_slice %arg7[%dma_wait3A_548, %dma_wait3A_549] : memref<640x64xf32, #tpu.memory_space<vmem>> -> memref<20x64xf32, #tpu.memory_space<vmem>>
    tpu.wait_dma2 semaphore(%arg11 : memref<!tpu.dma_semaphore, #tpu.memory_space<semaphore_mem>>) src(%dma_wait3A_550 : memref<20x64xf32, #tpu.memory_space<vmem>>) dst(%dma_wait3A_547 : memref<20x64xf32, #tpu.memory_space<hbm>>)
    %dma_wait3A_551 = arith.constant 0 : i32
    %dma_wait3A_552 = arith.constant 300 : i32
    %dma_wait3A_553 = arith.constant 0 : i32
    %dma_wait3A_554 = tpu.memref_slice %arg7[%dma_wait3A_552, %dma_wait3A_553] : memref<640x64xf32, #tpu.memory_space<vmem>> -> memref<20x64xf32, #tpu.memory_space<vmem>>
    %dma_wait3A_555 = arith.constant 0 : i32
    %dma_wait3A_556 = arith.constant 0 : i32
    %dma_wait3A_557 = tpu.memref_slice %arg4[%dma_wait3A_551, %dma_wait3A_555, %dma_wait3A_556] : memref<16384x24x128xf32, #tpu.memory_space<hbm>> -> memref<1x20x64xf32, #tpu.memory_space<hbm>>
    %dma_wait3A_558 = tpu.memref_squeeze %dma_wait3A_557 : memref<1x20x64xf32, #tpu.memory_space<hbm>> -> memref<20x64xf32, #tpu.memory_space<hbm>>
    %dma_wait3A_559 = arith.constant 0 : i32
    %dma_wait3A_560 = arith.constant 0 : i32
    %dma_wait3A_561 = tpu.memref_slice %arg4[%dma_wait3A_551, %dma_wait3A_559, %dma_wait3A_560] : memref<16384x24x128xf32, #tpu.memory_space<hbm>> -> memref<1x20x64xf32, #tpu.memory_space<hbm>>
    %dma_wait3A_562 = tpu.memref_squeeze %dma_wait3A_561 : memref<1x20x64xf32, #tpu.memory_space<hbm>> -> memref<20x64xf32, #tpu.memory_space<hbm>>
    %dma_wait3A_563 = arith.constant 300 : i32
    %dma_wait3A_564 = arith.constant 0 : i32
    %dma_wait3A_565 = tpu.memref_slice %arg7[%dma_wait3A_563, %dma_wait3A_564] : memref<640x64xf32, #tpu.memory_space<vmem>> -> memref<20x64xf32, #tpu.memory_space<vmem>>
    tpu.wait_dma2 semaphore(%arg11 : memref<!tpu.dma_semaphore, #tpu.memory_space<semaphore_mem>>) src(%dma_wait3A_565 : memref<20x64xf32, #tpu.memory_space<vmem>>) dst(%dma_wait3A_562 : memref<20x64xf32, #tpu.memory_space<hbm>>)
    %dma_wait3A_566 = arith.constant 0 : i32
    %dma_wait3A_567 = arith.constant 320 : i32
    %dma_wait3A_568 = arith.constant 0 : i32
    %dma_wait3A_569 = tpu.memref_slice %arg7[%dma_wait3A_567, %dma_wait3A_568] : memref<640x64xf32, #tpu.memory_space<vmem>> -> memref<20x64xf32, #tpu.memory_space<vmem>>
    %dma_wait3A_570 = arith.constant 0 : i32
    %dma_wait3A_571 = arith.constant 0 : i32
    %dma_wait3A_572 = tpu.memref_slice %arg4[%dma_wait3A_566, %dma_wait3A_570, %dma_wait3A_571] : memref<16384x24x128xf32, #tpu.memory_space<hbm>> -> memref<1x20x64xf32, #tpu.memory_space<hbm>>
    %dma_wait3A_573 = tpu.memref_squeeze %dma_wait3A_572 : memref<1x20x64xf32, #tpu.memory_space<hbm>> -> memref<20x64xf32, #tpu.memory_space<hbm>>
    %dma_wait3A_574 = arith.constant 0 : i32
    %dma_wait3A_575 = arith.constant 0 : i32
    %dma_wait3A_576 = tpu.memref_slice %arg4[%dma_wait3A_566, %dma_wait3A_574, %dma_wait3A_575] : memref<16384x24x128xf32, #tpu.memory_space<hbm>> -> memref<1x20x64xf32, #tpu.memory_space<hbm>>
    %dma_wait3A_577 = tpu.memref_squeeze %dma_wait3A_576 : memref<1x20x64xf32, #tpu.memory_space<hbm>> -> memref<20x64xf32, #tpu.memory_space<hbm>>
    %dma_wait3A_578 = arith.constant 320 : i32
    %dma_wait3A_579 = arith.constant 0 : i32
    %dma_wait3A_580 = tpu.memref_slice %arg7[%dma_wait3A_578, %dma_wait3A_579] : memref<640x64xf32, #tpu.memory_space<vmem>> -> memref<20x64xf32, #tpu.memory_space<vmem>>
    tpu.wait_dma2 semaphore(%arg11 : memref<!tpu.dma_semaphore, #tpu.memory_space<semaphore_mem>>) src(%dma_wait3A_580 : memref<20x64xf32, #tpu.memory_space<vmem>>) dst(%dma_wait3A_577 : memref<20x64xf32, #tpu.memory_space<hbm>>)
    %dma_wait3A_581 = arith.constant 0 : i32
    %dma_wait3A_582 = arith.constant 340 : i32
    %dma_wait3A_583 = arith.constant 0 : i32
    %dma_wait3A_584 = tpu.memref_slice %arg7[%dma_wait3A_582, %dma_wait3A_583] : memref<640x64xf32, #tpu.memory_space<vmem>> -> memref<20x64xf32, #tpu.memory_space<vmem>>
    %dma_wait3A_585 = arith.constant 0 : i32
    %dma_wait3A_586 = arith.constant 0 : i32
    %dma_wait3A_587 = tpu.memref_slice %arg4[%dma_wait3A_581, %dma_wait3A_585, %dma_wait3A_586] : memref<16384x24x128xf32, #tpu.memory_space<hbm>> -> memref<1x20x64xf32, #tpu.memory_space<hbm>>
    %dma_wait3A_588 = tpu.memref_squeeze %dma_wait3A_587 : memref<1x20x64xf32, #tpu.memory_space<hbm>> -> memref<20x64xf32, #tpu.memory_space<hbm>>
    %dma_wait3A_589 = arith.constant 0 : i32
    %dma_wait3A_590 = arith.constant 0 : i32
    %dma_wait3A_591 = tpu.memref_slice %arg4[%dma_wait3A_581, %dma_wait3A_589, %dma_wait3A_590] : memref<16384x24x128xf32, #tpu.memory_space<hbm>> -> memref<1x20x64xf32, #tpu.memory_space<hbm>>
    %dma_wait3A_592 = tpu.memref_squeeze %dma_wait3A_591 : memref<1x20x64xf32, #tpu.memory_space<hbm>> -> memref<20x64xf32, #tpu.memory_space<hbm>>
    %dma_wait3A_593 = arith.constant 340 : i32
    %dma_wait3A_594 = arith.constant 0 : i32
    %dma_wait3A_595 = tpu.memref_slice %arg7[%dma_wait3A_593, %dma_wait3A_594] : memref<640x64xf32, #tpu.memory_space<vmem>> -> memref<20x64xf32, #tpu.memory_space<vmem>>
    tpu.wait_dma2 semaphore(%arg11 : memref<!tpu.dma_semaphore, #tpu.memory_space<semaphore_mem>>) src(%dma_wait3A_595 : memref<20x64xf32, #tpu.memory_space<vmem>>) dst(%dma_wait3A_592 : memref<20x64xf32, #tpu.memory_space<hbm>>)
    %dma_wait3A_596 = arith.constant 0 : i32
    %dma_wait3A_597 = arith.constant 360 : i32
    %dma_wait3A_598 = arith.constant 0 : i32
    %dma_wait3A_599 = tpu.memref_slice %arg7[%dma_wait3A_597, %dma_wait3A_598] : memref<640x64xf32, #tpu.memory_space<vmem>> -> memref<20x64xf32, #tpu.memory_space<vmem>>
    %dma_wait3A_600 = arith.constant 0 : i32
    %dma_wait3A_601 = arith.constant 0 : i32
    %dma_wait3A_602 = tpu.memref_slice %arg4[%dma_wait3A_596, %dma_wait3A_600, %dma_wait3A_601] : memref<16384x24x128xf32, #tpu.memory_space<hbm>> -> memref<1x20x64xf32, #tpu.memory_space<hbm>>
    %dma_wait3A_603 = tpu.memref_squeeze %dma_wait3A_602 : memref<1x20x64xf32, #tpu.memory_space<hbm>> -> memref<20x64xf32, #tpu.memory_space<hbm>>
    %dma_wait3A_604 = arith.constant 0 : i32
    %dma_wait3A_605 = arith.constant 0 : i32
    %dma_wait3A_606 = tpu.memref_slice %arg4[%dma_wait3A_596, %dma_wait3A_604, %dma_wait3A_605] : memref<16384x24x128xf32, #tpu.memory_space<hbm>> -> memref<1x20x64xf32, #tpu.memory_space<hbm>>
    %dma_wait3A_607 = tpu.memref_squeeze %dma_wait3A_606 : memref<1x20x64xf32, #tpu.memory_space<hbm>> -> memref<20x64xf32, #tpu.memory_space<hbm>>
    %dma_wait3A_608 = arith.constant 360 : i32
    %dma_wait3A_609 = arith.constant 0 : i32
    %dma_wait3A_610 = tpu.memref_slice %arg7[%dma_wait3A_608, %dma_wait3A_609] : memref<640x64xf32, #tpu.memory_space<vmem>> -> memref<20x64xf32, #tpu.memory_space<vmem>>
    tpu.wait_dma2 semaphore(%arg11 : memref<!tpu.dma_semaphore, #tpu.memory_space<semaphore_mem>>) src(%dma_wait3A_610 : memref<20x64xf32, #tpu.memory_space<vmem>>) dst(%dma_wait3A_607 : memref<20x64xf32, #tpu.memory_space<hbm>>)
    %dma_wait3A_611 = arith.constant 0 : i32
    %dma_wait3A_612 = arith.constant 380 : i32
    %dma_wait3A_613 = arith.constant 0 : i32
    %dma_wait3A_614 = tpu.memref_slice %arg7[%dma_wait3A_612, %dma_wait3A_613] : memref<640x64xf32, #tpu.memory_space<vmem>> -> memref<20x64xf32, #tpu.memory_space<vmem>>
    %dma_wait3A_615 = arith.constant 0 : i32
    %dma_wait3A_616 = arith.constant 0 : i32
    %dma_wait3A_617 = tpu.memref_slice %arg4[%dma_wait3A_611, %dma_wait3A_615, %dma_wait3A_616] : memref<16384x24x128xf32, #tpu.memory_space<hbm>> -> memref<1x20x64xf32, #tpu.memory_space<hbm>>
    %dma_wait3A_618 = tpu.memref_squeeze %dma_wait3A_617 : memref<1x20x64xf32, #tpu.memory_space<hbm>> -> memref<20x64xf32, #tpu.memory_space<hbm>>
    %dma_wait3A_619 = arith.constant 0 : i32
    %dma_wait3A_620 = arith.constant 0 : i32
    %dma_wait3A_621 = tpu.memref_slice %arg4[%dma_wait3A_611, %dma_wait3A_619, %dma_wait3A_620] : memref<16384x24x128xf32, #tpu.memory_space<hbm>> -> memref<1x20x64xf32, #tpu.memory_space<hbm>>
    %dma_wait3A_622 = tpu.memref_squeeze %dma_wait3A_621 : memref<1x20x64xf32, #tpu.memory_space<hbm>> -> memref<20x64xf32, #tpu.memory_space<hbm>>
    %dma_wait3A_623 = arith.constant 380 : i32
    %dma_wait3A_624 = arith.constant 0 : i32
    %dma_wait3A_625 = tpu.memref_slice %arg7[%dma_wait3A_623, %dma_wait3A_624] : memref<640x64xf32, #tpu.memory_space<vmem>> -> memref<20x64xf32, #tpu.memory_space<vmem>>
    tpu.wait_dma2 semaphore(%arg11 : memref<!tpu.dma_semaphore, #tpu.memory_space<semaphore_mem>>) src(%dma_wait3A_625 : memref<20x64xf32, #tpu.memory_space<vmem>>) dst(%dma_wait3A_622 : memref<20x64xf32, #tpu.memory_space<hbm>>)
    %dma_wait3A_626 = arith.constant 0 : i32
    %dma_wait3A_627 = arith.constant 400 : i32
    %dma_wait3A_628 = arith.constant 0 : i32
    %dma_wait3A_629 = tpu.memref_slice %arg7[%dma_wait3A_627, %dma_wait3A_628] : memref<640x64xf32, #tpu.memory_space<vmem>> -> memref<20x64xf32, #tpu.memory_space<vmem>>
    %dma_wait3A_630 = arith.constant 0 : i32
    %dma_wait3A_631 = arith.constant 0 : i32
    %dma_wait3A_632 = tpu.memref_slice %arg4[%dma_wait3A_626, %dma_wait3A_630, %dma_wait3A_631] : memref<16384x24x128xf32, #tpu.memory_space<hbm>> -> memref<1x20x64xf32, #tpu.memory_space<hbm>>
    %dma_wait3A_633 = tpu.memref_squeeze %dma_wait3A_632 : memref<1x20x64xf32, #tpu.memory_space<hbm>> -> memref<20x64xf32, #tpu.memory_space<hbm>>
    %dma_wait3A_634 = arith.constant 0 : i32
    %dma_wait3A_635 = arith.constant 0 : i32
    %dma_wait3A_636 = tpu.memref_slice %arg4[%dma_wait3A_626, %dma_wait3A_634, %dma_wait3A_635] : memref<16384x24x128xf32, #tpu.memory_space<hbm>> -> memref<1x20x64xf32, #tpu.memory_space<hbm>>
    %dma_wait3A_637 = tpu.memref_squeeze %dma_wait3A_636 : memref<1x20x64xf32, #tpu.memory_space<hbm>> -> memref<20x64xf32, #tpu.memory_space<hbm>>
    %dma_wait3A_638 = arith.constant 400 : i32
    %dma_wait3A_639 = arith.constant 0 : i32
    %dma_wait3A_640 = tpu.memref_slice %arg7[%dma_wait3A_638, %dma_wait3A_639] : memref<640x64xf32, #tpu.memory_space<vmem>> -> memref<20x64xf32, #tpu.memory_space<vmem>>
    tpu.wait_dma2 semaphore(%arg11 : memref<!tpu.dma_semaphore, #tpu.memory_space<semaphore_mem>>) src(%dma_wait3A_640 : memref<20x64xf32, #tpu.memory_space<vmem>>) dst(%dma_wait3A_637 : memref<20x64xf32, #tpu.memory_space<hbm>>)
    %dma_wait3A_641 = arith.constant 0 : i32
    %dma_wait3A_642 = arith.constant 420 : i32
    %dma_wait3A_643 = arith.constant 0 : i32
    %dma_wait3A_644 = tpu.memref_slice %arg7[%dma_wait3A_642, %dma_wait3A_643] : memref<640x64xf32, #tpu.memory_space<vmem>> -> memref<20x64xf32, #tpu.memory_space<vmem>>
    %dma_wait3A_645 = arith.constant 0 : i32
    %dma_wait3A_646 = arith.constant 0 : i32
    %dma_wait3A_647 = tpu.memref_slice %arg4[%dma_wait3A_641, %dma_wait3A_645, %dma_wait3A_646] : memref<16384x24x128xf32, #tpu.memory_space<hbm>> -> memref<1x20x64xf32, #tpu.memory_space<hbm>>
    %dma_wait3A_648 = tpu.memref_squeeze %dma_wait3A_647 : memref<1x20x64xf32, #tpu.memory_space<hbm>> -> memref<20x64xf32, #tpu.memory_space<hbm>>
    %dma_wait3A_649 = arith.constant 0 : i32
    %dma_wait3A_650 = arith.constant 0 : i32
    %dma_wait3A_651 = tpu.memref_slice %arg4[%dma_wait3A_641, %dma_wait3A_649, %dma_wait3A_650] : memref<16384x24x128xf32, #tpu.memory_space<hbm>> -> memref<1x20x64xf32, #tpu.memory_space<hbm>>
    %dma_wait3A_652 = tpu.memref_squeeze %dma_wait3A_651 : memref<1x20x64xf32, #tpu.memory_space<hbm>> -> memref<20x64xf32, #tpu.memory_space<hbm>>
    %dma_wait3A_653 = arith.constant 420 : i32
    %dma_wait3A_654 = arith.constant 0 : i32
    %dma_wait3A_655 = tpu.memref_slice %arg7[%dma_wait3A_653, %dma_wait3A_654] : memref<640x64xf32, #tpu.memory_space<vmem>> -> memref<20x64xf32, #tpu.memory_space<vmem>>
    tpu.wait_dma2 semaphore(%arg11 : memref<!tpu.dma_semaphore, #tpu.memory_space<semaphore_mem>>) src(%dma_wait3A_655 : memref<20x64xf32, #tpu.memory_space<vmem>>) dst(%dma_wait3A_652 : memref<20x64xf32, #tpu.memory_space<hbm>>)
    %dma_wait3A_656 = arith.constant 0 : i32
    %dma_wait3A_657 = arith.constant 440 : i32
    %dma_wait3A_658 = arith.constant 0 : i32
    %dma_wait3A_659 = tpu.memref_slice %arg7[%dma_wait3A_657, %dma_wait3A_658] : memref<640x64xf32, #tpu.memory_space<vmem>> -> memref<20x64xf32, #tpu.memory_space<vmem>>
    %dma_wait3A_660 = arith.constant 0 : i32
    %dma_wait3A_661 = arith.constant 0 : i32
    %dma_wait3A_662 = tpu.memref_slice %arg4[%dma_wait3A_656, %dma_wait3A_660, %dma_wait3A_661] : memref<16384x24x128xf32, #tpu.memory_space<hbm>> -> memref<1x20x64xf32, #tpu.memory_space<hbm>>
    %dma_wait3A_663 = tpu.memref_squeeze %dma_wait3A_662 : memref<1x20x64xf32, #tpu.memory_space<hbm>> -> memref<20x64xf32, #tpu.memory_space<hbm>>
    %dma_wait3A_664 = arith.constant 0 : i32
    %dma_wait3A_665 = arith.constant 0 : i32
    %dma_wait3A_666 = tpu.memref_slice %arg4[%dma_wait3A_656, %dma_wait3A_664, %dma_wait3A_665] : memref<16384x24x128xf32, #tpu.memory_space<hbm>> -> memref<1x20x64xf32, #tpu.memory_space<hbm>>
    %dma_wait3A_667 = tpu.memref_squeeze %dma_wait3A_666 : memref<1x20x64xf32, #tpu.memory_space<hbm>> -> memref<20x64xf32, #tpu.memory_space<hbm>>
    %dma_wait3A_668 = arith.constant 440 : i32
    %dma_wait3A_669 = arith.constant 0 : i32
    %dma_wait3A_670 = tpu.memref_slice %arg7[%dma_wait3A_668, %dma_wait3A_669] : memref<640x64xf32, #tpu.memory_space<vmem>> -> memref<20x64xf32, #tpu.memory_space<vmem>>
    tpu.wait_dma2 semaphore(%arg11 : memref<!tpu.dma_semaphore, #tpu.memory_space<semaphore_mem>>) src(%dma_wait3A_670 : memref<20x64xf32, #tpu.memory_space<vmem>>) dst(%dma_wait3A_667 : memref<20x64xf32, #tpu.memory_space<hbm>>)
    %dma_wait3A_671 = arith.constant 0 : i32
    %dma_wait3A_672 = arith.constant 460 : i32
    %dma_wait3A_673 = arith.constant 0 : i32
    %dma_wait3A_674 = tpu.memref_slice %arg7[%dma_wait3A_672, %dma_wait3A_673] : memref<640x64xf32, #tpu.memory_space<vmem>> -> memref<20x64xf32, #tpu.memory_space<vmem>>
    %dma_wait3A_675 = arith.constant 0 : i32
    %dma_wait3A_676 = arith.constant 0 : i32
    %dma_wait3A_677 = tpu.memref_slice %arg4[%dma_wait3A_671, %dma_wait3A_675, %dma_wait3A_676] : memref<16384x24x128xf32, #tpu.memory_space<hbm>> -> memref<1x20x64xf32, #tpu.memory_space<hbm>>
    %dma_wait3A_678 = tpu.memref_squeeze %dma_wait3A_677 : memref<1x20x64xf32, #tpu.memory_space<hbm>> -> memref<20x64xf32, #tpu.memory_space<hbm>>
    %dma_wait3A_679 = arith.constant 0 : i32
    %dma_wait3A_680 = arith.constant 0 : i32
    %dma_wait3A_681 = tpu.memref_slice %arg4[%dma_wait3A_671, %dma_wait3A_679, %dma_wait3A_680] : memref<16384x24x128xf32, #tpu.memory_space<hbm>> -> memref<1x20x64xf32, #tpu.memory_space<hbm>>
    %dma_wait3A_682 = tpu.memref_squeeze %dma_wait3A_681 : memref<1x20x64xf32, #tpu.memory_space<hbm>> -> memref<20x64xf32, #tpu.memory_space<hbm>>
    %dma_wait3A_683 = arith.constant 460 : i32
    %dma_wait3A_684 = arith.constant 0 : i32
    %dma_wait3A_685 = tpu.memref_slice %arg7[%dma_wait3A_683, %dma_wait3A_684] : memref<640x64xf32, #tpu.memory_space<vmem>> -> memref<20x64xf32, #tpu.memory_space<vmem>>
    tpu.wait_dma2 semaphore(%arg11 : memref<!tpu.dma_semaphore, #tpu.memory_space<semaphore_mem>>) src(%dma_wait3A_685 : memref<20x64xf32, #tpu.memory_space<vmem>>) dst(%dma_wait3A_682 : memref<20x64xf32, #tpu.memory_space<hbm>>)
    %dma_wait3A_686 = arith.constant 0 : i32
    %dma_wait3A_687 = arith.constant 480 : i32
    %dma_wait3A_688 = arith.constant 0 : i32
    %dma_wait3A_689 = tpu.memref_slice %arg7[%dma_wait3A_687, %dma_wait3A_688] : memref<640x64xf32, #tpu.memory_space<vmem>> -> memref<20x64xf32, #tpu.memory_space<vmem>>
    %dma_wait3A_690 = arith.constant 0 : i32
    %dma_wait3A_691 = arith.constant 0 : i32
    %dma_wait3A_692 = tpu.memref_slice %arg4[%dma_wait3A_686, %dma_wait3A_690, %dma_wait3A_691] : memref<16384x24x128xf32, #tpu.memory_space<hbm>> -> memref<1x20x64xf32, #tpu.memory_space<hbm>>
    %dma_wait3A_693 = tpu.memref_squeeze %dma_wait3A_692 : memref<1x20x64xf32, #tpu.memory_space<hbm>> -> memref<20x64xf32, #tpu.memory_space<hbm>>
    %dma_wait3A_694 = arith.constant 0 : i32
    %dma_wait3A_695 = arith.constant 0 : i32
    %dma_wait3A_696 = tpu.memref_slice %arg4[%dma_wait3A_686, %dma_wait3A_694, %dma_wait3A_695] : memref<16384x24x128xf32, #tpu.memory_space<hbm>> -> memref<1x20x64xf32, #tpu.memory_space<hbm>>
    %dma_wait3A_697 = tpu.memref_squeeze %dma_wait3A_696 : memref<1x20x64xf32, #tpu.memory_space<hbm>> -> memref<20x64xf32, #tpu.memory_space<hbm>>
    %dma_wait3A_698 = arith.constant 480 : i32
    %dma_wait3A_699 = arith.constant 0 : i32
    %dma_wait3A_700 = tpu.memref_slice %arg7[%dma_wait3A_698, %dma_wait3A_699] : memref<640x64xf32, #tpu.memory_space<vmem>> -> memref<20x64xf32, #tpu.memory_space<vmem>>
    tpu.wait_dma2 semaphore(%arg11 : memref<!tpu.dma_semaphore, #tpu.memory_space<semaphore_mem>>) src(%dma_wait3A_700 : memref<20x64xf32, #tpu.memory_space<vmem>>) dst(%dma_wait3A_697 : memref<20x64xf32, #tpu.memory_space<hbm>>)
    %dma_wait3A_701 = arith.constant 0 : i32
    %dma_wait3A_702 = arith.constant 500 : i32
    %dma_wait3A_703 = arith.constant 0 : i32
    %dma_wait3A_704 = tpu.memref_slice %arg7[%dma_wait3A_702, %dma_wait3A_703] : memref<640x64xf32, #tpu.memory_space<vmem>> -> memref<20x64xf32, #tpu.memory_space<vmem>>
    %dma_wait3A_705 = arith.constant 0 : i32
    %dma_wait3A_706 = arith.constant 0 : i32
    %dma_wait3A_707 = tpu.memref_slice %arg4[%dma_wait3A_701, %dma_wait3A_705, %dma_wait3A_706] : memref<16384x24x128xf32, #tpu.memory_space<hbm>> -> memref<1x20x64xf32, #tpu.memory_space<hbm>>
    %dma_wait3A_708 = tpu.memref_squeeze %dma_wait3A_707 : memref<1x20x64xf32, #tpu.memory_space<hbm>> -> memref<20x64xf32, #tpu.memory_space<hbm>>
    %dma_wait3A_709 = arith.constant 0 : i32
    %dma_wait3A_710 = arith.constant 0 : i32
    %dma_wait3A_711 = tpu.memref_slice %arg4[%dma_wait3A_701, %dma_wait3A_709, %dma_wait3A_710] : memref<16384x24x128xf32, #tpu.memory_space<hbm>> -> memref<1x20x64xf32, #tpu.memory_space<hbm>>
    %dma_wait3A_712 = tpu.memref_squeeze %dma_wait3A_711 : memref<1x20x64xf32, #tpu.memory_space<hbm>> -> memref<20x64xf32, #tpu.memory_space<hbm>>
    %dma_wait3A_713 = arith.constant 500 : i32
    %dma_wait3A_714 = arith.constant 0 : i32
    %dma_wait3A_715 = tpu.memref_slice %arg7[%dma_wait3A_713, %dma_wait3A_714] : memref<640x64xf32, #tpu.memory_space<vmem>> -> memref<20x64xf32, #tpu.memory_space<vmem>>
    tpu.wait_dma2 semaphore(%arg11 : memref<!tpu.dma_semaphore, #tpu.memory_space<semaphore_mem>>) src(%dma_wait3A_715 : memref<20x64xf32, #tpu.memory_space<vmem>>) dst(%dma_wait3A_712 : memref<20x64xf32, #tpu.memory_space<hbm>>)
    %dma_wait3A_716 = arith.constant 0 : i32
    %dma_wait3A_717 = arith.constant 520 : i32
    %dma_wait3A_718 = arith.constant 0 : i32
    %dma_wait3A_719 = tpu.memref_slice %arg7[%dma_wait3A_717, %dma_wait3A_718] : memref<640x64xf32, #tpu.memory_space<vmem>> -> memref<20x64xf32, #tpu.memory_space<vmem>>
    %dma_wait3A_720 = arith.constant 0 : i32
    %dma_wait3A_721 = arith.constant 0 : i32
    %dma_wait3A_722 = tpu.memref_slice %arg4[%dma_wait3A_716, %dma_wait3A_720, %dma_wait3A_721] : memref<16384x24x128xf32, #tpu.memory_space<hbm>> -> memref<1x20x64xf32, #tpu.memory_space<hbm>>
    %dma_wait3A_723 = tpu.memref_squeeze %dma_wait3A_722 : memref<1x20x64xf32, #tpu.memory_space<hbm>> -> memref<20x64xf32, #tpu.memory_space<hbm>>
    %dma_wait3A_724 = arith.constant 0 : i32
    %dma_wait3A_725 = arith.constant 0 : i32
    %dma_wait3A_726 = tpu.memref_slice %arg4[%dma_wait3A_716, %dma_wait3A_724, %dma_wait3A_725] : memref<16384x24x128xf32, #tpu.memory_space<hbm>> -> memref<1x20x64xf32, #tpu.memory_space<hbm>>
    %dma_wait3A_727 = tpu.memref_squeeze %dma_wait3A_726 : memref<1x20x64xf32, #tpu.memory_space<hbm>> -> memref<20x64xf32, #tpu.memory_space<hbm>>
    %dma_wait3A_728 = arith.constant 520 : i32
    %dma_wait3A_729 = arith.constant 0 : i32
    %dma_wait3A_730 = tpu.memref_slice %arg7[%dma_wait3A_728, %dma_wait3A_729] : memref<640x64xf32, #tpu.memory_space<vmem>> -> memref<20x64xf32, #tpu.memory_space<vmem>>
    tpu.wait_dma2 semaphore(%arg11 : memref<!tpu.dma_semaphore, #tpu.memory_space<semaphore_mem>>) src(%dma_wait3A_730 : memref<20x64xf32, #tpu.memory_space<vmem>>) dst(%dma_wait3A_727 : memref<20x64xf32, #tpu.memory_space<hbm>>)
    %dma_wait3A_731 = arith.constant 0 : i32
    %dma_wait3A_732 = arith.constant 540 : i32
    %dma_wait3A_733 = arith.constant 0 : i32
    %dma_wait3A_734 = tpu.memref_slice %arg7[%dma_wait3A_732, %dma_wait3A_733] : memref<640x64xf32, #tpu.memory_space<vmem>> -> memref<20x64xf32, #tpu.memory_space<vmem>>
    %dma_wait3A_735 = arith.constant 0 : i32
    %dma_wait3A_736 = arith.constant 0 : i32
    %dma_wait3A_737 = tpu.memref_slice %arg4[%dma_wait3A_731, %dma_wait3A_735, %dma_wait3A_736] : memref<16384x24x128xf32, #tpu.memory_space<hbm>> -> memref<1x20x64xf32, #tpu.memory_space<hbm>>
    %dma_wait3A_738 = tpu.memref_squeeze %dma_wait3A_737 : memref<1x20x64xf32, #tpu.memory_space<hbm>> -> memref<20x64xf32, #tpu.memory_space<hbm>>
    %dma_wait3A_739 = arith.constant 0 : i32
    %dma_wait3A_740 = arith.constant 0 : i32
    %dma_wait3A_741 = tpu.memref_slice %arg4[%dma_wait3A_731, %dma_wait3A_739, %dma_wait3A_740] : memref<16384x24x128xf32, #tpu.memory_space<hbm>> -> memref<1x20x64xf32, #tpu.memory_space<hbm>>
    %dma_wait3A_742 = tpu.memref_squeeze %dma_wait3A_741 : memref<1x20x64xf32, #tpu.memory_space<hbm>> -> memref<20x64xf32, #tpu.memory_space<hbm>>
    %dma_wait3A_743 = arith.constant 540 : i32
    %dma_wait3A_744 = arith.constant 0 : i32
    %dma_wait3A_745 = tpu.memref_slice %arg7[%dma_wait3A_743, %dma_wait3A_744] : memref<640x64xf32, #tpu.memory_space<vmem>> -> memref<20x64xf32, #tpu.memory_space<vmem>>
    tpu.wait_dma2 semaphore(%arg11 : memref<!tpu.dma_semaphore, #tpu.memory_space<semaphore_mem>>) src(%dma_wait3A_745 : memref<20x64xf32, #tpu.memory_space<vmem>>) dst(%dma_wait3A_742 : memref<20x64xf32, #tpu.memory_space<hbm>>)
    %dma_wait3A_746 = arith.constant 0 : i32
    %dma_wait3A_747 = arith.constant 560 : i32
    %dma_wait3A_748 = arith.constant 0 : i32
    %dma_wait3A_749 = tpu.memref_slice %arg7[%dma_wait3A_747, %dma_wait3A_748] : memref<640x64xf32, #tpu.memory_space<vmem>> -> memref<20x64xf32, #tpu.memory_space<vmem>>
    %dma_wait3A_750 = arith.constant 0 : i32
    %dma_wait3A_751 = arith.constant 0 : i32
    %dma_wait3A_752 = tpu.memref_slice %arg4[%dma_wait3A_746, %dma_wait3A_750, %dma_wait3A_751] : memref<16384x24x128xf32, #tpu.memory_space<hbm>> -> memref<1x20x64xf32, #tpu.memory_space<hbm>>
    %dma_wait3A_753 = tpu.memref_squeeze %dma_wait3A_752 : memref<1x20x64xf32, #tpu.memory_space<hbm>> -> memref<20x64xf32, #tpu.memory_space<hbm>>
    %dma_wait3A_754 = arith.constant 0 : i32
    %dma_wait3A_755 = arith.constant 0 : i32
    %dma_wait3A_756 = tpu.memref_slice %arg4[%dma_wait3A_746, %dma_wait3A_754, %dma_wait3A_755] : memref<16384x24x128xf32, #tpu.memory_space<hbm>> -> memref<1x20x64xf32, #tpu.memory_space<hbm>>
    %dma_wait3A_757 = tpu.memref_squeeze %dma_wait3A_756 : memref<1x20x64xf32, #tpu.memory_space<hbm>> -> memref<20x64xf32, #tpu.memory_space<hbm>>
    %dma_wait3A_758 = arith.constant 560 : i32
    %dma_wait3A_759 = arith.constant 0 : i32
    %dma_wait3A_760 = tpu.memref_slice %arg7[%dma_wait3A_758, %dma_wait3A_759] : memref<640x64xf32, #tpu.memory_space<vmem>> -> memref<20x64xf32, #tpu.memory_space<vmem>>
    tpu.wait_dma2 semaphore(%arg11 : memref<!tpu.dma_semaphore, #tpu.memory_space<semaphore_mem>>) src(%dma_wait3A_760 : memref<20x64xf32, #tpu.memory_space<vmem>>) dst(%dma_wait3A_757 : memref<20x64xf32, #tpu.memory_space<hbm>>)
    %dma_wait3A_761 = arith.constant 0 : i32
    %dma_wait3A_762 = arith.constant 580 : i32
    %dma_wait3A_763 = arith.constant 0 : i32
    %dma_wait3A_764 = tpu.memref_slice %arg7[%dma_wait3A_762, %dma_wait3A_763] : memref<640x64xf32, #tpu.memory_space<vmem>> -> memref<20x64xf32, #tpu.memory_space<vmem>>
    %dma_wait3A_765 = arith.constant 0 : i32
    %dma_wait3A_766 = arith.constant 0 : i32
    %dma_wait3A_767 = tpu.memref_slice %arg4[%dma_wait3A_761, %dma_wait3A_765, %dma_wait3A_766] : memref<16384x24x128xf32, #tpu.memory_space<hbm>> -> memref<1x20x64xf32, #tpu.memory_space<hbm>>
    %dma_wait3A_768 = tpu.memref_squeeze %dma_wait3A_767 : memref<1x20x64xf32, #tpu.memory_space<hbm>> -> memref<20x64xf32, #tpu.memory_space<hbm>>
    %dma_wait3A_769 = arith.constant 0 : i32
    %dma_wait3A_770 = arith.constant 0 : i32
    %dma_wait3A_771 = tpu.memref_slice %arg4[%dma_wait3A_761, %dma_wait3A_769, %dma_wait3A_770] : memref<16384x24x128xf32, #tpu.memory_space<hbm>> -> memref<1x20x64xf32, #tpu.memory_space<hbm>>
    %dma_wait3A_772 = tpu.memref_squeeze %dma_wait3A_771 : memref<1x20x64xf32, #tpu.memory_space<hbm>> -> memref<20x64xf32, #tpu.memory_space<hbm>>
    %dma_wait3A_773 = arith.constant 580 : i32
    %dma_wait3A_774 = arith.constant 0 : i32
    %dma_wait3A_775 = tpu.memref_slice %arg7[%dma_wait3A_773, %dma_wait3A_774] : memref<640x64xf32, #tpu.memory_space<vmem>> -> memref<20x64xf32, #tpu.memory_space<vmem>>
    tpu.wait_dma2 semaphore(%arg11 : memref<!tpu.dma_semaphore, #tpu.memory_space<semaphore_mem>>) src(%dma_wait3A_775 : memref<20x64xf32, #tpu.memory_space<vmem>>) dst(%dma_wait3A_772 : memref<20x64xf32, #tpu.memory_space<hbm>>)
    %dma_wait3A_776 = arith.constant 0 : i32
    %dma_wait3A_777 = arith.constant 600 : i32
    %dma_wait3A_778 = arith.constant 0 : i32
    %dma_wait3A_779 = tpu.memref_slice %arg7[%dma_wait3A_777, %dma_wait3A_778] : memref<640x64xf32, #tpu.memory_space<vmem>> -> memref<20x64xf32, #tpu.memory_space<vmem>>
    %dma_wait3A_780 = arith.constant 0 : i32
    %dma_wait3A_781 = arith.constant 0 : i32
    %dma_wait3A_782 = tpu.memref_slice %arg4[%dma_wait3A_776, %dma_wait3A_780, %dma_wait3A_781] : memref<16384x24x128xf32, #tpu.memory_space<hbm>> -> memref<1x20x64xf32, #tpu.memory_space<hbm>>
    %dma_wait3A_783 = tpu.memref_squeeze %dma_wait3A_782 : memref<1x20x64xf32, #tpu.memory_space<hbm>> -> memref<20x64xf32, #tpu.memory_space<hbm>>
    %dma_wait3A_784 = arith.constant 0 : i32
    %dma_wait3A_785 = arith.constant 0 : i32
    %dma_wait3A_786 = tpu.memref_slice %arg4[%dma_wait3A_776, %dma_wait3A_784, %dma_wait3A_785] : memref<16384x24x128xf32, #tpu.memory_space<hbm>> -> memref<1x20x64xf32, #tpu.memory_space<hbm>>
    %dma_wait3A_787 = tpu.memref_squeeze %dma_wait3A_786 : memref<1x20x64xf32, #tpu.memory_space<hbm>> -> memref<20x64xf32, #tpu.memory_space<hbm>>
    %dma_wait3A_788 = arith.constant 600 : i32
    %dma_wait3A_789 = arith.constant 0 : i32
    %dma_wait3A_790 = tpu.memref_slice %arg7[%dma_wait3A_788, %dma_wait3A_789] : memref<640x64xf32, #tpu.memory_space<vmem>> -> memref<20x64xf32, #tpu.memory_space<vmem>>
    tpu.wait_dma2 semaphore(%arg11 : memref<!tpu.dma_semaphore, #tpu.memory_space<semaphore_mem>>) src(%dma_wait3A_790 : memref<20x64xf32, #tpu.memory_space<vmem>>) dst(%dma_wait3A_787 : memref<20x64xf32, #tpu.memory_space<hbm>>)
    %dma_wait3A_791 = arith.constant 0 : i32
    %dma_wait3A_792 = arith.constant 620 : i32
    %dma_wait3A_793 = arith.constant 0 : i32
    %dma_wait3A_794 = tpu.memref_slice %arg7[%dma_wait3A_792, %dma_wait3A_793] : memref<640x64xf32, #tpu.memory_space<vmem>> -> memref<20x64xf32, #tpu.memory_space<vmem>>
    %dma_wait3A_795 = arith.constant 0 : i32
    %dma_wait3A_796 = arith.constant 0 : i32
    %dma_wait3A_797 = tpu.memref_slice %arg4[%dma_wait3A_791, %dma_wait3A_795, %dma_wait3A_796] : memref<16384x24x128xf32, #tpu.memory_space<hbm>> -> memref<1x20x64xf32, #tpu.memory_space<hbm>>
    %dma_wait3A_798 = tpu.memref_squeeze %dma_wait3A_797 : memref<1x20x64xf32, #tpu.memory_space<hbm>> -> memref<20x64xf32, #tpu.memory_space<hbm>>
    %dma_wait3A_799 = arith.constant 0 : i32
    %dma_wait3A_800 = arith.constant 0 : i32
    %dma_wait3A_801 = tpu.memref_slice %arg4[%dma_wait3A_791, %dma_wait3A_799, %dma_wait3A_800] : memref<16384x24x128xf32, #tpu.memory_space<hbm>> -> memref<1x20x64xf32, #tpu.memory_space<hbm>>
    %dma_wait3A_802 = tpu.memref_squeeze %dma_wait3A_801 : memref<1x20x64xf32, #tpu.memory_space<hbm>> -> memref<20x64xf32, #tpu.memory_space<hbm>>
    %dma_wait3A_803 = arith.constant 620 : i32
    %dma_wait3A_804 = arith.constant 0 : i32
    %dma_wait3A_805 = tpu.memref_slice %arg7[%dma_wait3A_803, %dma_wait3A_804] : memref<640x64xf32, #tpu.memory_space<vmem>> -> memref<20x64xf32, #tpu.memory_space<vmem>>
    tpu.wait_dma2 semaphore(%arg11 : memref<!tpu.dma_semaphore, #tpu.memory_space<semaphore_mem>>) src(%dma_wait3A_805 : memref<20x64xf32, #tpu.memory_space<vmem>>) dst(%dma_wait3A_802 : memref<20x64xf32, #tpu.memory_space<hbm>>)
    return
  }
}

</mosaic_0001>

<sc_bundles>
// kernel: _embed.3.cloned.1.call-start
scs
__scs_entry_jumppad:
0x0: {  	(pc) =	sbr.rel $0x88, $3  }
0x1: {  	(tag) =	ssettag $0x0;
	lr =	simm.s32 $0x1  }
0x2: {  	[smem:$0x3F9F] =	sst lr;
	_ =	strace $0xD0000000  }
0x3: {  	_ = 	snop  }
0x4: {  	_ = 	snop  }
0x5: {  	_ = 	snop  }
0x6: {  	_ = 	snop  }
0x7: {  	_ = 	snop  }
__scs_overlays_trampoline_lowered:
0x8: {  	[smem:$0x3FAE] =	sst s0  }
0x9: {  	[smem:$0x3FAF] =	sst s1  }
0xa: {  	[smem:$0x3FB0] =	sst s2  }
0xb: {  	[smem:$0x3FB1] =	sst s3  }
0xc: {  	[smem:$0x3FB2] =	sst s4  }
0xd: {  	[smem:$0x3FB3] =	sst s5  }
0xe: {  	[smem:$0x3FB4] =	sst s6  }
0xf: {  	[smem:$0x3FB5] =	sst s7  }
0x10: {  	[smem:$0x3FB6] =	sst s8  }
0x11: {  	[smem:$0x3FB7] =	sst s9;
	s0 =	simm.s32 @!p0 $0x0  }
0x12: {  	s1 =	sld [smem:$0x3F9D];
	s0 =	simm.s32 @p0 $0x1  }
0x13: {  	[smem:$0x3FB8] =	sst s0;
	s0 =	simm.s32 @!p1 $0x0  }
0x14: {  	s2 =	sld [smem:$0x3F9C];
	s0 =	simm.s32 @p1 $0x1  }
0x15: {  	[smem:$0x3FB9] =	sst s0;
	s0 =	simm.s32 @!p2 $0x0  }
0x16: {  	s3 =	sld [smem:$0x3FDB];
	s0 =	simm.s32 @p2 $0x1  }
0x17: {  	s4 =	simm.s32 $0x1BF5;
	[smem:$0x3FBB] =	sst s0  }
0x18: {  	s0 =	sld [smem:$0x3F9E];
	_ =	swait.ge [sflag:s4], $0x0  }
0x19: {  	s7 =	sld [smem:$0x3F9F]  }
0x1a: {  	s8 =	sadd.s32 $0xFFFFE003, lr  }
0x1b: {  	s9 =	sadd.s32 $0xFFFFFEF7, lr;
	s5 =	simm.s32 $0xFFFFFFFF;
	p2 =	slt.u32 s8, $0xFFFFF086  }
0x1c: {  	p1 =	slt.u32 s9, $0xF7A;
	s5 =	simm.s32 @!p2 $0x0  }
0x1d: {  	s5 =	simm.s32 @p1 $0x1;
	p0 =	seq.s32 s7, s2  }
0x1e: {  	s7 =	smul.u32 @!p0 $0xF7A, s2;
	p2 =	seq.s32 @!p0 s5, $0x0  }
0x1f: {  	s9 =	smul.u32 $0xF7A, s1;
	s8 =	simm.s32 @!p0 $0x1BF5;
	p2 =	por !p2, p0  }
0x20: {  	[sflag:s8] =	ssyncset.s32 @!p0 $0xFFFFF086;
	s6 =	sadd.s32 @!p0 s3, s7;
	s7 =	simm.s32 @!p0 $0x108  }
0x21: {  	s3 =	sadd.s32 s3, s9;
	s6 =	sadd.s32 @!p0 $0x88, s6;
	s7 =	simm.s32 @p2 $0x1082  }
0x22: {  	[simem:s7], [sflag:s8] =	dma.local @!p0 [hbm:s6], $0xF7A  }
0x23: {  	s9 =	sor.u32 $0xD0000000, s2;
	s6 =	simm.s32 $0x108;
	_ =	swait.ge @!p0 [sflag:s8], $0x0  }
0x24: {  	s3 =	sadd.s32 $0x88, s3;
	s6 =	simm.s32 @!p1 $0x1082;
	[sflag:s4] =	ssyncset.s32 $0xFFFFF086  }
0x25: {  	[simem:s6], [sflag:s4] =	dma.local [hbm:s3], $0xF7A  }
0x26: {  	[smem:$0x3F9F] =	sst s1;
	(tag) =	ssettag s2;
	_ =	strace s9  }
0x27: {  	s1 =	sld [smem:$0x3FAF]  }
0x28: {  	s2 =	sld [smem:$0x3FB0]  }
0x29: {  	s4 =	sld [smem:$0x3FB2]  }
0x2a: {  	p0 =	seq.s32 s5, $0x0;
	s5 =	sld [smem:$0x3FB3]  }
0x2b: {  	s6 =	sld [smem:$0x3FB4]  }
0x2c: {  	s7 =	sld [smem:$0x3FB5]  }
0x2d: {  	s3 =	simm.s32 $0x108;
	s8 =	sld [smem:$0x3FB6]  }
0x2e: {  	s3 =	simm.s32 @!p0 $0x1082;
	s9 =	sld [smem:$0x3FB7]  }
0x2f: {  	lr =	sadd.s32 s0, s3;
	s0 =	sld [smem:$0x3FAE]  }
0x30: {  	s3 =	sld [smem:$0x3FB1]  }
0x31: {  	[smem:$0x3FBA] =	sst s10  }
0x32: {  	s10 =	sld [smem:$0x3FB8];
	_ =	sdelay $0x3  }
0x33: {  	p0 =	seq.s32 s10, $0x1;
	s10 =	sld [smem:$0x3FBA];
	_ =	sdelay $0x3  }
0x34: {  	[smem:$0x3FBA] =	sst s10  }
0x35: {  	s10 =	sld [smem:$0x3FB9];
	_ =	sdelay $0x3  }
0x36: {  	p1 =	seq.s32 s10, $0x1;
	s10 =	sld [smem:$0x3FBA];
	_ =	sdelay $0x3  }
0x37: {  	[smem:$0x3FBA] =	sst s10  }
0x38: {  	s10 =	sld [smem:$0x3FBB]  }
0x39: {  	_ = 	snop;
	(pc) =	sbr.ind lr, $3  }
0x3a: {  	_ = 	snop  }
0x3b: {  	_ = 	snop  }
0x3c: {  	p2 =	seq.s32 s10, $0x1;
	s10 =	sld [smem:$0x3FBA]  }
0x3d: {  	_ =	shalt  }
0x3e: {  	_ =	shalt  }
0x3f: {  	_ =	shalt  }
0x40: {  	_ =	shalt  }
0x41: {  	_ =	shalt  }
0x42: {  	_ =	shalt  }
0x43: {  	_ =	shalt  }
0x44: {  	_ =	shalt  }
0x45: {  	_ =	shalt  }
0x46: {  	_ =	shalt  }
0x47: {  	_ =	shalt  }
0x48: {  	_ =	shalt  }
0x49: {  	_ =	shalt  }
0x4a: {  	_ =	shalt  }
0x4b: {  	_ =	shalt  }
0x4c: {  	_ =	shalt  }
0x4d: {  	_ =	shalt  }
0x4e: {  	_ =	shalt  }
0x4f: {  	_ =	shalt  }
0x50: {  	_ =	shalt  }
0x51: {  	_ =	shalt  }
0x52: {  	_ =	shalt  }
0x53: {  	_ =	shalt  }
0x54: {  	_ =	shalt  }
0x55: {  	_ =	shalt  }
0x56: {  	_ =	shalt  }
0x57: {  	_ =	shalt  }
0x58: {  	_ =	shalt  }
0x59: {  	_ =	shalt  }
0x5a: {  	_ =	shalt  }
0x5b: {  	_ =	shalt  }
0x5c: {  	_ =	shalt  }
0x5d: {  	_ =	shalt  }
0x5e: {  	_ =	shalt  }
0x5f: {  	_ =	shalt  }
0x60: {  	_ =	shalt  }
0x61: {  	_ =	shalt  }
0x62: {  	_ =	shalt  }
0x63: {  	_ =	shalt  }
0x64: {  	_ =	shalt  }
0x65: {  	_ =	shalt  }
0x66: {  	_ =	shalt  }
0x67: {  	_ =	shalt  }
0x68: {  	_ =	shalt  }
0x69: {  	_ =	shalt  }
0x6a: {  	_ =	shalt  }
0x6b: {  	_ =	shalt  }
0x6c: {  	_ =	shalt  }
0x6d: {  	_ =	shalt  }
0x6e: {  	_ =	shalt  }
0x6f: {  	_ =	shalt  }
0x70: {  	_ =	shalt  }
0x71: {  	_ =	shalt  }
0x72: {  	_ =	shalt  }
0x73: {  	_ =	shalt  }
0x74: {  	_ =	shalt  }
0x75: {  	_ =	shalt  }
0x76: {  	_ =	shalt  }
0x77: {  	_ =	shalt  }
0x78: {  	_ =	shalt  }
0x79: {  	_ =	shalt  }
0x7a: {  	_ =	shalt  }
0x7b: {  	_ =	shalt  }
0x7c: {  	_ =	shalt  }
0x7d: {  	_ =	shalt  }
0x7e: {  	_ =	shalt  }
0x7f: {  	_ =	shalt  }
0x80: {  	_ =	shalt  }
0x81: {  	_ =	shalt  }
0x82: {  	_ =	shalt  }
0x83: {  	_ =	shalt  }
0x84: {  	_ =	shalt  }
0x85: {  	_ =	shalt  }
0x86: {  	_ =	shalt  }
0x87: {  	_ =	shalt  }
.Lfunc_end0:
.L_simem_size_0:
called_computation_lowered:
.L_overlay_start_0:
0x88: {  	s2 =	sld [smem:$0x3FD9]  }
0x89: {  	s3 =	sld [smem:$0x3FFE];
	_ =	sdelay $0x1  }
0x8a: {  	s1 =	srdreg.scid  }
0x8b: {  	s0 =	sand.u32 $0x1, s1  }
0x8c: {  	s17 =	sshll.u32 s0, $0xA;
	s2 =	sadd.s32 s3, s2  }
0x8d: {  	s2 =	sadd.s32 s2, s17  }
0x8e: {  	[smem:$0x3FC6] =	sst s2  }
0x8f: {  	_ = 	snop  }
0x90: {  	s2 =	sld [smem:$0x3FD0];
	(tm) =	ssettm $0x1  }
0x91: {  	s18 =	sld [smem:$0x3FFB];
	_ =	sdelay $0x3  }
0x92: {  	_ =	strace s18  }
0x93: {  	s3 =	sld [smem:$0x3FFC];
	_ =	sdelay $0x3  }
0x94: {  	_ =	strace s3  }
0x95: {  	s3 =	sld [smem:$0x3FFD];
	_ =	sdelay $0x3  }
0x96: {  	_ =	strace s3  }
0x97: {  	_ =	strace $0x8FFFFFFF  }
0x98: {  	s19 =	sld [smem:$0x3FDB];
	_ =	sdelay $0x1  }
0x99: {  	s4 =	simm.s32 $_scs_section_size  }
0x9a: {  	s5 =	simm.s32 $_size__tile_overlayer_lowered;
	s6 =	simm.s32 $_tile_overlayer_lowered  }
0x9b: {  	s22 =	simm.s32 $0x1BFF;
	s21 =	sshll.u32 s6, $0x1;
	s3 =	sadd.s32 s4, s19  }
0x9c: {  	s7 =	simm.s32 $0x0;
	s20 =	sshll.u32 s5, $0x1;
	s5 =	sadd.s32 s21, s3  }
0x9d: {  	[timem:s7], [sflag:s22] =	dma.local [hbm:s5], s20  }
0x9e: {  	_ =	swait.ge [sflag:s22], s20  }
0x9f: {  	s4 =	ssub.s32 $0x0, s20;
	[sflag:s22] =	ssyncset.done $0x0  }
0xa0: {  	[sflag:s22] =	ssyncadd.s32 s4;
	_ =	sdelay $0x1  }
0xa1: {  	s23 =	simm.s32 $0x1B8B  }
0xa2: {  	_ =	swait.ge [sflag:s23], $0x1  }
0xa3: {  	[sflag:s23] =	ssyncset.done $0x0  }
0xa4: {  	s25 =	simm.s32 $0x1B8E;
	s24 =	sld [smem:$0x3FFE];
	[sflag:s23] =	ssyncadd.s32 $0xFFFFFFFF  }
0xa5: {  	s26 =	simm.s32 $execute0_lowered;
	[smem:$0x3FD2] =	sst s25  }
0xa6: {  	s5 =	sshll.u32 s26, $0x1;
	_ =	strace $0x80000046;
	[dreg:$0x1] =	wrdreg $0xFFFFFFFF  }
0xa7: {  	s28 =	simm.s32 $_size_execute0_lowered;
	s3 =	sadd.s32 s3, s5;
	[dreg:$0x0] =	wrdreg $0x0  }
0xa8: {  	s5 =	sshll.u32 s28, $0x1;
	[dreg:$0x2] =	wrdreg s3  }
0xa9: {  	[dreg:$0x3] =	wrdreg s5  }
0xaa: {  	[dreg:$0x4] =	wrdreg $0xC0  }
0xab: {  	_ =	task [dreg:s7], $0x5FFFF  }
0xac: {  	[dreg:$0x1] =	wrdreg $0xFFFFFFFF  }
0xad: {  	[dreg:$0x0] =	wrdreg $0x60  }
0xae: {  	[dreg:$0x2] =	wrdreg s24  }
0xaf: {  	[dreg:$0x3] =	wrdreg s2  }
0xb0: {  	[dreg:$0x4] =	wrdreg $0x9  }
0xb1: {  	_ =	task.clear_ibuf [dreg:s7], $0x5FFFF;
	_ =	strace $0x90000046  }
0xb2: {  	s29 =	simm.s32 $0x9;
	_ =	strace $0x80000048  }
0xb3: {  	_ =	swait.ge [sflag:s29], $0x1  }
0xb4: {  	[sflag:s29] =	ssyncadd.s32 $0xFFFFFFFF  }
0xb5: {  	_ =	strace $0x90000048  }
0xb6: {  	_ =	sfence  }
0xb7: {  	s30 =	sld [smem:$0x0];
	_ =	sdelay $0x2  }
0xb8: {  	s31 =	sshll.u32 s1, $0xD;
	s1 =	sshrl.u32 s1, $0x2  }
0xb9: {  	s3 =	sand.u32 $0x4000, s31;
	s1 =	sadd.s32 s1, s30  }
0xba: {  	s0 =	sor.u32 s3, s0;
	s1 =	sshll.u32 s1, $0x11  }
0xbb: {  	s0 =	sor.u32 s1, s0  }
0xbc: {  	s0 =	sadd.s32 $0x8F2B, s0  }
0xbd: {  	[sflag:s0] =	ssyncadd.remote.s32 $0x1  }
0xbe: {  	_ =	sfence.sel $0xFFFF  }
0xbf: {  	[dreg:$0x0] =	wrdreg $0xFFFFFFFF;
	(pc) =	sbr.abs _section_cstart, $3  }
0xc0: {  	[dreg:$0x1] =	wrdreg $0xFFFFFFFF  }
0xc1: {  	_ =	task.clear_ibuf [dreg:s7], $0x2FFFF;
	_ =	strace $0x9FFFFFFF  }
0xc2: {  	(tm) =	ssettm $0x7FFFFFFF  }
0xc3: {  	_ =	shalt  }
tec
execute0_lowered:
.L_overlay_start_1:
0x0: {  	(tag) =	ssettag $0x1  }
0x1: {  	s0 =	srdreg.scid  }
0x2: {  	s4 =	stileid.u32;
	s1 =	rddreg [dreg:$0x0];
	s24 =	simm.s32 $0x0  }
0x3: {  	s28 =	simm.s32 $0xE900;
	s29 =	simm.s32 $0xF300;
	s30 =	simm.s32 $0xFD00  }
0x4: {  	s31 =	simm.s32 $0x13400;
	s0 =	sand.u32 $0x1, s0;
	s25 =	smul.u32 $0x60000, s4  }
0x5: {  	s2 =	sshll.u32 s4, $0xA;
	[smem:$0x7FF] =	sst s24;
	s5 =	smul.u32 $0x300000, s4  }
0x6: {  	s4 =	sadd.s32 $0xC400, s1;
	s3 =	sshll.u32 s0, $0x9;
	s8 =	smul.u32 $0x30000, s0  }
0x7: {  	_ =	strace $0x80000047;
	s6 =	ssub.s32 $0x2, s0;
	s7 =	smul.u32 $0x180000, s0  }
0x8: {  	s2 =	sor.u32 s3, s2;
	s26 =	sshrl.u32 s6, $0x1;
	s10 =	sadd.s32 s8, s25  }
0x9: {  	s2 =	smul.u32 $0x3, s2;
	s0 =	sadd.s32 s7, s5;
	[dreg:$0x5] =	wrdreg s10  }
0xa: {  	s11 =	sor.u32 $0x17400, s0;
	s12 =	sor.u32 $0x16800, s0;
	s13 =	sor.u32 $0x15C00, s0  }
0xb: {  	s15 =	sor.u32 $0x15000, s0;
	s16 =	sor.u32 $0x14400, s0;
	s17 =	sor.u32 $0x13800, s0  }
0xc: {  	s19 =	sor.u32 $0x12C00, s0;
	s20 =	sor.u32 $0x12000, s0;
	s21 =	sor.u32 $0x11400, s0  }
0xd: {  	s23 =	sor.u32 $0x10800, s0;
	s24 =	sor.u32 $0x2F400, s0;
	s25 =	sor.u32 $0x2E800, s0  }
0xe: {  	s3 =	sor.u32 $0x2D000, s0;
	s5 =	sor.u32 $0x2C400, s0;
	s7 =	sor.u32 $0x2B800, s0  }
0xf: {  	s8 =	sor.u32 $0x2AC00, s0;
	s2 =	sadd.s32 s2, s1;
	s1 =	ssub.s32 s6, s26  }
0x10: {  	s14 =	sshrl.u32 s13, $0x3;
	s18 =	sshrl.u32 s17, $0x3;
	s22 =	sshrl.u32 s21, $0x3  }
0x11: {  	s26 =	sshrl.u32 s25, $0x3;
	s6 =	sshrl.u32 s5, $0x3;
	[dreg:$0x8] =	wrdreg s14  }
0x12: {  	s13 =	sor.u32 $0x27C00, s0;
	s17 =	sor.u32 $0x25800, s0;
	[dreg:$0xb] =	wrdreg s18  }
0x13: {  	s21 =	sor.u32 $0x23400, s0;
	s25 =	sor.u32 $0x21000, s0;
	[dreg:$0xe] =	wrdreg s22  }
0x14: {  	s5 =	simm.s32 $0x14D00;
	s9 =	sadd.s32 $0x400, s2;
	[dreg:$0x11] =	wrdreg s26  }
0x15: {  	s1 =	smax.u32 s1, $0x1;
	s2 =	sor.u32 $0x2DC00, s0;
	[dreg:$0x14] =	wrdreg s6  }
0x16: {  	s14 =	sshrl.u32 s13, $0x3;
	s18 =	sshrl.u32 s17, $0x3;
	[dreg:$0x3] =	wrdreg s9  }
0x17: {  	s22 =	sshrl.u32 s21, $0x3;
	s26 =	sshrl.u32 s25, $0x3;
	[dreg:$0x4] =	wrdreg s1  }
0x18: {  	s25 =	simm.s32 $0xD500;
	s6 =	simm.s32 $0x15200;
	[dreg:$0x1a] =	wrdreg s14  }
0x19: {  	s13 =	simm.s32 $0x1;
	s17 =	simm.s32 $0x2;
	[dreg:$0x1d] =	wrdreg s18  }
0x1a: {  	s1 =	sshrl.u32 s11, $0x3;
	s9 =	sor.u32 $0x2A000, s0;
	[smem:$0x7F9] =	sst s22  }
0x1b: {  	s11 =	sor.u32 $0x29400, s0;
	[smem:$0x7FC] =	sst s26;
	s26 =	simm.s32 $0xDF00  }
0x1c: {  	s14 =	simm.s32 $0x40;
	s18 =	simm.s32 $0x4;
	[dreg:$0x6] =	wrdreg s1  }
0x1d: {  	s1 =	sshrl.u32 s12, $0x3;
	s10 =	sshrl.u32 s9, $0x3;
	s12 =	sor.u32 $0x28800, s0  }
0x1e: {  	s9 =	simm.s32 $0x14;
	[dreg:$0x7] =	wrdreg s1;
	s1 =	sshrl.u32 s15, $0x3  }
0x1f: {  	[dreg:$0x17] =	wrdreg s10;
	s15 =	sor.u32 $0x27000, s0;
	s10 =	simm.s32 $0x16100  }
0x20: {  	[dreg:$0x9] =	wrdreg s1;
	s1 =	sshrl.u32 s16, $0x3;
	s16 =	sor.u32 $0x26400, s0  }
0x21: {  	[dreg:$0xa] =	wrdreg s1;
	s1 =	sshrl.u32 s19, $0x3;
	s19 =	sor.u32 $0x24C00, s0  }
0x22: {  	[dreg:$0xc] =	wrdreg s1;
	s1 =	sshrl.u32 s20, $0x3;
	s20 =	sor.u32 $0x24000, s0  }
0x23: {  	[dreg:$0xd] =	wrdreg s1;
	s1 =	sshrl.u32 s23, $0x3;
	s23 =	sor.u32 $0x22800, s0  }
0x24: {  	[dreg:$0xf] =	wrdreg s1;
	s1 =	sshrl.u32 s24, $0x3;
	s24 =	sor.u32 $0x21C00, s0  }
0x25: {  	s0 =	sor.u32 $0x20400, s0;
	[dreg:$0x10] =	wrdreg s1;
	s1 =	sshrl.u32 s2, $0x3  }
0x26: {  	s0 =	sshrl.u32 s0, $0x3;
	s2 =	simm.s32 $0x14300;
	[dreg:$0x12] =	wrdreg s1  }
0x27: {  	s1 =	sshrl.u32 s3, $0x3;
	[smem:$0x7FD] =	sst s0;
	s0 =	simm.s32 $0x13E00  }
0x28: {  	s3 =	simm.s32 $0x14800;
	[dreg:$0x13] =	wrdreg s1;
	s1 =	sshrl.u32 s7, $0x3  }
0x29: {  	s7 =	simm.s32 $0x15700;
	[dreg:$0x15] =	wrdreg s1;
	s1 =	sshrl.u32 s8, $0x3  }
0x2a: {  	s8 =	simm.s32 $0x15C00;
	[dreg:$0x16] =	wrdreg s1;
	s1 =	sshrl.u32 s11, $0x3  }
0x2b: {  	s11 =	simm.s32 $0x16600;
	[dreg:$0x18] =	wrdreg s1;
	s1 =	sshrl.u32 s12, $0x3  }
0x2c: {  	s12 =	simm.s32 $0x16B00;
	[dreg:$0x19] =	wrdreg s1;
	s1 =	sshrl.u32 s15, $0x3  }
0x2d: {  	s15 =	simm.s32 $0x80;
	[dreg:$0x1b] =	wrdreg s1;
	s1 =	sshrl.u32 s16, $0x3  }
.Ltmp0:
0x2e: {  	[dreg:$0x1c] =	wrdreg s1;
	s1 =	sshrl.u32 s19, $0x3;
	(pc) =	sbr.rel .LBB2_1-.Ltmp0, $4  }
0x2f: {  	s16 =	simm.s32 $0x3;
	[dreg:$0x1e] =	wrdreg s1;
	s1 =	sshrl.u32 s20, $0x3  }
0x30: {  	s20 =	simm.s32 $0x0;
	[dreg:$0x1f] =	wrdreg s1;
	s1 =	sshrl.u32 s23, $0x3  }
0x31: {  	s23 =	simm.s32 $0xD000;
	[smem:$0x7FA] =	sst s1;
	s1 =	sshrl.u32 s24, $0x3  }
0x32: {  	s24 =	simm.s32 $0x3500;
	[smem:$0x7FB] =	sst s1;
	s1 =	simm.s32 $0x13900  }
.LBB2_7:
0x33: {  	_ =	swait.ge [sflag:s18], $0x500  }
0x34: {  	[sflag:s18] =	ssyncset.done $0x0  }
0x35: {  	[sflag:s18] =	ssyncadd.s32 $0xFFFFFB00  }
0x36: {  	_ =	swait.ge [sflag:s18], $0x500  }
0x37: {  	[sflag:s18] =	ssyncset.done $0x0  }
0x38: {  	[sflag:s18] =	ssyncadd.s32 $0xFFFFFB00  }
0x39: {  	_ =	swait.ge [sflag:s18], $0x500  }
0x3a: {  	[sflag:s18] =	ssyncset.done $0x0  }
0x3b: {  	[sflag:s18] =	ssyncadd.s32 $0xFFFFFB00  }
0x3c: {  	_ =	swait.ge [sflag:s18], $0x500  }
0x3d: {  	[sflag:s18] =	ssyncset.done $0x0  }
0x3e: {  	[sflag:s18] =	ssyncadd.s32 $0xFFFFFB00  }
0x3f: {  	_ =	swait.ge [sflag:s18], $0x500  }
0x40: {  	[sflag:s18] =	ssyncset.done $0x0  }
0x41: {  	[sflag:s18] =	ssyncadd.s32 $0xFFFFFB00  }
0x42: {  	_ =	swait.ge [sflag:s18], $0x500  }
0x43: {  	[sflag:s18] =	ssyncset.done $0x0  }
0x44: {  	[sflag:s18] =	ssyncadd.s32 $0xFFFFFB00  }
0x45: {  	_ =	swait.ge [sflag:s18], $0x500  }
0x46: {  	[sflag:s18] =	ssyncset.done $0x0  }
0x47: {  	[sflag:s18] =	ssyncadd.s32 $0xFFFFFB00  }
0x48: {  	_ =	swait.ge [sflag:s18], $0x500  }
0x49: {  	[sflag:s18] =	ssyncset.done $0x0  }
0x4a: {  	[sflag:s18] =	ssyncadd.s32 $0xFFFFFB00  }
0x4b: {  	_ =	swait.ge [sflag:s18], $0x500  }
0x4c: {  	[sflag:s18] =	ssyncset.done $0x0  }
0x4d: {  	[sflag:s18] =	ssyncadd.s32 $0xFFFFFB00  }
0x4e: {  	_ =	swait.ge [sflag:s18], $0x500  }
0x4f: {  	[sflag:s18] =	ssyncset.done $0x0  }
0x50: {  	[sflag:s18] =	ssyncadd.s32 $0xFFFFFB00  }
0x51: {  	_ =	swait.ge [sflag:s18], $0x500  }
0x52: {  	[sflag:s18] =	ssyncset.done $0x0  }
0x53: {  	[sflag:s18] =	ssyncadd.s32 $0xFFFFFB00  }
0x54: {  	_ =	swait.ge [sflag:s18], $0x500  }
0x55: {  	[sflag:s18] =	ssyncset.done $0x0  }
0x56: {  	[sflag:s18] =	ssyncadd.s32 $0xFFFFFB00  }
0x57: {  	_ =	swait.ge [sflag:s18], $0x500  }
0x58: {  	[sflag:s18] =	ssyncset.done $0x0  }
0x59: {  	[sflag:s18] =	ssyncadd.s32 $0xFFFFFB00  }
0x5a: {  	_ =	swait.ge [sflag:s18], $0x500  }
0x5b: {  	[sflag:s18] =	ssyncset.done $0x0  }
0x5c: {  	[sflag:s18] =	ssyncadd.s32 $0xFFFFFB00  }
0x5d: {  	_ =	swait.ge [sflag:s18], $0x500  }
0x5e: {  	[sflag:s18] =	ssyncset.done $0x0  }
0x5f: {  	[sflag:s18] =	ssyncadd.s32 $0xFFFFFB00  }
0x60: {  	_ =	swait.ge [sflag:s18], $0x500  }
0x61: {  	[sflag:s18] =	ssyncset.done $0x0  }
0x62: {  	[sflag:s18] =	ssyncadd.s32 $0xFFFFFB00  }
0x63: {  	_ =	swait.ge [sflag:s18], $0x500  }
0x64: {  	[sflag:s18] =	ssyncset.done $0x0  }
0x65: {  	[sflag:s18] =	ssyncadd.s32 $0xFFFFFB00  }
0x66: {  	_ =	swait.ge [sflag:s18], $0x500  }
0x67: {  	[sflag:s18] =	ssyncset.done $0x0  }
0x68: {  	[sflag:s18] =	ssyncadd.s32 $0xFFFFFB00  }
0x69: {  	_ =	swait.ge [sflag:s18], $0x500  }
0x6a: {  	[sflag:s18] =	ssyncset.done $0x0  }
0x6b: {  	[sflag:s18] =	ssyncadd.s32 $0xFFFFFB00  }
0x6c: {  	_ =	swait.ge [sflag:s18], $0x500  }
0x6d: {  	[sflag:s18] =	ssyncset.done $0x0  }
0x6e: {  	[sflag:s18] =	ssyncadd.s32 $0xFFFFFB00  }
0x6f: {  	_ =	swait.ge [sflag:s18], $0x500  }
0x70: {  	[sflag:s18] =	ssyncset.done $0x0  }
0x71: {  	[sflag:s18] =	ssyncadd.s32 $0xFFFFFB00  }
0x72: {  	_ =	swait.ge [sflag:s18], $0x500  }
0x73: {  	[sflag:s18] =	ssyncset.done $0x0  }
0x74: {  	[sflag:s18] =	ssyncadd.s32 $0xFFFFFB00  }
0x75: {  	_ =	swait.ge [sflag:s18], $0x500  }
0x76: {  	[sflag:s18] =	ssyncset.done $0x0  }
0x77: {  	[sflag:s18] =	ssyncadd.s32 $0xFFFFFB00  }
0x78: {  	_ =	swait.ge [sflag:s18], $0x500  }
0x79: {  	[sflag:s18] =	ssyncset.done $0x0  }
0x7a: {  	[sflag:s18] =	ssyncadd.s32 $0xFFFFFB00  }
0x7b: {  	_ =	swait.ge [sflag:s18], $0x500  }
0x7c: {  	[sflag:s18] =	ssyncset.done $0x0  }
0x7d: {  	[sflag:s18] =	ssyncadd.s32 $0xFFFFFB00  }
0x7e: {  	_ =	swait.ge [sflag:s18], $0x500  }
0x7f: {  	[sflag:s18] =	ssyncset.done $0x0  }
0x80: {  	[sflag:s18] =	ssyncadd.s32 $0xFFFFFB00  }
0x81: {  	_ =	swait.ge [sflag:s18], $0x500  }
0x82: {  	[sflag:s18] =	ssyncset.done $0x0  }
0x83: {  	[sflag:s18] =	ssyncadd.s32 $0xFFFFFB00  }
0x84: {  	_ =	swait.ge [sflag:s18], $0x500  }
0x85: {  	[sflag:s18] =	ssyncset.done $0x0  }
0x86: {  	[sflag:s18] =	ssyncadd.s32 $0xFFFFFB00  }
0x87: {  	_ =	swait.ge [sflag:s18], $0x500  }
0x88: {  	[sflag:s18] =	ssyncset.done $0x0  }
0x89: {  	[sflag:s18] =	ssyncadd.s32 $0xFFFFFB00  }
0x8a: {  	_ =	swait.ge [sflag:s18], $0x500  }
0x8b: {  	[sflag:s18] =	ssyncset.done $0x0  }
0x8c: {  	[sflag:s18] =	ssyncadd.s32 $0xFFFFFB00  }
0x8d: {  	_ =	swait.ge [sflag:s18], $0x500  }
0x8e: {  	[sflag:s18] =	ssyncset.done $0x0  }
0x8f: {  	[sflag:s18] =	ssyncadd.s32 $0xFFFFFB00  }
0x90: {  	_ =	swait.ge [sflag:s18], $0x500  }
0x91: {  	s20 =	sld [smem:$0x7F8];
	_ =	sdelay $0x2  }
0x92: {  	s19 =	rddreg [dreg:$0x4];
	s20 =	sadd.s32 $0x1, s20  }
0x93: {  	p0 =	sne.s32 s20, s19  }
.Ltmp1:
0x94: {  	_ = 	snop;
	(pc) =	sbr.rel @!p0 .LBB2_8-.Ltmp1, $3  }
0x95: {  	_ =	sdelay $0x1  }
0x96: {  	[sflag:s18] =	ssyncset.done $0x0  }
0x97: {  	[sflag:s18] =	ssyncadd.s32 $0xFFFFFB00  }
.LBB2_1:
0x98: {  	[smem:$0x7F8] =	sst s20  }
0x99: {  	s19 =	simm.s32 $0x0;
	s22 =	rddreg [dreg:$0x3];
	s21 =	simm.s32 $0x5  }
0x9a: {  	[tilespmem:s19], [sflag:$0x5] =	stream.linear.gather [hbm4b:s22+s19], $0x3000, $0x38;
	[tilespmem:$0x17000] =	vst v63  }
0x9b: {  	_ =	swait.ge [sflag:s21], $0x3000  }
0x9c: {  	[sflag:s21] =	ssyncset.done $0x0  }
0x9d: {  	s22 =	simm.s32 $0x3000;
	[sflag:s21] =	ssyncadd.s32 $0xFFFFD000  }
0x9e: {  	[tilespmem:s22], [sflag:$0x1] =	stream.indirect.gather [hbm4b:s4+s9], $0x40, s19, s9, $0xb8;
	[tilespmem:$0x17000] =	vst v63  }
0x9f: {  	s20 =	simm.s32 $0x18  }
0xa0: {  	[tilespmem:s24], [sflag:$0x1] =	stream.indirect.gather [hbm4b:s4+s9], $0x40, s20, s9, $0xb8;
	[tilespmem:$0x17000] =	vst v63  }
0xa1: {  	s21 =	simm.s32 $0x30;
	s22 =	simm.s32 $0x3A00  }
0xa2: {  	[tilespmem:s22], [sflag:$0x1] =	stream.indirect.gather [hbm4b:s4+s9], $0x40, s21, s9, $0xb8;
	[tilespmem:$0x17000] =	vst v63  }
0xa3: {  	s21 =	simm.s32 $0x48;
	s22 =	simm.s32 $0x3F00  }
0xa4: {  	[tilespmem:s22], [sflag:$0x1] =	stream.indirect.gather [hbm4b:s4+s9], $0x40, s21, s9, $0xb8;
	[tilespmem:$0x17000] =	vst v63  }
0xa5: {  	s21 =	simm.s32 $0x60;
	s22 =	simm.s32 $0x4400  }
0xa6: {  	[tilespmem:s22], [sflag:$0x1] =	stream.indirect.gather [hbm4b:s4+s9], $0x40, s21, s9, $0xb8;
	[tilespmem:$0x17000] =	vst v63  }
0xa7: {  	s21 =	simm.s32 $0x78;
	s22 =	simm.s32 $0x4900  }
0xa8: {  	[tilespmem:s22], [sflag:$0x1] =	stream.indirect.gather [hbm4b:s4+s9], $0x40, s21, s9, $0xb8;
	[tilespmem:$0x17000] =	vst v63  }
0xa9: {  	s21 =	simm.s32 $0x90;
	s22 =	simm.s32 $0x4E00  }
0xaa: {  	[tilespmem:s22], [sflag:$0x1] =	stream.indirect.gather [hbm4b:s4+s9], $0x40, s21, s9, $0xb8;
	[tilespmem:$0x17000] =	vst v63  }
0xab: {  	s21 =	simm.s32 $0xA8;
	s22 =	simm.s32 $0x5300  }
0xac: {  	[tilespmem:s22], [sflag:$0x1] =	stream.indirect.gather [hbm4b:s4+s9], $0x40, s21, s9, $0xb8;
	[tilespmem:$0x17000] =	vst v63  }
0xad: {  	s21 =	simm.s32 $0xC0;
	s22 =	simm.s32 $0x5800  }
0xae: {  	[tilespmem:s22], [sflag:$0x1] =	stream.indirect.gather [hbm4b:s4+s9], $0x40, s21, s9, $0xb8;
	[tilespmem:$0x17000] =	vst v63  }
0xaf: {  	s21 =	simm.s32 $0xD8;
	s22 =	simm.s32 $0x5D00  }
0xb0: {  	[tilespmem:s22], [sflag:$0x1] =	stream.indirect.gather [hbm4b:s4+s9], $0x40, s21, s9, $0xb8;
	[tilespmem:$0x17000] =	vst v63  }
0xb1: {  	s21 =	simm.s32 $0xF0;
	s22 =	simm.s32 $0x6200  }
0xb2: {  	[tilespmem:s22], [sflag:$0x1] =	stream.indirect.gather [hbm4b:s4+s9], $0x40, s21, s9, $0xb8;
	[tilespmem:$0x17000] =	vst v63  }
0xb3: {  	s21 =	simm.s32 $0x108;
	s22 =	simm.s32 $0x6700  }
0xb4: {  	[tilespmem:s22], [sflag:$0x1] =	stream.indirect.gather [hbm4b:s4+s9], $0x40, s21, s9, $0xb8;
	[tilespmem:$0x17000] =	vst v63  }
0xb5: {  	s21 =	simm.s32 $0x120;
	s22 =	simm.s32 $0x6C00  }
0xb6: {  	[tilespmem:s22], [sflag:$0x1] =	stream.indirect.gather [hbm4b:s4+s9], $0x40, s21, s9, $0xb8;
	[tilespmem:$0x17000] =	vst v63  }
0xb7: {  	s21 =	simm.s32 $0x138;
	s22 =	simm.s32 $0x7100  }
0xb8: {  	[tilespmem:s22], [sflag:$0x1] =	stream.indirect.gather [hbm4b:s4+s9], $0x40, s21, s9, $0xb8;
	[tilespmem:$0x17000] =	vst v63  }
0xb9: {  	s21 =	simm.s32 $0x150;
	s22 =	simm.s32 $0x7600  }
0xba: {  	[tilespmem:s22], [sflag:$0x1] =	stream.indirect.gather [hbm4b:s4+s9], $0x40, s21, s9, $0xb8;
	[tilespmem:$0x17000] =	vst v63  }
0xbb: {  	s21 =	simm.s32 $0x168;
	s22 =	simm.s32 $0x7B00  }
0xbc: {  	[tilespmem:s22], [sflag:$0x1] =	stream.indirect.gather [hbm4b:s4+s9], $0x40, s21, s9, $0xb8;
	[tilespmem:$0x17000] =	vst v63  }
0xbd: {  	s21 =	simm.s32 $0x180;
	s22 =	simm.s32 $0x8000  }
0xbe: {  	[tilespmem:s22], [sflag:$0x1] =	stream.indirect.gather [hbm4b:s4+s9], $0x40, s21, s9, $0xb8;
	[tilespmem:$0x17000] =	vst v63  }
0xbf: {  	s21 =	simm.s32 $0x198;
	s22 =	simm.s32 $0x8500  }
0xc0: {  	[tilespmem:s22], [sflag:$0x1] =	stream.indirect.gather [hbm4b:s4+s9], $0x40, s21, s9, $0xb8;
	[tilespmem:$0x17000] =	vst v63  }
0xc1: {  	s21 =	simm.s32 $0x1B0;
	s22 =	simm.s32 $0x8A00  }
0xc2: {  	[tilespmem:s22], [sflag:$0x1] =	stream.indirect.gather [hbm4b:s4+s9], $0x40, s21, s9, $0xb8;
	[tilespmem:$0x17000] =	vst v63  }
0xc3: {  	s21 =	simm.s32 $0x1C8;
	s22 =	simm.s32 $0x8F00  }
0xc4: {  	[tilespmem:s22], [sflag:$0x1] =	stream.indirect.gather [hbm4b:s4+s9], $0x40, s21, s9, $0xb8;
	[tilespmem:$0x17000] =	vst v63  }
0xc5: {  	s21 =	simm.s32 $0x1E0;
	s22 =	simm.s32 $0x9400  }
0xc6: {  	[tilespmem:s22], [sflag:$0x1] =	stream.indirect.gather [hbm4b:s4+s9], $0x40, s21, s9, $0xb8;
	[tilespmem:$0x17000] =	vst v63  }
0xc7: {  	s21 =	simm.s32 $0x1F8;
	s22 =	simm.s32 $0x9900  }
0xc8: {  	[tilespmem:s22], [sflag:$0x1] =	stream.indirect.gather [hbm4b:s4+s9], $0x40, s21, s9, $0xb8;
	[tilespmem:$0x17000] =	vst v63  }
0xc9: {  	s21 =	simm.s32 $0x210;
	s22 =	simm.s32 $0x9E00  }
0xca: {  	[tilespmem:s22], [sflag:$0x1] =	stream.indirect.gather [hbm4b:s4+s9], $0x40, s21, s9, $0xb8;
	[tilespmem:$0x17000] =	vst v63  }
0xcb: {  	s21 =	simm.s32 $0x228;
	s22 =	simm.s32 $0xA300  }
0xcc: {  	[tilespmem:s22], [sflag:$0x1] =	stream.indirect.gather [hbm4b:s4+s9], $0x40, s21, s9, $0xb8;
	[tilespmem:$0x17000] =	vst v63  }
0xcd: {  	s21 =	simm.s32 $0x240;
	s22 =	simm.s32 $0xA800  }
0xce: {  	[tilespmem:s22], [sflag:$0x1] =	stream.indirect.gather [hbm4b:s4+s9], $0x40, s21, s9, $0xb8;
	[tilespmem:$0x17000] =	vst v63  }
0xcf: {  	s21 =	simm.s32 $0x258;
	s22 =	simm.s32 $0xAD00  }
0xd0: {  	[tilespmem:s22], [sflag:$0x1] =	stream.indirect.gather [hbm4b:s4+s9], $0x40, s21, s9, $0xb8;
	[tilespmem:$0x17000] =	vst v63  }
0xd1: {  	s21 =	simm.s32 $0x270;
	s22 =	simm.s32 $0xB200  }
0xd2: {  	[tilespmem:s22], [sflag:$0x1] =	stream.indirect.gather [hbm4b:s4+s9], $0x40, s21, s9, $0xb8;
	[tilespmem:$0x17000] =	vst v63  }
0xd3: {  	s21 =	simm.s32 $0x288;
	s22 =	simm.s32 $0xB700  }
0xd4: {  	[tilespmem:s22], [sflag:$0x1] =	stream.indirect.gather [hbm4b:s4+s9], $0x40, s21, s9, $0xb8;
	[tilespmem:$0x17000] =	vst v63  }
0xd5: {  	s21 =	simm.s32 $0x2A0;
	s22 =	simm.s32 $0xBC00  }
0xd6: {  	[tilespmem:s22], [sflag:$0x1] =	stream.indirect.gather [hbm4b:s4+s9], $0x40, s21, s9, $0xb8;
	[tilespmem:$0x17000] =	vst v63  }
0xd7: {  	s21 =	simm.s32 $0x2B8;
	s22 =	simm.s32 $0xC100  }
0xd8: {  	[tilespmem:s22], [sflag:$0x1] =	stream.indirect.gather [hbm4b:s4+s9], $0x40, s21, s9, $0xb8;
	[tilespmem:$0x17000] =	vst v63  }
.Ltmp2:
0xd9: {  	_ = 	snop;
	(pc) =	sbr.rel .LBB2_2-.Ltmp2, $4  }
0xda: {  	s19 =	rddreg [dreg:$0x1];
	s21 =	simm.s32 $0x2D0;
	s22 =	simm.s32 $0xC600  }
0xdb: {  	[tilespmem:s22], [sflag:$0x1] =	stream.indirect.gather [hbm4b:s4+s9], $0x40, s21, s9, $0xb8;
	[tilespmem:$0x17000] =	vst v63  }
0xdc: {  	s20 =	simm.s32 $0x0;
	s21 =	simm.s32 $0x2E8;
	s22 =	simm.s32 $0xCB00  }
0xdd: {  	[tilespmem:s22], [sflag:$0x1] =	stream.indirect.gather [hbm4b:s4+s9], $0x40, s21, s9, $0xb8;
	[tilespmem:$0x17000] =	vst v63  }
.LBB2_6:
0xde: {  	_ =	swait.ge [sflag:s17], $0xA000  }
0xdf: {  	[sflag:s17] =	ssyncset.done $0x0  }
0xe0: {  	s21 =	sadd.s32 $0x3000, s22;
	s23 =	simm.s32 $0xD000;
	[sflag:s17] =	ssyncadd.s32 $0xFFFF6000  }
0xe1: {  	[hbm4b:s21+s14] =	stream.strided.scatter [tilespmem:s23], [sflag:$0x4], $0x500, s15, s14, $0x38;
	[tilespmem:$0x17000] =	vst v63  }
0xe2: {  	s26 =	sadd.s32 $0x3180, s22;
	s25 =	simm.s32 $0xD500  }
0xe3: {  	[hbm4b:s26+s14] =	stream.strided.scatter [tilespmem:s25], [sflag:$0x4], $0x500, s15, s14, $0x38;
	[tilespmem:$0x17000] =	vst v63  }
0xe4: {  	s21 =	sadd.s32 $0x3300, s22;
	s26 =	simm.s32 $0xDA00  }
0xe5: {  	[hbm4b:s21+s14] =	stream.strided.scatter [tilespmem:s26], [sflag:$0x4], $0x500, s15, s14, $0x38;
	[tilespmem:$0x17000] =	vst v63  }
0xe6: {  	s21 =	sadd.s32 $0x3480, s22;
	s26 =	simm.s32 $0xDF00  }
0xe7: {  	[hbm4b:s21+s14] =	stream.strided.scatter [tilespmem:s26], [sflag:$0x4], $0x500, s15, s14, $0x38;
	[tilespmem:$0x17000] =	vst v63  }
0xe8: {  	s28 =	simm.s32 $0xE400;
	s21 =	sadd.s32 $0x3600, s22  }
0xe9: {  	[hbm4b:s21+s14] =	stream.strided.scatter [tilespmem:s28], [sflag:$0x4], $0x500, s15, s14, $0x38;
	[tilespmem:$0x17000] =	vst v63  }
0xea: {  	s21 =	sadd.s32 $0x3780, s22;
	s28 =	simm.s32 $0xE900  }
0xeb: {  	[hbm4b:s21+s14] =	stream.strided.scatter [tilespmem:s28], [sflag:$0x4], $0x500, s15, s14, $0x38;
	[tilespmem:$0x17000] =	vst v63  }
0xec: {  	s29 =	simm.s32 $0xEE00;
	s21 =	sadd.s32 $0x3900, s22  }
0xed: {  	[hbm4b:s21+s14] =	stream.strided.scatter [tilespmem:s29], [sflag:$0x4], $0x500, s15, s14, $0x38;
	[tilespmem:$0x17000] =	vst v63  }
0xee: {  	s21 =	sadd.s32 $0x3A80, s22;
	s29 =	simm.s32 $0xF300  }
0xef: {  	[hbm4b:s21+s14] =	stream.strided.scatter [tilespmem:s29], [sflag:$0x4], $0x500, s15, s14, $0x38;
	[tilespmem:$0x17000] =	vst v63  }
0xf0: {  	s30 =	simm.s32 $0xF800;
	s21 =	sadd.s32 $0x3C00, s22  }
0xf1: {  	[hbm4b:s21+s14] =	stream.strided.scatter [tilespmem:s30], [sflag:$0x4], $0x500, s15, s14, $0x38;
	[tilespmem:$0x17000] =	vst v63  }
0xf2: {  	s21 =	sadd.s32 $0x3D80, s22;
	s30 =	simm.s32 $0xFD00  }
0xf3: {  	[hbm4b:s21+s14] =	stream.strided.scatter [tilespmem:s30], [sflag:$0x4], $0x500, s15, s14, $0x38;
	[tilespmem:$0x17000] =	vst v63  }
0xf4: {  	s21 =	sadd.s32 $0x3F00, s22;
	s22 =	simm.s32 $0x10200  }
0xf5: {  	[hbm4b:s21+s14] =	stream.strided.scatter [tilespmem:s22], [sflag:$0x4], $0x500, s15, s14, $0x38;
	[tilespmem:$0x17000] =	vst v63  }
0xf6: {  	s22 =	sld [smem:$0x7FD];
	_ =	sdelay $0x2  }
0xf7: {  	s21 =	sadd.s32 s19, s22;
	s22 =	simm.s32 $0x10700  }
0xf8: {  	[hbm4b:s21+s14] =	stream.strided.scatter [tilespmem:s22], [sflag:$0x4], $0x500, s15, s14, $0x38;
	[tilespmem:$0x17000] =	vst v63  }
0xf9: {  	s22 =	sld [smem:$0x7FC];
	_ =	sdelay $0x2  }
0xfa: {  	s21 =	sadd.s32 s19, s22;
	s22 =	simm.s32 $0x10C00  }
0xfb: {  	[hbm4b:s21+s14] =	stream.strided.scatter [tilespmem:s22], [sflag:$0x4], $0x500, s15, s14, $0x38;
	[tilespmem:$0x17000] =	vst v63  }
0xfc: {  	s22 =	sld [smem:$0x7FB];
	_ =	sdelay $0x2  }
0xfd: {  	s21 =	sadd.s32 s19, s22;
	s22 =	simm.s32 $0x11100  }
0xfe: {  	[hbm4b:s21+s14] =	stream.strided.scatter [tilespmem:s22], [sflag:$0x4], $0x500, s15, s14, $0x38;
	[tilespmem:$0x17000] =	vst v63  }
0xff: {  	s22 =	sld [smem:$0x7FA];
	_ =	sdelay $0x2  }
0x100: {  	s21 =	sadd.s32 s19, s22;
	s22 =	simm.s32 $0x11600  }
0x101: {  	[hbm4b:s21+s14] =	stream.strided.scatter [tilespmem:s22], [sflag:$0x4], $0x500, s15, s14, $0x38;
	[tilespmem:$0x17000] =	vst v63  }
0x102: {  	s22 =	sld [smem:$0x7F9];
	_ =	sdelay $0x2  }
0x103: {  	s21 =	sadd.s32 s19, s22;
	s22 =	simm.s32 $0x11B00  }
0x104: {  	[hbm4b:s21+s14] =	stream.strided.scatter [tilespmem:s22], [sflag:$0x4], $0x500, s15, s14, $0x38;
	[tilespmem:$0x17000] =	vst v63  }
0x105: {  	s22 =	rddreg [dreg:$0x1f]  }
0x106: {  	s21 =	sadd.s32 s19, s22;
	s22 =	simm.s32 $0x12000  }
0x107: {  	[hbm4b:s21+s14] =	stream.strided.scatter [tilespmem:s22], [sflag:$0x4], $0x500, s15, s14, $0x38;
	[tilespmem:$0x17000] =	vst v63  }
0x108: {  	s22 =	rddreg [dreg:$0x1e]  }
0x109: {  	s21 =	sadd.s32 s19, s22;
	s22 =	simm.s32 $0x12500  }
0x10a: {  	[hbm4b:s21+s14] =	stream.strided.scatter [tilespmem:s22], [sflag:$0x4], $0x500, s15, s14, $0x38;
	[tilespmem:$0x17000] =	vst v63  }
0x10b: {  	s22 =	rddreg [dreg:$0x1d]  }
0x10c: {  	s21 =	sadd.s32 s19, s22;
	s22 =	simm.s32 $0x12A00  }
0x10d: {  	[hbm4b:s21+s14] =	stream.strided.scatter [tilespmem:s22], [sflag:$0x4], $0x500, s15, s14, $0x38;
	[tilespmem:$0x17000] =	vst v63  }
0x10e: {  	s22 =	rddreg [dreg:$0x1c]  }
0x10f: {  	s21 =	sadd.s32 s19, s22;
	s22 =	simm.s32 $0x12F00  }
0x110: {  	[hbm4b:s21+s14] =	stream.strided.scatter [tilespmem:s22], [sflag:$0x4], $0x500, s15, s14, $0x38;
	[tilespmem:$0x17000] =	vst v63  }
0x111: {  	s22 =	rddreg [dreg:$0x1b]  }
0x112: {  	s21 =	sadd.s32 s19, s22;
	s22 =	rddreg [dreg:$0x1a]  }
0x113: {  	[hbm4b:s21+s14] =	stream.strided.scatter [tilespmem:s31], [sflag:$0x4], $0x500, s15, s14, $0x38;
	[tilespmem:$0x17000] =	vst v63  }
0x114: {  	s21 =	sadd.s32 s19, s22;
	s22 =	rddreg [dreg:$0x19]  }
0x115: {  	[hbm4b:s21+s14] =	stream.strided.scatter [tilespmem:s1], [sflag:$0x4], $0x500, s15, s14, $0x38;
	[tilespmem:$0x17000] =	vst v63  }
0x116: {  	s21 =	sadd.s32 s19, s22;
	s22 =	rddreg [dreg:$0x18]  }
0x117: {  	[hbm4b:s21+s14] =	stream.strided.scatter [tilespmem:s0], [sflag:$0x4], $0x500, s15, s14, $0x38;
	[tilespmem:$0x17000] =	vst v63  }
0x118: {  	s21 =	sadd.s32 s19, s22;
	s22 =	rddreg [dreg:$0x17]  }
0x119: {  	[hbm4b:s21+s14] =	stream.strided.scatter [tilespmem:s2], [sflag:$0x4], $0x500, s15, s14, $0x38;
	[tilespmem:$0x17000] =	vst v63  }
0x11a: {  	s21 =	sadd.s32 s19, s22;
	s22 =	rddreg [dreg:$0x16]  }
0x11b: {  	[hbm4b:s21+s14] =	stream.strided.scatter [tilespmem:s3], [sflag:$0x4], $0x500, s15, s14, $0x38;
	[tilespmem:$0x17000] =	vst v63  }
0x11c: {  	s21 =	sadd.s32 s19, s22;
	s22 =	rddreg [dreg:$0x15]  }
0x11d: {  	[hbm4b:s21+s14] =	stream.strided.scatter [tilespmem:s5], [sflag:$0x4], $0x500, s15, s14, $0x38;
	[tilespmem:$0x17000] =	vst v63  }
0x11e: {  	s21 =	sadd.s32 s19, s22;
	s22 =	rddreg [dreg:$0x14]  }
0x11f: {  	[hbm4b:s21+s14] =	stream.strided.scatter [tilespmem:s6], [sflag:$0x4], $0x500, s15, s14, $0x38;
	[tilespmem:$0x17000] =	vst v63  }
0x120: {  	s21 =	sadd.s32 s19, s22;
	s22 =	rddreg [dreg:$0x13]  }
0x121: {  	[hbm4b:s21+s14] =	stream.strided.scatter [tilespmem:s7], [sflag:$0x4], $0x500, s15, s14, $0x38;
	[tilespmem:$0x17000] =	vst v63  }
0x122: {  	s20 =	sadd.s32 $0x1800, s20;
	s21 =	sadd.s32 s19, s22;
	s22 =	rddreg [dreg:$0x12]  }
0x123: {  	[hbm4b:s21+s14] =	stream.strided.scatter [tilespmem:s8], [sflag:$0x4], $0x500, s15, s14, $0x38;
	[tilespmem:$0x17000] =	vst v63  }
0x124: {  	p0 =	sne.s32 s20, $0xC000;
	s21 =	sadd.s32 s19, s22  }
0x125: {  	[hbm4b:s21+s14] =	stream.strided.scatter [tilespmem:s10], [sflag:$0x4], $0x500, s15, s14, $0x38;
	[tilespmem:$0x17000] =	vst v63  }
.Ltmp3:
0x126: {  	s22 =	rddreg [dreg:$0x11];
	(pc) =	sbr.rel @!p0 .LBB2_7-.Ltmp3, $4  }
0x127: {  	s21 =	sadd.s32 s19, s22;
	s22 =	rddreg [dreg:$0x10]  }
0x128: {  	[hbm4b:s21+s14] =	stream.strided.scatter [tilespmem:s11], [sflag:$0x4], $0x500, s15, s14, $0x38;
	[tilespmem:$0x17000] =	vst v63  }
0x129: {  	s21 =	sadd.s32 s19, s22;
	s19 =	sadd.s32 $0x6000, s19  }
0x12a: {  	[hbm4b:s21+s14] =	stream.strided.scatter [tilespmem:s12], [sflag:$0x4], $0x500, s15, s14, $0x38;
	[tilespmem:$0x17000] =	vst v63  }
.LBB2_2:
0x12b: {  	p0 =	seq.s32 s20, $0x0  }
.Ltmp4:
0x12c: {  	_ = 	snop;
	(pc) =	sbr.rel @p0 .LBB2_4-.Ltmp4, $1  }
0x12d: {  	_ =	sdelay $0x3  }
0x12e: {  	_ =	swait.ge [sflag:s18], $0x500  }
0x12f: {  	[sflag:s18] =	ssyncset.done $0x0  }
0x130: {  	[sflag:s18] =	ssyncadd.s32 $0xFFFFFB00  }
0x131: {  	_ =	swait.ge [sflag:s18], $0x500  }
0x132: {  	[sflag:s18] =	ssyncset.done $0x0  }
0x133: {  	[sflag:s18] =	ssyncadd.s32 $0xFFFFFB00  }
0x134: {  	_ =	swait.ge [sflag:s18], $0x500  }
0x135: {  	[sflag:s18] =	ssyncset.done $0x0  }
0x136: {  	[sflag:s18] =	ssyncadd.s32 $0xFFFFFB00  }
0x137: {  	_ =	swait.ge [sflag:s18], $0x500  }
0x138: {  	[sflag:s18] =	ssyncset.done $0x0  }
0x139: {  	[sflag:s18] =	ssyncadd.s32 $0xFFFFFB00  }
0x13a: {  	_ =	swait.ge [sflag:s18], $0x500  }
0x13b: {  	[sflag:s18] =	ssyncset.done $0x0  }
0x13c: {  	[sflag:s18] =	ssyncadd.s32 $0xFFFFFB00  }
0x13d: {  	_ =	swait.ge [sflag:s18], $0x500  }
0x13e: {  	[sflag:s18] =	ssyncset.done $0x0  }
0x13f: {  	[sflag:s18] =	ssyncadd.s32 $0xFFFFFB00  }
0x140: {  	_ =	swait.ge [sflag:s18], $0x500  }
0x141: {  	[sflag:s18] =	ssyncset.done $0x0  }
0x142: {  	[sflag:s18] =	ssyncadd.s32 $0xFFFFFB00  }
0x143: {  	_ =	swait.ge [sflag:s18], $0x500  }
0x144: {  	[sflag:s18] =	ssyncset.done $0x0  }
0x145: {  	[sflag:s18] =	ssyncadd.s32 $0xFFFFFB00  }
0x146: {  	_ =	swait.ge [sflag:s18], $0x500  }
0x147: {  	[sflag:s18] =	ssyncset.done $0x0  }
0x148: {  	[sflag:s18] =	ssyncadd.s32 $0xFFFFFB00  }
0x149: {  	_ =	swait.ge [sflag:s18], $0x500  }
0x14a: {  	[sflag:s18] =	ssyncset.done $0x0  }
0x14b: {  	[sflag:s18] =	ssyncadd.s32 $0xFFFFFB00  }
0x14c: {  	_ =	swait.ge [sflag:s18], $0x500  }
0x14d: {  	[sflag:s18] =	ssyncset.done $0x0  }
0x14e: {  	[sflag:s18] =	ssyncadd.s32 $0xFFFFFB00  }
0x14f: {  	_ =	swait.ge [sflag:s18], $0x500  }
0x150: {  	[sflag:s18] =	ssyncset.done $0x0  }
0x151: {  	[sflag:s18] =	ssyncadd.s32 $0xFFFFFB00  }
0x152: {  	_ =	swait.ge [sflag:s18], $0x500  }
0x153: {  	[sflag:s18] =	ssyncset.done $0x0  }
0x154: {  	[sflag:s18] =	ssyncadd.s32 $0xFFFFFB00  }
0x155: {  	_ =	swait.ge [sflag:s18], $0x500  }
0x156: {  	[sflag:s18] =	ssyncset.done $0x0  }
0x157: {  	[sflag:s18] =	ssyncadd.s32 $0xFFFFFB00  }
0x158: {  	_ =	swait.ge [sflag:s18], $0x500  }
0x159: {  	[sflag:s18] =	ssyncset.done $0x0  }
0x15a: {  	[sflag:s18] =	ssyncadd.s32 $0xFFFFFB00  }
0x15b: {  	_ =	swait.ge [sflag:s18], $0x500  }
0x15c: {  	[sflag:s18] =	ssyncset.done $0x0  }
0x15d: {  	[sflag:s18] =	ssyncadd.s32 $0xFFFFFB00  }
0x15e: {  	_ =	swait.ge [sflag:s18], $0x500  }
0x15f: {  	[sflag:s18] =	ssyncset.done $0x0  }
0x160: {  	[sflag:s18] =	ssyncadd.s32 $0xFFFFFB00  }
0x161: {  	_ =	swait.ge [sflag:s18], $0x500  }
0x162: {  	[sflag:s18] =	ssyncset.done $0x0  }
0x163: {  	[sflag:s18] =	ssyncadd.s32 $0xFFFFFB00  }
0x164: {  	_ =	swait.ge [sflag:s18], $0x500  }
0x165: {  	[sflag:s18] =	ssyncset.done $0x0  }
0x166: {  	[sflag:s18] =	ssyncadd.s32 $0xFFFFFB00  }
0x167: {  	_ =	swait.ge [sflag:s18], $0x500  }
0x168: {  	[sflag:s18] =	ssyncset.done $0x0  }
0x169: {  	[sflag:s18] =	ssyncadd.s32 $0xFFFFFB00  }
0x16a: {  	_ =	swait.ge [sflag:s18], $0x500  }
0x16b: {  	[sflag:s18] =	ssyncset.done $0x0  }
0x16c: {  	[sflag:s18] =	ssyncadd.s32 $0xFFFFFB00  }
0x16d: {  	_ =	swait.ge [sflag:s18], $0x500  }
0x16e: {  	[sflag:s18] =	ssyncset.done $0x0  }
0x16f: {  	[sflag:s18] =	ssyncadd.s32 $0xFFFFFB00  }
0x170: {  	_ =	swait.ge [sflag:s18], $0x500  }
0x171: {  	[sflag:s18] =	ssyncset.done $0x0  }
0x172: {  	[sflag:s18] =	ssyncadd.s32 $0xFFFFFB00  }
0x173: {  	_ =	swait.ge [sflag:s18], $0x500  }
0x174: {  	[sflag:s18] =	ssyncset.done $0x0  }
0x175: {  	[sflag:s18] =	ssyncadd.s32 $0xFFFFFB00  }
0x176: {  	_ =	swait.ge [sflag:s18], $0x500  }
0x177: {  	[sflag:s18] =	ssyncset.done $0x0  }
0x178: {  	[sflag:s18] =	ssyncadd.s32 $0xFFFFFB00  }
0x179: {  	_ =	swait.ge [sflag:s18], $0x500  }
0x17a: {  	[sflag:s18] =	ssyncset.done $0x0  }
0x17b: {  	[sflag:s18] =	ssyncadd.s32 $0xFFFFFB00  }
0x17c: {  	_ =	swait.ge [sflag:s18], $0x500  }
0x17d: {  	[sflag:s18] =	ssyncset.done $0x0  }
0x17e: {  	[sflag:s18] =	ssyncadd.s32 $0xFFFFFB00  }
0x17f: {  	_ =	swait.ge [sflag:s18], $0x500  }
0x180: {  	[sflag:s18] =	ssyncset.done $0x0  }
0x181: {  	[sflag:s18] =	ssyncadd.s32 $0xFFFFFB00  }
0x182: {  	_ =	swait.ge [sflag:s18], $0x500  }
0x183: {  	[sflag:s18] =	ssyncset.done $0x0  }
0x184: {  	[sflag:s18] =	ssyncadd.s32 $0xFFFFFB00  }
0x185: {  	_ =	swait.ge [sflag:s18], $0x500  }
0x186: {  	[sflag:s18] =	ssyncset.done $0x0  }
0x187: {  	[sflag:s18] =	ssyncadd.s32 $0xFFFFFB00  }
0x188: {  	_ =	swait.ge [sflag:s18], $0x500  }
0x189: {  	[sflag:s18] =	ssyncset.done $0x0  }
0x18a: {  	[sflag:s18] =	ssyncadd.s32 $0xFFFFFB00  }
0x18b: {  	_ =	swait.ge [sflag:s18], $0x500  }
0x18c: {  	[sflag:s18] =	ssyncset.done $0x0  }
0x18d: {  	[sflag:s18] =	ssyncadd.s32 $0xFFFFFB00  }
.LBB2_4:
0x18e: {  	s21 =	sshra.s32 s20, $0x2  }
0x18f: {  	s22 =	sadd.s32 $0x300, s21  }
0x190: {  	[tilespmem:s23], [sflag:$0x2] =	stream.indirect.gather [hbm4b:s4+s9], $0x40, s22, s9, $0xb8;
	[tilespmem:$0x17000] =	vst v63  }
0x191: {  	s23 =	sadd.s32 $0x318, s21  }
0x192: {  	[tilespmem:s25], [sflag:$0x2] =	stream.indirect.gather [hbm4b:s4+s9], $0x40, s23, s9, $0xb8;
	[tilespmem:$0x17000] =	vst v63  }
0x193: {  	s23 =	sadd.s32 $0x330, s21;
	s25 =	simm.s32 $0xDA00  }
0x194: {  	[tilespmem:s25], [sflag:$0x2] =	stream.indirect.gather [hbm4b:s4+s9], $0x40, s23, s9, $0xb8;
	[tilespmem:$0x17000] =	vst v63  }
0x195: {  	s25 =	sadd.s32 $0x348, s21  }
0x196: {  	[tilespmem:s26], [sflag:$0x2] =	stream.indirect.gather [hbm4b:s4+s9], $0x40, s25, s9, $0xb8;
	[tilespmem:$0x17000] =	vst v63  }
0x197: {  	s23 =	sadd.s32 $0x360, s21;
	s25 =	simm.s32 $0xE400  }
0x198: {  	[tilespmem:s25], [sflag:$0x2] =	stream.indirect.gather [hbm4b:s4+s9], $0x40, s23, s9, $0xb8;
	[tilespmem:$0x17000] =	vst v63  }
0x199: {  	s26 =	sadd.s32 $0x378, s21  }
0x19a: {  	[tilespmem:s28], [sflag:$0x2] =	stream.indirect.gather [hbm4b:s4+s9], $0x40, s26, s9, $0xb8;
	[tilespmem:$0x17000] =	vst v63  }
0x19b: {  	s23 =	sadd.s32 $0x390, s21;
	s25 =	simm.s32 $0xEE00  }
0x19c: {  	[tilespmem:s25], [sflag:$0x2] =	stream.indirect.gather [hbm4b:s4+s9], $0x40, s23, s9, $0xb8;
	[tilespmem:$0x17000] =	vst v63  }
0x19d: {  	s26 =	sadd.s32 $0x3A8, s21  }
0x19e: {  	[tilespmem:s29], [sflag:$0x2] =	stream.indirect.gather [hbm4b:s4+s9], $0x40, s26, s9, $0xb8;
	[tilespmem:$0x17000] =	vst v63  }
0x19f: {  	s28 =	sadd.s32 $0x3C0, s21;
	s29 =	simm.s32 $0xF800  }
0x1a0: {  	[tilespmem:s29], [sflag:$0x2] =	stream.indirect.gather [hbm4b:s4+s9], $0x40, s28, s9, $0xb8;
	[tilespmem:$0x17000] =	vst v63  }
0x1a1: {  	s25 =	sadd.s32 $0x3D8, s21  }
0x1a2: {  	[tilespmem:s30], [sflag:$0x2] =	stream.indirect.gather [hbm4b:s4+s9], $0x40, s25, s9, $0xb8;
	[tilespmem:$0x17000] =	vst v63  }
0x1a3: {  	s26 =	sadd.s32 $0x3F0, s21;
	s28 =	simm.s32 $0x10200  }
0x1a4: {  	[tilespmem:s28], [sflag:$0x2] =	stream.indirect.gather [hbm4b:s4+s9], $0x40, s26, s9, $0xb8;
	[tilespmem:$0x17000] =	vst v63  }
0x1a5: {  	s29 =	sadd.s32 $0x408, s21;
	s30 =	simm.s32 $0x10700  }
0x1a6: {  	[tilespmem:s30], [sflag:$0x2] =	stream.indirect.gather [hbm4b:s4+s9], $0x40, s29, s9, $0xb8;
	[tilespmem:$0x17000] =	vst v63  }
0x1a7: {  	s23 =	sadd.s32 $0x420, s21;
	s25 =	simm.s32 $0x10C00  }
0x1a8: {  	[tilespmem:s25], [sflag:$0x2] =	stream.indirect.gather [hbm4b:s4+s9], $0x40, s23, s9, $0xb8;
	[tilespmem:$0x17000] =	vst v63  }
0x1a9: {  	s26 =	sadd.s32 $0x438, s21;
	s28 =	simm.s32 $0x11100  }
0x1aa: {  	[tilespmem:s28], [sflag:$0x2] =	stream.indirect.gather [hbm4b:s4+s9], $0x40, s26, s9, $0xb8;
	[tilespmem:$0x17000] =	vst v63  }
0x1ab: {  	s29 =	sadd.s32 $0x450, s21;
	s30 =	simm.s32 $0x11600  }
0x1ac: {  	[tilespmem:s30], [sflag:$0x2] =	stream.indirect.gather [hbm4b:s4+s9], $0x40, s29, s9, $0xb8;
	[tilespmem:$0x17000] =	vst v63  }
0x1ad: {  	s23 =	sadd.s32 $0x468, s21;
	s25 =	simm.s32 $0x11B00  }
0x1ae: {  	[tilespmem:s25], [sflag:$0x2] =	stream.indirect.gather [hbm4b:s4+s9], $0x40, s23, s9, $0xb8;
	[tilespmem:$0x17000] =	vst v63  }
0x1af: {  	s26 =	sadd.s32 $0x480, s21;
	s28 =	simm.s32 $0x12000  }
0x1b0: {  	[tilespmem:s28], [sflag:$0x2] =	stream.indirect.gather [hbm4b:s4+s9], $0x40, s26, s9, $0xb8;
	[tilespmem:$0x17000] =	vst v63  }
0x1b1: {  	s29 =	sadd.s32 $0x498, s21;
	s30 =	simm.s32 $0x12500  }
0x1b2: {  	[tilespmem:s30], [sflag:$0x2] =	stream.indirect.gather [hbm4b:s4+s9], $0x40, s29, s9, $0xb8;
	[tilespmem:$0x17000] =	vst v63  }
0x1b3: {  	s23 =	sadd.s32 $0x4B0, s21;
	s25 =	simm.s32 $0x12A00  }
0x1b4: {  	[tilespmem:s25], [sflag:$0x2] =	stream.indirect.gather [hbm4b:s4+s9], $0x40, s23, s9, $0xb8;
	[tilespmem:$0x17000] =	vst v63  }
0x1b5: {  	s26 =	sadd.s32 $0x4C8, s21;
	s28 =	simm.s32 $0x12F00  }
0x1b6: {  	[tilespmem:s28], [sflag:$0x2] =	stream.indirect.gather [hbm4b:s4+s9], $0x40, s26, s9, $0xb8;
	[tilespmem:$0x17000] =	vst v63  }
0x1b7: {  	s29 =	sadd.s32 $0x4E0, s21  }
0x1b8: {  	[tilespmem:s31], [sflag:$0x2] =	stream.indirect.gather [hbm4b:s4+s9], $0x40, s29, s9, $0xb8;
	[tilespmem:$0x17000] =	vst v63  }
0x1b9: {  	s30 =	sadd.s32 $0x4F8, s21  }
0x1ba: {  	[tilespmem:s1], [sflag:$0x2] =	stream.indirect.gather [hbm4b:s4+s9], $0x40, s30, s9, $0xb8;
	[tilespmem:$0x17000] =	vst v63  }
0x1bb: {  	s23 =	sadd.s32 $0x510, s21  }
0x1bc: {  	[tilespmem:s0], [sflag:$0x2] =	stream.indirect.gather [hbm4b:s4+s9], $0x40, s23, s9, $0xb8;
	[tilespmem:$0x17000] =	vst v63  }
0x1bd: {  	s25 =	sadd.s32 $0x528, s21  }
0x1be: {  	[tilespmem:s2], [sflag:$0x2] =	stream.indirect.gather [hbm4b:s4+s9], $0x40, s25, s9, $0xb8;
	[tilespmem:$0x17000] =	vst v63  }
0x1bf: {  	s26 =	sadd.s32 $0x540, s21  }
0x1c0: {  	[tilespmem:s3], [sflag:$0x2] =	stream.indirect.gather [hbm4b:s4+s9], $0x40, s26, s9, $0xb8;
	[tilespmem:$0x17000] =	vst v63  }
0x1c1: {  	s28 =	sadd.s32 $0x558, s21  }
0x1c2: {  	[tilespmem:s5], [sflag:$0x2] =	stream.indirect.gather [hbm4b:s4+s9], $0x40, s28, s9, $0xb8;
	[tilespmem:$0x17000] =	vst v63  }
0x1c3: {  	s29 =	sadd.s32 $0x570, s21  }
0x1c4: {  	[tilespmem:s6], [sflag:$0x2] =	stream.indirect.gather [hbm4b:s4+s9], $0x40, s29, s9, $0xb8;
	[tilespmem:$0x17000] =	vst v63  }
0x1c5: {  	s30 =	sadd.s32 $0x588, s21  }
0x1c6: {  	[tilespmem:s7], [sflag:$0x2] =	stream.indirect.gather [hbm4b:s4+s9], $0x40, s30, s9, $0xb8;
	[tilespmem:$0x17000] =	vst v63  }
0x1c7: {  	s23 =	sadd.s32 $0x5A0, s21  }
0x1c8: {  	[tilespmem:s8], [sflag:$0x2] =	stream.indirect.gather [hbm4b:s4+s9], $0x40, s23, s9, $0xb8;
	[tilespmem:$0x17000] =	vst v63  }
0x1c9: {  	s25 =	sadd.s32 $0x5B8, s21  }
0x1ca: {  	[tilespmem:s10], [sflag:$0x2] =	stream.indirect.gather [hbm4b:s4+s9], $0x40, s25, s9, $0xb8;
	[tilespmem:$0x17000] =	vst v63  }
0x1cb: {  	s26 =	sadd.s32 $0x5D0, s21  }
0x1cc: {  	[tilespmem:s11], [sflag:$0x2] =	stream.indirect.gather [hbm4b:s4+s9], $0x40, s26, s9, $0xb8;
	[tilespmem:$0x17000] =	vst v63  }
0x1cd: {  	s28 =	sadd.s32 $0x5E8, s21  }
0x1ce: {  	[tilespmem:s12], [sflag:$0x2] =	stream.indirect.gather [hbm4b:s4+s9], $0x40, s28, s9, $0xb8;
	[tilespmem:$0x17000] =	vst v63  }
0x1cf: {  	_ =	swait.ge [sflag:s13], $0xA000  }
0x1d0: {  	[sflag:s13] =	ssyncset.done $0x0;
	s29 =	rddreg [dreg:$0x5]  }
0x1d1: {  	s30 =	simm.s32 $0x3000;
	[sflag:s13] =	ssyncadd.s32 $0xFFFF6000;
	s22 =	sadd.s32 s19, s29  }
0x1d2: {  	[hbm4b:s22+s14] =	stream.strided.scatter [tilespmem:s30], [sflag:$0x3], $0x500, s15, s14, $0x38;
	[tilespmem:$0x17000] =	vst v63  }
0x1d3: {  	s25 =	sadd.s32 $0x180, s22  }
0x1d4: {  	[hbm4b:s25+s14] =	stream.strided.scatter [tilespmem:s24], [sflag:$0x3], $0x500, s15, s14, $0x38;
	[tilespmem:$0x17000] =	vst v63  }
0x1d5: {  	s28 =	simm.s32 $0x3A00;
	s26 =	sadd.s32 $0x300, s22  }
0x1d6: {  	[hbm4b:s26+s14] =	stream.strided.scatter [tilespmem:s28], [sflag:$0x3], $0x500, s15, s14, $0x38;
	[tilespmem:$0x17000] =	vst v63  }
0x1d7: {  	s29 =	sadd.s32 $0x480, s22;
	s30 =	simm.s32 $0x3F00  }
0x1d8: {  	[hbm4b:s29+s14] =	stream.strided.scatter [tilespmem:s30], [sflag:$0x3], $0x500, s15, s14, $0x38;
	[tilespmem:$0x17000] =	vst v63  }
0x1d9: {  	s26 =	sadd.s32 $0x600, s22;
	s28 =	simm.s32 $0x4400  }
0x1da: {  	[hbm4b:s26+s14] =	stream.strided.scatter [tilespmem:s28], [sflag:$0x3], $0x500, s15, s14, $0x38;
	[tilespmem:$0x17000] =	vst v63  }
0x1db: {  	s29 =	sadd.s32 $0x780, s22;
	s30 =	simm.s32 $0x4900  }
0x1dc: {  	[hbm4b:s29+s14] =	stream.strided.scatter [tilespmem:s30], [sflag:$0x3], $0x500, s15, s14, $0x38;
	[tilespmem:$0x17000] =	vst v63  }
0x1dd: {  	s26 =	sadd.s32 $0x900, s22;
	s28 =	simm.s32 $0x4E00  }
0x1de: {  	[hbm4b:s26+s14] =	stream.strided.scatter [tilespmem:s28], [sflag:$0x3], $0x500, s15, s14, $0x38;
	[tilespmem:$0x17000] =	vst v63  }
0x1df: {  	s29 =	sadd.s32 $0xA80, s22;
	s30 =	simm.s32 $0x5300  }
0x1e0: {  	[hbm4b:s29+s14] =	stream.strided.scatter [tilespmem:s30], [sflag:$0x3], $0x500, s15, s14, $0x38;
	[tilespmem:$0x17000] =	vst v63  }
0x1e1: {  	s26 =	sadd.s32 $0xC00, s22;
	s28 =	simm.s32 $0x5800  }
0x1e2: {  	[hbm4b:s26+s14] =	stream.strided.scatter [tilespmem:s28], [sflag:$0x3], $0x500, s15, s14, $0x38;
	[tilespmem:$0x17000] =	vst v63  }
0x1e3: {  	s29 =	sadd.s32 $0xD80, s22;
	s30 =	simm.s32 $0x5D00  }
0x1e4: {  	[hbm4b:s29+s14] =	stream.strided.scatter [tilespmem:s30], [sflag:$0x3], $0x500, s15, s14, $0x38;
	[tilespmem:$0x17000] =	vst v63  }
0x1e5: {  	s26 =	sadd.s32 $0xF00, s22;
	s28 =	simm.s32 $0x6200  }
0x1e6: {  	[hbm4b:s26+s14] =	stream.strided.scatter [tilespmem:s28], [sflag:$0x3], $0x500, s15, s14, $0x38;
	[tilespmem:$0x17000] =	vst v63  }
0x1e7: {  	s29 =	sadd.s32 $0x1080, s22;
	s30 =	simm.s32 $0x6700  }
0x1e8: {  	[hbm4b:s29+s14] =	stream.strided.scatter [tilespmem:s30], [sflag:$0x3], $0x500, s15, s14, $0x38;
	[tilespmem:$0x17000] =	vst v63  }
0x1e9: {  	s26 =	sadd.s32 $0x1200, s22;
	s28 =	simm.s32 $0x6C00  }
0x1ea: {  	[hbm4b:s26+s14] =	stream.strided.scatter [tilespmem:s28], [sflag:$0x3], $0x500, s15, s14, $0x38;
	[tilespmem:$0x17000] =	vst v63  }
0x1eb: {  	s29 =	sadd.s32 $0x1380, s22;
	s30 =	simm.s32 $0x7100  }
0x1ec: {  	[hbm4b:s29+s14] =	stream.strided.scatter [tilespmem:s30], [sflag:$0x3], $0x500, s15, s14, $0x38;
	[tilespmem:$0x17000] =	vst v63  }
0x1ed: {  	s26 =	sadd.s32 $0x1500, s22;
	s28 =	simm.s32 $0x7600  }
0x1ee: {  	[hbm4b:s26+s14] =	stream.strided.scatter [tilespmem:s28], [sflag:$0x3], $0x500, s15, s14, $0x38;
	[tilespmem:$0x17000] =	vst v63  }
0x1ef: {  	s29 =	sadd.s32 $0x1680, s22;
	s30 =	simm.s32 $0x7B00  }
0x1f0: {  	[hbm4b:s29+s14] =	stream.strided.scatter [tilespmem:s30], [sflag:$0x3], $0x500, s15, s14, $0x38;
	[tilespmem:$0x17000] =	vst v63  }
0x1f1: {  	s26 =	sadd.s32 $0x1800, s22;
	s28 =	simm.s32 $0x8000  }
0x1f2: {  	[hbm4b:s26+s14] =	stream.strided.scatter [tilespmem:s28], [sflag:$0x3], $0x500, s15, s14, $0x38;
	[tilespmem:$0x17000] =	vst v63  }
0x1f3: {  	s29 =	sadd.s32 $0x1980, s22;
	s30 =	simm.s32 $0x8500  }
0x1f4: {  	[hbm4b:s29+s14] =	stream.strided.scatter [tilespmem:s30], [sflag:$0x3], $0x500, s15, s14, $0x38;
	[tilespmem:$0x17000] =	vst v63  }
0x1f5: {  	s26 =	sadd.s32 $0x1B00, s22;
	s28 =	simm.s32 $0x8A00  }
0x1f6: {  	[hbm4b:s26+s14] =	stream.strided.scatter [tilespmem:s28], [sflag:$0x3], $0x500, s15, s14, $0x38;
	[tilespmem:$0x17000] =	vst v63  }
0x1f7: {  	s29 =	sadd.s32 $0x1C80, s22;
	s30 =	simm.s32 $0x8F00  }
0x1f8: {  	[hbm4b:s29+s14] =	stream.strided.scatter [tilespmem:s30], [sflag:$0x3], $0x500, s15, s14, $0x38;
	[tilespmem:$0x17000] =	vst v63  }
0x1f9: {  	s26 =	sadd.s32 $0x1E00, s22;
	s28 =	simm.s32 $0x9400  }
0x1fa: {  	[hbm4b:s26+s14] =	stream.strided.scatter [tilespmem:s28], [sflag:$0x3], $0x500, s15, s14, $0x38;
	[tilespmem:$0x17000] =	vst v63  }
0x1fb: {  	s29 =	sadd.s32 $0x1F80, s22;
	s30 =	simm.s32 $0x9900;
	s26 =	rddreg [dreg:$0xf]  }
0x1fc: {  	[hbm4b:s29+s14] =	stream.strided.scatter [tilespmem:s30], [sflag:$0x3], $0x500, s15, s14, $0x38;
	[tilespmem:$0x17000] =	vst v63  }
0x1fd: {  	s28 =	simm.s32 $0x9E00;
	s23 =	sadd.s32 s19, s26;
	s29 =	rddreg [dreg:$0xe]  }
0x1fe: {  	[hbm4b:s23+s14] =	stream.strided.scatter [tilespmem:s28], [sflag:$0x3], $0x500, s15, s14, $0x38;
	[tilespmem:$0x17000] =	vst v63  }
0x1ff: {  	s26 =	rddreg [dreg:$0xd];
	s30 =	simm.s32 $0xA300;
	s23 =	sadd.s32 s19, s29  }
0x200: {  	[hbm4b:s23+s14] =	stream.strided.scatter [tilespmem:s30], [sflag:$0x3], $0x500, s15, s14, $0x38;
	[tilespmem:$0x17000] =	vst v63  }
0x201: {  	s28 =	simm.s32 $0xA800;
	s29 =	rddreg [dreg:$0xc];
	s23 =	sadd.s32 s19, s26  }
0x202: {  	[hbm4b:s23+s14] =	stream.strided.scatter [tilespmem:s28], [sflag:$0x3], $0x500, s15, s14, $0x38;
	[tilespmem:$0x17000] =	vst v63  }
0x203: {  	s30 =	simm.s32 $0xAD00;
	s26 =	rddreg [dreg:$0xb];
	s23 =	sadd.s32 s19, s29  }
0x204: {  	[hbm4b:s23+s14] =	stream.strided.scatter [tilespmem:s30], [sflag:$0x3], $0x500, s15, s14, $0x38;
	[tilespmem:$0x17000] =	vst v63  }
0x205: {  	s28 =	simm.s32 $0xB200;
	s29 =	rddreg [dreg:$0xa];
	s23 =	sadd.s32 s19, s26  }
0x206: {  	[hbm4b:s23+s14] =	stream.strided.scatter [tilespmem:s28], [sflag:$0x3], $0x500, s15, s14, $0x38;
	[tilespmem:$0x17000] =	vst v63  }
0x207: {  	s30 =	simm.s32 $0xB700;
	s26 =	rddreg [dreg:$0x9];
	s23 =	sadd.s32 s19, s29  }
0x208: {  	[hbm4b:s23+s14] =	stream.strided.scatter [tilespmem:s30], [sflag:$0x3], $0x500, s15, s14, $0x38;
	[tilespmem:$0x17000] =	vst v63  }
0x209: {  	s28 =	simm.s32 $0xBC00;
	s29 =	rddreg [dreg:$0x8];
	s23 =	sadd.s32 s19, s26  }
0x20a: {  	[hbm4b:s23+s14] =	stream.strided.scatter [tilespmem:s28], [sflag:$0x3], $0x500, s15, s14, $0x38;
	[tilespmem:$0x17000] =	vst v63  }
0x20b: {  	s30 =	simm.s32 $0xC100;
	s26 =	rddreg [dreg:$0x7];
	s23 =	sadd.s32 s19, s29  }
0x20c: {  	[hbm4b:s23+s14] =	stream.strided.scatter [tilespmem:s30], [sflag:$0x3], $0x500, s15, s14, $0x38;
	[tilespmem:$0x17000] =	vst v63  }
0x20d: {  	s28 =	simm.s32 $0xC600;
	s29 =	rddreg [dreg:$0x6];
	s23 =	sadd.s32 s19, s26  }
0x20e: {  	[hbm4b:s23+s14] =	stream.strided.scatter [tilespmem:s28], [sflag:$0x3], $0x500, s15, s14, $0x38;
	[tilespmem:$0x17000] =	vst v63  }
0x20f: {  	s30 =	simm.s32 $0xCB00;
	s23 =	sadd.s32 s19, s29  }
0x210: {  	[hbm4b:s23+s14] =	stream.strided.scatter [tilespmem:s30], [sflag:$0x3], $0x500, s15, s14, $0x38;
	[tilespmem:$0x17000] =	vst v63  }
0x211: {  	_ =	swait.ge [sflag:s16], $0x500  }
0x212: {  	[sflag:s16] =	ssyncset.done $0x0  }
0x213: {  	[sflag:s16] =	ssyncadd.s32 $0xFFFFFB00  }
0x214: {  	_ =	swait.ge [sflag:s16], $0x500  }
0x215: {  	[sflag:s16] =	ssyncset.done $0x0  }
0x216: {  	[sflag:s16] =	ssyncadd.s32 $0xFFFFFB00  }
0x217: {  	_ =	swait.ge [sflag:s16], $0x500  }
0x218: {  	[sflag:s16] =	ssyncset.done $0x0  }
0x219: {  	[sflag:s16] =	ssyncadd.s32 $0xFFFFFB00  }
0x21a: {  	_ =	swait.ge [sflag:s16], $0x500  }
0x21b: {  	[sflag:s16] =	ssyncset.done $0x0  }
0x21c: {  	[sflag:s16] =	ssyncadd.s32 $0xFFFFFB00  }
0x21d: {  	_ =	swait.ge [sflag:s16], $0x500  }
0x21e: {  	[sflag:s16] =	ssyncset.done $0x0  }
0x21f: {  	[sflag:s16] =	ssyncadd.s32 $0xFFFFFB00  }
0x220: {  	_ =	swait.ge [sflag:s16], $0x500  }
0x221: {  	[sflag:s16] =	ssyncset.done $0x0  }
0x222: {  	[sflag:s16] =	ssyncadd.s32 $0xFFFFFB00  }
0x223: {  	_ =	swait.ge [sflag:s16], $0x500  }
0x224: {  	[sflag:s16] =	ssyncset.done $0x0  }
0x225: {  	[sflag:s16] =	ssyncadd.s32 $0xFFFFFB00  }
0x226: {  	_ =	swait.ge [sflag:s16], $0x500  }
0x227: {  	[sflag:s16] =	ssyncset.done $0x0  }
0x228: {  	[sflag:s16] =	ssyncadd.s32 $0xFFFFFB00  }
0x229: {  	_ =	swait.ge [sflag:s16], $0x500  }
0x22a: {  	[sflag:s16] =	ssyncset.done $0x0  }
0x22b: {  	[sflag:s16] =	ssyncadd.s32 $0xFFFFFB00  }
0x22c: {  	_ =	swait.ge [sflag:s16], $0x500  }
0x22d: {  	[sflag:s16] =	ssyncset.done $0x0  }
0x22e: {  	[sflag:s16] =	ssyncadd.s32 $0xFFFFFB00  }
0x22f: {  	_ =	swait.ge [sflag:s16], $0x500  }
0x230: {  	[sflag:s16] =	ssyncset.done $0x0  }
0x231: {  	[sflag:s16] =	ssyncadd.s32 $0xFFFFFB00  }
0x232: {  	_ =	swait.ge [sflag:s16], $0x500  }
0x233: {  	[sflag:s16] =	ssyncset.done $0x0  }
0x234: {  	[sflag:s16] =	ssyncadd.s32 $0xFFFFFB00  }
0x235: {  	_ =	swait.ge [sflag:s16], $0x500  }
0x236: {  	[sflag:s16] =	ssyncset.done $0x0  }
0x237: {  	[sflag:s16] =	ssyncadd.s32 $0xFFFFFB00  }
0x238: {  	_ =	swait.ge [sflag:s16], $0x500  }
0x239: {  	[sflag:s16] =	ssyncset.done $0x0  }
0x23a: {  	[sflag:s16] =	ssyncadd.s32 $0xFFFFFB00  }
0x23b: {  	_ =	swait.ge [sflag:s16], $0x500  }
0x23c: {  	[sflag:s16] =	ssyncset.done $0x0  }
0x23d: {  	[sflag:s16] =	ssyncadd.s32 $0xFFFFFB00  }
0x23e: {  	_ =	swait.ge [sflag:s16], $0x500  }
0x23f: {  	[sflag:s16] =	ssyncset.done $0x0  }
0x240: {  	[sflag:s16] =	ssyncadd.s32 $0xFFFFFB00  }
0x241: {  	_ =	swait.ge [sflag:s16], $0x500  }
0x242: {  	[sflag:s16] =	ssyncset.done $0x0  }
0x243: {  	[sflag:s16] =	ssyncadd.s32 $0xFFFFFB00  }
0x244: {  	_ =	swait.ge [sflag:s16], $0x500  }
0x245: {  	[sflag:s16] =	ssyncset.done $0x0  }
0x246: {  	[sflag:s16] =	ssyncadd.s32 $0xFFFFFB00  }
0x247: {  	_ =	swait.ge [sflag:s16], $0x500  }
0x248: {  	[sflag:s16] =	ssyncset.done $0x0  }
0x249: {  	[sflag:s16] =	ssyncadd.s32 $0xFFFFFB00  }
0x24a: {  	_ =	swait.ge [sflag:s16], $0x500  }
0x24b: {  	[sflag:s16] =	ssyncset.done $0x0  }
0x24c: {  	[sflag:s16] =	ssyncadd.s32 $0xFFFFFB00  }
0x24d: {  	_ =	swait.ge [sflag:s16], $0x500  }
0x24e: {  	[sflag:s16] =	ssyncset.done $0x0  }
0x24f: {  	[sflag:s16] =	ssyncadd.s32 $0xFFFFFB00  }
0x250: {  	_ =	swait.ge [sflag:s16], $0x500  }
0x251: {  	[sflag:s16] =	ssyncset.done $0x0  }
0x252: {  	[sflag:s16] =	ssyncadd.s32 $0xFFFFFB00  }
0x253: {  	_ =	swait.ge [sflag:s16], $0x500  }
0x254: {  	[sflag:s16] =	ssyncset.done $0x0  }
0x255: {  	[sflag:s16] =	ssyncadd.s32 $0xFFFFFB00  }
0x256: {  	_ =	swait.ge [sflag:s16], $0x500  }
0x257: {  	[sflag:s16] =	ssyncset.done $0x0  }
0x258: {  	[sflag:s16] =	ssyncadd.s32 $0xFFFFFB00  }
0x259: {  	_ =	swait.ge [sflag:s16], $0x500  }
0x25a: {  	[sflag:s16] =	ssyncset.done $0x0  }
0x25b: {  	[sflag:s16] =	ssyncadd.s32 $0xFFFFFB00  }
0x25c: {  	_ =	swait.ge [sflag:s16], $0x500  }
0x25d: {  	[sflag:s16] =	ssyncset.done $0x0  }
0x25e: {  	[sflag:s16] =	ssyncadd.s32 $0xFFFFFB00  }
0x25f: {  	_ =	swait.ge [sflag:s16], $0x500  }
0x260: {  	[sflag:s16] =	ssyncset.done $0x0  }
0x261: {  	[sflag:s16] =	ssyncadd.s32 $0xFFFFFB00  }
0x262: {  	_ =	swait.ge [sflag:s16], $0x500  }
0x263: {  	[sflag:s16] =	ssyncset.done $0x0  }
0x264: {  	[sflag:s16] =	ssyncadd.s32 $0xFFFFFB00  }
0x265: {  	_ =	swait.ge [sflag:s16], $0x500  }
0x266: {  	[sflag:s16] =	ssyncset.done $0x0  }
0x267: {  	[sflag:s16] =	ssyncadd.s32 $0xFFFFFB00  }
0x268: {  	_ =	swait.ge [sflag:s16], $0x500  }
0x269: {  	[sflag:s16] =	ssyncset.done $0x0  }
0x26a: {  	[sflag:s16] =	ssyncadd.s32 $0xFFFFFB00  }
0x26b: {  	p0 =	seq.s32 s20, $0xA800;
	_ =	swait.ge [sflag:s16], $0x500  }
.Ltmp5:
0x26c: {  	[sflag:s16] =	ssyncset.done $0x0;
	(pc) =	sbr.rel @p0 .LBB2_6-.Ltmp5, $4  }
0x26d: {  	[sflag:s16] =	ssyncadd.s32 $0xFFFFFB00  }
0x26e: {  	_ =	swait.ge [sflag:s16], $0x500  }
0x26f: {  	[sflag:s16] =	ssyncset.done $0x0  }
0x270: {  	[sflag:s16] =	ssyncadd.s32 $0xFFFFFB00  }
0x271: {  	s23 =	sadd.s32 $0x600, s21;
	s24 =	simm.s32 $0x3000  }
0x272: {  	[tilespmem:s24], [sflag:$0x1] =	stream.indirect.gather [hbm4b:s4+s9], $0x40, s23, s9, $0xb8;
	[tilespmem:$0x17000] =	vst v63  }
0x273: {  	s26 =	sadd.s32 $0x618, s21;
	s24 =	simm.s32 $0x3500  }
0x274: {  	[tilespmem:s24], [sflag:$0x1] =	stream.indirect.gather [hbm4b:s4+s9], $0x40, s26, s9, $0xb8;
	[tilespmem:$0x17000] =	vst v63  }
0x275: {  	s28 =	sadd.s32 $0x630, s21;
	s25 =	simm.s32 $0x3A00  }
0x276: {  	[tilespmem:s25], [sflag:$0x1] =	stream.indirect.gather [hbm4b:s4+s9], $0x40, s28, s9, $0xb8;
	[tilespmem:$0x17000] =	vst v63  }
0x277: {  	s29 =	sadd.s32 $0x648, s21;
	s30 =	simm.s32 $0x3F00  }
0x278: {  	[tilespmem:s30], [sflag:$0x1] =	stream.indirect.gather [hbm4b:s4+s9], $0x40, s29, s9, $0xb8;
	[tilespmem:$0x17000] =	vst v63  }
0x279: {  	s26 =	sadd.s32 $0x660, s21;
	s28 =	simm.s32 $0x4400  }
0x27a: {  	[tilespmem:s28], [sflag:$0x1] =	stream.indirect.gather [hbm4b:s4+s9], $0x40, s26, s9, $0xb8;
	[tilespmem:$0x17000] =	vst v63  }
0x27b: {  	s29 =	sadd.s32 $0x678, s21;
	s30 =	simm.s32 $0x4900  }
0x27c: {  	[tilespmem:s30], [sflag:$0x1] =	stream.indirect.gather [hbm4b:s4+s9], $0x40, s29, s9, $0xb8;
	[tilespmem:$0x17000] =	vst v63  }
0x27d: {  	s26 =	sadd.s32 $0x690, s21;
	s28 =	simm.s32 $0x4E00  }
0x27e: {  	[tilespmem:s28], [sflag:$0x1] =	stream.indirect.gather [hbm4b:s4+s9], $0x40, s26, s9, $0xb8;
	[tilespmem:$0x17000] =	vst v63  }
0x27f: {  	s29 =	sadd.s32 $0x6A8, s21;
	s30 =	simm.s32 $0x5300  }
0x280: {  	[tilespmem:s30], [sflag:$0x1] =	stream.indirect.gather [hbm4b:s4+s9], $0x40, s29, s9, $0xb8;
	[tilespmem:$0x17000] =	vst v63  }
0x281: {  	s26 =	sadd.s32 $0x6C0, s21;
	s28 =	simm.s32 $0x5800  }
0x282: {  	[tilespmem:s28], [sflag:$0x1] =	stream.indirect.gather [hbm4b:s4+s9], $0x40, s26, s9, $0xb8;
	[tilespmem:$0x17000] =	vst v63  }
0x283: {  	s29 =	sadd.s32 $0x6D8, s21;
	s30 =	simm.s32 $0x5D00  }
0x284: {  	[tilespmem:s30], [sflag:$0x1] =	stream.indirect.gather [hbm4b:s4+s9], $0x40, s29, s9, $0xb8;
	[tilespmem:$0x17000] =	vst v63  }
0x285: {  	s26 =	sadd.s32 $0x6F0, s21;
	s28 =	simm.s32 $0x6200  }
0x286: {  	[tilespmem:s28], [sflag:$0x1] =	stream.indirect.gather [hbm4b:s4+s9], $0x40, s26, s9, $0xb8;
	[tilespmem:$0x17000] =	vst v63  }
0x287: {  	s29 =	sadd.s32 $0x708, s21;
	s30 =	simm.s32 $0x6700  }
0x288: {  	[tilespmem:s30], [sflag:$0x1] =	stream.indirect.gather [hbm4b:s4+s9], $0x40, s29, s9, $0xb8;
	[tilespmem:$0x17000] =	vst v63  }
0x289: {  	s26 =	sadd.s32 $0x720, s21;
	s28 =	simm.s32 $0x6C00  }
0x28a: {  	[tilespmem:s28], [sflag:$0x1] =	stream.indirect.gather [hbm4b:s4+s9], $0x40, s26, s9, $0xb8;
	[tilespmem:$0x17000] =	vst v63  }
0x28b: {  	s29 =	sadd.s32 $0x738, s21;
	s30 =	simm.s32 $0x7100  }
0x28c: {  	[tilespmem:s30], [sflag:$0x1] =	stream.indirect.gather [hbm4b:s4+s9], $0x40, s29, s9, $0xb8;
	[tilespmem:$0x17000] =	vst v63  }
0x28d: {  	s26 =	sadd.s32 $0x750, s21;
	s28 =	simm.s32 $0x7600  }
0x28e: {  	[tilespmem:s28], [sflag:$0x1] =	stream.indirect.gather [hbm4b:s4+s9], $0x40, s26, s9, $0xb8;
	[tilespmem:$0x17000] =	vst v63  }
0x28f: {  	s29 =	sadd.s32 $0x768, s21;
	s30 =	simm.s32 $0x7B00  }
0x290: {  	[tilespmem:s30], [sflag:$0x1] =	stream.indirect.gather [hbm4b:s4+s9], $0x40, s29, s9, $0xb8;
	[tilespmem:$0x17000] =	vst v63  }
0x291: {  	s26 =	sadd.s32 $0x780, s21;
	s28 =	simm.s32 $0x8000  }
0x292: {  	[tilespmem:s28], [sflag:$0x1] =	stream.indirect.gather [hbm4b:s4+s9], $0x40, s26, s9, $0xb8;
	[tilespmem:$0x17000] =	vst v63  }
0x293: {  	s29 =	sadd.s32 $0x798, s21;
	s30 =	simm.s32 $0x8500  }
0x294: {  	[tilespmem:s30], [sflag:$0x1] =	stream.indirect.gather [hbm4b:s4+s9], $0x40, s29, s9, $0xb8;
	[tilespmem:$0x17000] =	vst v63  }
0x295: {  	s26 =	sadd.s32 $0x7B0, s21;
	s28 =	simm.s32 $0x8A00  }
0x296: {  	[tilespmem:s28], [sflag:$0x1] =	stream.indirect.gather [hbm4b:s4+s9], $0x40, s26, s9, $0xb8;
	[tilespmem:$0x17000] =	vst v63  }
0x297: {  	s29 =	sadd.s32 $0x7C8, s21;
	s30 =	simm.s32 $0x8F00  }
0x298: {  	[tilespmem:s30], [sflag:$0x1] =	stream.indirect.gather [hbm4b:s4+s9], $0x40, s29, s9, $0xb8;
	[tilespmem:$0x17000] =	vst v63  }
0x299: {  	s26 =	sadd.s32 $0x7E0, s21;
	s28 =	simm.s32 $0x9400  }
0x29a: {  	[tilespmem:s28], [sflag:$0x1] =	stream.indirect.gather [hbm4b:s4+s9], $0x40, s26, s9, $0xb8;
	[tilespmem:$0x17000] =	vst v63  }
0x29b: {  	s29 =	sadd.s32 $0x7F8, s21;
	s30 =	simm.s32 $0x9900  }
0x29c: {  	[tilespmem:s30], [sflag:$0x1] =	stream.indirect.gather [hbm4b:s4+s9], $0x40, s29, s9, $0xb8;
	[tilespmem:$0x17000] =	vst v63  }
0x29d: {  	s26 =	sadd.s32 $0x810, s21;
	s28 =	simm.s32 $0x9E00  }
0x29e: {  	[tilespmem:s28], [sflag:$0x1] =	stream.indirect.gather [hbm4b:s4+s9], $0x40, s26, s9, $0xb8;
	[tilespmem:$0x17000] =	vst v63  }
0x29f: {  	s29 =	sadd.s32 $0x828, s21;
	s30 =	simm.s32 $0xA300  }
0x2a0: {  	[tilespmem:s30], [sflag:$0x1] =	stream.indirect.gather [hbm4b:s4+s9], $0x40, s29, s9, $0xb8;
	[tilespmem:$0x17000] =	vst v63  }
0x2a1: {  	s26 =	sadd.s32 $0x840, s21;
	s28 =	simm.s32 $0xA800  }
0x2a2: {  	[tilespmem:s28], [sflag:$0x1] =	stream.indirect.gather [hbm4b:s4+s9], $0x40, s26, s9, $0xb8;
	[tilespmem:$0x17000] =	vst v63  }
0x2a3: {  	s29 =	sadd.s32 $0x858, s21;
	s30 =	simm.s32 $0xAD00  }
0x2a4: {  	[tilespmem:s30], [sflag:$0x1] =	stream.indirect.gather [hbm4b:s4+s9], $0x40, s29, s9, $0xb8;
	[tilespmem:$0x17000] =	vst v63  }
0x2a5: {  	s26 =	sadd.s32 $0x870, s21;
	s28 =	simm.s32 $0xB200  }
0x2a6: {  	[tilespmem:s28], [sflag:$0x1] =	stream.indirect.gather [hbm4b:s4+s9], $0x40, s26, s9, $0xb8;
	[tilespmem:$0x17000] =	vst v63  }
0x2a7: {  	s29 =	sadd.s32 $0x888, s21;
	s30 =	simm.s32 $0xB700  }
0x2a8: {  	[tilespmem:s30], [sflag:$0x1] =	stream.indirect.gather [hbm4b:s4+s9], $0x40, s29, s9, $0xb8;
	[tilespmem:$0x17000] =	vst v63  }
0x2a9: {  	s26 =	sadd.s32 $0x8A0, s21;
	s28 =	simm.s32 $0xBC00  }
0x2aa: {  	[tilespmem:s28], [sflag:$0x1] =	stream.indirect.gather [hbm4b:s4+s9], $0x40, s26, s9, $0xb8;
	[tilespmem:$0x17000] =	vst v63  }
0x2ab: {  	s29 =	sadd.s32 $0x8B8, s21;
	s30 =	simm.s32 $0xC100  }
0x2ac: {  	[tilespmem:s30], [sflag:$0x1] =	stream.indirect.gather [hbm4b:s4+s9], $0x40, s29, s9, $0xb8;
	[tilespmem:$0x17000] =	vst v63  }
.Ltmp6:
0x2ad: {  	_ = 	snop;
	(pc) =	sbr.rel .LBB2_6-.Ltmp6, $4  }
0x2ae: {  	s26 =	sadd.s32 $0x8D0, s21;
	s28 =	simm.s32 $0xC600  }
0x2af: {  	[tilespmem:s28], [sflag:$0x1] =	stream.indirect.gather [hbm4b:s4+s9], $0x40, s26, s9, $0xb8;
	[tilespmem:$0x17000] =	vst v63  }
0x2b0: {  	s29 =	sadd.s32 $0x8E8, s21;
	s30 =	simm.s32 $0xCB00  }
0x2b1: {  	[tilespmem:s30], [sflag:$0x1] =	stream.indirect.gather [hbm4b:s4+s9], $0x40, s29, s9, $0xb8;
	[tilespmem:$0x17000] =	vst v63  }
.LBB2_8:
0x2b2: {  	_ =	sfence.sel $0x180000  }
0x2b3: {  	[bflag:$0x0] =	sbarrier.arrive $0xFFFF  }
0x2b4: {  	_ =	strace $0x90000047  }
0x2b5: {  	s0 =	stileid.u32;
	[bflag:$0x2] =	sbarrier.arrive $0xFFFF  }
0x2b6: {  	p0 =	sne.s32 s0, $0x0;
	s0 =	rddreg [dreg:$0x2]  }
0x2b7: {  	s0 =	sadd.s32 @!p0 $0x100000, s0  }
0x2b8: {  	[sflag:s0] =	ssyncadd.tile.s32 @!p0 $0x1;
	_ =	shalt  }
.Lfunc_end2:
_tile_overlayer_lowered:
.L_overlay_start_2:
0x2b9: {  	(tag) =	ssettag $0x2  }
0x2ba: {  	s0 =	rddreg [dreg:$0x0];
	s2 =	stileid.u32  }
0x2bb: {  	s1 =	rddreg [dreg:$0x1];
	p0 =	sne.s32 s2, $0x0  }
0x2bc: {  	s3 =	rddreg [dreg:$0x2];
	[bflag:$0x3] =	sbarrier.arrive $0xFFFF;
	s2 =	simm.s32 @!p0 $0x1C05  }
0x2bd: {  	[timem:s3], [sflag:s2] =	dma.local @!p0 [hbm:s0], s1  }
0x2be: {  	s0 =	simm.s32 @!p0 $0x5  }
0x2bf: {  	_ =	swait.ge @!p0 [sflag:s0], s1  }
0x2c0: {  	s1 =	ssub.s32 @!p0 $0x0, s1;
	[sflag:s0] =	ssyncset.done @!p0 $0x0  }
0x2c1: {  	[sflag:s0] =	ssyncadd.s32 @!p0 s1  }
0x2c2: {  	[bflag:$0x3] =	sbarrier.arrive $0xFFFF  }
0x2c3: {  	_ =	shalt  }

</sc_bundles>
